<compile_context>
chip_gen: v7x
topology: tpu7x:2x2x1
jax: 0.10.2.dev20260603
libtpu: 0.0.44.dev20260713+nightly
codegen_flags: <defaults>
</compile_context>

<pallas_src>
import dataclasses
import functools

import jax
import jax.numpy as jnp
from jax import lax
from jax.experimental import pallas as pl
from jax.experimental.pallas import tpu as pltpu
from jax.experimental.pallas import tpu_sc as plsc

_NC = 2
_NS = 16
_NW = _NC * _NS
_L = 16


def _edge_dot_kernel(n_edges, d_feat, block_w):
    epw = n_edges // _NW
    nb = epw // block_w

    mesh = plsc.VectorSubcoreMesh(core_axis_name="c", subcore_axis_name="s")
    cp = pltpu.CompilerParams()
    if "needs_layout_passes" in pltpu.CompilerParams.__dataclass_fields__:
        cp = dataclasses.replace(cp, needs_layout_passes=False)
    if "use_tc_tiling_on_sc" in pltpu.CompilerParams.__dataclass_fields__:
        cp = dataclasses.replace(cp, use_tc_tiling_on_sc=False)

    @functools.partial(
        pl.kernel,
        mesh=mesh,
        compiler_params=cp,
        out_type=jax.ShapeDtypeStruct((n_edges,), jnp.float32),
        scratch_types=[
            pltpu.VMEM((epw,), jnp.int32),
            pltpu.VMEM((epw,), jnp.int32),
            pltpu.VMEM((epw,), jnp.float32),
            pltpu.VMEM((block_w, d_feat // 2), jnp.float32),
            pltpu.VMEM((block_w, d_feat // 2), jnp.float32),
            pltpu.VMEM((block_w, d_feat // 2), jnp.float32),
            pltpu.VMEM((block_w, d_feat // 2), jnp.float32),
            pltpu.VMEM((_L, _L + 1), jnp.float32),
            pltpu.SemaphoreType.DMA,
            pltpu.SemaphoreType.DMA,
        ],
    )
    def kern(h_hbm, src_hbm, dst_hbm, out_hbm,
             si_v, di_v, sc_v, hu0, hv0, hu1, hv1, tmp_v, sem0, sem1):
        wid = lax.axis_index("s") * _NC + lax.axis_index("c")
        base = wid * epw
        pltpu.sync_copy(src_hbm.at[pl.ds(base, epw)], si_v)
        pltpu.sync_copy(dst_hbm.at[pl.ds(base, epw)], di_v)

        def fire(b, hu, hv, sem):
            off = b * block_w
            pltpu.async_copy(h_hbm.at[si_v.at[pl.ds(off, block_w)]], hu, sem)
            pltpu.async_copy(h_hbm.at[di_v.at[pl.ds(off, block_w)]], hv, sem)

        def drain(b, hu, hv, sem):
            off = b * block_w
            pltpu.make_async_copy(
                h_hbm.at[si_v.at[pl.ds(off, block_w)]], hu, sem).wait()
            pltpu.make_async_copy(
                h_hbm.at[di_v.at[pl.ds(off, block_w)]], hv, sem).wait()

        nk = d_feat // (2 * _L)
        iota16 = lax.iota(jnp.int32, _L)

        def compute(b, hu, hv):
            @pl.loop(0, block_w, step=_L)
            def _(e0):
                for j in range(_L):
                    hu_e = hu.at[e0 + j]
                    hv_e = hv.at[e0 + j]
                    parts = []
                    for k in range(nk):
                        au = plsc.bitcast(hu_e[pl.ds(k * _L, _L)], jnp.bfloat16)
                        av = plsc.bitcast(hv_e[pl.ds(k * _L, _L)], jnp.bfloat16)
                        p0, p1 = plsc.unpack(
                            au * av, format=plsc.PackFormat.INTERLEAVED,
                            preferred_element_type=jnp.float32)
                        parts.append(p0)
                        parts.append(p1)
                    while len(parts) > 1:
                        parts = [parts[i] + parts[i + 1]
                                 for i in range(0, len(parts), 2)]
                    plsc.store_scatter(
                        tmp_v, [iota16, jnp.full((_L,), j, jnp.int32)], parts[0])
                rows = [tmp_v[i, pl.ds(0, _L)] for i in range(_L)]
                while len(rows) > 1:
                    rows = [rows[i] + rows[i + 1] for i in range(0, len(rows), 2)]
                sc_v[pl.ds(b * block_w + e0, _L)] = (
                    1.0 / (1.0 + jnp.exp(-rows[0])))

        fire(0, hu0, hv0, sem0)

        @pl.loop(0, nb - 1, step=2)
        def _(b):
            fire(b + 1, hu1, hv1, sem1)
            drain(b, hu0, hv0, sem0)
            compute(b, hu0, hv0)
            fire(b + 2, hu0, hv0, sem0)
            drain(b + 1, hu1, hv1, sem1)
            compute(b + 1, hu1, hv1)

        drain(nb - 1, hu0, hv0, sem0)
        compute(nb - 1, hu0, hv0)
        pltpu.sync_copy(sc_v, out_hbm.at[pl.ds(base, epw)])

    return kern


@jax.jit
def kernel(h, edge_index):
    n_edges = edge_index.shape[1]
    d_feat = h.shape[1]
    ei = edge_index.astype(jnp.int32)
    hb = lax.bitcast_convert_type(
        h.astype(jnp.bfloat16).reshape(h.shape[0], d_feat // 2, 2),
        jnp.float32)
    scores = _edge_dot_kernel(n_edges, d_feat, block_w=80)(hb, ei[0], ei[1])
    return scores.reshape(n_edges, 1)

# --- scband reference (transcript-rebuilt; emitter-appended) ---
"""Pipeline reference for scband-hetero-dot-product-predictor-34385508171924 (READ-ONLY COPY).

The authoritative reference and input builder live on the scoring server;
editing this copy changes nothing except your own understanding.
"""

import jax, jax.numpy as jnp
import numpy as np


def setup_inputs(seed: int = 0) -> dict:
    key = jax.random.key(seed)
    k_h, k_e = jax.random.split(key, 2)
    n_nodes = 10000
    d_feat = 128
    n_edges = 320000
    h = jax.random.normal(k_h, (n_nodes, d_feat), dtype=jnp.float32)
    edge_index = jax.random.randint(k_e, (2, n_edges), 0, n_nodes, dtype=jnp.int64)
    return {"h": h, "edge_index": edge_index}


def reference(h, edge_index):
    # DGL u_dot_v: for each edge (u, v) of the given etype,
    # score = dot(h[u], h[v]) with trailing singleton dim, then sigmoid.
    src = edge_index[0]
    dst = edge_index[1]
    h_u = jnp.take(h, src, axis=0)
    h_v = jnp.take(h, dst, axis=0)
    score = jnp.sum(h_u * h_v, axis=-1, keepdims=True)  # [E, 1]
    return jax.nn.sigmoid(score)

if __name__ == "__main__":
    import jax
    _d = setup_inputs()
    print(jax.jit(kernel)(*tuple(_d.values())))

</pallas_src>

<mosaic_0001>
#map = affine_map<(d0, d1) -> (0, 0)>
#map1 = affine_map<(d0, d1) -> (0)>
module attributes {stable_mosaic.version = 14 : i64} {
  func.func @kern(%arg0: i32, %arg1: i32, %arg2: memref<10000x64xf32, #tpu.memory_space<hbm>>, %arg3: memref<320000xi32, #tpu.memory_space<hbm>>, %arg4: memref<320000xi32, #tpu.memory_space<hbm>>, %arg5: memref<320000xf32, #tpu.memory_space<hbm>>, %arg6: memref<10000xi32, #tpu.memory_space<vmem>>, %arg7: memref<10000xi32, #tpu.memory_space<vmem>>, %arg8: memref<10000xf32, #tpu.memory_space<vmem>>, %arg9: memref<80x64xf32, #tpu.memory_space<vmem>>, %arg10: memref<80x64xf32, #tpu.memory_space<vmem>>, %arg11: memref<80x64xf32, #tpu.memory_space<vmem>>, %arg12: memref<80x64xf32, #tpu.memory_space<vmem>>, %arg13: memref<16x17xf32, #tpu.memory_space<vmem>>, %arg14: memref<!tpu.dma_semaphore, #tpu.memory_space<semaphore_mem>>, %arg15: memref<!tpu.dma_semaphore, #tpu.memory_space<semaphore_mem>>) attributes {dimension_semantics = [#tpu.dimension_semantics<core_parallel>, #tpu.dimension_semantics<subcore_parallel>], iteration_bounds = array<i64: 2, 16>, scalar_prefetch = 0 : i64, scratch_operands = 10 : i64, tpu.core_type = #tpu.core_type<sc_vector_subcore>, window_params = [{transform_indices = #map}, {transform_indices = #map1}, {transform_indices = #map1}, {transform_indices = #map1}]} {
    %mul3A = arith.constant 2 : i32
    %mul3A_0 = arith.muli %arg1, %mul3A : i32
    %add3A = arith.addi %mul3A_0, %arg0 : i32
    %mul3A_1 = arith.constant 10000 : i32
    %mul3A_2 = arith.muli %add3A, %mul3A_1 : i32
    "tpu.region"() ({
      %run_scoped3A = tpu.sem_alloc : memref<!tpu.dma_semaphore, #tpu.memory_space<semaphore_mem>>
      %dma_start3A_30 = tpu.memref_slice %arg3[%mul3A_2] : memref<320000xi32, #tpu.memory_space<hbm>> -> memref<10000xi32, #tpu.memory_space<hbm>>
      %dma_start3A_31 = tpu.memref_slice %arg3[%mul3A_2] : memref<320000xi32, #tpu.memory_space<hbm>> -> memref<10000xi32, #tpu.memory_space<hbm>>
      tpu.enqueue_dma source(%dma_start3A_31 : memref<10000xi32, #tpu.memory_space<hbm>>) target(%arg6 : memref<10000xi32, #tpu.memory_space<vmem>>) target_semaphore(%run_scoped3A : memref<!tpu.dma_semaphore, #tpu.memory_space<semaphore_mem>>)
      %dma_wait3A_32 = tpu.memref_slice %arg3[%mul3A_2] : memref<320000xi32, #tpu.memory_space<hbm>> -> memref<10000xi32, #tpu.memory_space<hbm>>
      %dma_wait3A_33 = tpu.memref_slice %arg3[%mul3A_2] : memref<320000xi32, #tpu.memory_space<hbm>> -> memref<10000xi32, #tpu.memory_space<hbm>>
      tpu.wait_dma2 semaphore(%run_scoped3A : memref<!tpu.dma_semaphore, #tpu.memory_space<semaphore_mem>>) src(%dma_wait3A_33 : memref<10000xi32, #tpu.memory_space<hbm>>) dst(%arg6 : memref<10000xi32, #tpu.memory_space<vmem>>)
      tpu.yield
    }) : () -> ()
    "tpu.region"() ({
      %run_scoped3A = tpu.sem_alloc : memref<!tpu.dma_semaphore, #tpu.memory_space<semaphore_mem>>
      %dma_start3A_30 = tpu.memref_slice %arg4[%mul3A_2] : memref<320000xi32, #tpu.memory_space<hbm>> -> memref<10000xi32, #tpu.memory_space<hbm>>
      %dma_start3A_31 = tpu.memref_slice %arg4[%mul3A_2] : memref<320000xi32, #tpu.memory_space<hbm>> -> memref<10000xi32, #tpu.memory_space<hbm>>
      tpu.enqueue_dma source(%dma_start3A_31 : memref<10000xi32, #tpu.memory_space<hbm>>) target(%arg7 : memref<10000xi32, #tpu.memory_space<vmem>>) target_semaphore(%run_scoped3A : memref<!tpu.dma_semaphore, #tpu.memory_space<semaphore_mem>>)
      %dma_wait3A_32 = tpu.memref_slice %arg4[%mul3A_2] : memref<320000xi32, #tpu.memory_space<hbm>> -> memref<10000xi32, #tpu.memory_space<hbm>>
      %dma_wait3A_33 = tpu.memref_slice %arg4[%mul3A_2] : memref<320000xi32, #tpu.memory_space<hbm>> -> memref<10000xi32, #tpu.memory_space<hbm>>
      tpu.wait_dma2 semaphore(%run_scoped3A : memref<!tpu.dma_semaphore, #tpu.memory_space<semaphore_mem>>) src(%dma_wait3A_33 : memref<10000xi32, #tpu.memory_space<hbm>>) dst(%arg7 : memref<10000xi32, #tpu.memory_space<vmem>>)
      tpu.yield
    }) : () -> ()
    %iota3A = tpu.iota {dimensions = array<i32: 0>} : vector<16xi32>
    %dma_start3A = arith.constant 0 : i32
    %dma_start3A_3 = tpu.memref_slice %arg6[%dma_start3A] : memref<10000xi32, #tpu.memory_space<vmem>> -> memref<80xi32, #tpu.memory_space<vmem>>
    %dma_start3A_4 = arith.constant 0 : i32
    %dma_start3A_5 = arith.constant 0 : i32
    %dma_start3A_6 = tpu.memref_slice %arg2[%dma_start3A_4, %dma_start3A_5] : memref<10000x64xf32, #tpu.memory_space<hbm>> -> memref<10000x64xf32, #tpu.memory_space<hbm>>
    tpu.enqueue_indirect_dma source(%dma_start3A_6 : memref<10000x64xf32, #tpu.memory_space<hbm>>) target(%arg9 : memref<80x64xf32, #tpu.memory_space<vmem>>) offsets(%dma_start3A_3 : memref<80xi32, #tpu.memory_space<vmem>>) semaphore(%arg14 : memref<!tpu.dma_semaphore, #tpu.memory_space<semaphore_mem>>)
    %dma_start3A_7 = arith.constant 0 : i32
    %dma_start3A_8 = tpu.memref_slice %arg7[%dma_start3A_7] : memref<10000xi32, #tpu.memory_space<vmem>> -> memref<80xi32, #tpu.memory_space<vmem>>
    %dma_start3A_9 = arith.constant 0 : i32
    %dma_start3A_10 = arith.constant 0 : i32
    %dma_start3A_11 = tpu.memref_slice %arg2[%dma_start3A_9, %dma_start3A_10] : memref<10000x64xf32, #tpu.memory_space<hbm>> -> memref<10000x64xf32, #tpu.memory_space<hbm>>
    tpu.enqueue_indirect_dma source(%dma_start3A_11 : memref<10000x64xf32, #tpu.memory_space<hbm>>) target(%arg10 : memref<80x64xf32, #tpu.memory_space<vmem>>) offsets(%dma_start3A_8 : memref<80xi32, #tpu.memory_space<vmem>>) semaphore(%arg14 : memref<!tpu.dma_semaphore, #tpu.memory_space<semaphore_mem>>)
    %scan3A = arith.constant 0 : i32
    %scan3A_12 = arith.constant 62 : i32
    %scan3A_13 = arith.addi %scan3A, %scan3A_12 : i32
    %scan3A_14 = arith.constant 1 : i32
    scf.for %scan3A_30 = %scan3A to %scan3A_13 step %scan3A_14  : i32 {
      %mul3A_31 = arith.constant 2 : i32
      %mul3A_32 = arith.muli %scan3A_30, %mul3A_31 : i32
      %add3A_33 = arith.constant 0 : i32
      %add3A_34 = arith.addi %add3A_33, %mul3A_32 : i32
      %add3A_35 = arith.constant 1 : i32
      %add3A_36 = arith.addi %add3A_34, %add3A_35 : i32
      %mul3A_37 = arith.constant 80 : i32
      %mul3A_38 = arith.muli %add3A_36, %mul3A_37 : i32
      %dma_start3A_39 = tpu.memref_slice %arg6[%mul3A_38] : memref<10000xi32, #tpu.memory_space<vmem>> -> memref<80xi32, #tpu.memory_space<vmem>>
      %dma_start3A_40 = arith.constant 0 : i32
      %dma_start3A_41 = arith.constant 0 : i32
      %dma_start3A_42 = tpu.memref_slice %arg2[%dma_start3A_40, %dma_start3A_41] : memref<10000x64xf32, #tpu.memory_space<hbm>> -> memref<10000x64xf32, #tpu.memory_space<hbm>>
      tpu.enqueue_indirect_dma source(%dma_start3A_42 : memref<10000x64xf32, #tpu.memory_space<hbm>>) target(%arg11 : memref<80x64xf32, #tpu.memory_space<vmem>>) offsets(%dma_start3A_39 : memref<80xi32, #tpu.memory_space<vmem>>) semaphore(%arg15 : memref<!tpu.dma_semaphore, #tpu.memory_space<semaphore_mem>>)
      %dma_start3A_43 = tpu.memref_slice %arg7[%mul3A_38] : memref<10000xi32, #tpu.memory_space<vmem>> -> memref<80xi32, #tpu.memory_space<vmem>>
      %dma_start3A_44 = arith.constant 0 : i32
      %dma_start3A_45 = arith.constant 0 : i32
      %dma_start3A_46 = tpu.memref_slice %arg2[%dma_start3A_44, %dma_start3A_45] : memref<10000x64xf32, #tpu.memory_space<hbm>> -> memref<10000x64xf32, #tpu.memory_space<hbm>>
      tpu.enqueue_indirect_dma source(%dma_start3A_46 : memref<10000x64xf32, #tpu.memory_space<hbm>>) target(%arg12 : memref<80x64xf32, #tpu.memory_space<vmem>>) offsets(%dma_start3A_43 : memref<80xi32, #tpu.memory_space<vmem>>) semaphore(%arg15 : memref<!tpu.dma_semaphore, #tpu.memory_space<semaphore_mem>>)
      %mul3A_47 = arith.constant 80 : i32
      %mul3A_48 = arith.muli %add3A_34, %mul3A_47 : i32
      %dma_wait3A_49 = tpu.memref_slice %arg6[%mul3A_48] : memref<10000xi32, #tpu.memory_space<vmem>> -> memref<80xi32, #tpu.memory_space<vmem>>
      %dma_wait3A_50 = arith.constant 0 : i32
      %dma_wait3A_51 = arith.constant 0 : i32
      %dma_wait3A_52 = tpu.memref_slice %arg2[%dma_wait3A_50, %dma_wait3A_51] : memref<10000x64xf32, #tpu.memory_space<hbm>> -> memref<10000x64xf32, #tpu.memory_space<hbm>>
      tpu.wait_indirect_dma semaphore(%arg14 : memref<!tpu.dma_semaphore, #tpu.memory_space<semaphore_mem>>) src(%dma_wait3A_52 : memref<10000x64xf32, #tpu.memory_space<hbm>>) dst(%arg9 : memref<80x64xf32, #tpu.memory_space<vmem>>)
      %dma_wait3A_53 = tpu.memref_slice %arg7[%mul3A_48] : memref<10000xi32, #tpu.memory_space<vmem>> -> memref<80xi32, #tpu.memory_space<vmem>>
      %dma_wait3A_54 = arith.constant 0 : i32
      %dma_wait3A_55 = arith.constant 0 : i32
      %dma_wait3A_56 = tpu.memref_slice %arg2[%dma_wait3A_54, %dma_wait3A_55] : memref<10000x64xf32, #tpu.memory_space<hbm>> -> memref<10000x64xf32, #tpu.memory_space<hbm>>
      tpu.wait_indirect_dma semaphore(%arg14 : memref<!tpu.dma_semaphore, #tpu.memory_space<semaphore_mem>>) src(%dma_wait3A_56 : memref<10000x64xf32, #tpu.memory_space<hbm>>) dst(%arg10 : memref<80x64xf32, #tpu.memory_space<vmem>>)
      %scan3A_57 = arith.constant 0 : i32
      %scan3A_58 = arith.constant 5 : i32
      %scan3A_59 = arith.addi %scan3A_57, %scan3A_58 : i32
      %scan3A_60 = arith.constant 1 : i32
      scf.for %scan3A_93 = %scan3A_57 to %scan3A_59 step %scan3A_60  : i32 {
        %mul3A_94 = arith.constant 16 : i32
        %mul3A_95 = arith.muli %scan3A_93, %mul3A_94 : i32
        %add3A_96 = arith.constant 0 : i32
        %add3A_97 = arith.addi %add3A_96, %mul3A_95 : i32
        %add3A_98 = arith.constant 0 : i32
        %add3A_99 = arith.addi %add3A_97, %add3A_98 : i32
        %add3A_100 = arith.constant 0 : i32
        %add3A_101 = arith.addi %add3A_97, %add3A_100 : i32
        %get3A = arith.constant 0 : i32
        %get3A_102 = tpu.memref_slice %arg9[%add3A_99, %get3A] : memref<80x64xf32, #tpu.memory_space<vmem>> -> memref<1x64xf32, #tpu.memory_space<vmem>>
        %get3A_103 = tpu.memref_squeeze %get3A_102 : memref<1x64xf32, #tpu.memory_space<vmem>> -> memref<64xf32, #tpu.memory_space<vmem>>
        %get3A_104 = arith.constant 0 : index
        %get3A_105 = tpu.vector_load %get3A_103[%get3A_104] {strides = array<i32>} : memref<64xf32, #tpu.memory_space<vmem>>, vector<16xf32>,
        %bitcast3A = vector.bitcast %get3A_105 : vector<16xf32> to vector<32xbf16>
        %get3A_106 = arith.constant 0 : i32
        %get3A_107 = tpu.memref_slice %arg10[%add3A_101, %get3A_106] : memref<80x64xf32, #tpu.memory_space<vmem>> -> memref<1x64xf32, #tpu.memory_space<vmem>>
        %get3A_108 = tpu.memref_squeeze %get3A_107 : memref<1x64xf32, #tpu.memory_space<vmem>> -> memref<64xf32, #tpu.memory_space<vmem>>
        %get3A_109 = arith.constant 0 : index
        %get3A_110 = tpu.vector_load %get3A_108[%get3A_109] {strides = array<i32>} : memref<64xf32, #tpu.memory_space<vmem>>, vector<16xf32>,
        %bitcast3A_111 = vector.bitcast %get3A_110 : vector<16xf32> to vector<32xbf16>
        %mul3A_112 = arith.mulf %bitcast3A, %bitcast3A_111 : vector<32xbf16>
        %unpack3A = tpu.unpack_subelements %mul3A_112, 0 {pack_format = #tpu.pack_format<interleaved>} : vector<32xbf16> -> vector<16xf32>
        %unpack3A_113 = tpu.unpack_subelements %mul3A_112, 1 {pack_format = #tpu.pack_format<interleaved>} : vector<32xbf16> -> vector<16xf32>
        %get3A_114 = arith.constant 0 : i32
        %get3A_115 = tpu.memref_slice %arg9[%add3A_99, %get3A_114] : memref<80x64xf32, #tpu.memory_space<vmem>> -> memref<1x64xf32, #tpu.memory_space<vmem>>
        %get3A_116 = tpu.memref_squeeze %get3A_115 : memref<1x64xf32, #tpu.memory_space<vmem>> -> memref<64xf32, #tpu.memory_space<vmem>>
        %get3A_117 = arith.constant 16 : index
        %get3A_118 = tpu.vector_load %get3A_116[%get3A_117] {strides = array<i32>} : memref<64xf32, #tpu.memory_space<vmem>>, vector<16xf32>,
        %bitcast3A_119 = vector.bitcast %get3A_118 : vector<16xf32> to vector<32xbf16>
        %get3A_120 = arith.constant 0 : i32
        %get3A_121 = tpu.memref_slice %arg10[%add3A_101, %get3A_120] : memref<80x64xf32, #tpu.memory_space<vmem>> -> memref<1x64xf32, #tpu.memory_space<vmem>>
        %get3A_122 = tpu.memref_squeeze %get3A_121 : memref<1x64xf32, #tpu.memory_space<vmem>> -> memref<64xf32, #tpu.memory_space<vmem>>
        %get3A_123 = arith.constant 16 : index
        %get3A_124 = tpu.vector_load %get3A_122[%get3A_123] {strides = array<i32>} : memref<64xf32, #tpu.memory_space<vmem>>, vector<16xf32>,
        %bitcast3A_125 = vector.bitcast %get3A_124 : vector<16xf32> to vector<32xbf16>
        %mul3A_126 = arith.mulf %bitcast3A_119, %bitcast3A_125 : vector<32xbf16>
        %unpack3A_127 = tpu.unpack_subelements %mul3A_126, 0 {pack_format = #tpu.pack_format<interleaved>} : vector<32xbf16> -> vector<16xf32>
        %unpack3A_128 = tpu.unpack_subelements %mul3A_126, 1 {pack_format = #tpu.pack_format<interleaved>} : vector<32xbf16> -> vector<16xf32>
        %get3A_129 = arith.constant 0 : i32
        %get3A_130 = tpu.memref_slice %arg9[%add3A_99, %get3A_129] : memref<80x64xf32, #tpu.memory_space<vmem>> -> memref<1x64xf32, #tpu.memory_space<vmem>>
        %get3A_131 = tpu.memref_squeeze %get3A_130 : memref<1x64xf32, #tpu.memory_space<vmem>> -> memref<64xf32, #tpu.memory_space<vmem>>
        %get3A_132 = arith.constant 32 : index
        %get3A_133 = tpu.vector_load %get3A_131[%get3A_132] {strides = array<i32>} : memref<64xf32, #tpu.memory_space<vmem>>, vector<16xf32>,
        %bitcast3A_134 = vector.bitcast %get3A_133 : vector<16xf32> to vector<32xbf16>
        %get3A_135 = arith.constant 0 : i32
        %get3A_136 = tpu.memref_slice %arg10[%add3A_101, %get3A_135] : memref<80x64xf32, #tpu.memory_space<vmem>> -> memref<1x64xf32, #tpu.memory_space<vmem>>
        %get3A_137 = tpu.memref_squeeze %get3A_136 : memref<1x64xf32, #tpu.memory_space<vmem>> -> memref<64xf32, #tpu.memory_space<vmem>>
        %get3A_138 = arith.constant 32 : index
        %get3A_139 = tpu.vector_load %get3A_137[%get3A_138] {strides = array<i32>} : memref<64xf32, #tpu.memory_space<vmem>>, vector<16xf32>,
        %bitcast3A_140 = vector.bitcast %get3A_139 : vector<16xf32> to vector<32xbf16>
        %mul3A_141 = arith.mulf %bitcast3A_134, %bitcast3A_140 : vector<32xbf16>
        %unpack3A_142 = tpu.unpack_subelements %mul3A_141, 0 {pack_format = #tpu.pack_format<interleaved>} : vector<32xbf16> -> vector<16xf32>
        %unpack3A_143 = tpu.unpack_subelements %mul3A_141, 1 {pack_format = #tpu.pack_format<interleaved>} : vector<32xbf16> -> vector<16xf32>
        %get3A_144 = arith.constant 0 : i32
        %get3A_145 = tpu.memref_slice %arg9[%add3A_99, %get3A_144] : memref<80x64xf32, #tpu.memory_space<vmem>> -> memref<1x64xf32, #tpu.memory_space<vmem>>
        %get3A_146 = tpu.memref_squeeze %get3A_145 : memref<1x64xf32, #tpu.memory_space<vmem>> -> memref<64xf32, #tpu.memory_space<vmem>>
        %get3A_147 = arith.constant 48 : index
        %get3A_148 = tpu.vector_load %get3A_146[%get3A_147] {strides = array<i32>} : memref<64xf32, #tpu.memory_space<vmem>>, vector<16xf32>,
        %bitcast3A_149 = vector.bitcast %get3A_148 : vector<16xf32> to vector<32xbf16>
        %get3A_150 = arith.constant 0 : i32
        %get3A_151 = tpu.memref_slice %arg10[%add3A_101, %get3A_150] : memref<80x64xf32, #tpu.memory_space<vmem>> -> memref<1x64xf32, #tpu.memory_space<vmem>>
        %get3A_152 = tpu.memref_squeeze %get3A_151 : memref<1x64xf32, #tpu.memory_space<vmem>> -> memref<64xf32, #tpu.memory_space<vmem>>
        %get3A_153 = arith.constant 48 : index
        %get3A_154 = tpu.vector_load %get3A_152[%get3A_153] {strides = array<i32>} : memref<64xf32, #tpu.memory_space<vmem>>, vector<16xf32>,
        %bitcast3A_155 = vector.bitcast %get3A_154 : vector<16xf32> to vector<32xbf16>
        %mul3A_156 = arith.mulf %bitcast3A_149, %bitcast3A_155 : vector<32xbf16>
        %unpack3A_157 = tpu.unpack_subelements %mul3A_156, 0 {pack_format = #tpu.pack_format<interleaved>} : vector<32xbf16> -> vector<16xf32>
        %unpack3A_158 = tpu.unpack_subelements %mul3A_156, 1 {pack_format = #tpu.pack_format<interleaved>} : vector<32xbf16> -> vector<16xf32>
        %add3A_159 = arith.addf %unpack3A, %unpack3A_113 : vector<16xf32>
        %add3A_160 = arith.addf %unpack3A_127, %unpack3A_128 : vector<16xf32>
        %add3A_161 = arith.addf %unpack3A_142, %unpack3A_143 : vector<16xf32>
        %add3A_162 = arith.addf %unpack3A_157, %unpack3A_158 : vector<16xf32>
        %add3A_163 = arith.addf %add3A_159, %add3A_160 : vector<16xf32>
        %add3A_164 = arith.addf %add3A_161, %add3A_162 : vector<16xf32>
        %add3A_165 = arith.addf %add3A_163, %add3A_164 : vector<16xf32>
        %broadcast_in_dim3A = arith.constant 0 : i32
        %broadcast_in_dim3A_166 = vector.broadcast %broadcast_in_dim3A : i32 to vector<16xi32>
        tpu.vector_store_idx %arg13[%iota3A, %broadcast_in_dim3A_166], %add3A_165 : memref<16x17xf32, #tpu.memory_space<vmem>>[vector<16xi32>, vector<16xi32>], vector<16xf32>,
        %add3A_167 = arith.constant 1 : i32
        %add3A_168 = arith.addi %add3A_97, %add3A_167 : i32
        %add3A_169 = arith.constant 1 : i32
        %add3A_170 = arith.addi %add3A_97, %add3A_169 : i32
        %get3A_171 = arith.constant 0 : i32
        %get3A_172 = tpu.memref_slice %arg9[%add3A_168, %get3A_171] : memref<80x64xf32, #tpu.memory_space<vmem>> -> memref<1x64xf32, #tpu.memory_space<vmem>>
        %get3A_173 = tpu.memref_squeeze %get3A_172 : memref<1x64xf32, #tpu.memory_space<vmem>> -> memref<64xf32, #tpu.memory_space<vmem>>
        %get3A_174 = arith.constant 0 : index
        %get3A_175 = tpu.vector_load %get3A_173[%get3A_174] {strides = array<i32>} : memref<64xf32, #tpu.memory_space<vmem>>, vector<16xf32>,
        %bitcast3A_176 = vector.bitcast %get3A_175 : vector<16xf32> to vector<32xbf16>
        %get3A_177 = arith.constant 0 : i32
        %get3A_178 = tpu.memref_slice %arg10[%add3A_170, %get3A_177] : memref<80x64xf32, #tpu.memory_space<vmem>> -> memref<1x64xf32, #tpu.memory_space<vmem>>
        %get3A_179 = tpu.memref_squeeze %get3A_178 : memref<1x64xf32, #tpu.memory_space<vmem>> -> memref<64xf32, #tpu.memory_space<vmem>>
        %get3A_180 = arith.constant 0 : index
        %get3A_181 = tpu.vector_load %get3A_179[%get3A_180] {strides = array<i32>} : memref<64xf32, #tpu.memory_space<vmem>>, vector<16xf32>,
        %bitcast3A_182 = vector.bitcast %get3A_181 : vector<16xf32> to vector<32xbf16>
        %mul3A_183 = arith.mulf %bitcast3A_176, %bitcast3A_182 : vector<32xbf16>
        %unpack3A_184 = tpu.unpack_subelements %mul3A_183, 0 {pack_format = #tpu.pack_format<interleaved>} : vector<32xbf16> -> vector<16xf32>
        %unpack3A_185 = tpu.unpack_subelements %mul3A_183, 1 {pack_format = #tpu.pack_format<interleaved>} : vector<32xbf16> -> vector<16xf32>
        %get3A_186 = arith.constant 0 : i32
        %get3A_187 = tpu.memref_slice %arg9[%add3A_168, %get3A_186] : memref<80x64xf32, #tpu.memory_space<vmem>> -> memref<1x64xf32, #tpu.memory_space<vmem>>
        %get3A_188 = tpu.memref_squeeze %get3A_187 : memref<1x64xf32, #tpu.memory_space<vmem>> -> memref<64xf32, #tpu.memory_space<vmem>>
        %get3A_189 = arith.constant 16 : index
        %get3A_190 = tpu.vector_load %get3A_188[%get3A_189] {strides = array<i32>} : memref<64xf32, #tpu.memory_space<vmem>>, vector<16xf32>,
        %bitcast3A_191 = vector.bitcast %get3A_190 : vector<16xf32> to vector<32xbf16>
        %get3A_192 = arith.constant 0 : i32
        %get3A_193 = tpu.memref_slice %arg10[%add3A_170, %get3A_192] : memref<80x64xf32, #tpu.memory_space<vmem>> -> memref<1x64xf32, #tpu.memory_space<vmem>>
        %get3A_194 = tpu.memref_squeeze %get3A_193 : memref<1x64xf32, #tpu.memory_space<vmem>> -> memref<64xf32, #tpu.memory_space<vmem>>
        %get3A_195 = arith.constant 16 : index
        %get3A_196 = tpu.vector_load %get3A_194[%get3A_195] {strides = array<i32>} : memref<64xf32, #tpu.memory_space<vmem>>, vector<16xf32>,
        %bitcast3A_197 = vector.bitcast %get3A_196 : vector<16xf32> to vector<32xbf16>
        %mul3A_198 = arith.mulf %bitcast3A_191, %bitcast3A_197 : vector<32xbf16>
        %unpack3A_199 = tpu.unpack_subelements %mul3A_198, 0 {pack_format = #tpu.pack_format<interleaved>} : vector<32xbf16> -> vector<16xf32>
        %unpack3A_200 = tpu.unpack_subelements %mul3A_198, 1 {pack_format = #tpu.pack_format<interleaved>} : vector<32xbf16> -> vector<16xf32>
        %get3A_201 = arith.constant 0 : i32
        %get3A_202 = tpu.memref_slice %arg9[%add3A_168, %get3A_201] : memref<80x64xf32, #tpu.memory_space<vmem>> -> memref<1x64xf32, #tpu.memory_space<vmem>>
        %get3A_203 = tpu.memref_squeeze %get3A_202 : memref<1x64xf32, #tpu.memory_space<vmem>> -> memref<64xf32, #tpu.memory_space<vmem>>
        %get3A_204 = arith.constant 32 : index
        %get3A_205 = tpu.vector_load %get3A_203[%get3A_204] {strides = array<i32>} : memref<64xf32, #tpu.memory_space<vmem>>, vector<16xf32>,
        %bitcast3A_206 = vector.bitcast %get3A_205 : vector<16xf32> to vector<32xbf16>
        %get3A_207 = arith.constant 0 : i32
        %get3A_208 = tpu.memref_slice %arg10[%add3A_170, %get3A_207] : memref<80x64xf32, #tpu.memory_space<vmem>> -> memref<1x64xf32, #tpu.memory_space<vmem>>
        %get3A_209 = tpu.memref_squeeze %get3A_208 : memref<1x64xf32, #tpu.memory_space<vmem>> -> memref<64xf32, #tpu.memory_space<vmem>>
        %get3A_210 = arith.constant 32 : index
        %get3A_211 = tpu.vector_load %get3A_209[%get3A_210] {strides = array<i32>} : memref<64xf32, #tpu.memory_space<vmem>>, vector<16xf32>,
        %bitcast3A_212 = vector.bitcast %get3A_211 : vector<16xf32> to vector<32xbf16>
        %mul3A_213 = arith.mulf %bitcast3A_206, %bitcast3A_212 : vector<32xbf16>
        %unpack3A_214 = tpu.unpack_subelements %mul3A_213, 0 {pack_format = #tpu.pack_format<interleaved>} : vector<32xbf16> -> vector<16xf32>
        %unpack3A_215 = tpu.unpack_subelements %mul3A_213, 1 {pack_format = #tpu.pack_format<interleaved>} : vector<32xbf16> -> vector<16xf32>
        %get3A_216 = arith.constant 0 : i32
        %get3A_217 = tpu.memref_slice %arg9[%add3A_168, %get3A_216] : memref<80x64xf32, #tpu.memory_space<vmem>> -> memref<1x64xf32, #tpu.memory_space<vmem>>
        %get3A_218 = tpu.memref_squeeze %get3A_217 : memref<1x64xf32, #tpu.memory_space<vmem>> -> memref<64xf32, #tpu.memory_space<vmem>>
        %get3A_219 = arith.constant 48 : index
        %get3A_220 = tpu.vector_load %get3A_218[%get3A_219] {strides = array<i32>} : memref<64xf32, #tpu.memory_space<vmem>>, vector<16xf32>,
        %bitcast3A_221 = vector.bitcast %get3A_220 : vector<16xf32> to vector<32xbf16>
        %get3A_222 = arith.constant 0 : i32
        %get3A_223 = tpu.memref_slice %arg10[%add3A_170, %get3A_222] : memref<80x64xf32, #tpu.memory_space<vmem>> -> memref<1x64xf32, #tpu.memory_space<vmem>>
        %get3A_224 = tpu.memref_squeeze %get3A_223 : memref<1x64xf32, #tpu.memory_space<vmem>> -> memref<64xf32, #tpu.memory_space<vmem>>
        %get3A_225 = arith.constant 48 : index
        %get3A_226 = tpu.vector_load %get3A_224[%get3A_225] {strides = array<i32>} : memref<64xf32, #tpu.memory_space<vmem>>, vector<16xf32>,
        %bitcast3A_227 = vector.bitcast %get3A_226 : vector<16xf32> to vector<32xbf16>
        %mul3A_228 = arith.mulf %bitcast3A_221, %bitcast3A_227 : vector<32xbf16>
        %unpack3A_229 = tpu.unpack_subelements %mul3A_228, 0 {pack_format = #tpu.pack_format<interleaved>} : vector<32xbf16> -> vector<16xf32>
        %unpack3A_230 = tpu.unpack_subelements %mul3A_228, 1 {pack_format = #tpu.pack_format<interleaved>} : vector<32xbf16> -> vector<16xf32>
        %add3A_231 = arith.addf %unpack3A_184, %unpack3A_185 : vector<16xf32>
        %add3A_232 = arith.addf %unpack3A_199, %unpack3A_200 : vector<16xf32>
        %add3A_233 = arith.addf %unpack3A_214, %unpack3A_215 : vector<16xf32>
        %add3A_234 = arith.addf %unpack3A_229, %unpack3A_230 : vector<16xf32>
        %add3A_235 = arith.addf %add3A_231, %add3A_232 : vector<16xf32>
        %add3A_236 = arith.addf %add3A_233, %add3A_234 : vector<16xf32>
        %add3A_237 = arith.addf %add3A_235, %add3A_236 : vector<16xf32>
        %broadcast_in_dim3A_238 = arith.constant 1 : i32
        %broadcast_in_dim3A_239 = vector.broadcast %broadcast_in_dim3A_238 : i32 to vector<16xi32>
        tpu.vector_store_idx %arg13[%iota3A, %broadcast_in_dim3A_239], %add3A_237 : memref<16x17xf32, #tpu.memory_space<vmem>>[vector<16xi32>, vector<16xi32>], vector<16xf32>,
        %add3A_240 = arith.constant 2 : i32
        %add3A_241 = arith.addi %add3A_97, %add3A_240 : i32
        %add3A_242 = arith.constant 2 : i32
        %add3A_243 = arith.addi %add3A_97, %add3A_242 : i32
        %get3A_244 = arith.constant 0 : i32
        %get3A_245 = tpu.memref_slice %arg9[%add3A_241, %get3A_244] : memref<80x64xf32, #tpu.memory_space<vmem>> -> memref<1x64xf32, #tpu.memory_space<vmem>>
        %get3A_246 = tpu.memref_squeeze %get3A_245 : memref<1x64xf32, #tpu.memory_space<vmem>> -> memref<64xf32, #tpu.memory_space<vmem>>
        %get3A_247 = arith.constant 0 : index
        %get3A_248 = tpu.vector_load %get3A_246[%get3A_247] {strides = array<i32>} : memref<64xf32, #tpu.memory_space<vmem>>, vector<16xf32>,
        %bitcast3A_249 = vector.bitcast %get3A_248 : vector<16xf32> to vector<32xbf16>
        %get3A_250 = arith.constant 0 : i32
        %get3A_251 = tpu.memref_slice %arg10[%add3A_243, %get3A_250] : memref<80x64xf32, #tpu.memory_space<vmem>> -> memref<1x64xf32, #tpu.memory_space<vmem>>
        %get3A_252 = tpu.memref_squeeze %get3A_251 : memref<1x64xf32, #tpu.memory_space<vmem>> -> memref<64xf32, #tpu.memory_space<vmem>>
        %get3A_253 = arith.constant 0 : index
        %get3A_254 = tpu.vector_load %get3A_252[%get3A_253] {strides = array<i32>} : memref<64xf32, #tpu.memory_space<vmem>>, vector<16xf32>,
        %bitcast3A_255 = vector.bitcast %get3A_254 : vector<16xf32> to vector<32xbf16>
        %mul3A_256 = arith.mulf %bitcast3A_249, %bitcast3A_255 : vector<32xbf16>
        %unpack3A_257 = tpu.unpack_subelements %mul3A_256, 0 {pack_format = #tpu.pack_format<interleaved>} : vector<32xbf16> -> vector<16xf32>
        %unpack3A_258 = tpu.unpack_subelements %mul3A_256, 1 {pack_format = #tpu.pack_format<interleaved>} : vector<32xbf16> -> vector<16xf32>
        %get3A_259 = arith.constant 0 : i32
        %get3A_260 = tpu.memref_slice %arg9[%add3A_241, %get3A_259] : memref<80x64xf32, #tpu.memory_space<vmem>> -> memref<1x64xf32, #tpu.memory_space<vmem>>
        %get3A_261 = tpu.memref_squeeze %get3A_260 : memref<1x64xf32, #tpu.memory_space<vmem>> -> memref<64xf32, #tpu.memory_space<vmem>>
        %get3A_262 = arith.constant 16 : index
        %get3A_263 = tpu.vector_load %get3A_261[%get3A_262] {strides = array<i32>} : memref<64xf32, #tpu.memory_space<vmem>>, vector<16xf32>,
        %bitcast3A_264 = vector.bitcast %get3A_263 : vector<16xf32> to vector<32xbf16>
        %get3A_265 = arith.constant 0 : i32
        %get3A_266 = tpu.memref_slice %arg10[%add3A_243, %get3A_265] : memref<80x64xf32, #tpu.memory_space<vmem>> -> memref<1x64xf32, #tpu.memory_space<vmem>>
        %get3A_267 = tpu.memref_squeeze %get3A_266 : memref<1x64xf32, #tpu.memory_space<vmem>> -> memref<64xf32, #tpu.memory_space<vmem>>
        %get3A_268 = arith.constant 16 : index
        %get3A_269 = tpu.vector_load %get3A_267[%get3A_268] {strides = array<i32>} : memref<64xf32, #tpu.memory_space<vmem>>, vector<16xf32>,
        %bitcast3A_270 = vector.bitcast %get3A_269 : vector<16xf32> to vector<32xbf16>
        %mul3A_271 = arith.mulf %bitcast3A_264, %bitcast3A_270 : vector<32xbf16>
        %unpack3A_272 = tpu.unpack_subelements %mul3A_271, 0 {pack_format = #tpu.pack_format<interleaved>} : vector<32xbf16> -> vector<16xf32>
        %unpack3A_273 = tpu.unpack_subelements %mul3A_271, 1 {pack_format = #tpu.pack_format<interleaved>} : vector<32xbf16> -> vector<16xf32>
        %get3A_274 = arith.constant 0 : i32
        %get3A_275 = tpu.memref_slice %arg9[%add3A_241, %get3A_274] : memref<80x64xf32, #tpu.memory_space<vmem>> -> memref<1x64xf32, #tpu.memory_space<vmem>>
        %get3A_276 = tpu.memref_squeeze %get3A_275 : memref<1x64xf32, #tpu.memory_space<vmem>> -> memref<64xf32, #tpu.memory_space<vmem>>
        %get3A_277 = arith.constant 32 : index
        %get3A_278 = tpu.vector_load %get3A_276[%get3A_277] {strides = array<i32>} : memref<64xf32, #tpu.memory_space<vmem>>, vector<16xf32>,
        %bitcast3A_279 = vector.bitcast %get3A_278 : vector<16xf32> to vector<32xbf16>
        %get3A_280 = arith.constant 0 : i32
        %get3A_281 = tpu.memref_slice %arg10[%add3A_243, %get3A_280] : memref<80x64xf32, #tpu.memory_space<vmem>> -> memref<1x64xf32, #tpu.memory_space<vmem>>
        %get3A_282 = tpu.memref_squeeze %get3A_281 : memref<1x64xf32, #tpu.memory_space<vmem>> -> memref<64xf32, #tpu.memory_space<vmem>>
        %get3A_283 = arith.constant 32 : index
        %get3A_284 = tpu.vector_load %get3A_282[%get3A_283] {strides = array<i32>} : memref<64xf32, #tpu.memory_space<vmem>>, vector<16xf32>,
        %bitcast3A_285 = vector.bitcast %get3A_284 : vector<16xf32> to vector<32xbf16>
        %mul3A_286 = arith.mulf %bitcast3A_279, %bitcast3A_285 : vector<32xbf16>
        %unpack3A_287 = tpu.unpack_subelements %mul3A_286, 0 {pack_format = #tpu.pack_format<interleaved>} : vector<32xbf16> -> vector<16xf32>
        %unpack3A_288 = tpu.unpack_subelements %mul3A_286, 1 {pack_format = #tpu.pack_format<interleaved>} : vector<32xbf16> -> vector<16xf32>
        %get3A_289 = arith.constant 0 : i32
        %get3A_290 = tpu.memref_slice %arg9[%add3A_241, %get3A_289] : memref<80x64xf32, #tpu.memory_space<vmem>> -> memref<1x64xf32, #tpu.memory_space<vmem>>
        %get3A_291 = tpu.memref_squeeze %get3A_290 : memref<1x64xf32, #tpu.memory_space<vmem>> -> memref<64xf32, #tpu.memory_space<vmem>>
        %get3A_292 = arith.constant 48 : index
        %get3A_293 = tpu.vector_load %get3A_291[%get3A_292] {strides = array<i32>} : memref<64xf32, #tpu.memory_space<vmem>>, vector<16xf32>,
        %bitcast3A_294 = vector.bitcast %get3A_293 : vector<16xf32> to vector<32xbf16>
        %get3A_295 = arith.constant 0 : i32
        %get3A_296 = tpu.memref_slice %arg10[%add3A_243, %get3A_295] : memref<80x64xf32, #tpu.memory_space<vmem>> -> memref<1x64xf32, #tpu.memory_space<vmem>>
        %get3A_297 = tpu.memref_squeeze %get3A_296 : memref<1x64xf32, #tpu.memory_space<vmem>> -> memref<64xf32, #tpu.memory_space<vmem>>
        %get3A_298 = arith.constant 48 : index
        %get3A_299 = tpu.vector_load %get3A_297[%get3A_298] {strides = array<i32>} : memref<64xf32, #tpu.memory_space<vmem>>, vector<16xf32>,
        %bitcast3A_300 = vector.bitcast %get3A_299 : vector<16xf32> to vector<32xbf16>
        %mul3A_301 = arith.mulf %bitcast3A_294, %bitcast3A_300 : vector<32xbf16>
        %unpack3A_302 = tpu.unpack_subelements %mul3A_301, 0 {pack_format = #tpu.pack_format<interleaved>} : vector<32xbf16> -> vector<16xf32>
        %unpack3A_303 = tpu.unpack_subelements %mul3A_301, 1 {pack_format = #tpu.pack_format<interleaved>} : vector<32xbf16> -> vector<16xf32>
        %add3A_304 = arith.addf %unpack3A_257, %unpack3A_258 : vector<16xf32>
        %add3A_305 = arith.addf %unpack3A_272, %unpack3A_273 : vector<16xf32>
        %add3A_306 = arith.addf %unpack3A_287, %unpack3A_288 : vector<16xf32>
        %add3A_307 = arith.addf %unpack3A_302, %unpack3A_303 : vector<16xf32>
        %add3A_308 = arith.addf %add3A_304, %add3A_305 : vector<16xf32>
        %add3A_309 = arith.addf %add3A_306, %add3A_307 : vector<16xf32>
        %add3A_310 = arith.addf %add3A_308, %add3A_309 : vector<16xf32>
        %broadcast_in_dim3A_311 = arith.constant 2 : i32
        %broadcast_in_dim3A_312 = vector.broadcast %broadcast_in_dim3A_311 : i32 to vector<16xi32>
        tpu.vector_store_idx %arg13[%iota3A, %broadcast_in_dim3A_312], %add3A_310 : memref<16x17xf32, #tpu.memory_space<vmem>>[vector<16xi32>, vector<16xi32>], vector<16xf32>,
        %add3A_313 = arith.constant 3 : i32
        %add3A_314 = arith.addi %add3A_97, %add3A_313 : i32
        %add3A_315 = arith.constant 3 : i32
        %add3A_316 = arith.addi %add3A_97, %add3A_315 : i32
        %get3A_317 = arith.constant 0 : i32
        %get3A_318 = tpu.memref_slice %arg9[%add3A_314, %get3A_317] : memref<80x64xf32, #tpu.memory_space<vmem>> -> memref<1x64xf32, #tpu.memory_space<vmem>>
        %get3A_319 = tpu.memref_squeeze %get3A_318 : memref<1x64xf32, #tpu.memory_space<vmem>> -> memref<64xf32, #tpu.memory_space<vmem>>
        %get3A_320 = arith.constant 0 : index
        %get3A_321 = tpu.vector_load %get3A_319[%get3A_320] {strides = array<i32>} : memref<64xf32, #tpu.memory_space<vmem>>, vector<16xf32>,
        %bitcast3A_322 = vector.bitcast %get3A_321 : vector<16xf32> to vector<32xbf16>
        %get3A_323 = arith.constant 0 : i32
        %get3A_324 = tpu.memref_slice %arg10[%add3A_316, %get3A_323] : memref<80x64xf32, #tpu.memory_space<vmem>> -> memref<1x64xf32, #tpu.memory_space<vmem>>
        %get3A_325 = tpu.memref_squeeze %get3A_324 : memref<1x64xf32, #tpu.memory_space<vmem>> -> memref<64xf32, #tpu.memory_space<vmem>>
        %get3A_326 = arith.constant 0 : index
        %get3A_327 = tpu.vector_load %get3A_325[%get3A_326] {strides = array<i32>} : memref<64xf32, #tpu.memory_space<vmem>>, vector<16xf32>,
        %bitcast3A_328 = vector.bitcast %get3A_327 : vector<16xf32> to vector<32xbf16>
        %mul3A_329 = arith.mulf %bitcast3A_322, %bitcast3A_328 : vector<32xbf16>
        %unpack3A_330 = tpu.unpack_subelements %mul3A_329, 0 {pack_format = #tpu.pack_format<interleaved>} : vector<32xbf16> -> vector<16xf32>
        %unpack3A_331 = tpu.unpack_subelements %mul3A_329, 1 {pack_format = #tpu.pack_format<interleaved>} : vector<32xbf16> -> vector<16xf32>
        %get3A_332 = arith.constant 0 : i32
        %get3A_333 = tpu.memref_slice %arg9[%add3A_314, %get3A_332] : memref<80x64xf32, #tpu.memory_space<vmem>> -> memref<1x64xf32, #tpu.memory_space<vmem>>
        %get3A_334 = tpu.memref_squeeze %get3A_333 : memref<1x64xf32, #tpu.memory_space<vmem>> -> memref<64xf32, #tpu.memory_space<vmem>>
        %get3A_335 = arith.constant 16 : index
        %get3A_336 = tpu.vector_load %get3A_334[%get3A_335] {strides = array<i32>} : memref<64xf32, #tpu.memory_space<vmem>>, vector<16xf32>,
        %bitcast3A_337 = vector.bitcast %get3A_336 : vector<16xf32> to vector<32xbf16>
        %get3A_338 = arith.constant 0 : i32
        %get3A_339 = tpu.memref_slice %arg10[%add3A_316, %get3A_338] : memref<80x64xf32, #tpu.memory_space<vmem>> -> memref<1x64xf32, #tpu.memory_space<vmem>>
        %get3A_340 = tpu.memref_squeeze %get3A_339 : memref<1x64xf32, #tpu.memory_space<vmem>> -> memref<64xf32, #tpu.memory_space<vmem>>
        %get3A_341 = arith.constant 16 : index
        %get3A_342 = tpu.vector_load %get3A_340[%get3A_341] {strides = array<i32>} : memref<64xf32, #tpu.memory_space<vmem>>, vector<16xf32>,
        %bitcast3A_343 = vector.bitcast %get3A_342 : vector<16xf32> to vector<32xbf16>
        %mul3A_344 = arith.mulf %bitcast3A_337, %bitcast3A_343 : vector<32xbf16>
        %unpack3A_345 = tpu.unpack_subelements %mul3A_344, 0 {pack_format = #tpu.pack_format<interleaved>} : vector<32xbf16> -> vector<16xf32>
        %unpack3A_346 = tpu.unpack_subelements %mul3A_344, 1 {pack_format = #tpu.pack_format<interleaved>} : vector<32xbf16> -> vector<16xf32>
        %get3A_347 = arith.constant 0 : i32
        %get3A_348 = tpu.memref_slice %arg9[%add3A_314, %get3A_347] : memref<80x64xf32, #tpu.memory_space<vmem>> -> memref<1x64xf32, #tpu.memory_space<vmem>>
        %get3A_349 = tpu.memref_squeeze %get3A_348 : memref<1x64xf32, #tpu.memory_space<vmem>> -> memref<64xf32, #tpu.memory_space<vmem>>
        %get3A_350 = arith.constant 32 : index
        %get3A_351 = tpu.vector_load %get3A_349[%get3A_350] {strides = array<i32>} : memref<64xf32, #tpu.memory_space<vmem>>, vector<16xf32>,
        %bitcast3A_352 = vector.bitcast %get3A_351 : vector<16xf32> to vector<32xbf16>
        %get3A_353 = arith.constant 0 : i32
        %get3A_354 = tpu.memref_slice %arg10[%add3A_316, %get3A_353] : memref<80x64xf32, #tpu.memory_space<vmem>> -> memref<1x64xf32, #tpu.memory_space<vmem>>
        %get3A_355 = tpu.memref_squeeze %get3A_354 : memref<1x64xf32, #tpu.memory_space<vmem>> -> memref<64xf32, #tpu.memory_space<vmem>>
        %get3A_356 = arith.constant 32 : index
        %get3A_357 = tpu.vector_load %get3A_355[%get3A_356] {strides = array<i32>} : memref<64xf32, #tpu.memory_space<vmem>>, vector<16xf32>,
        %bitcast3A_358 = vector.bitcast %get3A_357 : vector<16xf32> to vector<32xbf16>
        %mul3A_359 = arith.mulf %bitcast3A_352, %bitcast3A_358 : vector<32xbf16>
        %unpack3A_360 = tpu.unpack_subelements %mul3A_359, 0 {pack_format = #tpu.pack_format<interleaved>} : vector<32xbf16> -> vector<16xf32>
        %unpack3A_361 = tpu.unpack_subelements %mul3A_359, 1 {pack_format = #tpu.pack_format<interleaved>} : vector<32xbf16> -> vector<16xf32>
        %get3A_362 = arith.constant 0 : i32
        %get3A_363 = tpu.memref_slice %arg9[%add3A_314, %get3A_362] : memref<80x64xf32, #tpu.memory_space<vmem>> -> memref<1x64xf32, #tpu.memory_space<vmem>>
        %get3A_364 = tpu.memref_squeeze %get3A_363 : memref<1x64xf32, #tpu.memory_space<vmem>> -> memref<64xf32, #tpu.memory_space<vmem>>
        %get3A_365 = arith.constant 48 : index
        %get3A_366 = tpu.vector_load %get3A_364[%get3A_365] {strides = array<i32>} : memref<64xf32, #tpu.memory_space<vmem>>, vector<16xf32>,
        %bitcast3A_367 = vector.bitcast %get3A_366 : vector<16xf32> to vector<32xbf16>
        %get3A_368 = arith.constant 0 : i32
        %get3A_369 = tpu.memref_slice %arg10[%add3A_316, %get3A_368] : memref<80x64xf32, #tpu.memory_space<vmem>> -> memref<1x64xf32, #tpu.memory_space<vmem>>
        %get3A_370 = tpu.memref_squeeze %get3A_369 : memref<1x64xf32, #tpu.memory_space<vmem>> -> memref<64xf32, #tpu.memory_space<vmem>>
        %get3A_371 = arith.constant 48 : index
        %get3A_372 = tpu.vector_load %get3A_370[%get3A_371] {strides = array<i32>} : memref<64xf32, #tpu.memory_space<vmem>>, vector<16xf32>,
        %bitcast3A_373 = vector.bitcast %get3A_372 : vector<16xf32> to vector<32xbf16>
        %mul3A_374 = arith.mulf %bitcast3A_367, %bitcast3A_373 : vector<32xbf16>
        %unpack3A_375 = tpu.unpack_subelements %mul3A_374, 0 {pack_format = #tpu.pack_format<interleaved>} : vector<32xbf16> -> vector<16xf32>
        %unpack3A_376 = tpu.unpack_subelements %mul3A_374, 1 {pack_format = #tpu.pack_format<interleaved>} : vector<32xbf16> -> vector<16xf32>
        %add3A_377 = arith.addf %unpack3A_330, %unpack3A_331 : vector<16xf32>
        %add3A_378 = arith.addf %unpack3A_345, %unpack3A_346 : vector<16xf32>
        %add3A_379 = arith.addf %unpack3A_360, %unpack3A_361 : vector<16xf32>
        %add3A_380 = arith.addf %unpack3A_375, %unpack3A_376 : vector<16xf32>
        %add3A_381 = arith.addf %add3A_377, %add3A_378 : vector<16xf32>
        %add3A_382 = arith.addf %add3A_379, %add3A_380 : vector<16xf32>
        %add3A_383 = arith.addf %add3A_381, %add3A_382 : vector<16xf32>
        %broadcast_in_dim3A_384 = arith.constant 3 : i32
        %broadcast_in_dim3A_385 = vector.broadcast %broadcast_in_dim3A_384 : i32 to vector<16xi32>
        tpu.vector_store_idx %arg13[%iota3A, %broadcast_in_dim3A_385], %add3A_383 : memref<16x17xf32, #tpu.memory_space<vmem>>[vector<16xi32>, vector<16xi32>], vector<16xf32>,
        %add3A_386 = arith.constant 4 : i32
        %add3A_387 = arith.addi %add3A_97, %add3A_386 : i32
        %add3A_388 = arith.constant 4 : i32
        %add3A_389 = arith.addi %add3A_97, %add3A_388 : i32
        %get3A_390 = arith.constant 0 : i32
        %get3A_391 = tpu.memref_slice %arg9[%add3A_387, %get3A_390] : memref<80x64xf32, #tpu.memory_space<vmem>> -> memref<1x64xf32, #tpu.memory_space<vmem>>
        %get3A_392 = tpu.memref_squeeze %get3A_391 : memref<1x64xf32, #tpu.memory_space<vmem>> -> memref<64xf32, #tpu.memory_space<vmem>>
        %get3A_393 = arith.constant 0 : index
        %get3A_394 = tpu.vector_load %get3A_392[%get3A_393] {strides = array<i32>} : memref<64xf32, #tpu.memory_space<vmem>>, vector<16xf32>,
        %bitcast3A_395 = vector.bitcast %get3A_394 : vector<16xf32> to vector<32xbf16>
        %get3A_396 = arith.constant 0 : i32
        %get3A_397 = tpu.memref_slice %arg10[%add3A_389, %get3A_396] : memref<80x64xf32, #tpu.memory_space<vmem>> -> memref<1x64xf32, #tpu.memory_space<vmem>>
        %get3A_398 = tpu.memref_squeeze %get3A_397 : memref<1x64xf32, #tpu.memory_space<vmem>> -> memref<64xf32, #tpu.memory_space<vmem>>
        %get3A_399 = arith.constant 0 : index
        %get3A_400 = tpu.vector_load %get3A_398[%get3A_399] {strides = array<i32>} : memref<64xf32, #tpu.memory_space<vmem>>, vector<16xf32>,
        %bitcast3A_401 = vector.bitcast %get3A_400 : vector<16xf32> to vector<32xbf16>
        %mul3A_402 = arith.mulf %bitcast3A_395, %bitcast3A_401 : vector<32xbf16>
        %unpack3A_403 = tpu.unpack_subelements %mul3A_402, 0 {pack_format = #tpu.pack_format<interleaved>} : vector<32xbf16> -> vector<16xf32>
        %unpack3A_404 = tpu.unpack_subelements %mul3A_402, 1 {pack_format = #tpu.pack_format<interleaved>} : vector<32xbf16> -> vector<16xf32>
        %get3A_405 = arith.constant 0 : i32
        %get3A_406 = tpu.memref_slice %arg9[%add3A_387, %get3A_405] : memref<80x64xf32, #tpu.memory_space<vmem>> -> memref<1x64xf32, #tpu.memory_space<vmem>>
        %get3A_407 = tpu.memref_squeeze %get3A_406 : memref<1x64xf32, #tpu.memory_space<vmem>> -> memref<64xf32, #tpu.memory_space<vmem>>
        %get3A_408 = arith.constant 16 : index
        %get3A_409 = tpu.vector_load %get3A_407[%get3A_408] {strides = array<i32>} : memref<64xf32, #tpu.memory_space<vmem>>, vector<16xf32>,
        %bitcast3A_410 = vector.bitcast %get3A_409 : vector<16xf32> to vector<32xbf16>
        %get3A_411 = arith.constant 0 : i32
        %get3A_412 = tpu.memref_slice %arg10[%add3A_389, %get3A_411] : memref<80x64xf32, #tpu.memory_space<vmem>> -> memref<1x64xf32, #tpu.memory_space<vmem>>
        %get3A_413 = tpu.memref_squeeze %get3A_412 : memref<1x64xf32, #tpu.memory_space<vmem>> -> memref<64xf32, #tpu.memory_space<vmem>>
        %get3A_414 = arith.constant 16 : index
        %get3A_415 = tpu.vector_load %get3A_413[%get3A_414] {strides = array<i32>} : memref<64xf32, #tpu.memory_space<vmem>>, vector<16xf32>,
        %bitcast3A_416 = vector.bitcast %get3A_415 : vector<16xf32> to vector<32xbf16>
        %mul3A_417 = arith.mulf %bitcast3A_410, %bitcast3A_416 : vector<32xbf16>
        %unpack3A_418 = tpu.unpack_subelements %mul3A_417, 0 {pack_format = #tpu.pack_format<interleaved>} : vector<32xbf16> -> vector<16xf32>
        %unpack3A_419 = tpu.unpack_subelements %mul3A_417, 1 {pack_format = #tpu.pack_format<interleaved>} : vector<32xbf16> -> vector<16xf32>
        %get3A_420 = arith.constant 0 : i32
        %get3A_421 = tpu.memref_slice %arg9[%add3A_387, %get3A_420] : memref<80x64xf32, #tpu.memory_space<vmem>> -> memref<1x64xf32, #tpu.memory_space<vmem>>
        %get3A_422 = tpu.memref_squeeze %get3A_421 : memref<1x64xf32, #tpu.memory_space<vmem>> -> memref<64xf32, #tpu.memory_space<vmem>>
        %get3A_423 = arith.constant 32 : index
        %get3A_424 = tpu.vector_load %get3A_422[%get3A_423] {strides = array<i32>} : memref<64xf32, #tpu.memory_space<vmem>>, vector<16xf32>,
        %bitcast3A_425 = vector.bitcast %get3A_424 : vector<16xf32> to vector<32xbf16>
        %get3A_426 = arith.constant 0 : i32
        %get3A_427 = tpu.memref_slice %arg10[%add3A_389, %get3A_426] : memref<80x64xf32, #tpu.memory_space<vmem>> -> memref<1x64xf32, #tpu.memory_space<vmem>>
        %get3A_428 = tpu.memref_squeeze %get3A_427 : memref<1x64xf32, #tpu.memory_space<vmem>> -> memref<64xf32, #tpu.memory_space<vmem>>
        %get3A_429 = arith.constant 32 : index
        %get3A_430 = tpu.vector_load %get3A_428[%get3A_429] {strides = array<i32>} : memref<64xf32, #tpu.memory_space<vmem>>, vector<16xf32>,
        %bitcast3A_431 = vector.bitcast %get3A_430 : vector<16xf32> to vector<32xbf16>
        %mul3A_432 = arith.mulf %bitcast3A_425, %bitcast3A_431 : vector<32xbf16>
        %unpack3A_433 = tpu.unpack_subelements %mul3A_432, 0 {pack_format = #tpu.pack_format<interleaved>} : vector<32xbf16> -> vector<16xf32>
        %unpack3A_434 = tpu.unpack_subelements %mul3A_432, 1 {pack_format = #tpu.pack_format<interleaved>} : vector<32xbf16> -> vector<16xf32>
        %get3A_435 = arith.constant 0 : i32
        %get3A_436 = tpu.memref_slice %arg9[%add3A_387, %get3A_435] : memref<80x64xf32, #tpu.memory_space<vmem>> -> memref<1x64xf32, #tpu.memory_space<vmem>>
        %get3A_437 = tpu.memref_squeeze %get3A_436 : memref<1x64xf32, #tpu.memory_space<vmem>> -> memref<64xf32, #tpu.memory_space<vmem>>
        %get3A_438 = arith.constant 48 : index
        %get3A_439 = tpu.vector_load %get3A_437[%get3A_438] {strides = array<i32>} : memref<64xf32, #tpu.memory_space<vmem>>, vector<16xf32>,
        %bitcast3A_440 = vector.bitcast %get3A_439 : vector<16xf32> to vector<32xbf16>
        %get3A_441 = arith.constant 0 : i32
        %get3A_442 = tpu.memref_slice %arg10[%add3A_389, %get3A_441] : memref<80x64xf32, #tpu.memory_space<vmem>> -> memref<1x64xf32, #tpu.memory_space<vmem>>
        %get3A_443 = tpu.memref_squeeze %get3A_442 : memref<1x64xf32, #tpu.memory_space<vmem>> -> memref<64xf32, #tpu.memory_space<vmem>>
        %get3A_444 = arith.constant 48 : index
        %get3A_445 = tpu.vector_load %get3A_443[%get3A_444] {strides = array<i32>} : memref<64xf32, #tpu.memory_space<vmem>>, vector<16xf32>,
        %bitcast3A_446 = vector.bitcast %get3A_445 : vector<16xf32> to vector<32xbf16>
        %mul3A_447 = arith.mulf %bitcast3A_440, %bitcast3A_446 : vector<32xbf16>
        %unpack3A_448 = tpu.unpack_subelements %mul3A_447, 0 {pack_format = #tpu.pack_format<interleaved>} : vector<32xbf16> -> vector<16xf32>
        %unpack3A_449 = tpu.unpack_subelements %mul3A_447, 1 {pack_format = #tpu.pack_format<interleaved>} : vector<32xbf16> -> vector<16xf32>
        %add3A_450 = arith.addf %unpack3A_403, %unpack3A_404 : vector<16xf32>
        %add3A_451 = arith.addf %unpack3A_418, %unpack3A_419 : vector<16xf32>
        %add3A_452 = arith.addf %unpack3A_433, %unpack3A_434 : vector<16xf32>
        %add3A_453 = arith.addf %unpack3A_448, %unpack3A_449 : vector<16xf32>
        %add3A_454 = arith.addf %add3A_450, %add3A_451 : vector<16xf32>
        %add3A_455 = arith.addf %add3A_452, %add3A_453 : vector<16xf32>
        %add3A_456 = arith.addf %add3A_454, %add3A_455 : vector<16xf32>
        %broadcast_in_dim3A_457 = arith.constant 4 : i32
        %broadcast_in_dim3A_458 = vector.broadcast %broadcast_in_dim3A_457 : i32 to vector<16xi32>
        tpu.vector_store_idx %arg13[%iota3A, %broadcast_in_dim3A_458], %add3A_456 : memref<16x17xf32, #tpu.memory_space<vmem>>[vector<16xi32>, vector<16xi32>], vector<16xf32>,
        %add3A_459 = arith.constant 5 : i32
        %add3A_460 = arith.addi %add3A_97, %add3A_459 : i32
        %add3A_461 = arith.constant 5 : i32
        %add3A_462 = arith.addi %add3A_97, %add3A_461 : i32
        %get3A_463 = arith.constant 0 : i32
        %get3A_464 = tpu.memref_slice %arg9[%add3A_460, %get3A_463] : memref<80x64xf32, #tpu.memory_space<vmem>> -> memref<1x64xf32, #tpu.memory_space<vmem>>
        %get3A_465 = tpu.memref_squeeze %get3A_464 : memref<1x64xf32, #tpu.memory_space<vmem>> -> memref<64xf32, #tpu.memory_space<vmem>>
        %get3A_466 = arith.constant 0 : index
        %get3A_467 = tpu.vector_load %get3A_465[%get3A_466] {strides = array<i32>} : memref<64xf32, #tpu.memory_space<vmem>>, vector<16xf32>,
        %bitcast3A_468 = vector.bitcast %get3A_467 : vector<16xf32> to vector<32xbf16>
        %get3A_469 = arith.constant 0 : i32
        %get3A_470 = tpu.memref_slice %arg10[%add3A_462, %get3A_469] : memref<80x64xf32, #tpu.memory_space<vmem>> -> memref<1x64xf32, #tpu.memory_space<vmem>>
        %get3A_471 = tpu.memref_squeeze %get3A_470 : memref<1x64xf32, #tpu.memory_space<vmem>> -> memref<64xf32, #tpu.memory_space<vmem>>
        %get3A_472 = arith.constant 0 : index
        %get3A_473 = tpu.vector_load %get3A_471[%get3A_472] {strides = array<i32>} : memref<64xf32, #tpu.memory_space<vmem>>, vector<16xf32>,
        %bitcast3A_474 = vector.bitcast %get3A_473 : vector<16xf32> to vector<32xbf16>
        %mul3A_475 = arith.mulf %bitcast3A_468, %bitcast3A_474 : vector<32xbf16>
        %unpack3A_476 = tpu.unpack_subelements %mul3A_475, 0 {pack_format = #tpu.pack_format<interleaved>} : vector<32xbf16> -> vector<16xf32>
        %unpack3A_477 = tpu.unpack_subelements %mul3A_475, 1 {pack_format = #tpu.pack_format<interleaved>} : vector<32xbf16> -> vector<16xf32>
        %get3A_478 = arith.constant 0 : i32
        %get3A_479 = tpu.memref_slice %arg9[%add3A_460, %get3A_478] : memref<80x64xf32, #tpu.memory_space<vmem>> -> memref<1x64xf32, #tpu.memory_space<vmem>>
        %get3A_480 = tpu.memref_squeeze %get3A_479 : memref<1x64xf32, #tpu.memory_space<vmem>> -> memref<64xf32, #tpu.memory_space<vmem>>
        %get3A_481 = arith.constant 16 : index
        %get3A_482 = tpu.vector_load %get3A_480[%get3A_481] {strides = array<i32>} : memref<64xf32, #tpu.memory_space<vmem>>, vector<16xf32>,
        %bitcast3A_483 = vector.bitcast %get3A_482 : vector<16xf32> to vector<32xbf16>
        %get3A_484 = arith.constant 0 : i32
        %get3A_485 = tpu.memref_slice %arg10[%add3A_462, %get3A_484] : memref<80x64xf32, #tpu.memory_space<vmem>> -> memref<1x64xf32, #tpu.memory_space<vmem>>
        %get3A_486 = tpu.memref_squeeze %get3A_485 : memref<1x64xf32, #tpu.memory_space<vmem>> -> memref<64xf32, #tpu.memory_space<vmem>>
        %get3A_487 = arith.constant 16 : index
        %get3A_488 = tpu.vector_load %get3A_486[%get3A_487] {strides = array<i32>} : memref<64xf32, #tpu.memory_space<vmem>>, vector<16xf32>,
        %bitcast3A_489 = vector.bitcast %get3A_488 : vector<16xf32> to vector<32xbf16>
        %mul3A_490 = arith.mulf %bitcast3A_483, %bitcast3A_489 : vector<32xbf16>
        %unpack3A_491 = tpu.unpack_subelements %mul3A_490, 0 {pack_format = #tpu.pack_format<interleaved>} : vector<32xbf16> -> vector<16xf32>
        %unpack3A_492 = tpu.unpack_subelements %mul3A_490, 1 {pack_format = #tpu.pack_format<interleaved>} : vector<32xbf16> -> vector<16xf32>
        %get3A_493 = arith.constant 0 : i32
        %get3A_494 = tpu.memref_slice %arg9[%add3A_460, %get3A_493] : memref<80x64xf32, #tpu.memory_space<vmem>> -> memref<1x64xf32, #tpu.memory_space<vmem>>
        %get3A_495 = tpu.memref_squeeze %get3A_494 : memref<1x64xf32, #tpu.memory_space<vmem>> -> memref<64xf32, #tpu.memory_space<vmem>>
        %get3A_496 = arith.constant 32 : index
        %get3A_497 = tpu.vector_load %get3A_495[%get3A_496] {strides = array<i32>} : memref<64xf32, #tpu.memory_space<vmem>>, vector<16xf32>,
        %bitcast3A_498 = vector.bitcast %get3A_497 : vector<16xf32> to vector<32xbf16>
        %get3A_499 = arith.constant 0 : i32
        %get3A_500 = tpu.memref_slice %arg10[%add3A_462, %get3A_499] : memref<80x64xf32, #tpu.memory_space<vmem>> -> memref<1x64xf32, #tpu.memory_space<vmem>>
        %get3A_501 = tpu.memref_squeeze %get3A_500 : memref<1x64xf32, #tpu.memory_space<vmem>> -> memref<64xf32, #tpu.memory_space<vmem>>
        %get3A_502 = arith.constant 32 : index
        %get3A_503 = tpu.vector_load %get3A_501[%get3A_502] {strides = array<i32>} : memref<64xf32, #tpu.memory_space<vmem>>, vector<16xf32>,
        %bitcast3A_504 = vector.bitcast %get3A_503 : vector<16xf32> to vector<32xbf16>
        %mul3A_505 = arith.mulf %bitcast3A_498, %bitcast3A_504 : vector<32xbf16>
        %unpack3A_506 = tpu.unpack_subelements %mul3A_505, 0 {pack_format = #tpu.pack_format<interleaved>} : vector<32xbf16> -> vector<16xf32>
        %unpack3A_507 = tpu.unpack_subelements %mul3A_505, 1 {pack_format = #tpu.pack_format<interleaved>} : vector<32xbf16> -> vector<16xf32>
        %get3A_508 = arith.constant 0 : i32
        %get3A_509 = tpu.memref_slice %arg9[%add3A_460, %get3A_508] : memref<80x64xf32, #tpu.memory_space<vmem>> -> memref<1x64xf32, #tpu.memory_space<vmem>>
        %get3A_510 = tpu.memref_squeeze %get3A_509 : memref<1x64xf32, #tpu.memory_space<vmem>> -> memref<64xf32, #tpu.memory_space<vmem>>
        %get3A_511 = arith.constant 48 : index
        %get3A_512 = tpu.vector_load %get3A_510[%get3A_511] {strides = array<i32>} : memref<64xf32, #tpu.memory_space<vmem>>, vector<16xf32>,
        %bitcast3A_513 = vector.bitcast %get3A_512 : vector<16xf32> to vector<32xbf16>
        %get3A_514 = arith.constant 0 : i32
        %get3A_515 = tpu.memref_slice %arg10[%add3A_462, %get3A_514] : memref<80x64xf32, #tpu.memory_space<vmem>> -> memref<1x64xf32, #tpu.memory_space<vmem>>
        %get3A_516 = tpu.memref_squeeze %get3A_515 : memref<1x64xf32, #tpu.memory_space<vmem>> -> memref<64xf32, #tpu.memory_space<vmem>>
        %get3A_517 = arith.constant 48 : index
        %get3A_518 = tpu.vector_load %get3A_516[%get3A_517] {strides = array<i32>} : memref<64xf32, #tpu.memory_space<vmem>>, vector<16xf32>,
        %bitcast3A_519 = vector.bitcast %get3A_518 : vector<16xf32> to vector<32xbf16>
        %mul3A_520 = arith.mulf %bitcast3A_513, %bitcast3A_519 : vector<32xbf16>
        %unpack3A_521 = tpu.unpack_subelements %mul3A_520, 0 {pack_format = #tpu.pack_format<interleaved>} : vector<32xbf16> -> vector<16xf32>
        %unpack3A_522 = tpu.unpack_subelements %mul3A_520, 1 {pack_format = #tpu.pack_format<interleaved>} : vector<32xbf16> -> vector<16xf32>
        %add3A_523 = arith.addf %unpack3A_476, %unpack3A_477 : vector<16xf32>
        %add3A_524 = arith.addf %unpack3A_491, %unpack3A_492 : vector<16xf32>
        %add3A_525 = arith.addf %unpack3A_506, %unpack3A_507 : vector<16xf32>
        %add3A_526 = arith.addf %unpack3A_521, %unpack3A_522 : vector<16xf32>
        %add3A_527 = arith.addf %add3A_523, %add3A_524 : vector<16xf32>
        %add3A_528 = arith.addf %add3A_525, %add3A_526 : vector<16xf32>
        %add3A_529 = arith.addf %add3A_527, %add3A_528 : vector<16xf32>
        %broadcast_in_dim3A_530 = arith.constant 5 : i32
        %broadcast_in_dim3A_531 = vector.broadcast %broadcast_in_dim3A_530 : i32 to vector<16xi32>
        tpu.vector_store_idx %arg13[%iota3A, %broadcast_in_dim3A_531], %add3A_529 : memref<16x17xf32, #tpu.memory_space<vmem>>[vector<16xi32>, vector<16xi32>], vector<16xf32>,
        %add3A_532 = arith.constant 6 : i32
        %add3A_533 = arith.addi %add3A_97, %add3A_532 : i32
        %add3A_534 = arith.constant 6 : i32
        %add3A_535 = arith.addi %add3A_97, %add3A_534 : i32
        %get3A_536 = arith.constant 0 : i32
        %get3A_537 = tpu.memref_slice %arg9[%add3A_533, %get3A_536] : memref<80x64xf32, #tpu.memory_space<vmem>> -> memref<1x64xf32, #tpu.memory_space<vmem>>
        %get3A_538 = tpu.memref_squeeze %get3A_537 : memref<1x64xf32, #tpu.memory_space<vmem>> -> memref<64xf32, #tpu.memory_space<vmem>>
        %get3A_539 = arith.constant 0 : index
        %get3A_540 = tpu.vector_load %get3A_538[%get3A_539] {strides = array<i32>} : memref<64xf32, #tpu.memory_space<vmem>>, vector<16xf32>,
        %bitcast3A_541 = vector.bitcast %get3A_540 : vector<16xf32> to vector<32xbf16>
        %get3A_542 = arith.constant 0 : i32
        %get3A_543 = tpu.memref_slice %arg10[%add3A_535, %get3A_542] : memref<80x64xf32, #tpu.memory_space<vmem>> -> memref<1x64xf32, #tpu.memory_space<vmem>>
        %get3A_544 = tpu.memref_squeeze %get3A_543 : memref<1x64xf32, #tpu.memory_space<vmem>> -> memref<64xf32, #tpu.memory_space<vmem>>
        %get3A_545 = arith.constant 0 : index
        %get3A_546 = tpu.vector_load %get3A_544[%get3A_545] {strides = array<i32>} : memref<64xf32, #tpu.memory_space<vmem>>, vector<16xf32>,
        %bitcast3A_547 = vector.bitcast %get3A_546 : vector<16xf32> to vector<32xbf16>
        %mul3A_548 = arith.mulf %bitcast3A_541, %bitcast3A_547 : vector<32xbf16>
        %unpack3A_549 = tpu.unpack_subelements %mul3A_548, 0 {pack_format = #tpu.pack_format<interleaved>} : vector<32xbf16> -> vector<16xf32>
        %unpack3A_550 = tpu.unpack_subelements %mul3A_548, 1 {pack_format = #tpu.pack_format<interleaved>} : vector<32xbf16> -> vector<16xf32>
        %get3A_551 = arith.constant 0 : i32
        %get3A_552 = tpu.memref_slice %arg9[%add3A_533, %get3A_551] : memref<80x64xf32, #tpu.memory_space<vmem>> -> memref<1x64xf32, #tpu.memory_space<vmem>>
        %get3A_553 = tpu.memref_squeeze %get3A_552 : memref<1x64xf32, #tpu.memory_space<vmem>> -> memref<64xf32, #tpu.memory_space<vmem>>
        %get3A_554 = arith.constant 16 : index
        %get3A_555 = tpu.vector_load %get3A_553[%get3A_554] {strides = array<i32>} : memref<64xf32, #tpu.memory_space<vmem>>, vector<16xf32>,
        %bitcast3A_556 = vector.bitcast %get3A_555 : vector<16xf32> to vector<32xbf16>
        %get3A_557 = arith.constant 0 : i32
        %get3A_558 = tpu.memref_slice %arg10[%add3A_535, %get3A_557] : memref<80x64xf32, #tpu.memory_space<vmem>> -> memref<1x64xf32, #tpu.memory_space<vmem>>
        %get3A_559 = tpu.memref_squeeze %get3A_558 : memref<1x64xf32, #tpu.memory_space<vmem>> -> memref<64xf32, #tpu.memory_space<vmem>>
        %get3A_560 = arith.constant 16 : index
        %get3A_561 = tpu.vector_load %get3A_559[%get3A_560] {strides = array<i32>} : memref<64xf32, #tpu.memory_space<vmem>>, vector<16xf32>,
        %bitcast3A_562 = vector.bitcast %get3A_561 : vector<16xf32> to vector<32xbf16>
        %mul3A_563 = arith.mulf %bitcast3A_556, %bitcast3A_562 : vector<32xbf16>
        %unpack3A_564 = tpu.unpack_subelements %mul3A_563, 0 {pack_format = #tpu.pack_format<interleaved>} : vector<32xbf16> -> vector<16xf32>
        %unpack3A_565 = tpu.unpack_subelements %mul3A_563, 1 {pack_format = #tpu.pack_format<interleaved>} : vector<32xbf16> -> vector<16xf32>
        %get3A_566 = arith.constant 0 : i32
        %get3A_567 = tpu.memref_slice %arg9[%add3A_533, %get3A_566] : memref<80x64xf32, #tpu.memory_space<vmem>> -> memref<1x64xf32, #tpu.memory_space<vmem>>
        %get3A_568 = tpu.memref_squeeze %get3A_567 : memref<1x64xf32, #tpu.memory_space<vmem>> -> memref<64xf32, #tpu.memory_space<vmem>>
        %get3A_569 = arith.constant 32 : index
        %get3A_570 = tpu.vector_load %get3A_568[%get3A_569] {strides = array<i32>} : memref<64xf32, #tpu.memory_space<vmem>>, vector<16xf32>,
        %bitcast3A_571 = vector.bitcast %get3A_570 : vector<16xf32> to vector<32xbf16>
        %get3A_572 = arith.constant 0 : i32
        %get3A_573 = tpu.memref_slice %arg10[%add3A_535, %get3A_572] : memref<80x64xf32, #tpu.memory_space<vmem>> -> memref<1x64xf32, #tpu.memory_space<vmem>>
        %get3A_574 = tpu.memref_squeeze %get3A_573 : memref<1x64xf32, #tpu.memory_space<vmem>> -> memref<64xf32, #tpu.memory_space<vmem>>
        %get3A_575 = arith.constant 32 : index
        %get3A_576 = tpu.vector_load %get3A_574[%get3A_575] {strides = array<i32>} : memref<64xf32, #tpu.memory_space<vmem>>, vector<16xf32>,
        %bitcast3A_577 = vector.bitcast %get3A_576 : vector<16xf32> to vector<32xbf16>
        %mul3A_578 = arith.mulf %bitcast3A_571, %bitcast3A_577 : vector<32xbf16>
        %unpack3A_579 = tpu.unpack_subelements %mul3A_578, 0 {pack_format = #tpu.pack_format<interleaved>} : vector<32xbf16> -> vector<16xf32>
        %unpack3A_580 = tpu.unpack_subelements %mul3A_578, 1 {pack_format = #tpu.pack_format<interleaved>} : vector<32xbf16> -> vector<16xf32>
        %get3A_581 = arith.constant 0 : i32
        %get3A_582 = tpu.memref_slice %arg9[%add3A_533, %get3A_581] : memref<80x64xf32, #tpu.memory_space<vmem>> -> memref<1x64xf32, #tpu.memory_space<vmem>>
        %get3A_583 = tpu.memref_squeeze %get3A_582 : memref<1x64xf32, #tpu.memory_space<vmem>> -> memref<64xf32, #tpu.memory_space<vmem>>
        %get3A_584 = arith.constant 48 : index
        %get3A_585 = tpu.vector_load %get3A_583[%get3A_584] {strides = array<i32>} : memref<64xf32, #tpu.memory_space<vmem>>, vector<16xf32>,
        %bitcast3A_586 = vector.bitcast %get3A_585 : vector<16xf32> to vector<32xbf16>
        %get3A_587 = arith.constant 0 : i32
        %get3A_588 = tpu.memref_slice %arg10[%add3A_535, %get3A_587] : memref<80x64xf32, #tpu.memory_space<vmem>> -> memref<1x64xf32, #tpu.memory_space<vmem>>
        %get3A_589 = tpu.memref_squeeze %get3A_588 : memref<1x64xf32, #tpu.memory_space<vmem>> -> memref<64xf32, #tpu.memory_space<vmem>>
        %get3A_590 = arith.constant 48 : index
        %get3A_591 = tpu.vector_load %get3A_589[%get3A_590] {strides = array<i32>} : memref<64xf32, #tpu.memory_space<vmem>>, vector<16xf32>,
        %bitcast3A_592 = vector.bitcast %get3A_591 : vector<16xf32> to vector<32xbf16>
        %mul3A_593 = arith.mulf %bitcast3A_586, %bitcast3A_592 : vector<32xbf16>
        %unpack3A_594 = tpu.unpack_subelements %mul3A_593, 0 {pack_format = #tpu.pack_format<interleaved>} : vector<32xbf16> -> vector<16xf32>
        %unpack3A_595 = tpu.unpack_subelements %mul3A_593, 1 {pack_format = #tpu.pack_format<interleaved>} : vector<32xbf16> -> vector<16xf32>
        %add3A_596 = arith.addf %unpack3A_549, %unpack3A_550 : vector<16xf32>
        %add3A_597 = arith.addf %unpack3A_564, %unpack3A_565 : vector<16xf32>
        %add3A_598 = arith.addf %unpack3A_579, %unpack3A_580 : vector<16xf32>
        %add3A_599 = arith.addf %unpack3A_594, %unpack3A_595 : vector<16xf32>
        %add3A_600 = arith.addf %add3A_596, %add3A_597 : vector<16xf32>
        %add3A_601 = arith.addf %add3A_598, %add3A_599 : vector<16xf32>
        %add3A_602 = arith.addf %add3A_600, %add3A_601 : vector<16xf32>
        %broadcast_in_dim3A_603 = arith.constant 6 : i32
        %broadcast_in_dim3A_604 = vector.broadcast %broadcast_in_dim3A_603 : i32 to vector<16xi32>
        tpu.vector_store_idx %arg13[%iota3A, %broadcast_in_dim3A_604], %add3A_602 : memref<16x17xf32, #tpu.memory_space<vmem>>[vector<16xi32>, vector<16xi32>], vector<16xf32>,
        %add3A_605 = arith.constant 7 : i32
        %add3A_606 = arith.addi %add3A_97, %add3A_605 : i32
        %add3A_607 = arith.constant 7 : i32
        %add3A_608 = arith.addi %add3A_97, %add3A_607 : i32
        %get3A_609 = arith.constant 0 : i32
        %get3A_610 = tpu.memref_slice %arg9[%add3A_606, %get3A_609] : memref<80x64xf32, #tpu.memory_space<vmem>> -> memref<1x64xf32, #tpu.memory_space<vmem>>
        %get3A_611 = tpu.memref_squeeze %get3A_610 : memref<1x64xf32, #tpu.memory_space<vmem>> -> memref<64xf32, #tpu.memory_space<vmem>>
        %get3A_612 = arith.constant 0 : index
        %get3A_613 = tpu.vector_load %get3A_611[%get3A_612] {strides = array<i32>} : memref<64xf32, #tpu.memory_space<vmem>>, vector<16xf32>,
        %bitcast3A_614 = vector.bitcast %get3A_613 : vector<16xf32> to vector<32xbf16>
        %get3A_615 = arith.constant 0 : i32
        %get3A_616 = tpu.memref_slice %arg10[%add3A_608, %get3A_615] : memref<80x64xf32, #tpu.memory_space<vmem>> -> memref<1x64xf32, #tpu.memory_space<vmem>>
        %get3A_617 = tpu.memref_squeeze %get3A_616 : memref<1x64xf32, #tpu.memory_space<vmem>> -> memref<64xf32, #tpu.memory_space<vmem>>
        %get3A_618 = arith.constant 0 : index
        %get3A_619 = tpu.vector_load %get3A_617[%get3A_618] {strides = array<i32>} : memref<64xf32, #tpu.memory_space<vmem>>, vector<16xf32>,
        %bitcast3A_620 = vector.bitcast %get3A_619 : vector<16xf32> to vector<32xbf16>
        %mul3A_621 = arith.mulf %bitcast3A_614, %bitcast3A_620 : vector<32xbf16>
        %unpack3A_622 = tpu.unpack_subelements %mul3A_621, 0 {pack_format = #tpu.pack_format<interleaved>} : vector<32xbf16> -> vector<16xf32>
        %unpack3A_623 = tpu.unpack_subelements %mul3A_621, 1 {pack_format = #tpu.pack_format<interleaved>} : vector<32xbf16> -> vector<16xf32>
        %get3A_624 = arith.constant 0 : i32
        %get3A_625 = tpu.memref_slice %arg9[%add3A_606, %get3A_624] : memref<80x64xf32, #tpu.memory_space<vmem>> -> memref<1x64xf32, #tpu.memory_space<vmem>>
        %get3A_626 = tpu.memref_squeeze %get3A_625 : memref<1x64xf32, #tpu.memory_space<vmem>> -> memref<64xf32, #tpu.memory_space<vmem>>
        %get3A_627 = arith.constant 16 : index
        %get3A_628 = tpu.vector_load %get3A_626[%get3A_627] {strides = array<i32>} : memref<64xf32, #tpu.memory_space<vmem>>, vector<16xf32>,
        %bitcast3A_629 = vector.bitcast %get3A_628 : vector<16xf32> to vector<32xbf16>
        %get3A_630 = arith.constant 0 : i32
        %get3A_631 = tpu.memref_slice %arg10[%add3A_608, %get3A_630] : memref<80x64xf32, #tpu.memory_space<vmem>> -> memref<1x64xf32, #tpu.memory_space<vmem>>
        %get3A_632 = tpu.memref_squeeze %get3A_631 : memref<1x64xf32, #tpu.memory_space<vmem>> -> memref<64xf32, #tpu.memory_space<vmem>>
        %get3A_633 = arith.constant 16 : index
        %get3A_634 = tpu.vector_load %get3A_632[%get3A_633] {strides = array<i32>} : memref<64xf32, #tpu.memory_space<vmem>>, vector<16xf32>,
        %bitcast3A_635 = vector.bitcast %get3A_634 : vector<16xf32> to vector<32xbf16>
        %mul3A_636 = arith.mulf %bitcast3A_629, %bitcast3A_635 : vector<32xbf16>
        %unpack3A_637 = tpu.unpack_subelements %mul3A_636, 0 {pack_format = #tpu.pack_format<interleaved>} : vector<32xbf16> -> vector<16xf32>
        %unpack3A_638 = tpu.unpack_subelements %mul3A_636, 1 {pack_format = #tpu.pack_format<interleaved>} : vector<32xbf16> -> vector<16xf32>
        %get3A_639 = arith.constant 0 : i32
        %get3A_640 = tpu.memref_slice %arg9[%add3A_606, %get3A_639] : memref<80x64xf32, #tpu.memory_space<vmem>> -> memref<1x64xf32, #tpu.memory_space<vmem>>
        %get3A_641 = tpu.memref_squeeze %get3A_640 : memref<1x64xf32, #tpu.memory_space<vmem>> -> memref<64xf32, #tpu.memory_space<vmem>>
        %get3A_642 = arith.constant 32 : index
        %get3A_643 = tpu.vector_load %get3A_641[%get3A_642] {strides = array<i32>} : memref<64xf32, #tpu.memory_space<vmem>>, vector<16xf32>,
        %bitcast3A_644 = vector.bitcast %get3A_643 : vector<16xf32> to vector<32xbf16>
        %get3A_645 = arith.constant 0 : i32
        %get3A_646 = tpu.memref_slice %arg10[%add3A_608, %get3A_645] : memref<80x64xf32, #tpu.memory_space<vmem>> -> memref<1x64xf32, #tpu.memory_space<vmem>>
        %get3A_647 = tpu.memref_squeeze %get3A_646 : memref<1x64xf32, #tpu.memory_space<vmem>> -> memref<64xf32, #tpu.memory_space<vmem>>
        %get3A_648 = arith.constant 32 : index
        %get3A_649 = tpu.vector_load %get3A_647[%get3A_648] {strides = array<i32>} : memref<64xf32, #tpu.memory_space<vmem>>, vector<16xf32>,
        %bitcast3A_650 = vector.bitcast %get3A_649 : vector<16xf32> to vector<32xbf16>
        %mul3A_651 = arith.mulf %bitcast3A_644, %bitcast3A_650 : vector<32xbf16>
        %unpack3A_652 = tpu.unpack_subelements %mul3A_651, 0 {pack_format = #tpu.pack_format<interleaved>} : vector<32xbf16> -> vector<16xf32>
        %unpack3A_653 = tpu.unpack_subelements %mul3A_651, 1 {pack_format = #tpu.pack_format<interleaved>} : vector<32xbf16> -> vector<16xf32>
        %get3A_654 = arith.constant 0 : i32
        %get3A_655 = tpu.memref_slice %arg9[%add3A_606, %get3A_654] : memref<80x64xf32, #tpu.memory_space<vmem>> -> memref<1x64xf32, #tpu.memory_space<vmem>>
        %get3A_656 = tpu.memref_squeeze %get3A_655 : memref<1x64xf32, #tpu.memory_space<vmem>> -> memref<64xf32, #tpu.memory_space<vmem>>
        %get3A_657 = arith.constant 48 : index
        %get3A_658 = tpu.vector_load %get3A_656[%get3A_657] {strides = array<i32>} : memref<64xf32, #tpu.memory_space<vmem>>, vector<16xf32>,
        %bitcast3A_659 = vector.bitcast %get3A_658 : vector<16xf32> to vector<32xbf16>
        %get3A_660 = arith.constant 0 : i32
        %get3A_661 = tpu.memref_slice %arg10[%add3A_608, %get3A_660] : memref<80x64xf32, #tpu.memory_space<vmem>> -> memref<1x64xf32, #tpu.memory_space<vmem>>
        %get3A_662 = tpu.memref_squeeze %get3A_661 : memref<1x64xf32, #tpu.memory_space<vmem>> -> memref<64xf32, #tpu.memory_space<vmem>>
        %get3A_663 = arith.constant 48 : index
        %get3A_664 = tpu.vector_load %get3A_662[%get3A_663] {strides = array<i32>} : memref<64xf32, #tpu.memory_space<vmem>>, vector<16xf32>,
        %bitcast3A_665 = vector.bitcast %get3A_664 : vector<16xf32> to vector<32xbf16>
        %mul3A_666 = arith.mulf %bitcast3A_659, %bitcast3A_665 : vector<32xbf16>
        %unpack3A_667 = tpu.unpack_subelements %mul3A_666, 0 {pack_format = #tpu.pack_format<interleaved>} : vector<32xbf16> -> vector<16xf32>
        %unpack3A_668 = tpu.unpack_subelements %mul3A_666, 1 {pack_format = #tpu.pack_format<interleaved>} : vector<32xbf16> -> vector<16xf32>
        %add3A_669 = arith.addf %unpack3A_622, %unpack3A_623 : vector<16xf32>
        %add3A_670 = arith.addf %unpack3A_637, %unpack3A_638 : vector<16xf32>
        %add3A_671 = arith.addf %unpack3A_652, %unpack3A_653 : vector<16xf32>
        %add3A_672 = arith.addf %unpack3A_667, %unpack3A_668 : vector<16xf32>
        %add3A_673 = arith.addf %add3A_669, %add3A_670 : vector<16xf32>
        %add3A_674 = arith.addf %add3A_671, %add3A_672 : vector<16xf32>
        %add3A_675 = arith.addf %add3A_673, %add3A_674 : vector<16xf32>
        %broadcast_in_dim3A_676 = arith.constant 7 : i32
        %broadcast_in_dim3A_677 = vector.broadcast %broadcast_in_dim3A_676 : i32 to vector<16xi32>
        tpu.vector_store_idx %arg13[%iota3A, %broadcast_in_dim3A_677], %add3A_675 : memref<16x17xf32, #tpu.memory_space<vmem>>[vector<16xi32>, vector<16xi32>], vector<16xf32>,
        %add3A_678 = arith.constant 8 : i32
        %add3A_679 = arith.addi %add3A_97, %add3A_678 : i32
        %add3A_680 = arith.constant 8 : i32
        %add3A_681 = arith.addi %add3A_97, %add3A_680 : i32
        %get3A_682 = arith.constant 0 : i32
        %get3A_683 = tpu.memref_slice %arg9[%add3A_679, %get3A_682] : memref<80x64xf32, #tpu.memory_space<vmem>> -> memref<1x64xf32, #tpu.memory_space<vmem>>
        %get3A_684 = tpu.memref_squeeze %get3A_683 : memref<1x64xf32, #tpu.memory_space<vmem>> -> memref<64xf32, #tpu.memory_space<vmem>>
        %get3A_685 = arith.constant 0 : index
        %get3A_686 = tpu.vector_load %get3A_684[%get3A_685] {strides = array<i32>} : memref<64xf32, #tpu.memory_space<vmem>>, vector<16xf32>,
        %bitcast3A_687 = vector.bitcast %get3A_686 : vector<16xf32> to vector<32xbf16>
        %get3A_688 = arith.constant 0 : i32
        %get3A_689 = tpu.memref_slice %arg10[%add3A_681, %get3A_688] : memref<80x64xf32, #tpu.memory_space<vmem>> -> memref<1x64xf32, #tpu.memory_space<vmem>>
        %get3A_690 = tpu.memref_squeeze %get3A_689 : memref<1x64xf32, #tpu.memory_space<vmem>> -> memref<64xf32, #tpu.memory_space<vmem>>
        %get3A_691 = arith.constant 0 : index
        %get3A_692 = tpu.vector_load %get3A_690[%get3A_691] {strides = array<i32>} : memref<64xf32, #tpu.memory_space<vmem>>, vector<16xf32>,
        %bitcast3A_693 = vector.bitcast %get3A_692 : vector<16xf32> to vector<32xbf16>
        %mul3A_694 = arith.mulf %bitcast3A_687, %bitcast3A_693 : vector<32xbf16>
        %unpack3A_695 = tpu.unpack_subelements %mul3A_694, 0 {pack_format = #tpu.pack_format<interleaved>} : vector<32xbf16> -> vector<16xf32>
        %unpack3A_696 = tpu.unpack_subelements %mul3A_694, 1 {pack_format = #tpu.pack_format<interleaved>} : vector<32xbf16> -> vector<16xf32>
        %get3A_697 = arith.constant 0 : i32
        %get3A_698 = tpu.memref_slice %arg9[%add3A_679, %get3A_697] : memref<80x64xf32, #tpu.memory_space<vmem>> -> memref<1x64xf32, #tpu.memory_space<vmem>>
        %get3A_699 = tpu.memref_squeeze %get3A_698 : memref<1x64xf32, #tpu.memory_space<vmem>> -> memref<64xf32, #tpu.memory_space<vmem>>
        %get3A_700 = arith.constant 16 : index
        %get3A_701 = tpu.vector_load %get3A_699[%get3A_700] {strides = array<i32>} : memref<64xf32, #tpu.memory_space<vmem>>, vector<16xf32>,
        %bitcast3A_702 = vector.bitcast %get3A_701 : vector<16xf32> to vector<32xbf16>
        %get3A_703 = arith.constant 0 : i32
        %get3A_704 = tpu.memref_slice %arg10[%add3A_681, %get3A_703] : memref<80x64xf32, #tpu.memory_space<vmem>> -> memref<1x64xf32, #tpu.memory_space<vmem>>
        %get3A_705 = tpu.memref_squeeze %get3A_704 : memref<1x64xf32, #tpu.memory_space<vmem>> -> memref<64xf32, #tpu.memory_space<vmem>>
        %get3A_706 = arith.constant 16 : index
        %get3A_707 = tpu.vector_load %get3A_705[%get3A_706] {strides = array<i32>} : memref<64xf32, #tpu.memory_space<vmem>>, vector<16xf32>,
        %bitcast3A_708 = vector.bitcast %get3A_707 : vector<16xf32> to vector<32xbf16>
        %mul3A_709 = arith.mulf %bitcast3A_702, %bitcast3A_708 : vector<32xbf16>
        %unpack3A_710 = tpu.unpack_subelements %mul3A_709, 0 {pack_format = #tpu.pack_format<interleaved>} : vector<32xbf16> -> vector<16xf32>
        %unpack3A_711 = tpu.unpack_subelements %mul3A_709, 1 {pack_format = #tpu.pack_format<interleaved>} : vector<32xbf16> -> vector<16xf32>
        %get3A_712 = arith.constant 0 : i32
        %get3A_713 = tpu.memref_slice %arg9[%add3A_679, %get3A_712] : memref<80x64xf32, #tpu.memory_space<vmem>> -> memref<1x64xf32, #tpu.memory_space<vmem>>
        %get3A_714 = tpu.memref_squeeze %get3A_713 : memref<1x64xf32, #tpu.memory_space<vmem>> -> memref<64xf32, #tpu.memory_space<vmem>>
        %get3A_715 = arith.constant 32 : index
        %get3A_716 = tpu.vector_load %get3A_714[%get3A_715] {strides = array<i32>} : memref<64xf32, #tpu.memory_space<vmem>>, vector<16xf32>,
        %bitcast3A_717 = vector.bitcast %get3A_716 : vector<16xf32> to vector<32xbf16>
        %get3A_718 = arith.constant 0 : i32
        %get3A_719 = tpu.memref_slice %arg10[%add3A_681, %get3A_718] : memref<80x64xf32, #tpu.memory_space<vmem>> -> memref<1x64xf32, #tpu.memory_space<vmem>>
        %get3A_720 = tpu.memref_squeeze %get3A_719 : memref<1x64xf32, #tpu.memory_space<vmem>> -> memref<64xf32, #tpu.memory_space<vmem>>
        %get3A_721 = arith.constant 32 : index
        %get3A_722 = tpu.vector_load %get3A_720[%get3A_721] {strides = array<i32>} : memref<64xf32, #tpu.memory_space<vmem>>, vector<16xf32>,
        %bitcast3A_723 = vector.bitcast %get3A_722 : vector<16xf32> to vector<32xbf16>
        %mul3A_724 = arith.mulf %bitcast3A_717, %bitcast3A_723 : vector<32xbf16>
        %unpack3A_725 = tpu.unpack_subelements %mul3A_724, 0 {pack_format = #tpu.pack_format<interleaved>} : vector<32xbf16> -> vector<16xf32>
        %unpack3A_726 = tpu.unpack_subelements %mul3A_724, 1 {pack_format = #tpu.pack_format<interleaved>} : vector<32xbf16> -> vector<16xf32>
        %get3A_727 = arith.constant 0 : i32
        %get3A_728 = tpu.memref_slice %arg9[%add3A_679, %get3A_727] : memref<80x64xf32, #tpu.memory_space<vmem>> -> memref<1x64xf32, #tpu.memory_space<vmem>>
        %get3A_729 = tpu.memref_squeeze %get3A_728 : memref<1x64xf32, #tpu.memory_space<vmem>> -> memref<64xf32, #tpu.memory_space<vmem>>
        %get3A_730 = arith.constant 48 : index
        %get3A_731 = tpu.vector_load %get3A_729[%get3A_730] {strides = array<i32>} : memref<64xf32, #tpu.memory_space<vmem>>, vector<16xf32>,
        %bitcast3A_732 = vector.bitcast %get3A_731 : vector<16xf32> to vector<32xbf16>
        %get3A_733 = arith.constant 0 : i32
        %get3A_734 = tpu.memref_slice %arg10[%add3A_681, %get3A_733] : memref<80x64xf32, #tpu.memory_space<vmem>> -> memref<1x64xf32, #tpu.memory_space<vmem>>
        %get3A_735 = tpu.memref_squeeze %get3A_734 : memref<1x64xf32, #tpu.memory_space<vmem>> -> memref<64xf32, #tpu.memory_space<vmem>>
        %get3A_736 = arith.constant 48 : index
        %get3A_737 = tpu.vector_load %get3A_735[%get3A_736] {strides = array<i32>} : memref<64xf32, #tpu.memory_space<vmem>>, vector<16xf32>,
        %bitcast3A_738 = vector.bitcast %get3A_737 : vector<16xf32> to vector<32xbf16>
        %mul3A_739 = arith.mulf %bitcast3A_732, %bitcast3A_738 : vector<32xbf16>
        %unpack3A_740 = tpu.unpack_subelements %mul3A_739, 0 {pack_format = #tpu.pack_format<interleaved>} : vector<32xbf16> -> vector<16xf32>
        %unpack3A_741 = tpu.unpack_subelements %mul3A_739, 1 {pack_format = #tpu.pack_format<interleaved>} : vector<32xbf16> -> vector<16xf32>
        %add3A_742 = arith.addf %unpack3A_695, %unpack3A_696 : vector<16xf32>
        %add3A_743 = arith.addf %unpack3A_710, %unpack3A_711 : vector<16xf32>
        %add3A_744 = arith.addf %unpack3A_725, %unpack3A_726 : vector<16xf32>
        %add3A_745 = arith.addf %unpack3A_740, %unpack3A_741 : vector<16xf32>
        %add3A_746 = arith.addf %add3A_742, %add3A_743 : vector<16xf32>
        %add3A_747 = arith.addf %add3A_744, %add3A_745 : vector<16xf32>
        %add3A_748 = arith.addf %add3A_746, %add3A_747 : vector<16xf32>
        %broadcast_in_dim3A_749 = arith.constant 8 : i32
        %broadcast_in_dim3A_750 = vector.broadcast %broadcast_in_dim3A_749 : i32 to vector<16xi32>
        tpu.vector_store_idx %arg13[%iota3A, %broadcast_in_dim3A_750], %add3A_748 : memref<16x17xf32, #tpu.memory_space<vmem>>[vector<16xi32>, vector<16xi32>], vector<16xf32>,
        %add3A_751 = arith.constant 9 : i32
        %add3A_752 = arith.addi %add3A_97, %add3A_751 : i32
        %add3A_753 = arith.constant 9 : i32
        %add3A_754 = arith.addi %add3A_97, %add3A_753 : i32
        %get3A_755 = arith.constant 0 : i32
        %get3A_756 = tpu.memref_slice %arg9[%add3A_752, %get3A_755] : memref<80x64xf32, #tpu.memory_space<vmem>> -> memref<1x64xf32, #tpu.memory_space<vmem>>
        %get3A_757 = tpu.memref_squeeze %get3A_756 : memref<1x64xf32, #tpu.memory_space<vmem>> -> memref<64xf32, #tpu.memory_space<vmem>>
        %get3A_758 = arith.constant 0 : index
        %get3A_759 = tpu.vector_load %get3A_757[%get3A_758] {strides = array<i32>} : memref<64xf32, #tpu.memory_space<vmem>>, vector<16xf32>,
        %bitcast3A_760 = vector.bitcast %get3A_759 : vector<16xf32> to vector<32xbf16>
        %get3A_761 = arith.constant 0 : i32
        %get3A_762 = tpu.memref_slice %arg10[%add3A_754, %get3A_761] : memref<80x64xf32, #tpu.memory_space<vmem>> -> memref<1x64xf32, #tpu.memory_space<vmem>>
        %get3A_763 = tpu.memref_squeeze %get3A_762 : memref<1x64xf32, #tpu.memory_space<vmem>> -> memref<64xf32, #tpu.memory_space<vmem>>
        %get3A_764 = arith.constant 0 : index
        %get3A_765 = tpu.vector_load %get3A_763[%get3A_764] {strides = array<i32>} : memref<64xf32, #tpu.memory_space<vmem>>, vector<16xf32>,
        %bitcast3A_766 = vector.bitcast %get3A_765 : vector<16xf32> to vector<32xbf16>
        %mul3A_767 = arith.mulf %bitcast3A_760, %bitcast3A_766 : vector<32xbf16>
        %unpack3A_768 = tpu.unpack_subelements %mul3A_767, 0 {pack_format = #tpu.pack_format<interleaved>} : vector<32xbf16> -> vector<16xf32>
        %unpack3A_769 = tpu.unpack_subelements %mul3A_767, 1 {pack_format = #tpu.pack_format<interleaved>} : vector<32xbf16> -> vector<16xf32>
        %get3A_770 = arith.constant 0 : i32
        %get3A_771 = tpu.memref_slice %arg9[%add3A_752, %get3A_770] : memref<80x64xf32, #tpu.memory_space<vmem>> -> memref<1x64xf32, #tpu.memory_space<vmem>>
        %get3A_772 = tpu.memref_squeeze %get3A_771 : memref<1x64xf32, #tpu.memory_space<vmem>> -> memref<64xf32, #tpu.memory_space<vmem>>
        %get3A_773 = arith.constant 16 : index
        %get3A_774 = tpu.vector_load %get3A_772[%get3A_773] {strides = array<i32>} : memref<64xf32, #tpu.memory_space<vmem>>, vector<16xf32>,
        %bitcast3A_775 = vector.bitcast %get3A_774 : vector<16xf32> to vector<32xbf16>
        %get3A_776 = arith.constant 0 : i32
        %get3A_777 = tpu.memref_slice %arg10[%add3A_754, %get3A_776] : memref<80x64xf32, #tpu.memory_space<vmem>> -> memref<1x64xf32, #tpu.memory_space<vmem>>
        %get3A_778 = tpu.memref_squeeze %get3A_777 : memref<1x64xf32, #tpu.memory_space<vmem>> -> memref<64xf32, #tpu.memory_space<vmem>>
        %get3A_779 = arith.constant 16 : index
        %get3A_780 = tpu.vector_load %get3A_778[%get3A_779] {strides = array<i32>} : memref<64xf32, #tpu.memory_space<vmem>>, vector<16xf32>,
        %bitcast3A_781 = vector.bitcast %get3A_780 : vector<16xf32> to vector<32xbf16>
        %mul3A_782 = arith.mulf %bitcast3A_775, %bitcast3A_781 : vector<32xbf16>
        %unpack3A_783 = tpu.unpack_subelements %mul3A_782, 0 {pack_format = #tpu.pack_format<interleaved>} : vector<32xbf16> -> vector<16xf32>
        %unpack3A_784 = tpu.unpack_subelements %mul3A_782, 1 {pack_format = #tpu.pack_format<interleaved>} : vector<32xbf16> -> vector<16xf32>
        %get3A_785 = arith.constant 0 : i32
        %get3A_786 = tpu.memref_slice %arg9[%add3A_752, %get3A_785] : memref<80x64xf32, #tpu.memory_space<vmem>> -> memref<1x64xf32, #tpu.memory_space<vmem>>
        %get3A_787 = tpu.memref_squeeze %get3A_786 : memref<1x64xf32, #tpu.memory_space<vmem>> -> memref<64xf32, #tpu.memory_space<vmem>>
        %get3A_788 = arith.constant 32 : index
        %get3A_789 = tpu.vector_load %get3A_787[%get3A_788] {strides = array<i32>} : memref<64xf32, #tpu.memory_space<vmem>>, vector<16xf32>,
        %bitcast3A_790 = vector.bitcast %get3A_789 : vector<16xf32> to vector<32xbf16>
        %get3A_791 = arith.constant 0 : i32
        %get3A_792 = tpu.memref_slice %arg10[%add3A_754, %get3A_791] : memref<80x64xf32, #tpu.memory_space<vmem>> -> memref<1x64xf32, #tpu.memory_space<vmem>>
        %get3A_793 = tpu.memref_squeeze %get3A_792 : memref<1x64xf32, #tpu.memory_space<vmem>> -> memref<64xf32, #tpu.memory_space<vmem>>
        %get3A_794 = arith.constant 32 : index
        %get3A_795 = tpu.vector_load %get3A_793[%get3A_794] {strides = array<i32>} : memref<64xf32, #tpu.memory_space<vmem>>, vector<16xf32>,
        %bitcast3A_796 = vector.bitcast %get3A_795 : vector<16xf32> to vector<32xbf16>
        %mul3A_797 = arith.mulf %bitcast3A_790, %bitcast3A_796 : vector<32xbf16>
        %unpack3A_798 = tpu.unpack_subelements %mul3A_797, 0 {pack_format = #tpu.pack_format<interleaved>} : vector<32xbf16> -> vector<16xf32>
        %unpack3A_799 = tpu.unpack_subelements %mul3A_797, 1 {pack_format = #tpu.pack_format<interleaved>} : vector<32xbf16> -> vector<16xf32>
        %get3A_800 = arith.constant 0 : i32
        %get3A_801 = tpu.memref_slice %arg9[%add3A_752, %get3A_800] : memref<80x64xf32, #tpu.memory_space<vmem>> -> memref<1x64xf32, #tpu.memory_space<vmem>>
        %get3A_802 = tpu.memref_squeeze %get3A_801 : memref<1x64xf32, #tpu.memory_space<vmem>> -> memref<64xf32, #tpu.memory_space<vmem>>
        %get3A_803 = arith.constant 48 : index
        %get3A_804 = tpu.vector_load %get3A_802[%get3A_803] {strides = array<i32>} : memref<64xf32, #tpu.memory_space<vmem>>, vector<16xf32>,
        %bitcast3A_805 = vector.bitcast %get3A_804 : vector<16xf32> to vector<32xbf16>
        %get3A_806 = arith.constant 0 : i32
        %get3A_807 = tpu.memref_slice %arg10[%add3A_754, %get3A_806] : memref<80x64xf32, #tpu.memory_space<vmem>> -> memref<1x64xf32, #tpu.memory_space<vmem>>
        %get3A_808 = tpu.memref_squeeze %get3A_807 : memref<1x64xf32, #tpu.memory_space<vmem>> -> memref<64xf32, #tpu.memory_space<vmem>>
        %get3A_809 = arith.constant 48 : index
        %get3A_810 = tpu.vector_load %get3A_808[%get3A_809] {strides = array<i32>} : memref<64xf32, #tpu.memory_space<vmem>>, vector<16xf32>,
        %bitcast3A_811 = vector.bitcast %get3A_810 : vector<16xf32> to vector<32xbf16>
        %mul3A_812 = arith.mulf %bitcast3A_805, %bitcast3A_811 : vector<32xbf16>
        %unpack3A_813 = tpu.unpack_subelements %mul3A_812, 0 {pack_format = #tpu.pack_format<interleaved>} : vector<32xbf16> -> vector<16xf32>
        %unpack3A_814 = tpu.unpack_subelements %mul3A_812, 1 {pack_format = #tpu.pack_format<interleaved>} : vector<32xbf16> -> vector<16xf32>
        %add3A_815 = arith.addf %unpack3A_768, %unpack3A_769 : vector<16xf32>
        %add3A_816 = arith.addf %unpack3A_783, %unpack3A_784 : vector<16xf32>
        %add3A_817 = arith.addf %unpack3A_798, %unpack3A_799 : vector<16xf32>
        %add3A_818 = arith.addf %unpack3A_813, %unpack3A_814 : vector<16xf32>
        %add3A_819 = arith.addf %add3A_815, %add3A_816 : vector<16xf32>
        %add3A_820 = arith.addf %add3A_817, %add3A_818 : vector<16xf32>
        %add3A_821 = arith.addf %add3A_819, %add3A_820 : vector<16xf32>
        %broadcast_in_dim3A_822 = arith.constant 9 : i32
        %broadcast_in_dim3A_823 = vector.broadcast %broadcast_in_dim3A_822 : i32 to vector<16xi32>
        tpu.vector_store_idx %arg13[%iota3A, %broadcast_in_dim3A_823], %add3A_821 : memref<16x17xf32, #tpu.memory_space<vmem>>[vector<16xi32>, vector<16xi32>], vector<16xf32>,
        %add3A_824 = arith.constant 10 : i32
        %add3A_825 = arith.addi %add3A_97, %add3A_824 : i32
        %add3A_826 = arith.constant 10 : i32
        %add3A_827 = arith.addi %add3A_97, %add3A_826 : i32
        %get3A_828 = arith.constant 0 : i32
        %get3A_829 = tpu.memref_slice %arg9[%add3A_825, %get3A_828] : memref<80x64xf32, #tpu.memory_space<vmem>> -> memref<1x64xf32, #tpu.memory_space<vmem>>
        %get3A_830 = tpu.memref_squeeze %get3A_829 : memref<1x64xf32, #tpu.memory_space<vmem>> -> memref<64xf32, #tpu.memory_space<vmem>>
        %get3A_831 = arith.constant 0 : index
        %get3A_832 = tpu.vector_load %get3A_830[%get3A_831] {strides = array<i32>} : memref<64xf32, #tpu.memory_space<vmem>>, vector<16xf32>,
        %bitcast3A_833 = vector.bitcast %get3A_832 : vector<16xf32> to vector<32xbf16>
        %get3A_834 = arith.constant 0 : i32
        %get3A_835 = tpu.memref_slice %arg10[%add3A_827, %get3A_834] : memref<80x64xf32, #tpu.memory_space<vmem>> -> memref<1x64xf32, #tpu.memory_space<vmem>>
        %get3A_836 = tpu.memref_squeeze %get3A_835 : memref<1x64xf32, #tpu.memory_space<vmem>> -> memref<64xf32, #tpu.memory_space<vmem>>
        %get3A_837 = arith.constant 0 : index
        %get3A_838 = tpu.vector_load %get3A_836[%get3A_837] {strides = array<i32>} : memref<64xf32, #tpu.memory_space<vmem>>, vector<16xf32>,
        %bitcast3A_839 = vector.bitcast %get3A_838 : vector<16xf32> to vector<32xbf16>
        %mul3A_840 = arith.mulf %bitcast3A_833, %bitcast3A_839 : vector<32xbf16>
        %unpack3A_841 = tpu.unpack_subelements %mul3A_840, 0 {pack_format = #tpu.pack_format<interleaved>} : vector<32xbf16> -> vector<16xf32>
        %unpack3A_842 = tpu.unpack_subelements %mul3A_840, 1 {pack_format = #tpu.pack_format<interleaved>} : vector<32xbf16> -> vector<16xf32>
        %get3A_843 = arith.constant 0 : i32
        %get3A_844 = tpu.memref_slice %arg9[%add3A_825, %get3A_843] : memref<80x64xf32, #tpu.memory_space<vmem>> -> memref<1x64xf32, #tpu.memory_space<vmem>>
        %get3A_845 = tpu.memref_squeeze %get3A_844 : memref<1x64xf32, #tpu.memory_space<vmem>> -> memref<64xf32, #tpu.memory_space<vmem>>
        %get3A_846 = arith.constant 16 : index
        %get3A_847 = tpu.vector_load %get3A_845[%get3A_846] {strides = array<i32>} : memref<64xf32, #tpu.memory_space<vmem>>, vector<16xf32>,
        %bitcast3A_848 = vector.bitcast %get3A_847 : vector<16xf32> to vector<32xbf16>
        %get3A_849 = arith.constant 0 : i32
        %get3A_850 = tpu.memref_slice %arg10[%add3A_827, %get3A_849] : memref<80x64xf32, #tpu.memory_space<vmem>> -> memref<1x64xf32, #tpu.memory_space<vmem>>
        %get3A_851 = tpu.memref_squeeze %get3A_850 : memref<1x64xf32, #tpu.memory_space<vmem>> -> memref<64xf32, #tpu.memory_space<vmem>>
        %get3A_852 = arith.constant 16 : index
        %get3A_853 = tpu.vector_load %get3A_851[%get3A_852] {strides = array<i32>} : memref<64xf32, #tpu.memory_space<vmem>>, vector<16xf32>,
        %bitcast3A_854 = vector.bitcast %get3A_853 : vector<16xf32> to vector<32xbf16>
        %mul3A_855 = arith.mulf %bitcast3A_848, %bitcast3A_854 : vector<32xbf16>
        %unpack3A_856 = tpu.unpack_subelements %mul3A_855, 0 {pack_format = #tpu.pack_format<interleaved>} : vector<32xbf16> -> vector<16xf32>
        %unpack3A_857 = tpu.unpack_subelements %mul3A_855, 1 {pack_format = #tpu.pack_format<interleaved>} : vector<32xbf16> -> vector<16xf32>
        %get3A_858 = arith.constant 0 : i32
        %get3A_859 = tpu.memref_slice %arg9[%add3A_825, %get3A_858] : memref<80x64xf32, #tpu.memory_space<vmem>> -> memref<1x64xf32, #tpu.memory_space<vmem>>
        %get3A_860 = tpu.memref_squeeze %get3A_859 : memref<1x64xf32, #tpu.memory_space<vmem>> -> memref<64xf32, #tpu.memory_space<vmem>>
        %get3A_861 = arith.constant 32 : index
        %get3A_862 = tpu.vector_load %get3A_860[%get3A_861] {strides = array<i32>} : memref<64xf32, #tpu.memory_space<vmem>>, vector<16xf32>,
        %bitcast3A_863 = vector.bitcast %get3A_862 : vector<16xf32> to vector<32xbf16>
        %get3A_864 = arith.constant 0 : i32
        %get3A_865 = tpu.memref_slice %arg10[%add3A_827, %get3A_864] : memref<80x64xf32, #tpu.memory_space<vmem>> -> memref<1x64xf32, #tpu.memory_space<vmem>>
        %get3A_866 = tpu.memref_squeeze %get3A_865 : memref<1x64xf32, #tpu.memory_space<vmem>> -> memref<64xf32, #tpu.memory_space<vmem>>
        %get3A_867 = arith.constant 32 : index
        %get3A_868 = tpu.vector_load %get3A_866[%get3A_867] {strides = array<i32>} : memref<64xf32, #tpu.memory_space<vmem>>, vector<16xf32>,
        %bitcast3A_869 = vector.bitcast %get3A_868 : vector<16xf32> to vector<32xbf16>
        %mul3A_870 = arith.mulf %bitcast3A_863, %bitcast3A_869 : vector<32xbf16>
        %unpack3A_871 = tpu.unpack_subelements %mul3A_870, 0 {pack_format = #tpu.pack_format<interleaved>} : vector<32xbf16> -> vector<16xf32>
        %unpack3A_872 = tpu.unpack_subelements %mul3A_870, 1 {pack_format = #tpu.pack_format<interleaved>} : vector<32xbf16> -> vector<16xf32>
        %get3A_873 = arith.constant 0 : i32
        %get3A_874 = tpu.memref_slice %arg9[%add3A_825, %get3A_873] : memref<80x64xf32, #tpu.memory_space<vmem>> -> memref<1x64xf32, #tpu.memory_space<vmem>>
        %get3A_875 = tpu.memref_squeeze %get3A_874 : memref<1x64xf32, #tpu.memory_space<vmem>> -> memref<64xf32, #tpu.memory_space<vmem>>
        %get3A_876 = arith.constant 48 : index
        %get3A_877 = tpu.vector_load %get3A_875[%get3A_876] {strides = array<i32>} : memref<64xf32, #tpu.memory_space<vmem>>, vector<16xf32>,
        %bitcast3A_878 = vector.bitcast %get3A_877 : vector<16xf32> to vector<32xbf16>
        %get3A_879 = arith.constant 0 : i32
        %get3A_880 = tpu.memref_slice %arg10[%add3A_827, %get3A_879] : memref<80x64xf32, #tpu.memory_space<vmem>> -> memref<1x64xf32, #tpu.memory_space<vmem>>
        %get3A_881 = tpu.memref_squeeze %get3A_880 : memref<1x64xf32, #tpu.memory_space<vmem>> -> memref<64xf32, #tpu.memory_space<vmem>>
        %get3A_882 = arith.constant 48 : index
        %get3A_883 = tpu.vector_load %get3A_881[%get3A_882] {strides = array<i32>} : memref<64xf32, #tpu.memory_space<vmem>>, vector<16xf32>,
        %bitcast3A_884 = vector.bitcast %get3A_883 : vector<16xf32> to vector<32xbf16>
        %mul3A_885 = arith.mulf %bitcast3A_878, %bitcast3A_884 : vector<32xbf16>
        %unpack3A_886 = tpu.unpack_subelements %mul3A_885, 0 {pack_format = #tpu.pack_format<interleaved>} : vector<32xbf16> -> vector<16xf32>
        %unpack3A_887 = tpu.unpack_subelements %mul3A_885, 1 {pack_format = #tpu.pack_format<interleaved>} : vector<32xbf16> -> vector<16xf32>
        %add3A_888 = arith.addf %unpack3A_841, %unpack3A_842 : vector<16xf32>
        %add3A_889 = arith.addf %unpack3A_856, %unpack3A_857 : vector<16xf32>
        %add3A_890 = arith.addf %unpack3A_871, %unpack3A_872 : vector<16xf32>
        %add3A_891 = arith.addf %unpack3A_886, %unpack3A_887 : vector<16xf32>
        %add3A_892 = arith.addf %add3A_888, %add3A_889 : vector<16xf32>
        %add3A_893 = arith.addf %add3A_890, %add3A_891 : vector<16xf32>
        %add3A_894 = arith.addf %add3A_892, %add3A_893 : vector<16xf32>
        %broadcast_in_dim3A_895 = arith.constant 10 : i32
        %broadcast_in_dim3A_896 = vector.broadcast %broadcast_in_dim3A_895 : i32 to vector<16xi32>
        tpu.vector_store_idx %arg13[%iota3A, %broadcast_in_dim3A_896], %add3A_894 : memref<16x17xf32, #tpu.memory_space<vmem>>[vector<16xi32>, vector<16xi32>], vector<16xf32>,
        %add3A_897 = arith.constant 11 : i32
        %add3A_898 = arith.addi %add3A_97, %add3A_897 : i32
        %add3A_899 = arith.constant 11 : i32
        %add3A_900 = arith.addi %add3A_97, %add3A_899 : i32
        %get3A_901 = arith.constant 0 : i32
        %get3A_902 = tpu.memref_slice %arg9[%add3A_898, %get3A_901] : memref<80x64xf32, #tpu.memory_space<vmem>> -> memref<1x64xf32, #tpu.memory_space<vmem>>
        %get3A_903 = tpu.memref_squeeze %get3A_902 : memref<1x64xf32, #tpu.memory_space<vmem>> -> memref<64xf32, #tpu.memory_space<vmem>>
        %get3A_904 = arith.constant 0 : index
        %get3A_905 = tpu.vector_load %get3A_903[%get3A_904] {strides = array<i32>} : memref<64xf32, #tpu.memory_space<vmem>>, vector<16xf32>,
        %bitcast3A_906 = vector.bitcast %get3A_905 : vector<16xf32> to vector<32xbf16>
        %get3A_907 = arith.constant 0 : i32
        %get3A_908 = tpu.memref_slice %arg10[%add3A_900, %get3A_907] : memref<80x64xf32, #tpu.memory_space<vmem>> -> memref<1x64xf32, #tpu.memory_space<vmem>>
        %get3A_909 = tpu.memref_squeeze %get3A_908 : memref<1x64xf32, #tpu.memory_space<vmem>> -> memref<64xf32, #tpu.memory_space<vmem>>
        %get3A_910 = arith.constant 0 : index
        %get3A_911 = tpu.vector_load %get3A_909[%get3A_910] {strides = array<i32>} : memref<64xf32, #tpu.memory_space<vmem>>, vector<16xf32>,
        %bitcast3A_912 = vector.bitcast %get3A_911 : vector<16xf32> to vector<32xbf16>
        %mul3A_913 = arith.mulf %bitcast3A_906, %bitcast3A_912 : vector<32xbf16>
        %unpack3A_914 = tpu.unpack_subelements %mul3A_913, 0 {pack_format = #tpu.pack_format<interleaved>} : vector<32xbf16> -> vector<16xf32>
        %unpack3A_915 = tpu.unpack_subelements %mul3A_913, 1 {pack_format = #tpu.pack_format<interleaved>} : vector<32xbf16> -> vector<16xf32>
        %get3A_916 = arith.constant 0 : i32
        %get3A_917 = tpu.memref_slice %arg9[%add3A_898, %get3A_916] : memref<80x64xf32, #tpu.memory_space<vmem>> -> memref<1x64xf32, #tpu.memory_space<vmem>>
        %get3A_918 = tpu.memref_squeeze %get3A_917 : memref<1x64xf32, #tpu.memory_space<vmem>> -> memref<64xf32, #tpu.memory_space<vmem>>
        %get3A_919 = arith.constant 16 : index
        %get3A_920 = tpu.vector_load %get3A_918[%get3A_919] {strides = array<i32>} : memref<64xf32, #tpu.memory_space<vmem>>, vector<16xf32>,
        %bitcast3A_921 = vector.bitcast %get3A_920 : vector<16xf32> to vector<32xbf16>
        %get3A_922 = arith.constant 0 : i32
        %get3A_923 = tpu.memref_slice %arg10[%add3A_900, %get3A_922] : memref<80x64xf32, #tpu.memory_space<vmem>> -> memref<1x64xf32, #tpu.memory_space<vmem>>
        %get3A_924 = tpu.memref_squeeze %get3A_923 : memref<1x64xf32, #tpu.memory_space<vmem>> -> memref<64xf32, #tpu.memory_space<vmem>>
        %get3A_925 = arith.constant 16 : index
        %get3A_926 = tpu.vector_load %get3A_924[%get3A_925] {strides = array<i32>} : memref<64xf32, #tpu.memory_space<vmem>>, vector<16xf32>,
        %bitcast3A_927 = vector.bitcast %get3A_926 : vector<16xf32> to vector<32xbf16>
        %mul3A_928 = arith.mulf %bitcast3A_921, %bitcast3A_927 : vector<32xbf16>
        %unpack3A_929 = tpu.unpack_subelements %mul3A_928, 0 {pack_format = #tpu.pack_format<interleaved>} : vector<32xbf16> -> vector<16xf32>
        %unpack3A_930 = tpu.unpack_subelements %mul3A_928, 1 {pack_format = #tpu.pack_format<interleaved>} : vector<32xbf16> -> vector<16xf32>
        %get3A_931 = arith.constant 0 : i32
        %get3A_932 = tpu.memref_slice %arg9[%add3A_898, %get3A_931] : memref<80x64xf32, #tpu.memory_space<vmem>> -> memref<1x64xf32, #tpu.memory_space<vmem>>
        %get3A_933 = tpu.memref_squeeze %get3A_932 : memref<1x64xf32, #tpu.memory_space<vmem>> -> memref<64xf32, #tpu.memory_space<vmem>>
        %get3A_934 = arith.constant 32 : index
        %get3A_935 = tpu.vector_load %get3A_933[%get3A_934] {strides = array<i32>} : memref<64xf32, #tpu.memory_space<vmem>>, vector<16xf32>,
        %bitcast3A_936 = vector.bitcast %get3A_935 : vector<16xf32> to vector<32xbf16>
        %get3A_937 = arith.constant 0 : i32
        %get3A_938 = tpu.memref_slice %arg10[%add3A_900, %get3A_937] : memref<80x64xf32, #tpu.memory_space<vmem>> -> memref<1x64xf32, #tpu.memory_space<vmem>>
        %get3A_939 = tpu.memref_squeeze %get3A_938 : memref<1x64xf32, #tpu.memory_space<vmem>> -> memref<64xf32, #tpu.memory_space<vmem>>
        %get3A_940 = arith.constant 32 : index
        %get3A_941 = tpu.vector_load %get3A_939[%get3A_940] {strides = array<i32>} : memref<64xf32, #tpu.memory_space<vmem>>, vector<16xf32>,
        %bitcast3A_942 = vector.bitcast %get3A_941 : vector<16xf32> to vector<32xbf16>
        %mul3A_943 = arith.mulf %bitcast3A_936, %bitcast3A_942 : vector<32xbf16>
        %unpack3A_944 = tpu.unpack_subelements %mul3A_943, 0 {pack_format = #tpu.pack_format<interleaved>} : vector<32xbf16> -> vector<16xf32>
        %unpack3A_945 = tpu.unpack_subelements %mul3A_943, 1 {pack_format = #tpu.pack_format<interleaved>} : vector<32xbf16> -> vector<16xf32>
        %get3A_946 = arith.constant 0 : i32
        %get3A_947 = tpu.memref_slice %arg9[%add3A_898, %get3A_946] : memref<80x64xf32, #tpu.memory_space<vmem>> -> memref<1x64xf32, #tpu.memory_space<vmem>>
        %get3A_948 = tpu.memref_squeeze %get3A_947 : memref<1x64xf32, #tpu.memory_space<vmem>> -> memref<64xf32, #tpu.memory_space<vmem>>
        %get3A_949 = arith.constant 48 : index
        %get3A_950 = tpu.vector_load %get3A_948[%get3A_949] {strides = array<i32>} : memref<64xf32, #tpu.memory_space<vmem>>, vector<16xf32>,
        %bitcast3A_951 = vector.bitcast %get3A_950 : vector<16xf32> to vector<32xbf16>
        %get3A_952 = arith.constant 0 : i32
        %get3A_953 = tpu.memref_slice %arg10[%add3A_900, %get3A_952] : memref<80x64xf32, #tpu.memory_space<vmem>> -> memref<1x64xf32, #tpu.memory_space<vmem>>
        %get3A_954 = tpu.memref_squeeze %get3A_953 : memref<1x64xf32, #tpu.memory_space<vmem>> -> memref<64xf32, #tpu.memory_space<vmem>>
        %get3A_955 = arith.constant 48 : index
        %get3A_956 = tpu.vector_load %get3A_954[%get3A_955] {strides = array<i32>} : memref<64xf32, #tpu.memory_space<vmem>>, vector<16xf32>,
        %bitcast3A_957 = vector.bitcast %get3A_956 : vector<16xf32> to vector<32xbf16>
        %mul3A_958 = arith.mulf %bitcast3A_951, %bitcast3A_957 : vector<32xbf16>
        %unpack3A_959 = tpu.unpack_subelements %mul3A_958, 0 {pack_format = #tpu.pack_format<interleaved>} : vector<32xbf16> -> vector<16xf32>
        %unpack3A_960 = tpu.unpack_subelements %mul3A_958, 1 {pack_format = #tpu.pack_format<interleaved>} : vector<32xbf16> -> vector<16xf32>
        %add3A_961 = arith.addf %unpack3A_914, %unpack3A_915 : vector<16xf32>
        %add3A_962 = arith.addf %unpack3A_929, %unpack3A_930 : vector<16xf32>
        %add3A_963 = arith.addf %unpack3A_944, %unpack3A_945 : vector<16xf32>
        %add3A_964 = arith.addf %unpack3A_959, %unpack3A_960 : vector<16xf32>
        %add3A_965 = arith.addf %add3A_961, %add3A_962 : vector<16xf32>
        %add3A_966 = arith.addf %add3A_963, %add3A_964 : vector<16xf32>
        %add3A_967 = arith.addf %add3A_965, %add3A_966 : vector<16xf32>
        %broadcast_in_dim3A_968 = arith.constant 11 : i32
        %broadcast_in_dim3A_969 = vector.broadcast %broadcast_in_dim3A_968 : i32 to vector<16xi32>
        tpu.vector_store_idx %arg13[%iota3A, %broadcast_in_dim3A_969], %add3A_967 : memref<16x17xf32, #tpu.memory_space<vmem>>[vector<16xi32>, vector<16xi32>], vector<16xf32>,
        %add3A_970 = arith.constant 12 : i32
        %add3A_971 = arith.addi %add3A_97, %add3A_970 : i32
        %add3A_972 = arith.constant 12 : i32
        %add3A_973 = arith.addi %add3A_97, %add3A_972 : i32
        %get3A_974 = arith.constant 0 : i32
        %get3A_975 = tpu.memref_slice %arg9[%add3A_971, %get3A_974] : memref<80x64xf32, #tpu.memory_space<vmem>> -> memref<1x64xf32, #tpu.memory_space<vmem>>
        %get3A_976 = tpu.memref_squeeze %get3A_975 : memref<1x64xf32, #tpu.memory_space<vmem>> -> memref<64xf32, #tpu.memory_space<vmem>>
        %get3A_977 = arith.constant 0 : index
        %get3A_978 = tpu.vector_load %get3A_976[%get3A_977] {strides = array<i32>} : memref<64xf32, #tpu.memory_space<vmem>>, vector<16xf32>,
        %bitcast3A_979 = vector.bitcast %get3A_978 : vector<16xf32> to vector<32xbf16>
        %get3A_980 = arith.constant 0 : i32
        %get3A_981 = tpu.memref_slice %arg10[%add3A_973, %get3A_980] : memref<80x64xf32, #tpu.memory_space<vmem>> -> memref<1x64xf32, #tpu.memory_space<vmem>>
        %get3A_982 = tpu.memref_squeeze %get3A_981 : memref<1x64xf32, #tpu.memory_space<vmem>> -> memref<64xf32, #tpu.memory_space<vmem>>
        %get3A_983 = arith.constant 0 : index
        %get3A_984 = tpu.vector_load %get3A_982[%get3A_983] {strides = array<i32>} : memref<64xf32, #tpu.memory_space<vmem>>, vector<16xf32>,
        %bitcast3A_985 = vector.bitcast %get3A_984 : vector<16xf32> to vector<32xbf16>
        %mul3A_986 = arith.mulf %bitcast3A_979, %bitcast3A_985 : vector<32xbf16>
        %unpack3A_987 = tpu.unpack_subelements %mul3A_986, 0 {pack_format = #tpu.pack_format<interleaved>} : vector<32xbf16> -> vector<16xf32>
        %unpack3A_988 = tpu.unpack_subelements %mul3A_986, 1 {pack_format = #tpu.pack_format<interleaved>} : vector<32xbf16> -> vector<16xf32>
        %get3A_989 = arith.constant 0 : i32
        %get3A_990 = tpu.memref_slice %arg9[%add3A_971, %get3A_989] : memref<80x64xf32, #tpu.memory_space<vmem>> -> memref<1x64xf32, #tpu.memory_space<vmem>>
        %get3A_991 = tpu.memref_squeeze %get3A_990 : memref<1x64xf32, #tpu.memory_space<vmem>> -> memref<64xf32, #tpu.memory_space<vmem>>
        %get3A_992 = arith.constant 16 : index
        %get3A_993 = tpu.vector_load %get3A_991[%get3A_992] {strides = array<i32>} : memref<64xf32, #tpu.memory_space<vmem>>, vector<16xf32>,
        %bitcast3A_994 = vector.bitcast %get3A_993 : vector<16xf32> to vector<32xbf16>
        %get3A_995 = arith.constant 0 : i32
        %get3A_996 = tpu.memref_slice %arg10[%add3A_973, %get3A_995] : memref<80x64xf32, #tpu.memory_space<vmem>> -> memref<1x64xf32, #tpu.memory_space<vmem>>
        %get3A_997 = tpu.memref_squeeze %get3A_996 : memref<1x64xf32, #tpu.memory_space<vmem>> -> memref<64xf32, #tpu.memory_space<vmem>>
        %get3A_998 = arith.constant 16 : index
        %get3A_999 = tpu.vector_load %get3A_997[%get3A_998] {strides = array<i32>} : memref<64xf32, #tpu.memory_space<vmem>>, vector<16xf32>,
        %bitcast3A_1000 = vector.bitcast %get3A_999 : vector<16xf32> to vector<32xbf16>
        %mul3A_1001 = arith.mulf %bitcast3A_994, %bitcast3A_1000 : vector<32xbf16>
        %unpack3A_1002 = tpu.unpack_subelements %mul3A_1001, 0 {pack_format = #tpu.pack_format<interleaved>} : vector<32xbf16> -> vector<16xf32>
        %unpack3A_1003 = tpu.unpack_subelements %mul3A_1001, 1 {pack_format = #tpu.pack_format<interleaved>} : vector<32xbf16> -> vector<16xf32>
        %get3A_1004 = arith.constant 0 : i32
        %get3A_1005 = tpu.memref_slice %arg9[%add3A_971, %get3A_1004] : memref<80x64xf32, #tpu.memory_space<vmem>> -> memref<1x64xf32, #tpu.memory_space<vmem>>
        %get3A_1006 = tpu.memref_squeeze %get3A_1005 : memref<1x64xf32, #tpu.memory_space<vmem>> -> memref<64xf32, #tpu.memory_space<vmem>>
        %get3A_1007 = arith.constant 32 : index
        %get3A_1008 = tpu.vector_load %get3A_1006[%get3A_1007] {strides = array<i32>} : memref<64xf32, #tpu.memory_space<vmem>>, vector<16xf32>,
        %bitcast3A_1009 = vector.bitcast %get3A_1008 : vector<16xf32> to vector<32xbf16>
        %get3A_1010 = arith.constant 0 : i32
        %get3A_1011 = tpu.memref_slice %arg10[%add3A_973, %get3A_1010] : memref<80x64xf32, #tpu.memory_space<vmem>> -> memref<1x64xf32, #tpu.memory_space<vmem>>
        %get3A_1012 = tpu.memref_squeeze %get3A_1011 : memref<1x64xf32, #tpu.memory_space<vmem>> -> memref<64xf32, #tpu.memory_space<vmem>>
        %get3A_1013 = arith.constant 32 : index
        %get3A_1014 = tpu.vector_load %get3A_1012[%get3A_1013] {strides = array<i32>} : memref<64xf32, #tpu.memory_space<vmem>>, vector<16xf32>,
        %bitcast3A_1015 = vector.bitcast %get3A_1014 : vector<16xf32> to vector<32xbf16>
        %mul3A_1016 = arith.mulf %bitcast3A_1009, %bitcast3A_1015 : vector<32xbf16>
        %unpack3A_1017 = tpu.unpack_subelements %mul3A_1016, 0 {pack_format = #tpu.pack_format<interleaved>} : vector<32xbf16> -> vector<16xf32>
        %unpack3A_1018 = tpu.unpack_subelements %mul3A_1016, 1 {pack_format = #tpu.pack_format<interleaved>} : vector<32xbf16> -> vector<16xf32>
        %get3A_1019 = arith.constant 0 : i32
        %get3A_1020 = tpu.memref_slice %arg9[%add3A_971, %get3A_1019] : memref<80x64xf32, #tpu.memory_space<vmem>> -> memref<1x64xf32, #tpu.memory_space<vmem>>
        %get3A_1021 = tpu.memref_squeeze %get3A_1020 : memref<1x64xf32, #tpu.memory_space<vmem>> -> memref<64xf32, #tpu.memory_space<vmem>>
        %get3A_1022 = arith.constant 48 : index
        %get3A_1023 = tpu.vector_load %get3A_1021[%get3A_1022] {strides = array<i32>} : memref<64xf32, #tpu.memory_space<vmem>>, vector<16xf32>,
        %bitcast3A_1024 = vector.bitcast %get3A_1023 : vector<16xf32> to vector<32xbf16>
        %get3A_1025 = arith.constant 0 : i32
        %get3A_1026 = tpu.memref_slice %arg10[%add3A_973, %get3A_1025] : memref<80x64xf32, #tpu.memory_space<vmem>> -> memref<1x64xf32, #tpu.memory_space<vmem>>
        %get3A_1027 = tpu.memref_squeeze %get3A_1026 : memref<1x64xf32, #tpu.memory_space<vmem>> -> memref<64xf32, #tpu.memory_space<vmem>>
        %get3A_1028 = arith.constant 48 : index
        %get3A_1029 = tpu.vector_load %get3A_1027[%get3A_1028] {strides = array<i32>} : memref<64xf32, #tpu.memory_space<vmem>>, vector<16xf32>,
        %bitcast3A_1030 = vector.bitcast %get3A_1029 : vector<16xf32> to vector<32xbf16>
        %mul3A_1031 = arith.mulf %bitcast3A_1024, %bitcast3A_1030 : vector<32xbf16>
        %unpack3A_1032 = tpu.unpack_subelements %mul3A_1031, 0 {pack_format = #tpu.pack_format<interleaved>} : vector<32xbf16> -> vector<16xf32>
        %unpack3A_1033 = tpu.unpack_subelements %mul3A_1031, 1 {pack_format = #tpu.pack_format<interleaved>} : vector<32xbf16> -> vector<16xf32>
        %add3A_1034 = arith.addf %unpack3A_987, %unpack3A_988 : vector<16xf32>
        %add3A_1035 = arith.addf %unpack3A_1002, %unpack3A_1003 : vector<16xf32>
        %add3A_1036 = arith.addf %unpack3A_1017, %unpack3A_1018 : vector<16xf32>
        %add3A_1037 = arith.addf %unpack3A_1032, %unpack3A_1033 : vector<16xf32>
        %add3A_1038 = arith.addf %add3A_1034, %add3A_1035 : vector<16xf32>
        %add3A_1039 = arith.addf %add3A_1036, %add3A_1037 : vector<16xf32>
        %add3A_1040 = arith.addf %add3A_1038, %add3A_1039 : vector<16xf32>
        %broadcast_in_dim3A_1041 = arith.constant 12 : i32
        %broadcast_in_dim3A_1042 = vector.broadcast %broadcast_in_dim3A_1041 : i32 to vector<16xi32>
        tpu.vector_store_idx %arg13[%iota3A, %broadcast_in_dim3A_1042], %add3A_1040 : memref<16x17xf32, #tpu.memory_space<vmem>>[vector<16xi32>, vector<16xi32>], vector<16xf32>,
        %add3A_1043 = arith.constant 13 : i32
        %add3A_1044 = arith.addi %add3A_97, %add3A_1043 : i32
        %add3A_1045 = arith.constant 13 : i32
        %add3A_1046 = arith.addi %add3A_97, %add3A_1045 : i32
        %get3A_1047 = arith.constant 0 : i32
        %get3A_1048 = tpu.memref_slice %arg9[%add3A_1044, %get3A_1047] : memref<80x64xf32, #tpu.memory_space<vmem>> -> memref<1x64xf32, #tpu.memory_space<vmem>>
        %get3A_1049 = tpu.memref_squeeze %get3A_1048 : memref<1x64xf32, #tpu.memory_space<vmem>> -> memref<64xf32, #tpu.memory_space<vmem>>
        %get3A_1050 = arith.constant 0 : index
        %get3A_1051 = tpu.vector_load %get3A_1049[%get3A_1050] {strides = array<i32>} : memref<64xf32, #tpu.memory_space<vmem>>, vector<16xf32>,
        %bitcast3A_1052 = vector.bitcast %get3A_1051 : vector<16xf32> to vector<32xbf16>
        %get3A_1053 = arith.constant 0 : i32
        %get3A_1054 = tpu.memref_slice %arg10[%add3A_1046, %get3A_1053] : memref<80x64xf32, #tpu.memory_space<vmem>> -> memref<1x64xf32, #tpu.memory_space<vmem>>
        %get3A_1055 = tpu.memref_squeeze %get3A_1054 : memref<1x64xf32, #tpu.memory_space<vmem>> -> memref<64xf32, #tpu.memory_space<vmem>>
        %get3A_1056 = arith.constant 0 : index
        %get3A_1057 = tpu.vector_load %get3A_1055[%get3A_1056] {strides = array<i32>} : memref<64xf32, #tpu.memory_space<vmem>>, vector<16xf32>,
        %bitcast3A_1058 = vector.bitcast %get3A_1057 : vector<16xf32> to vector<32xbf16>
        %mul3A_1059 = arith.mulf %bitcast3A_1052, %bitcast3A_1058 : vector<32xbf16>
        %unpack3A_1060 = tpu.unpack_subelements %mul3A_1059, 0 {pack_format = #tpu.pack_format<interleaved>} : vector<32xbf16> -> vector<16xf32>
        %unpack3A_1061 = tpu.unpack_subelements %mul3A_1059, 1 {pack_format = #tpu.pack_format<interleaved>} : vector<32xbf16> -> vector<16xf32>
        %get3A_1062 = arith.constant 0 : i32
        %get3A_1063 = tpu.memref_slice %arg9[%add3A_1044, %get3A_1062] : memref<80x64xf32, #tpu.memory_space<vmem>> -> memref<1x64xf32, #tpu.memory_space<vmem>>
        %get3A_1064 = tpu.memref_squeeze %get3A_1063 : memref<1x64xf32, #tpu.memory_space<vmem>> -> memref<64xf32, #tpu.memory_space<vmem>>
        %get3A_1065 = arith.constant 16 : index
        %get3A_1066 = tpu.vector_load %get3A_1064[%get3A_1065] {strides = array<i32>} : memref<64xf32, #tpu.memory_space<vmem>>, vector<16xf32>,
        %bitcast3A_1067 = vector.bitcast %get3A_1066 : vector<16xf32> to vector<32xbf16>
        %get3A_1068 = arith.constant 0 : i32
        %get3A_1069 = tpu.memref_slice %arg10[%add3A_1046, %get3A_1068] : memref<80x64xf32, #tpu.memory_space<vmem>> -> memref<1x64xf32, #tpu.memory_space<vmem>>
        %get3A_1070 = tpu.memref_squeeze %get3A_1069 : memref<1x64xf32, #tpu.memory_space<vmem>> -> memref<64xf32, #tpu.memory_space<vmem>>
        %get3A_1071 = arith.constant 16 : index
        %get3A_1072 = tpu.vector_load %get3A_1070[%get3A_1071] {strides = array<i32>} : memref<64xf32, #tpu.memory_space<vmem>>, vector<16xf32>,
        %bitcast3A_1073 = vector.bitcast %get3A_1072 : vector<16xf32> to vector<32xbf16>
        %mul3A_1074 = arith.mulf %bitcast3A_1067, %bitcast3A_1073 : vector<32xbf16>
        %unpack3A_1075 = tpu.unpack_subelements %mul3A_1074, 0 {pack_format = #tpu.pack_format<interleaved>} : vector<32xbf16> -> vector<16xf32>
        %unpack3A_1076 = tpu.unpack_subelements %mul3A_1074, 1 {pack_format = #tpu.pack_format<interleaved>} : vector<32xbf16> -> vector<16xf32>
        %get3A_1077 = arith.constant 0 : i32
        %get3A_1078 = tpu.memref_slice %arg9[%add3A_1044, %get3A_1077] : memref<80x64xf32, #tpu.memory_space<vmem>> -> memref<1x64xf32, #tpu.memory_space<vmem>>
        %get3A_1079 = tpu.memref_squeeze %get3A_1078 : memref<1x64xf32, #tpu.memory_space<vmem>> -> memref<64xf32, #tpu.memory_space<vmem>>
        %get3A_1080 = arith.constant 32 : index
        %get3A_1081 = tpu.vector_load %get3A_1079[%get3A_1080] {strides = array<i32>} : memref<64xf32, #tpu.memory_space<vmem>>, vector<16xf32>,
        %bitcast3A_1082 = vector.bitcast %get3A_1081 : vector<16xf32> to vector<32xbf16>
        %get3A_1083 = arith.constant 0 : i32
        %get3A_1084 = tpu.memref_slice %arg10[%add3A_1046, %get3A_1083] : memref<80x64xf32, #tpu.memory_space<vmem>> -> memref<1x64xf32, #tpu.memory_space<vmem>>
        %get3A_1085 = tpu.memref_squeeze %get3A_1084 : memref<1x64xf32, #tpu.memory_space<vmem>> -> memref<64xf32, #tpu.memory_space<vmem>>
        %get3A_1086 = arith.constant 32 : index
        %get3A_1087 = tpu.vector_load %get3A_1085[%get3A_1086] {strides = array<i32>} : memref<64xf32, #tpu.memory_space<vmem>>, vector<16xf32>,
        %bitcast3A_1088 = vector.bitcast %get3A_1087 : vector<16xf32> to vector<32xbf16>
        %mul3A_1089 = arith.mulf %bitcast3A_1082, %bitcast3A_1088 : vector<32xbf16>
        %unpack3A_1090 = tpu.unpack_subelements %mul3A_1089, 0 {pack_format = #tpu.pack_format<interleaved>} : vector<32xbf16> -> vector<16xf32>
        %unpack3A_1091 = tpu.unpack_subelements %mul3A_1089, 1 {pack_format = #tpu.pack_format<interleaved>} : vector<32xbf16> -> vector<16xf32>
        %get3A_1092 = arith.constant 0 : i32
        %get3A_1093 = tpu.memref_slice %arg9[%add3A_1044, %get3A_1092] : memref<80x64xf32, #tpu.memory_space<vmem>> -> memref<1x64xf32, #tpu.memory_space<vmem>>
        %get3A_1094 = tpu.memref_squeeze %get3A_1093 : memref<1x64xf32, #tpu.memory_space<vmem>> -> memref<64xf32, #tpu.memory_space<vmem>>
        %get3A_1095 = arith.constant 48 : index
        %get3A_1096 = tpu.vector_load %get3A_1094[%get3A_1095] {strides = array<i32>} : memref<64xf32, #tpu.memory_space<vmem>>, vector<16xf32>,
        %bitcast3A_1097 = vector.bitcast %get3A_1096 : vector<16xf32> to vector<32xbf16>
        %get3A_1098 = arith.constant 0 : i32
        %get3A_1099 = tpu.memref_slice %arg10[%add3A_1046, %get3A_1098] : memref<80x64xf32, #tpu.memory_space<vmem>> -> memref<1x64xf32, #tpu.memory_space<vmem>>
        %get3A_1100 = tpu.memref_squeeze %get3A_1099 : memref<1x64xf32, #tpu.memory_space<vmem>> -> memref<64xf32, #tpu.memory_space<vmem>>
        %get3A_1101 = arith.constant 48 : index
        %get3A_1102 = tpu.vector_load %get3A_1100[%get3A_1101] {strides = array<i32>} : memref<64xf32, #tpu.memory_space<vmem>>, vector<16xf32>,
        %bitcast3A_1103 = vector.bitcast %get3A_1102 : vector<16xf32> to vector<32xbf16>
        %mul3A_1104 = arith.mulf %bitcast3A_1097, %bitcast3A_1103 : vector<32xbf16>
        %unpack3A_1105 = tpu.unpack_subelements %mul3A_1104, 0 {pack_format = #tpu.pack_format<interleaved>} : vector<32xbf16> -> vector<16xf32>
        %unpack3A_1106 = tpu.unpack_subelements %mul3A_1104, 1 {pack_format = #tpu.pack_format<interleaved>} : vector<32xbf16> -> vector<16xf32>
        %add3A_1107 = arith.addf %unpack3A_1060, %unpack3A_1061 : vector<16xf32>
        %add3A_1108 = arith.addf %unpack3A_1075, %unpack3A_1076 : vector<16xf32>
        %add3A_1109 = arith.addf %unpack3A_1090, %unpack3A_1091 : vector<16xf32>
        %add3A_1110 = arith.addf %unpack3A_1105, %unpack3A_1106 : vector<16xf32>
        %add3A_1111 = arith.addf %add3A_1107, %add3A_1108 : vector<16xf32>
        %add3A_1112 = arith.addf %add3A_1109, %add3A_1110 : vector<16xf32>
        %add3A_1113 = arith.addf %add3A_1111, %add3A_1112 : vector<16xf32>
        %broadcast_in_dim3A_1114 = arith.constant 13 : i32
        %broadcast_in_dim3A_1115 = vector.broadcast %broadcast_in_dim3A_1114 : i32 to vector<16xi32>
        tpu.vector_store_idx %arg13[%iota3A, %broadcast_in_dim3A_1115], %add3A_1113 : memref<16x17xf32, #tpu.memory_space<vmem>>[vector<16xi32>, vector<16xi32>], vector<16xf32>,
        %add3A_1116 = arith.constant 14 : i32
        %add3A_1117 = arith.addi %add3A_97, %add3A_1116 : i32
        %add3A_1118 = arith.constant 14 : i32
        %add3A_1119 = arith.addi %add3A_97, %add3A_1118 : i32
        %get3A_1120 = arith.constant 0 : i32
        %get3A_1121 = tpu.memref_slice %arg9[%add3A_1117, %get3A_1120] : memref<80x64xf32, #tpu.memory_space<vmem>> -> memref<1x64xf32, #tpu.memory_space<vmem>>
        %get3A_1122 = tpu.memref_squeeze %get3A_1121 : memref<1x64xf32, #tpu.memory_space<vmem>> -> memref<64xf32, #tpu.memory_space<vmem>>
        %get3A_1123 = arith.constant 0 : index
        %get3A_1124 = tpu.vector_load %get3A_1122[%get3A_1123] {strides = array<i32>} : memref<64xf32, #tpu.memory_space<vmem>>, vector<16xf32>,
        %bitcast3A_1125 = vector.bitcast %get3A_1124 : vector<16xf32> to vector<32xbf16>
        %get3A_1126 = arith.constant 0 : i32
        %get3A_1127 = tpu.memref_slice %arg10[%add3A_1119, %get3A_1126] : memref<80x64xf32, #tpu.memory_space<vmem>> -> memref<1x64xf32, #tpu.memory_space<vmem>>
        %get3A_1128 = tpu.memref_squeeze %get3A_1127 : memref<1x64xf32, #tpu.memory_space<vmem>> -> memref<64xf32, #tpu.memory_space<vmem>>
        %get3A_1129 = arith.constant 0 : index
        %get3A_1130 = tpu.vector_load %get3A_1128[%get3A_1129] {strides = array<i32>} : memref<64xf32, #tpu.memory_space<vmem>>, vector<16xf32>,
        %bitcast3A_1131 = vector.bitcast %get3A_1130 : vector<16xf32> to vector<32xbf16>
        %mul3A_1132 = arith.mulf %bitcast3A_1125, %bitcast3A_1131 : vector<32xbf16>
        %unpack3A_1133 = tpu.unpack_subelements %mul3A_1132, 0 {pack_format = #tpu.pack_format<interleaved>} : vector<32xbf16> -> vector<16xf32>
        %unpack3A_1134 = tpu.unpack_subelements %mul3A_1132, 1 {pack_format = #tpu.pack_format<interleaved>} : vector<32xbf16> -> vector<16xf32>
        %get3A_1135 = arith.constant 0 : i32
        %get3A_1136 = tpu.memref_slice %arg9[%add3A_1117, %get3A_1135] : memref<80x64xf32, #tpu.memory_space<vmem>> -> memref<1x64xf32, #tpu.memory_space<vmem>>
        %get3A_1137 = tpu.memref_squeeze %get3A_1136 : memref<1x64xf32, #tpu.memory_space<vmem>> -> memref<64xf32, #tpu.memory_space<vmem>>
        %get3A_1138 = arith.constant 16 : index
        %get3A_1139 = tpu.vector_load %get3A_1137[%get3A_1138] {strides = array<i32>} : memref<64xf32, #tpu.memory_space<vmem>>, vector<16xf32>,
        %bitcast3A_1140 = vector.bitcast %get3A_1139 : vector<16xf32> to vector<32xbf16>
        %get3A_1141 = arith.constant 0 : i32
        %get3A_1142 = tpu.memref_slice %arg10[%add3A_1119, %get3A_1141] : memref<80x64xf32, #tpu.memory_space<vmem>> -> memref<1x64xf32, #tpu.memory_space<vmem>>
        %get3A_1143 = tpu.memref_squeeze %get3A_1142 : memref<1x64xf32, #tpu.memory_space<vmem>> -> memref<64xf32, #tpu.memory_space<vmem>>
        %get3A_1144 = arith.constant 16 : index
        %get3A_1145 = tpu.vector_load %get3A_1143[%get3A_1144] {strides = array<i32>} : memref<64xf32, #tpu.memory_space<vmem>>, vector<16xf32>,
        %bitcast3A_1146 = vector.bitcast %get3A_1145 : vector<16xf32> to vector<32xbf16>
        %mul3A_1147 = arith.mulf %bitcast3A_1140, %bitcast3A_1146 : vector<32xbf16>
        %unpack3A_1148 = tpu.unpack_subelements %mul3A_1147, 0 {pack_format = #tpu.pack_format<interleaved>} : vector<32xbf16> -> vector<16xf32>
        %unpack3A_1149 = tpu.unpack_subelements %mul3A_1147, 1 {pack_format = #tpu.pack_format<interleaved>} : vector<32xbf16> -> vector<16xf32>
        %get3A_1150 = arith.constant 0 : i32
        %get3A_1151 = tpu.memref_slice %arg9[%add3A_1117, %get3A_1150] : memref<80x64xf32, #tpu.memory_space<vmem>> -> memref<1x64xf32, #tpu.memory_space<vmem>>
        %get3A_1152 = tpu.memref_squeeze %get3A_1151 : memref<1x64xf32, #tpu.memory_space<vmem>> -> memref<64xf32, #tpu.memory_space<vmem>>
        %get3A_1153 = arith.constant 32 : index
        %get3A_1154 = tpu.vector_load %get3A_1152[%get3A_1153] {strides = array<i32>} : memref<64xf32, #tpu.memory_space<vmem>>, vector<16xf32>,
        %bitcast3A_1155 = vector.bitcast %get3A_1154 : vector<16xf32> to vector<32xbf16>
        %get3A_1156 = arith.constant 0 : i32
        %get3A_1157 = tpu.memref_slice %arg10[%add3A_1119, %get3A_1156] : memref<80x64xf32, #tpu.memory_space<vmem>> -> memref<1x64xf32, #tpu.memory_space<vmem>>
        %get3A_1158 = tpu.memref_squeeze %get3A_1157 : memref<1x64xf32, #tpu.memory_space<vmem>> -> memref<64xf32, #tpu.memory_space<vmem>>
        %get3A_1159 = arith.constant 32 : index
        %get3A_1160 = tpu.vector_load %get3A_1158[%get3A_1159] {strides = array<i32>} : memref<64xf32, #tpu.memory_space<vmem>>, vector<16xf32>,
        %bitcast3A_1161 = vector.bitcast %get3A_1160 : vector<16xf32> to vector<32xbf16>
        %mul3A_1162 = arith.mulf %bitcast3A_1155, %bitcast3A_1161 : vector<32xbf16>
        %unpack3A_1163 = tpu.unpack_subelements %mul3A_1162, 0 {pack_format = #tpu.pack_format<interleaved>} : vector<32xbf16> -> vector<16xf32>
        %unpack3A_1164 = tpu.unpack_subelements %mul3A_1162, 1 {pack_format = #tpu.pack_format<interleaved>} : vector<32xbf16> -> vector<16xf32>
        %get3A_1165 = arith.constant 0 : i32
        %get3A_1166 = tpu.memref_slice %arg9[%add3A_1117, %get3A_1165] : memref<80x64xf32, #tpu.memory_space<vmem>> -> memref<1x64xf32, #tpu.memory_space<vmem>>
        %get3A_1167 = tpu.memref_squeeze %get3A_1166 : memref<1x64xf32, #tpu.memory_space<vmem>> -> memref<64xf32, #tpu.memory_space<vmem>>
        %get3A_1168 = arith.constant 48 : index
        %get3A_1169 = tpu.vector_load %get3A_1167[%get3A_1168] {strides = array<i32>} : memref<64xf32, #tpu.memory_space<vmem>>, vector<16xf32>,
        %bitcast3A_1170 = vector.bitcast %get3A_1169 : vector<16xf32> to vector<32xbf16>
        %get3A_1171 = arith.constant 0 : i32
        %get3A_1172 = tpu.memref_slice %arg10[%add3A_1119, %get3A_1171] : memref<80x64xf32, #tpu.memory_space<vmem>> -> memref<1x64xf32, #tpu.memory_space<vmem>>
        %get3A_1173 = tpu.memref_squeeze %get3A_1172 : memref<1x64xf32, #tpu.memory_space<vmem>> -> memref<64xf32, #tpu.memory_space<vmem>>
        %get3A_1174 = arith.constant 48 : index
        %get3A_1175 = tpu.vector_load %get3A_1173[%get3A_1174] {strides = array<i32>} : memref<64xf32, #tpu.memory_space<vmem>>, vector<16xf32>,
        %bitcast3A_1176 = vector.bitcast %get3A_1175 : vector<16xf32> to vector<32xbf16>
        %mul3A_1177 = arith.mulf %bitcast3A_1170, %bitcast3A_1176 : vector<32xbf16>
        %unpack3A_1178 = tpu.unpack_subelements %mul3A_1177, 0 {pack_format = #tpu.pack_format<interleaved>} : vector<32xbf16> -> vector<16xf32>
        %unpack3A_1179 = tpu.unpack_subelements %mul3A_1177, 1 {pack_format = #tpu.pack_format<interleaved>} : vector<32xbf16> -> vector<16xf32>
        %add3A_1180 = arith.addf %unpack3A_1133, %unpack3A_1134 : vector<16xf32>
        %add3A_1181 = arith.addf %unpack3A_1148, %unpack3A_1149 : vector<16xf32>
        %add3A_1182 = arith.addf %unpack3A_1163, %unpack3A_1164 : vector<16xf32>
        %add3A_1183 = arith.addf %unpack3A_1178, %unpack3A_1179 : vector<16xf32>
        %add3A_1184 = arith.addf %add3A_1180, %add3A_1181 : vector<16xf32>
        %add3A_1185 = arith.addf %add3A_1182, %add3A_1183 : vector<16xf32>
        %add3A_1186 = arith.addf %add3A_1184, %add3A_1185 : vector<16xf32>
        %broadcast_in_dim3A_1187 = arith.constant 14 : i32
        %broadcast_in_dim3A_1188 = vector.broadcast %broadcast_in_dim3A_1187 : i32 to vector<16xi32>
        tpu.vector_store_idx %arg13[%iota3A, %broadcast_in_dim3A_1188], %add3A_1186 : memref<16x17xf32, #tpu.memory_space<vmem>>[vector<16xi32>, vector<16xi32>], vector<16xf32>,
        %add3A_1189 = arith.constant 15 : i32
        %add3A_1190 = arith.addi %add3A_97, %add3A_1189 : i32
        %add3A_1191 = arith.constant 15 : i32
        %add3A_1192 = arith.addi %add3A_97, %add3A_1191 : i32
        %get3A_1193 = arith.constant 0 : i32
        %get3A_1194 = tpu.memref_slice %arg9[%add3A_1190, %get3A_1193] : memref<80x64xf32, #tpu.memory_space<vmem>> -> memref<1x64xf32, #tpu.memory_space<vmem>>
        %get3A_1195 = tpu.memref_squeeze %get3A_1194 : memref<1x64xf32, #tpu.memory_space<vmem>> -> memref<64xf32, #tpu.memory_space<vmem>>
        %get3A_1196 = arith.constant 0 : index
        %get3A_1197 = tpu.vector_load %get3A_1195[%get3A_1196] {strides = array<i32>} : memref<64xf32, #tpu.memory_space<vmem>>, vector<16xf32>,
        %bitcast3A_1198 = vector.bitcast %get3A_1197 : vector<16xf32> to vector<32xbf16>
        %get3A_1199 = arith.constant 0 : i32
        %get3A_1200 = tpu.memref_slice %arg10[%add3A_1192, %get3A_1199] : memref<80x64xf32, #tpu.memory_space<vmem>> -> memref<1x64xf32, #tpu.memory_space<vmem>>
        %get3A_1201 = tpu.memref_squeeze %get3A_1200 : memref<1x64xf32, #tpu.memory_space<vmem>> -> memref<64xf32, #tpu.memory_space<vmem>>
        %get3A_1202 = arith.constant 0 : index
        %get3A_1203 = tpu.vector_load %get3A_1201[%get3A_1202] {strides = array<i32>} : memref<64xf32, #tpu.memory_space<vmem>>, vector<16xf32>,
        %bitcast3A_1204 = vector.bitcast %get3A_1203 : vector<16xf32> to vector<32xbf16>
        %mul3A_1205 = arith.mulf %bitcast3A_1198, %bitcast3A_1204 : vector<32xbf16>
        %unpack3A_1206 = tpu.unpack_subelements %mul3A_1205, 0 {pack_format = #tpu.pack_format<interleaved>} : vector<32xbf16> -> vector<16xf32>
        %unpack3A_1207 = tpu.unpack_subelements %mul3A_1205, 1 {pack_format = #tpu.pack_format<interleaved>} : vector<32xbf16> -> vector<16xf32>
        %get3A_1208 = arith.constant 0 : i32
        %get3A_1209 = tpu.memref_slice %arg9[%add3A_1190, %get3A_1208] : memref<80x64xf32, #tpu.memory_space<vmem>> -> memref<1x64xf32, #tpu.memory_space<vmem>>
        %get3A_1210 = tpu.memref_squeeze %get3A_1209 : memref<1x64xf32, #tpu.memory_space<vmem>> -> memref<64xf32, #tpu.memory_space<vmem>>
        %get3A_1211 = arith.constant 16 : index
        %get3A_1212 = tpu.vector_load %get3A_1210[%get3A_1211] {strides = array<i32>} : memref<64xf32, #tpu.memory_space<vmem>>, vector<16xf32>,
        %bitcast3A_1213 = vector.bitcast %get3A_1212 : vector<16xf32> to vector<32xbf16>
        %get3A_1214 = arith.constant 0 : i32
        %get3A_1215 = tpu.memref_slice %arg10[%add3A_1192, %get3A_1214] : memref<80x64xf32, #tpu.memory_space<vmem>> -> memref<1x64xf32, #tpu.memory_space<vmem>>
        %get3A_1216 = tpu.memref_squeeze %get3A_1215 : memref<1x64xf32, #tpu.memory_space<vmem>> -> memref<64xf32, #tpu.memory_space<vmem>>
        %get3A_1217 = arith.constant 16 : index
        %get3A_1218 = tpu.vector_load %get3A_1216[%get3A_1217] {strides = array<i32>} : memref<64xf32, #tpu.memory_space<vmem>>, vector<16xf32>,
        %bitcast3A_1219 = vector.bitcast %get3A_1218 : vector<16xf32> to vector<32xbf16>
        %mul3A_1220 = arith.mulf %bitcast3A_1213, %bitcast3A_1219 : vector<32xbf16>
        %unpack3A_1221 = tpu.unpack_subelements %mul3A_1220, 0 {pack_format = #tpu.pack_format<interleaved>} : vector<32xbf16> -> vector<16xf32>
        %unpack3A_1222 = tpu.unpack_subelements %mul3A_1220, 1 {pack_format = #tpu.pack_format<interleaved>} : vector<32xbf16> -> vector<16xf32>
        %get3A_1223 = arith.constant 0 : i32
        %get3A_1224 = tpu.memref_slice %arg9[%add3A_1190, %get3A_1223] : memref<80x64xf32, #tpu.memory_space<vmem>> -> memref<1x64xf32, #tpu.memory_space<vmem>>
        %get3A_1225 = tpu.memref_squeeze %get3A_1224 : memref<1x64xf32, #tpu.memory_space<vmem>> -> memref<64xf32, #tpu.memory_space<vmem>>
        %get3A_1226 = arith.constant 32 : index
        %get3A_1227 = tpu.vector_load %get3A_1225[%get3A_1226] {strides = array<i32>} : memref<64xf32, #tpu.memory_space<vmem>>, vector<16xf32>,
        %bitcast3A_1228 = vector.bitcast %get3A_1227 : vector<16xf32> to vector<32xbf16>
        %get3A_1229 = arith.constant 0 : i32
        %get3A_1230 = tpu.memref_slice %arg10[%add3A_1192, %get3A_1229] : memref<80x64xf32, #tpu.memory_space<vmem>> -> memref<1x64xf32, #tpu.memory_space<vmem>>
        %get3A_1231 = tpu.memref_squeeze %get3A_1230 : memref<1x64xf32, #tpu.memory_space<vmem>> -> memref<64xf32, #tpu.memory_space<vmem>>
        %get3A_1232 = arith.constant 32 : index
        %get3A_1233 = tpu.vector_load %get3A_1231[%get3A_1232] {strides = array<i32>} : memref<64xf32, #tpu.memory_space<vmem>>, vector<16xf32>,
        %bitcast3A_1234 = vector.bitcast %get3A_1233 : vector<16xf32> to vector<32xbf16>
        %mul3A_1235 = arith.mulf %bitcast3A_1228, %bitcast3A_1234 : vector<32xbf16>
        %unpack3A_1236 = tpu.unpack_subelements %mul3A_1235, 0 {pack_format = #tpu.pack_format<interleaved>} : vector<32xbf16> -> vector<16xf32>
        %unpack3A_1237 = tpu.unpack_subelements %mul3A_1235, 1 {pack_format = #tpu.pack_format<interleaved>} : vector<32xbf16> -> vector<16xf32>
        %get3A_1238 = arith.constant 0 : i32
        %get3A_1239 = tpu.memref_slice %arg9[%add3A_1190, %get3A_1238] : memref<80x64xf32, #tpu.memory_space<vmem>> -> memref<1x64xf32, #tpu.memory_space<vmem>>
        %get3A_1240 = tpu.memref_squeeze %get3A_1239 : memref<1x64xf32, #tpu.memory_space<vmem>> -> memref<64xf32, #tpu.memory_space<vmem>>
        %get3A_1241 = arith.constant 48 : index
        %get3A_1242 = tpu.vector_load %get3A_1240[%get3A_1241] {strides = array<i32>} : memref<64xf32, #tpu.memory_space<vmem>>, vector<16xf32>,
        %bitcast3A_1243 = vector.bitcast %get3A_1242 : vector<16xf32> to vector<32xbf16>
        %get3A_1244 = arith.constant 0 : i32
        %get3A_1245 = tpu.memref_slice %arg10[%add3A_1192, %get3A_1244] : memref<80x64xf32, #tpu.memory_space<vmem>> -> memref<1x64xf32, #tpu.memory_space<vmem>>
        %get3A_1246 = tpu.memref_squeeze %get3A_1245 : memref<1x64xf32, #tpu.memory_space<vmem>> -> memref<64xf32, #tpu.memory_space<vmem>>
        %get3A_1247 = arith.constant 48 : index
        %get3A_1248 = tpu.vector_load %get3A_1246[%get3A_1247] {strides = array<i32>} : memref<64xf32, #tpu.memory_space<vmem>>, vector<16xf32>,
        %bitcast3A_1249 = vector.bitcast %get3A_1248 : vector<16xf32> to vector<32xbf16>
        %mul3A_1250 = arith.mulf %bitcast3A_1243, %bitcast3A_1249 : vector<32xbf16>
        %unpack3A_1251 = tpu.unpack_subelements %mul3A_1250, 0 {pack_format = #tpu.pack_format<interleaved>} : vector<32xbf16> -> vector<16xf32>
        %unpack3A_1252 = tpu.unpack_subelements %mul3A_1250, 1 {pack_format = #tpu.pack_format<interleaved>} : vector<32xbf16> -> vector<16xf32>
        %add3A_1253 = arith.addf %unpack3A_1206, %unpack3A_1207 : vector<16xf32>
        %add3A_1254 = arith.addf %unpack3A_1221, %unpack3A_1222 : vector<16xf32>
        %add3A_1255 = arith.addf %unpack3A_1236, %unpack3A_1237 : vector<16xf32>
        %add3A_1256 = arith.addf %unpack3A_1251, %unpack3A_1252 : vector<16xf32>
        %add3A_1257 = arith.addf %add3A_1253, %add3A_1254 : vector<16xf32>
        %add3A_1258 = arith.addf %add3A_1255, %add3A_1256 : vector<16xf32>
        %add3A_1259 = arith.addf %add3A_1257, %add3A_1258 : vector<16xf32>
        %broadcast_in_dim3A_1260 = arith.constant 15 : i32
        %broadcast_in_dim3A_1261 = vector.broadcast %broadcast_in_dim3A_1260 : i32 to vector<16xi32>
        tpu.vector_store_idx %arg13[%iota3A, %broadcast_in_dim3A_1261], %add3A_1259 : memref<16x17xf32, #tpu.memory_space<vmem>>[vector<16xi32>, vector<16xi32>], vector<16xf32>,
        %get3A_1262 = arith.constant 0 : i32
        %get3A_1263 = arith.index_cast %get3A_1262 : i32 to index
        %get3A_1264 = arith.constant 0 : index
        %get3A_1265 = tpu.vector_load %arg13[%get3A_1263, %get3A_1264] {strides = array<i32>} : memref<16x17xf32, #tpu.memory_space<vmem>>, vector<16xf32>,
        %get3A_1266 = arith.constant 1 : i32
        %get3A_1267 = arith.index_cast %get3A_1266 : i32 to index
        %get3A_1268 = arith.constant 0 : index
        %get3A_1269 = tpu.vector_load %arg13[%get3A_1267, %get3A_1268] {strides = array<i32>} : memref<16x17xf32, #tpu.memory_space<vmem>>, vector<16xf32>,
        %get3A_1270 = arith.constant 2 : i32
        %get3A_1271 = arith.index_cast %get3A_1270 : i32 to index
        %get3A_1272 = arith.constant 0 : index
        %get3A_1273 = tpu.vector_load %arg13[%get3A_1271, %get3A_1272] {strides = array<i32>} : memref<16x17xf32, #tpu.memory_space<vmem>>, vector<16xf32>,
        %get3A_1274 = arith.constant 3 : i32
        %get3A_1275 = arith.index_cast %get3A_1274 : i32 to index
        %get3A_1276 = arith.constant 0 : index
        %get3A_1277 = tpu.vector_load %arg13[%get3A_1275, %get3A_1276] {strides = array<i32>} : memref<16x17xf32, #tpu.memory_space<vmem>>, vector<16xf32>,
        %get3A_1278 = arith.constant 4 : i32
        %get3A_1279 = arith.index_cast %get3A_1278 : i32 to index
        %get3A_1280 = arith.constant 0 : index
        %get3A_1281 = tpu.vector_load %arg13[%get3A_1279, %get3A_1280] {strides = array<i32>} : memref<16x17xf32, #tpu.memory_space<vmem>>, vector<16xf32>,
        %get3A_1282 = arith.constant 5 : i32
        %get3A_1283 = arith.index_cast %get3A_1282 : i32 to index
        %get3A_1284 = arith.constant 0 : index
        %get3A_1285 = tpu.vector_load %arg13[%get3A_1283, %get3A_1284] {strides = array<i32>} : memref<16x17xf32, #tpu.memory_space<vmem>>, vector<16xf32>,
        %get3A_1286 = arith.constant 6 : i32
        %get3A_1287 = arith.index_cast %get3A_1286 : i32 to index
        %get3A_1288 = arith.constant 0 : index
        %get3A_1289 = tpu.vector_load %arg13[%get3A_1287, %get3A_1288] {strides = array<i32>} : memref<16x17xf32, #tpu.memory_space<vmem>>, vector<16xf32>,
        %get3A_1290 = arith.constant 7 : i32
        %get3A_1291 = arith.index_cast %get3A_1290 : i32 to index
        %get3A_1292 = arith.constant 0 : index
        %get3A_1293 = tpu.vector_load %arg13[%get3A_1291, %get3A_1292] {strides = array<i32>} : memref<16x17xf32, #tpu.memory_space<vmem>>, vector<16xf32>,
        %get3A_1294 = arith.constant 8 : i32
        %get3A_1295 = arith.index_cast %get3A_1294 : i32 to index
        %get3A_1296 = arith.constant 0 : index
        %get3A_1297 = tpu.vector_load %arg13[%get3A_1295, %get3A_1296] {strides = array<i32>} : memref<16x17xf32, #tpu.memory_space<vmem>>, vector<16xf32>,
        %get3A_1298 = arith.constant 9 : i32
        %get3A_1299 = arith.index_cast %get3A_1298 : i32 to index
        %get3A_1300 = arith.constant 0 : index
        %get3A_1301 = tpu.vector_load %arg13[%get3A_1299, %get3A_1300] {strides = array<i32>} : memref<16x17xf32, #tpu.memory_space<vmem>>, vector<16xf32>,
        %get3A_1302 = arith.constant 10 : i32
        %get3A_1303 = arith.index_cast %get3A_1302 : i32 to index
        %get3A_1304 = arith.constant 0 : index
        %get3A_1305 = tpu.vector_load %arg13[%get3A_1303, %get3A_1304] {strides = array<i32>} : memref<16x17xf32, #tpu.memory_space<vmem>>, vector<16xf32>,
        %get3A_1306 = arith.constant 11 : i32
        %get3A_1307 = arith.index_cast %get3A_1306 : i32 to index
        %get3A_1308 = arith.constant 0 : index
        %get3A_1309 = tpu.vector_load %arg13[%get3A_1307, %get3A_1308] {strides = array<i32>} : memref<16x17xf32, #tpu.memory_space<vmem>>, vector<16xf32>,
        %get3A_1310 = arith.constant 12 : i32
        %get3A_1311 = arith.index_cast %get3A_1310 : i32 to index
        %get3A_1312 = arith.constant 0 : index
        %get3A_1313 = tpu.vector_load %arg13[%get3A_1311, %get3A_1312] {strides = array<i32>} : memref<16x17xf32, #tpu.memory_space<vmem>>, vector<16xf32>,
        %get3A_1314 = arith.constant 13 : i32
        %get3A_1315 = arith.index_cast %get3A_1314 : i32 to index
        %get3A_1316 = arith.constant 0 : index
        %get3A_1317 = tpu.vector_load %arg13[%get3A_1315, %get3A_1316] {strides = array<i32>} : memref<16x17xf32, #tpu.memory_space<vmem>>, vector<16xf32>,
        %get3A_1318 = arith.constant 14 : i32
        %get3A_1319 = arith.index_cast %get3A_1318 : i32 to index
        %get3A_1320 = arith.constant 0 : index
        %get3A_1321 = tpu.vector_load %arg13[%get3A_1319, %get3A_1320] {strides = array<i32>} : memref<16x17xf32, #tpu.memory_space<vmem>>, vector<16xf32>,
        %get3A_1322 = arith.constant 15 : i32
        %get3A_1323 = arith.index_cast %get3A_1322 : i32 to index
        %get3A_1324 = arith.constant 0 : index
        %get3A_1325 = tpu.vector_load %arg13[%get3A_1323, %get3A_1324] {strides = array<i32>} : memref<16x17xf32, #tpu.memory_space<vmem>>, vector<16xf32>,
        %add3A_1326 = arith.addf %get3A_1265, %get3A_1269 : vector<16xf32>
        %add3A_1327 = arith.addf %get3A_1273, %get3A_1277 : vector<16xf32>
        %add3A_1328 = arith.addf %get3A_1281, %get3A_1285 : vector<16xf32>
        %add3A_1329 = arith.addf %get3A_1289, %get3A_1293 : vector<16xf32>
        %add3A_1330 = arith.addf %get3A_1297, %get3A_1301 : vector<16xf32>
        %add3A_1331 = arith.addf %get3A_1305, %get3A_1309 : vector<16xf32>
        %add3A_1332 = arith.addf %get3A_1313, %get3A_1317 : vector<16xf32>
        %add3A_1333 = arith.addf %get3A_1321, %get3A_1325 : vector<16xf32>
        %add3A_1334 = arith.addf %add3A_1326, %add3A_1327 : vector<16xf32>
        %add3A_1335 = arith.addf %add3A_1328, %add3A_1329 : vector<16xf32>
        %add3A_1336 = arith.addf %add3A_1330, %add3A_1331 : vector<16xf32>
        %add3A_1337 = arith.addf %add3A_1332, %add3A_1333 : vector<16xf32>
        %add3A_1338 = arith.addf %add3A_1334, %add3A_1335 : vector<16xf32>
        %add3A_1339 = arith.addf %add3A_1336, %add3A_1337 : vector<16xf32>
        %add3A_1340 = arith.addf %add3A_1338, %add3A_1339 : vector<16xf32>
        %neg3A = arith.constant 0.000000e+00 : f32
        %neg3A_1341 = vector.broadcast %neg3A : f32 to vector<16xf32>
        %neg3A_1342 = arith.subf %neg3A_1341, %add3A_1340 : vector<16xf32>
        %exp3A = math.exp %neg3A_1342 : vector<16xf32>
        %add3A_1343 = arith.constant 1.000000e+00 : f32
        %add3A_1344 = vector.broadcast %add3A_1343 : f32 to vector<16xf32>
        %add3A_1345 = arith.addf %add3A_1344, %exp3A : vector<16xf32>
        %div3A = arith.constant 1.000000e+00 : f32
        %div3A_1346 = vector.broadcast %div3A : f32 to vector<16xf32>
        %div3A_1347 = arith.divf %div3A_1346, %add3A_1345 : vector<16xf32>
        %mul3A_1348 = arith.constant 80 : i32
        %mul3A_1349 = arith.muli %add3A_34, %mul3A_1348 : i32
        %add3A_1350 = arith.addi %mul3A_1349, %add3A_97 : i32
        %swap3A = arith.index_cast %add3A_1350 : i32 to index
        %swap3A_1351 = tpu.vector_load %arg8[%swap3A] {strides = array<i32>} : memref<10000xf32, #tpu.memory_space<vmem>>, vector<16xf32>,
        tpu.vector_store %arg8[%swap3A], %div3A_1347 {strides = array<i32>} : memref<10000xf32, #tpu.memory_space<vmem>>, vector<16xf32>,
      }
      %scan3A_61 = arith.constant 5 : i32
      %add3A_62 = arith.constant 2 : i32
      %add3A_63 = arith.addi %add3A_34, %add3A_62 : i32
      %mul3A_64 = arith.constant 80 : i32
      %mul3A_65 = arith.muli %add3A_63, %mul3A_64 : i32
      %dma_start3A_66 = tpu.memref_slice %arg6[%mul3A_65] : memref<10000xi32, #tpu.memory_space<vmem>> -> memref<80xi32, #tpu.memory_space<vmem>>
      %dma_start3A_67 = arith.constant 0 : i32
      %dma_start3A_68 = arith.constant 0 : i32
      %dma_start3A_69 = tpu.memref_slice %arg2[%dma_start3A_67, %dma_start3A_68] : memref<10000x64xf32, #tpu.memory_space<hbm>> -> memref<10000x64xf32, #tpu.memory_space<hbm>>
      tpu.enqueue_indirect_dma source(%dma_start3A_69 : memref<10000x64xf32, #tpu.memory_space<hbm>>) target(%arg9 : memref<80x64xf32, #tpu.memory_space<vmem>>) offsets(%dma_start3A_66 : memref<80xi32, #tpu.memory_space<vmem>>) semaphore(%arg14 : memref<!tpu.dma_semaphore, #tpu.memory_space<semaphore_mem>>)
      %dma_start3A_70 = tpu.memref_slice %arg7[%mul3A_65] : memref<10000xi32, #tpu.memory_space<vmem>> -> memref<80xi32, #tpu.memory_space<vmem>>
      %dma_start3A_71 = arith.constant 0 : i32
      %dma_start3A_72 = arith.constant 0 : i32
      %dma_start3A_73 = tpu.memref_slice %arg2[%dma_start3A_71, %dma_start3A_72] : memref<10000x64xf32, #tpu.memory_space<hbm>> -> memref<10000x64xf32, #tpu.memory_space<hbm>>
      tpu.enqueue_indirect_dma source(%dma_start3A_73 : memref<10000x64xf32, #tpu.memory_space<hbm>>) target(%arg10 : memref<80x64xf32, #tpu.memory_space<vmem>>) offsets(%dma_start3A_70 : memref<80xi32, #tpu.memory_space<vmem>>) semaphore(%arg14 : memref<!tpu.dma_semaphore, #tpu.memory_space<semaphore_mem>>)
      %add3A_74 = arith.constant 1 : i32
      %add3A_75 = arith.addi %add3A_34, %add3A_74 : i32
      %mul3A_76 = arith.constant 80 : i32
      %mul3A_77 = arith.muli %add3A_75, %mul3A_76 : i32
      %dma_wait3A_78 = tpu.memref_slice %arg6[%mul3A_77] : memref<10000xi32, #tpu.memory_space<vmem>> -> memref<80xi32, #tpu.memory_space<vmem>>
      %dma_wait3A_79 = arith.constant 0 : i32
      %dma_wait3A_80 = arith.constant 0 : i32
      %dma_wait3A_81 = tpu.memref_slice %arg2[%dma_wait3A_79, %dma_wait3A_80] : memref<10000x64xf32, #tpu.memory_space<hbm>> -> memref<10000x64xf32, #tpu.memory_space<hbm>>
      tpu.wait_indirect_dma semaphore(%arg15 : memref<!tpu.dma_semaphore, #tpu.memory_space<semaphore_mem>>) src(%dma_wait3A_81 : memref<10000x64xf32, #tpu.memory_space<hbm>>) dst(%arg11 : memref<80x64xf32, #tpu.memory_space<vmem>>)
      %dma_wait3A_82 = tpu.memref_slice %arg7[%mul3A_77] : memref<10000xi32, #tpu.memory_space<vmem>> -> memref<80xi32, #tpu.memory_space<vmem>>
      %dma_wait3A_83 = arith.constant 0 : i32
      %dma_wait3A_84 = arith.constant 0 : i32
      %dma_wait3A_85 = tpu.memref_slice %arg2[%dma_wait3A_83, %dma_wait3A_84] : memref<10000x64xf32, #tpu.memory_space<hbm>> -> memref<10000x64xf32, #tpu.memory_space<hbm>>
      tpu.wait_indirect_dma semaphore(%arg15 : memref<!tpu.dma_semaphore, #tpu.memory_space<semaphore_mem>>) src(%dma_wait3A_85 : memref<10000x64xf32, #tpu.memory_space<hbm>>) dst(%arg12 : memref<80x64xf32, #tpu.memory_space<vmem>>)
      %add3A_86 = arith.constant 1 : i32
      %add3A_87 = arith.addi %add3A_34, %add3A_86 : i32
      %scan3A_88 = arith.constant 0 : i32
      %scan3A_89 = arith.constant 5 : i32
      %scan3A_90 = arith.addi %scan3A_88, %scan3A_89 : i32
      %scan3A_91 = arith.constant 1 : i32
      scf.for %scan3A_93 = %scan3A_88 to %scan3A_90 step %scan3A_91  : i32 {
        %mul3A_94 = arith.constant 16 : i32
        %mul3A_95 = arith.muli %scan3A_93, %mul3A_94 : i32
        %add3A_96 = arith.constant 0 : i32
        %add3A_97 = arith.addi %add3A_96, %mul3A_95 : i32
        %add3A_98 = arith.constant 0 : i32
        %add3A_99 = arith.addi %add3A_97, %add3A_98 : i32
        %add3A_100 = arith.constant 0 : i32
        %add3A_101 = arith.addi %add3A_97, %add3A_100 : i32
        %get3A = arith.constant 0 : i32
        %get3A_102 = tpu.memref_slice %arg11[%add3A_99, %get3A] : memref<80x64xf32, #tpu.memory_space<vmem>> -> memref<1x64xf32, #tpu.memory_space<vmem>>
        %get3A_103 = tpu.memref_squeeze %get3A_102 : memref<1x64xf32, #tpu.memory_space<vmem>> -> memref<64xf32, #tpu.memory_space<vmem>>
        %get3A_104 = arith.constant 0 : index
        %get3A_105 = tpu.vector_load %get3A_103[%get3A_104] {strides = array<i32>} : memref<64xf32, #tpu.memory_space<vmem>>, vector<16xf32>,
        %bitcast3A = vector.bitcast %get3A_105 : vector<16xf32> to vector<32xbf16>
        %get3A_106 = arith.constant 0 : i32
        %get3A_107 = tpu.memref_slice %arg12[%add3A_101, %get3A_106] : memref<80x64xf32, #tpu.memory_space<vmem>> -> memref<1x64xf32, #tpu.memory_space<vmem>>
        %get3A_108 = tpu.memref_squeeze %get3A_107 : memref<1x64xf32, #tpu.memory_space<vmem>> -> memref<64xf32, #tpu.memory_space<vmem>>
        %get3A_109 = arith.constant 0 : index
        %get3A_110 = tpu.vector_load %get3A_108[%get3A_109] {strides = array<i32>} : memref<64xf32, #tpu.memory_space<vmem>>, vector<16xf32>,
        %bitcast3A_111 = vector.bitcast %get3A_110 : vector<16xf32> to vector<32xbf16>
        %mul3A_112 = arith.mulf %bitcast3A, %bitcast3A_111 : vector<32xbf16>
        %unpack3A = tpu.unpack_subelements %mul3A_112, 0 {pack_format = #tpu.pack_format<interleaved>} : vector<32xbf16> -> vector<16xf32>
        %unpack3A_113 = tpu.unpack_subelements %mul3A_112, 1 {pack_format = #tpu.pack_format<interleaved>} : vector<32xbf16> -> vector<16xf32>
        %get3A_114 = arith.constant 0 : i32
        %get3A_115 = tpu.memref_slice %arg11[%add3A_99, %get3A_114] : memref<80x64xf32, #tpu.memory_space<vmem>> -> memref<1x64xf32, #tpu.memory_space<vmem>>
        %get3A_116 = tpu.memref_squeeze %get3A_115 : memref<1x64xf32, #tpu.memory_space<vmem>> -> memref<64xf32, #tpu.memory_space<vmem>>
        %get3A_117 = arith.constant 16 : index
        %get3A_118 = tpu.vector_load %get3A_116[%get3A_117] {strides = array<i32>} : memref<64xf32, #tpu.memory_space<vmem>>, vector<16xf32>,
        %bitcast3A_119 = vector.bitcast %get3A_118 : vector<16xf32> to vector<32xbf16>
        %get3A_120 = arith.constant 0 : i32
        %get3A_121 = tpu.memref_slice %arg12[%add3A_101, %get3A_120] : memref<80x64xf32, #tpu.memory_space<vmem>> -> memref<1x64xf32, #tpu.memory_space<vmem>>
        %get3A_122 = tpu.memref_squeeze %get3A_121 : memref<1x64xf32, #tpu.memory_space<vmem>> -> memref<64xf32, #tpu.memory_space<vmem>>
        %get3A_123 = arith.constant 16 : index
        %get3A_124 = tpu.vector_load %get3A_122[%get3A_123] {strides = array<i32>} : memref<64xf32, #tpu.memory_space<vmem>>, vector<16xf32>,
        %bitcast3A_125 = vector.bitcast %get3A_124 : vector<16xf32> to vector<32xbf16>
        %mul3A_126 = arith.mulf %bitcast3A_119, %bitcast3A_125 : vector<32xbf16>
        %unpack3A_127 = tpu.unpack_subelements %mul3A_126, 0 {pack_format = #tpu.pack_format<interleaved>} : vector<32xbf16> -> vector<16xf32>
        %unpack3A_128 = tpu.unpack_subelements %mul3A_126, 1 {pack_format = #tpu.pack_format<interleaved>} : vector<32xbf16> -> vector<16xf32>
        %get3A_129 = arith.constant 0 : i32
        %get3A_130 = tpu.memref_slice %arg11[%add3A_99, %get3A_129] : memref<80x64xf32, #tpu.memory_space<vmem>> -> memref<1x64xf32, #tpu.memory_space<vmem>>
        %get3A_131 = tpu.memref_squeeze %get3A_130 : memref<1x64xf32, #tpu.memory_space<vmem>> -> memref<64xf32, #tpu.memory_space<vmem>>
        %get3A_132 = arith.constant 32 : index
        %get3A_133 = tpu.vector_load %get3A_131[%get3A_132] {strides = array<i32>} : memref<64xf32, #tpu.memory_space<vmem>>, vector<16xf32>,
        %bitcast3A_134 = vector.bitcast %get3A_133 : vector<16xf32> to vector<32xbf16>
        %get3A_135 = arith.constant 0 : i32
        %get3A_136 = tpu.memref_slice %arg12[%add3A_101, %get3A_135] : memref<80x64xf32, #tpu.memory_space<vmem>> -> memref<1x64xf32, #tpu.memory_space<vmem>>
        %get3A_137 = tpu.memref_squeeze %get3A_136 : memref<1x64xf32, #tpu.memory_space<vmem>> -> memref<64xf32, #tpu.memory_space<vmem>>
        %get3A_138 = arith.constant 32 : index
        %get3A_139 = tpu.vector_load %get3A_137[%get3A_138] {strides = array<i32>} : memref<64xf32, #tpu.memory_space<vmem>>, vector<16xf32>,
        %bitcast3A_140 = vector.bitcast %get3A_139 : vector<16xf32> to vector<32xbf16>
        %mul3A_141 = arith.mulf %bitcast3A_134, %bitcast3A_140 : vector<32xbf16>
        %unpack3A_142 = tpu.unpack_subelements %mul3A_141, 0 {pack_format = #tpu.pack_format<interleaved>} : vector<32xbf16> -> vector<16xf32>
        %unpack3A_143 = tpu.unpack_subelements %mul3A_141, 1 {pack_format = #tpu.pack_format<interleaved>} : vector<32xbf16> -> vector<16xf32>
        %get3A_144 = arith.constant 0 : i32
        %get3A_145 = tpu.memref_slice %arg11[%add3A_99, %get3A_144] : memref<80x64xf32, #tpu.memory_space<vmem>> -> memref<1x64xf32, #tpu.memory_space<vmem>>
        %get3A_146 = tpu.memref_squeeze %get3A_145 : memref<1x64xf32, #tpu.memory_space<vmem>> -> memref<64xf32, #tpu.memory_space<vmem>>
        %get3A_147 = arith.constant 48 : index
        %get3A_148 = tpu.vector_load %get3A_146[%get3A_147] {strides = array<i32>} : memref<64xf32, #tpu.memory_space<vmem>>, vector<16xf32>,
        %bitcast3A_149 = vector.bitcast %get3A_148 : vector<16xf32> to vector<32xbf16>
        %get3A_150 = arith.constant 0 : i32
        %get3A_151 = tpu.memref_slice %arg12[%add3A_101, %get3A_150] : memref<80x64xf32, #tpu.memory_space<vmem>> -> memref<1x64xf32, #tpu.memory_space<vmem>>
        %get3A_152 = tpu.memref_squeeze %get3A_151 : memref<1x64xf32, #tpu.memory_space<vmem>> -> memref<64xf32, #tpu.memory_space<vmem>>
        %get3A_153 = arith.constant 48 : index
        %get3A_154 = tpu.vector_load %get3A_152[%get3A_153] {strides = array<i32>} : memref<64xf32, #tpu.memory_space<vmem>>, vector<16xf32>,
        %bitcast3A_155 = vector.bitcast %get3A_154 : vector<16xf32> to vector<32xbf16>
        %mul3A_156 = arith.mulf %bitcast3A_149, %bitcast3A_155 : vector<32xbf16>
        %unpack3A_157 = tpu.unpack_subelements %mul3A_156, 0 {pack_format = #tpu.pack_format<interleaved>} : vector<32xbf16> -> vector<16xf32>
        %unpack3A_158 = tpu.unpack_subelements %mul3A_156, 1 {pack_format = #tpu.pack_format<interleaved>} : vector<32xbf16> -> vector<16xf32>
        %add3A_159 = arith.addf %unpack3A, %unpack3A_113 : vector<16xf32>
        %add3A_160 = arith.addf %unpack3A_127, %unpack3A_128 : vector<16xf32>
        %add3A_161 = arith.addf %unpack3A_142, %unpack3A_143 : vector<16xf32>
        %add3A_162 = arith.addf %unpack3A_157, %unpack3A_158 : vector<16xf32>
        %add3A_163 = arith.addf %add3A_159, %add3A_160 : vector<16xf32>
        %add3A_164 = arith.addf %add3A_161, %add3A_162 : vector<16xf32>
        %add3A_165 = arith.addf %add3A_163, %add3A_164 : vector<16xf32>
        %broadcast_in_dim3A = arith.constant 0 : i32
        %broadcast_in_dim3A_166 = vector.broadcast %broadcast_in_dim3A : i32 to vector<16xi32>
        tpu.vector_store_idx %arg13[%iota3A, %broadcast_in_dim3A_166], %add3A_165 : memref<16x17xf32, #tpu.memory_space<vmem>>[vector<16xi32>, vector<16xi32>], vector<16xf32>,
        %add3A_167 = arith.constant 1 : i32
        %add3A_168 = arith.addi %add3A_97, %add3A_167 : i32
        %add3A_169 = arith.constant 1 : i32
        %add3A_170 = arith.addi %add3A_97, %add3A_169 : i32
        %get3A_171 = arith.constant 0 : i32
        %get3A_172 = tpu.memref_slice %arg11[%add3A_168, %get3A_171] : memref<80x64xf32, #tpu.memory_space<vmem>> -> memref<1x64xf32, #tpu.memory_space<vmem>>
        %get3A_173 = tpu.memref_squeeze %get3A_172 : memref<1x64xf32, #tpu.memory_space<vmem>> -> memref<64xf32, #tpu.memory_space<vmem>>
        %get3A_174 = arith.constant 0 : index
        %get3A_175 = tpu.vector_load %get3A_173[%get3A_174] {strides = array<i32>} : memref<64xf32, #tpu.memory_space<vmem>>, vector<16xf32>,
        %bitcast3A_176 = vector.bitcast %get3A_175 : vector<16xf32> to vector<32xbf16>
        %get3A_177 = arith.constant 0 : i32
        %get3A_178 = tpu.memref_slice %arg12[%add3A_170, %get3A_177] : memref<80x64xf32, #tpu.memory_space<vmem>> -> memref<1x64xf32, #tpu.memory_space<vmem>>
        %get3A_179 = tpu.memref_squeeze %get3A_178 : memref<1x64xf32, #tpu.memory_space<vmem>> -> memref<64xf32, #tpu.memory_space<vmem>>
        %get3A_180 = arith.constant 0 : index
        %get3A_181 = tpu.vector_load %get3A_179[%get3A_180] {strides = array<i32>} : memref<64xf32, #tpu.memory_space<vmem>>, vector<16xf32>,
        %bitcast3A_182 = vector.bitcast %get3A_181 : vector<16xf32> to vector<32xbf16>
        %mul3A_183 = arith.mulf %bitcast3A_176, %bitcast3A_182 : vector<32xbf16>
        %unpack3A_184 = tpu.unpack_subelements %mul3A_183, 0 {pack_format = #tpu.pack_format<interleaved>} : vector<32xbf16> -> vector<16xf32>
        %unpack3A_185 = tpu.unpack_subelements %mul3A_183, 1 {pack_format = #tpu.pack_format<interleaved>} : vector<32xbf16> -> vector<16xf32>
        %get3A_186 = arith.constant 0 : i32
        %get3A_187 = tpu.memref_slice %arg11[%add3A_168, %get3A_186] : memref<80x64xf32, #tpu.memory_space<vmem>> -> memref<1x64xf32, #tpu.memory_space<vmem>>
        %get3A_188 = tpu.memref_squeeze %get3A_187 : memref<1x64xf32, #tpu.memory_space<vmem>> -> memref<64xf32, #tpu.memory_space<vmem>>
        %get3A_189 = arith.constant 16 : index
        %get3A_190 = tpu.vector_load %get3A_188[%get3A_189] {strides = array<i32>} : memref<64xf32, #tpu.memory_space<vmem>>, vector<16xf32>,
        %bitcast3A_191 = vector.bitcast %get3A_190 : vector<16xf32> to vector<32xbf16>
        %get3A_192 = arith.constant 0 : i32
        %get3A_193 = tpu.memref_slice %arg12[%add3A_170, %get3A_192] : memref<80x64xf32, #tpu.memory_space<vmem>> -> memref<1x64xf32, #tpu.memory_space<vmem>>
        %get3A_194 = tpu.memref_squeeze %get3A_193 : memref<1x64xf32, #tpu.memory_space<vmem>> -> memref<64xf32, #tpu.memory_space<vmem>>
        %get3A_195 = arith.constant 16 : index
        %get3A_196 = tpu.vector_load %get3A_194[%get3A_195] {strides = array<i32>} : memref<64xf32, #tpu.memory_space<vmem>>, vector<16xf32>,
        %bitcast3A_197 = vector.bitcast %get3A_196 : vector<16xf32> to vector<32xbf16>
        %mul3A_198 = arith.mulf %bitcast3A_191, %bitcast3A_197 : vector<32xbf16>
        %unpack3A_199 = tpu.unpack_subelements %mul3A_198, 0 {pack_format = #tpu.pack_format<interleaved>} : vector<32xbf16> -> vector<16xf32>
        %unpack3A_200 = tpu.unpack_subelements %mul3A_198, 1 {pack_format = #tpu.pack_format<interleaved>} : vector<32xbf16> -> vector<16xf32>
        %get3A_201 = arith.constant 0 : i32
        %get3A_202 = tpu.memref_slice %arg11[%add3A_168, %get3A_201] : memref<80x64xf32, #tpu.memory_space<vmem>> -> memref<1x64xf32, #tpu.memory_space<vmem>>
        %get3A_203 = tpu.memref_squeeze %get3A_202 : memref<1x64xf32, #tpu.memory_space<vmem>> -> memref<64xf32, #tpu.memory_space<vmem>>
        %get3A_204 = arith.constant 32 : index
        %get3A_205 = tpu.vector_load %get3A_203[%get3A_204] {strides = array<i32>} : memref<64xf32, #tpu.memory_space<vmem>>, vector<16xf32>,
        %bitcast3A_206 = vector.bitcast %get3A_205 : vector<16xf32> to vector<32xbf16>
        %get3A_207 = arith.constant 0 : i32
        %get3A_208 = tpu.memref_slice %arg12[%add3A_170, %get3A_207] : memref<80x64xf32, #tpu.memory_space<vmem>> -> memref<1x64xf32, #tpu.memory_space<vmem>>
        %get3A_209 = tpu.memref_squeeze %get3A_208 : memref<1x64xf32, #tpu.memory_space<vmem>> -> memref<64xf32, #tpu.memory_space<vmem>>
        %get3A_210 = arith.constant 32 : index
        %get3A_211 = tpu.vector_load %get3A_209[%get3A_210] {strides = array<i32>} : memref<64xf32, #tpu.memory_space<vmem>>, vector<16xf32>,
        %bitcast3A_212 = vector.bitcast %get3A_211 : vector<16xf32> to vector<32xbf16>
        %mul3A_213 = arith.mulf %bitcast3A_206, %bitcast3A_212 : vector<32xbf16>
        %unpack3A_214 = tpu.unpack_subelements %mul3A_213, 0 {pack_format = #tpu.pack_format<interleaved>} : vector<32xbf16> -> vector<16xf32>
        %unpack3A_215 = tpu.unpack_subelements %mul3A_213, 1 {pack_format = #tpu.pack_format<interleaved>} : vector<32xbf16> -> vector<16xf32>
        %get3A_216 = arith.constant 0 : i32
        %get3A_217 = tpu.memref_slice %arg11[%add3A_168, %get3A_216] : memref<80x64xf32, #tpu.memory_space<vmem>> -> memref<1x64xf32, #tpu.memory_space<vmem>>
        %get3A_218 = tpu.memref_squeeze %get3A_217 : memref<1x64xf32, #tpu.memory_space<vmem>> -> memref<64xf32, #tpu.memory_space<vmem>>
        %get3A_219 = arith.constant 48 : index
        %get3A_220 = tpu.vector_load %get3A_218[%get3A_219] {strides = array<i32>} : memref<64xf32, #tpu.memory_space<vmem>>, vector<16xf32>,
        %bitcast3A_221 = vector.bitcast %get3A_220 : vector<16xf32> to vector<32xbf16>
        %get3A_222 = arith.constant 0 : i32
        %get3A_223 = tpu.memref_slice %arg12[%add3A_170, %get3A_222] : memref<80x64xf32, #tpu.memory_space<vmem>> -> memref<1x64xf32, #tpu.memory_space<vmem>>
        %get3A_224 = tpu.memref_squeeze %get3A_223 : memref<1x64xf32, #tpu.memory_space<vmem>> -> memref<64xf32, #tpu.memory_space<vmem>>
        %get3A_225 = arith.constant 48 : index
        %get3A_226 = tpu.vector_load %get3A_224[%get3A_225] {strides = array<i32>} : memref<64xf32, #tpu.memory_space<vmem>>, vector<16xf32>,
        %bitcast3A_227 = vector.bitcast %get3A_226 : vector<16xf32> to vector<32xbf16>
        %mul3A_228 = arith.mulf %bitcast3A_221, %bitcast3A_227 : vector<32xbf16>
        %unpack3A_229 = tpu.unpack_subelements %mul3A_228, 0 {pack_format = #tpu.pack_format<interleaved>} : vector<32xbf16> -> vector<16xf32>
        %unpack3A_230 = tpu.unpack_subelements %mul3A_228, 1 {pack_format = #tpu.pack_format<interleaved>} : vector<32xbf16> -> vector<16xf32>
        %add3A_231 = arith.addf %unpack3A_184, %unpack3A_185 : vector<16xf32>
        %add3A_232 = arith.addf %unpack3A_199, %unpack3A_200 : vector<16xf32>
        %add3A_233 = arith.addf %unpack3A_214, %unpack3A_215 : vector<16xf32>
        %add3A_234 = arith.addf %unpack3A_229, %unpack3A_230 : vector<16xf32>
        %add3A_235 = arith.addf %add3A_231, %add3A_232 : vector<16xf32>
        %add3A_236 = arith.addf %add3A_233, %add3A_234 : vector<16xf32>
        %add3A_237 = arith.addf %add3A_235, %add3A_236 : vector<16xf32>
        %broadcast_in_dim3A_238 = arith.constant 1 : i32
        %broadcast_in_dim3A_239 = vector.broadcast %broadcast_in_dim3A_238 : i32 to vector<16xi32>
        tpu.vector_store_idx %arg13[%iota3A, %broadcast_in_dim3A_239], %add3A_237 : memref<16x17xf32, #tpu.memory_space<vmem>>[vector<16xi32>, vector<16xi32>], vector<16xf32>,
        %add3A_240 = arith.constant 2 : i32
        %add3A_241 = arith.addi %add3A_97, %add3A_240 : i32
        %add3A_242 = arith.constant 2 : i32
        %add3A_243 = arith.addi %add3A_97, %add3A_242 : i32
        %get3A_244 = arith.constant 0 : i32
        %get3A_245 = tpu.memref_slice %arg11[%add3A_241, %get3A_244] : memref<80x64xf32, #tpu.memory_space<vmem>> -> memref<1x64xf32, #tpu.memory_space<vmem>>
        %get3A_246 = tpu.memref_squeeze %get3A_245 : memref<1x64xf32, #tpu.memory_space<vmem>> -> memref<64xf32, #tpu.memory_space<vmem>>
        %get3A_247 = arith.constant 0 : index
        %get3A_248 = tpu.vector_load %get3A_246[%get3A_247] {strides = array<i32>} : memref<64xf32, #tpu.memory_space<vmem>>, vector<16xf32>,
        %bitcast3A_249 = vector.bitcast %get3A_248 : vector<16xf32> to vector<32xbf16>
        %get3A_250 = arith.constant 0 : i32
        %get3A_251 = tpu.memref_slice %arg12[%add3A_243, %get3A_250] : memref<80x64xf32, #tpu.memory_space<vmem>> -> memref<1x64xf32, #tpu.memory_space<vmem>>
        %get3A_252 = tpu.memref_squeeze %get3A_251 : memref<1x64xf32, #tpu.memory_space<vmem>> -> memref<64xf32, #tpu.memory_space<vmem>>
        %get3A_253 = arith.constant 0 : index
        %get3A_254 = tpu.vector_load %get3A_252[%get3A_253] {strides = array<i32>} : memref<64xf32, #tpu.memory_space<vmem>>, vector<16xf32>,
        %bitcast3A_255 = vector.bitcast %get3A_254 : vector<16xf32> to vector<32xbf16>
        %mul3A_256 = arith.mulf %bitcast3A_249, %bitcast3A_255 : vector<32xbf16>
        %unpack3A_257 = tpu.unpack_subelements %mul3A_256, 0 {pack_format = #tpu.pack_format<interleaved>} : vector<32xbf16> -> vector<16xf32>
        %unpack3A_258 = tpu.unpack_subelements %mul3A_256, 1 {pack_format = #tpu.pack_format<interleaved>} : vector<32xbf16> -> vector<16xf32>
        %get3A_259 = arith.constant 0 : i32
        %get3A_260 = tpu.memref_slice %arg11[%add3A_241, %get3A_259] : memref<80x64xf32, #tpu.memory_space<vmem>> -> memref<1x64xf32, #tpu.memory_space<vmem>>
        %get3A_261 = tpu.memref_squeeze %get3A_260 : memref<1x64xf32, #tpu.memory_space<vmem>> -> memref<64xf32, #tpu.memory_space<vmem>>
        %get3A_262 = arith.constant 16 : index
        %get3A_263 = tpu.vector_load %get3A_261[%get3A_262] {strides = array<i32>} : memref<64xf32, #tpu.memory_space<vmem>>, vector<16xf32>,
        %bitcast3A_264 = vector.bitcast %get3A_263 : vector<16xf32> to vector<32xbf16>
        %get3A_265 = arith.constant 0 : i32
        %get3A_266 = tpu.memref_slice %arg12[%add3A_243, %get3A_265] : memref<80x64xf32, #tpu.memory_space<vmem>> -> memref<1x64xf32, #tpu.memory_space<vmem>>
        %get3A_267 = tpu.memref_squeeze %get3A_266 : memref<1x64xf32, #tpu.memory_space<vmem>> -> memref<64xf32, #tpu.memory_space<vmem>>
        %get3A_268 = arith.constant 16 : index
        %get3A_269 = tpu.vector_load %get3A_267[%get3A_268] {strides = array<i32>} : memref<64xf32, #tpu.memory_space<vmem>>, vector<16xf32>,
        %bitcast3A_270 = vector.bitcast %get3A_269 : vector<16xf32> to vector<32xbf16>
        %mul3A_271 = arith.mulf %bitcast3A_264, %bitcast3A_270 : vector<32xbf16>
        %unpack3A_272 = tpu.unpack_subelements %mul3A_271, 0 {pack_format = #tpu.pack_format<interleaved>} : vector<32xbf16> -> vector<16xf32>
        %unpack3A_273 = tpu.unpack_subelements %mul3A_271, 1 {pack_format = #tpu.pack_format<interleaved>} : vector<32xbf16> -> vector<16xf32>
        %get3A_274 = arith.constant 0 : i32
        %get3A_275 = tpu.memref_slice %arg11[%add3A_241, %get3A_274] : memref<80x64xf32, #tpu.memory_space<vmem>> -> memref<1x64xf32, #tpu.memory_space<vmem>>
        %get3A_276 = tpu.memref_squeeze %get3A_275 : memref<1x64xf32, #tpu.memory_space<vmem>> -> memref<64xf32, #tpu.memory_space<vmem>>
        %get3A_277 = arith.constant 32 : index
        %get3A_278 = tpu.vector_load %get3A_276[%get3A_277] {strides = array<i32>} : memref<64xf32, #tpu.memory_space<vmem>>, vector<16xf32>,
        %bitcast3A_279 = vector.bitcast %get3A_278 : vector<16xf32> to vector<32xbf16>
        %get3A_280 = arith.constant 0 : i32
        %get3A_281 = tpu.memref_slice %arg12[%add3A_243, %get3A_280] : memref<80x64xf32, #tpu.memory_space<vmem>> -> memref<1x64xf32, #tpu.memory_space<vmem>>
        %get3A_282 = tpu.memref_squeeze %get3A_281 : memref<1x64xf32, #tpu.memory_space<vmem>> -> memref<64xf32, #tpu.memory_space<vmem>>
        %get3A_283 = arith.constant 32 : index
        %get3A_284 = tpu.vector_load %get3A_282[%get3A_283] {strides = array<i32>} : memref<64xf32, #tpu.memory_space<vmem>>, vector<16xf32>,
        %bitcast3A_285 = vector.bitcast %get3A_284 : vector<16xf32> to vector<32xbf16>
        %mul3A_286 = arith.mulf %bitcast3A_279, %bitcast3A_285 : vector<32xbf16>
        %unpack3A_287 = tpu.unpack_subelements %mul3A_286, 0 {pack_format = #tpu.pack_format<interleaved>} : vector<32xbf16> -> vector<16xf32>
        %unpack3A_288 = tpu.unpack_subelements %mul3A_286, 1 {pack_format = #tpu.pack_format<interleaved>} : vector<32xbf16> -> vector<16xf32>
        %get3A_289 = arith.constant 0 : i32
        %get3A_290 = tpu.memref_slice %arg11[%add3A_241, %get3A_289] : memref<80x64xf32, #tpu.memory_space<vmem>> -> memref<1x64xf32, #tpu.memory_space<vmem>>
        %get3A_291 = tpu.memref_squeeze %get3A_290 : memref<1x64xf32, #tpu.memory_space<vmem>> -> memref<64xf32, #tpu.memory_space<vmem>>
        %get3A_292 = arith.constant 48 : index
        %get3A_293 = tpu.vector_load %get3A_291[%get3A_292] {strides = array<i32>} : memref<64xf32, #tpu.memory_space<vmem>>, vector<16xf32>,
        %bitcast3A_294 = vector.bitcast %get3A_293 : vector<16xf32> to vector<32xbf16>
        %get3A_295 = arith.constant 0 : i32
        %get3A_296 = tpu.memref_slice %arg12[%add3A_243, %get3A_295] : memref<80x64xf32, #tpu.memory_space<vmem>> -> memref<1x64xf32, #tpu.memory_space<vmem>>
        %get3A_297 = tpu.memref_squeeze %get3A_296 : memref<1x64xf32, #tpu.memory_space<vmem>> -> memref<64xf32, #tpu.memory_space<vmem>>
        %get3A_298 = arith.constant 48 : index
        %get3A_299 = tpu.vector_load %get3A_297[%get3A_298] {strides = array<i32>} : memref<64xf32, #tpu.memory_space<vmem>>, vector<16xf32>,
        %bitcast3A_300 = vector.bitcast %get3A_299 : vector<16xf32> to vector<32xbf16>
        %mul3A_301 = arith.mulf %bitcast3A_294, %bitcast3A_300 : vector<32xbf16>
        %unpack3A_302 = tpu.unpack_subelements %mul3A_301, 0 {pack_format = #tpu.pack_format<interleaved>} : vector<32xbf16> -> vector<16xf32>
        %unpack3A_303 = tpu.unpack_subelements %mul3A_301, 1 {pack_format = #tpu.pack_format<interleaved>} : vector<32xbf16> -> vector<16xf32>
        %add3A_304 = arith.addf %unpack3A_257, %unpack3A_258 : vector<16xf32>
        %add3A_305 = arith.addf %unpack3A_272, %unpack3A_273 : vector<16xf32>
        %add3A_306 = arith.addf %unpack3A_287, %unpack3A_288 : vector<16xf32>
        %add3A_307 = arith.addf %unpack3A_302, %unpack3A_303 : vector<16xf32>
        %add3A_308 = arith.addf %add3A_304, %add3A_305 : vector<16xf32>
        %add3A_309 = arith.addf %add3A_306, %add3A_307 : vector<16xf32>
        %add3A_310 = arith.addf %add3A_308, %add3A_309 : vector<16xf32>
        %broadcast_in_dim3A_311 = arith.constant 2 : i32
        %broadcast_in_dim3A_312 = vector.broadcast %broadcast_in_dim3A_311 : i32 to vector<16xi32>
        tpu.vector_store_idx %arg13[%iota3A, %broadcast_in_dim3A_312], %add3A_310 : memref<16x17xf32, #tpu.memory_space<vmem>>[vector<16xi32>, vector<16xi32>], vector<16xf32>,
        %add3A_313 = arith.constant 3 : i32
        %add3A_314 = arith.addi %add3A_97, %add3A_313 : i32
        %add3A_315 = arith.constant 3 : i32
        %add3A_316 = arith.addi %add3A_97, %add3A_315 : i32
        %get3A_317 = arith.constant 0 : i32
        %get3A_318 = tpu.memref_slice %arg11[%add3A_314, %get3A_317] : memref<80x64xf32, #tpu.memory_space<vmem>> -> memref<1x64xf32, #tpu.memory_space<vmem>>
        %get3A_319 = tpu.memref_squeeze %get3A_318 : memref<1x64xf32, #tpu.memory_space<vmem>> -> memref<64xf32, #tpu.memory_space<vmem>>
        %get3A_320 = arith.constant 0 : index
        %get3A_321 = tpu.vector_load %get3A_319[%get3A_320] {strides = array<i32>} : memref<64xf32, #tpu.memory_space<vmem>>, vector<16xf32>,
        %bitcast3A_322 = vector.bitcast %get3A_321 : vector<16xf32> to vector<32xbf16>
        %get3A_323 = arith.constant 0 : i32
        %get3A_324 = tpu.memref_slice %arg12[%add3A_316, %get3A_323] : memref<80x64xf32, #tpu.memory_space<vmem>> -> memref<1x64xf32, #tpu.memory_space<vmem>>
        %get3A_325 = tpu.memref_squeeze %get3A_324 : memref<1x64xf32, #tpu.memory_space<vmem>> -> memref<64xf32, #tpu.memory_space<vmem>>
        %get3A_326 = arith.constant 0 : index
        %get3A_327 = tpu.vector_load %get3A_325[%get3A_326] {strides = array<i32>} : memref<64xf32, #tpu.memory_space<vmem>>, vector<16xf32>,
        %bitcast3A_328 = vector.bitcast %get3A_327 : vector<16xf32> to vector<32xbf16>
        %mul3A_329 = arith.mulf %bitcast3A_322, %bitcast3A_328 : vector<32xbf16>
        %unpack3A_330 = tpu.unpack_subelements %mul3A_329, 0 {pack_format = #tpu.pack_format<interleaved>} : vector<32xbf16> -> vector<16xf32>
        %unpack3A_331 = tpu.unpack_subelements %mul3A_329, 1 {pack_format = #tpu.pack_format<interleaved>} : vector<32xbf16> -> vector<16xf32>
        %get3A_332 = arith.constant 0 : i32
        %get3A_333 = tpu.memref_slice %arg11[%add3A_314, %get3A_332] : memref<80x64xf32, #tpu.memory_space<vmem>> -> memref<1x64xf32, #tpu.memory_space<vmem>>
        %get3A_334 = tpu.memref_squeeze %get3A_333 : memref<1x64xf32, #tpu.memory_space<vmem>> -> memref<64xf32, #tpu.memory_space<vmem>>
        %get3A_335 = arith.constant 16 : index
        %get3A_336 = tpu.vector_load %get3A_334[%get3A_335] {strides = array<i32>} : memref<64xf32, #tpu.memory_space<vmem>>, vector<16xf32>,
        %bitcast3A_337 = vector.bitcast %get3A_336 : vector<16xf32> to vector<32xbf16>
        %get3A_338 = arith.constant 0 : i32
        %get3A_339 = tpu.memref_slice %arg12[%add3A_316, %get3A_338] : memref<80x64xf32, #tpu.memory_space<vmem>> -> memref<1x64xf32, #tpu.memory_space<vmem>>
        %get3A_340 = tpu.memref_squeeze %get3A_339 : memref<1x64xf32, #tpu.memory_space<vmem>> -> memref<64xf32, #tpu.memory_space<vmem>>
        %get3A_341 = arith.constant 16 : index
        %get3A_342 = tpu.vector_load %get3A_340[%get3A_341] {strides = array<i32>} : memref<64xf32, #tpu.memory_space<vmem>>, vector<16xf32>,
        %bitcast3A_343 = vector.bitcast %get3A_342 : vector<16xf32> to vector<32xbf16>
        %mul3A_344 = arith.mulf %bitcast3A_337, %bitcast3A_343 : vector<32xbf16>
        %unpack3A_345 = tpu.unpack_subelements %mul3A_344, 0 {pack_format = #tpu.pack_format<interleaved>} : vector<32xbf16> -> vector<16xf32>
        %unpack3A_346 = tpu.unpack_subelements %mul3A_344, 1 {pack_format = #tpu.pack_format<interleaved>} : vector<32xbf16> -> vector<16xf32>
        %get3A_347 = arith.constant 0 : i32
        %get3A_348 = tpu.memref_slice %arg11[%add3A_314, %get3A_347] : memref<80x64xf32, #tpu.memory_space<vmem>> -> memref<1x64xf32, #tpu.memory_space<vmem>>
        %get3A_349 = tpu.memref_squeeze %get3A_348 : memref<1x64xf32, #tpu.memory_space<vmem>> -> memref<64xf32, #tpu.memory_space<vmem>>
        %get3A_350 = arith.constant 32 : index
        %get3A_351 = tpu.vector_load %get3A_349[%get3A_350] {strides = array<i32>} : memref<64xf32, #tpu.memory_space<vmem>>, vector<16xf32>,
        %bitcast3A_352 = vector.bitcast %get3A_351 : vector<16xf32> to vector<32xbf16>
        %get3A_353 = arith.constant 0 : i32
        %get3A_354 = tpu.memref_slice %arg12[%add3A_316, %get3A_353] : memref<80x64xf32, #tpu.memory_space<vmem>> -> memref<1x64xf32, #tpu.memory_space<vmem>>
        %get3A_355 = tpu.memref_squeeze %get3A_354 : memref<1x64xf32, #tpu.memory_space<vmem>> -> memref<64xf32, #tpu.memory_space<vmem>>
        %get3A_356 = arith.constant 32 : index
        %get3A_357 = tpu.vector_load %get3A_355[%get3A_356] {strides = array<i32>} : memref<64xf32, #tpu.memory_space<vmem>>, vector<16xf32>,
        %bitcast3A_358 = vector.bitcast %get3A_357 : vector<16xf32> to vector<32xbf16>
        %mul3A_359 = arith.mulf %bitcast3A_352, %bitcast3A_358 : vector<32xbf16>
        %unpack3A_360 = tpu.unpack_subelements %mul3A_359, 0 {pack_format = #tpu.pack_format<interleaved>} : vector<32xbf16> -> vector<16xf32>
        %unpack3A_361 = tpu.unpack_subelements %mul3A_359, 1 {pack_format = #tpu.pack_format<interleaved>} : vector<32xbf16> -> vector<16xf32>
        %get3A_362 = arith.constant 0 : i32
        %get3A_363 = tpu.memref_slice %arg11[%add3A_314, %get3A_362] : memref<80x64xf32, #tpu.memory_space<vmem>> -> memref<1x64xf32, #tpu.memory_space<vmem>>
        %get3A_364 = tpu.memref_squeeze %get3A_363 : memref<1x64xf32, #tpu.memory_space<vmem>> -> memref<64xf32, #tpu.memory_space<vmem>>
        %get3A_365 = arith.constant 48 : index
        %get3A_366 = tpu.vector_load %get3A_364[%get3A_365] {strides = array<i32>} : memref<64xf32, #tpu.memory_space<vmem>>, vector<16xf32>,
        %bitcast3A_367 = vector.bitcast %get3A_366 : vector<16xf32> to vector<32xbf16>
        %get3A_368 = arith.constant 0 : i32
        %get3A_369 = tpu.memref_slice %arg12[%add3A_316, %get3A_368] : memref<80x64xf32, #tpu.memory_space<vmem>> -> memref<1x64xf32, #tpu.memory_space<vmem>>
        %get3A_370 = tpu.memref_squeeze %get3A_369 : memref<1x64xf32, #tpu.memory_space<vmem>> -> memref<64xf32, #tpu.memory_space<vmem>>
        %get3A_371 = arith.constant 48 : index
        %get3A_372 = tpu.vector_load %get3A_370[%get3A_371] {strides = array<i32>} : memref<64xf32, #tpu.memory_space<vmem>>, vector<16xf32>,
        %bitcast3A_373 = vector.bitcast %get3A_372 : vector<16xf32> to vector<32xbf16>
        %mul3A_374 = arith.mulf %bitcast3A_367, %bitcast3A_373 : vector<32xbf16>
        %unpack3A_375 = tpu.unpack_subelements %mul3A_374, 0 {pack_format = #tpu.pack_format<interleaved>} : vector<32xbf16> -> vector<16xf32>
        %unpack3A_376 = tpu.unpack_subelements %mul3A_374, 1 {pack_format = #tpu.pack_format<interleaved>} : vector<32xbf16> -> vector<16xf32>
        %add3A_377 = arith.addf %unpack3A_330, %unpack3A_331 : vector<16xf32>
        %add3A_378 = arith.addf %unpack3A_345, %unpack3A_346 : vector<16xf32>
        %add3A_379 = arith.addf %unpack3A_360, %unpack3A_361 : vector<16xf32>
        %add3A_380 = arith.addf %unpack3A_375, %unpack3A_376 : vector<16xf32>
        %add3A_381 = arith.addf %add3A_377, %add3A_378 : vector<16xf32>
        %add3A_382 = arith.addf %add3A_379, %add3A_380 : vector<16xf32>
        %add3A_383 = arith.addf %add3A_381, %add3A_382 : vector<16xf32>
        %broadcast_in_dim3A_384 = arith.constant 3 : i32
        %broadcast_in_dim3A_385 = vector.broadcast %broadcast_in_dim3A_384 : i32 to vector<16xi32>
        tpu.vector_store_idx %arg13[%iota3A, %broadcast_in_dim3A_385], %add3A_383 : memref<16x17xf32, #tpu.memory_space<vmem>>[vector<16xi32>, vector<16xi32>], vector<16xf32>,
        %add3A_386 = arith.constant 4 : i32
        %add3A_387 = arith.addi %add3A_97, %add3A_386 : i32
        %add3A_388 = arith.constant 4 : i32
        %add3A_389 = arith.addi %add3A_97, %add3A_388 : i32
        %get3A_390 = arith.constant 0 : i32
        %get3A_391 = tpu.memref_slice %arg11[%add3A_387, %get3A_390] : memref<80x64xf32, #tpu.memory_space<vmem>> -> memref<1x64xf32, #tpu.memory_space<vmem>>
        %get3A_392 = tpu.memref_squeeze %get3A_391 : memref<1x64xf32, #tpu.memory_space<vmem>> -> memref<64xf32, #tpu.memory_space<vmem>>
        %get3A_393 = arith.constant 0 : index
        %get3A_394 = tpu.vector_load %get3A_392[%get3A_393] {strides = array<i32>} : memref<64xf32, #tpu.memory_space<vmem>>, vector<16xf32>,
        %bitcast3A_395 = vector.bitcast %get3A_394 : vector<16xf32> to vector<32xbf16>
        %get3A_396 = arith.constant 0 : i32
        %get3A_397 = tpu.memref_slice %arg12[%add3A_389, %get3A_396] : memref<80x64xf32, #tpu.memory_space<vmem>> -> memref<1x64xf32, #tpu.memory_space<vmem>>
        %get3A_398 = tpu.memref_squeeze %get3A_397 : memref<1x64xf32, #tpu.memory_space<vmem>> -> memref<64xf32, #tpu.memory_space<vmem>>
        %get3A_399 = arith.constant 0 : index
        %get3A_400 = tpu.vector_load %get3A_398[%get3A_399] {strides = array<i32>} : memref<64xf32, #tpu.memory_space<vmem>>, vector<16xf32>,
        %bitcast3A_401 = vector.bitcast %get3A_400 : vector<16xf32> to vector<32xbf16>
        %mul3A_402 = arith.mulf %bitcast3A_395, %bitcast3A_401 : vector<32xbf16>
        %unpack3A_403 = tpu.unpack_subelements %mul3A_402, 0 {pack_format = #tpu.pack_format<interleaved>} : vector<32xbf16> -> vector<16xf32>
        %unpack3A_404 = tpu.unpack_subelements %mul3A_402, 1 {pack_format = #tpu.pack_format<interleaved>} : vector<32xbf16> -> vector<16xf32>
        %get3A_405 = arith.constant 0 : i32
        %get3A_406 = tpu.memref_slice %arg11[%add3A_387, %get3A_405] : memref<80x64xf32, #tpu.memory_space<vmem>> -> memref<1x64xf32, #tpu.memory_space<vmem>>
        %get3A_407 = tpu.memref_squeeze %get3A_406 : memref<1x64xf32, #tpu.memory_space<vmem>> -> memref<64xf32, #tpu.memory_space<vmem>>
        %get3A_408 = arith.constant 16 : index
        %get3A_409 = tpu.vector_load %get3A_407[%get3A_408] {strides = array<i32>} : memref<64xf32, #tpu.memory_space<vmem>>, vector<16xf32>,
        %bitcast3A_410 = vector.bitcast %get3A_409 : vector<16xf32> to vector<32xbf16>
        %get3A_411 = arith.constant 0 : i32
        %get3A_412 = tpu.memref_slice %arg12[%add3A_389, %get3A_411] : memref<80x64xf32, #tpu.memory_space<vmem>> -> memref<1x64xf32, #tpu.memory_space<vmem>>
        %get3A_413 = tpu.memref_squeeze %get3A_412 : memref<1x64xf32, #tpu.memory_space<vmem>> -> memref<64xf32, #tpu.memory_space<vmem>>
        %get3A_414 = arith.constant 16 : index
        %get3A_415 = tpu.vector_load %get3A_413[%get3A_414] {strides = array<i32>} : memref<64xf32, #tpu.memory_space<vmem>>, vector<16xf32>,
        %bitcast3A_416 = vector.bitcast %get3A_415 : vector<16xf32> to vector<32xbf16>
        %mul3A_417 = arith.mulf %bitcast3A_410, %bitcast3A_416 : vector<32xbf16>
        %unpack3A_418 = tpu.unpack_subelements %mul3A_417, 0 {pack_format = #tpu.pack_format<interleaved>} : vector<32xbf16> -> vector<16xf32>
        %unpack3A_419 = tpu.unpack_subelements %mul3A_417, 1 {pack_format = #tpu.pack_format<interleaved>} : vector<32xbf16> -> vector<16xf32>
        %get3A_420 = arith.constant 0 : i32
        %get3A_421 = tpu.memref_slice %arg11[%add3A_387, %get3A_420] : memref<80x64xf32, #tpu.memory_space<vmem>> -> memref<1x64xf32, #tpu.memory_space<vmem>>
        %get3A_422 = tpu.memref_squeeze %get3A_421 : memref<1x64xf32, #tpu.memory_space<vmem>> -> memref<64xf32, #tpu.memory_space<vmem>>
        %get3A_423 = arith.constant 32 : index
        %get3A_424 = tpu.vector_load %get3A_422[%get3A_423] {strides = array<i32>} : memref<64xf32, #tpu.memory_space<vmem>>, vector<16xf32>,
        %bitcast3A_425 = vector.bitcast %get3A_424 : vector<16xf32> to vector<32xbf16>
        %get3A_426 = arith.constant 0 : i32
        %get3A_427 = tpu.memref_slice %arg12[%add3A_389, %get3A_426] : memref<80x64xf32, #tpu.memory_space<vmem>> -> memref<1x64xf32, #tpu.memory_space<vmem>>
        %get3A_428 = tpu.memref_squeeze %get3A_427 : memref<1x64xf32, #tpu.memory_space<vmem>> -> memref<64xf32, #tpu.memory_space<vmem>>
        %get3A_429 = arith.constant 32 : index
        %get3A_430 = tpu.vector_load %get3A_428[%get3A_429] {strides = array<i32>} : memref<64xf32, #tpu.memory_space<vmem>>, vector<16xf32>,
        %bitcast3A_431 = vector.bitcast %get3A_430 : vector<16xf32> to vector<32xbf16>
        %mul3A_432 = arith.mulf %bitcast3A_425, %bitcast3A_431 : vector<32xbf16>
        %unpack3A_433 = tpu.unpack_subelements %mul3A_432, 0 {pack_format = #tpu.pack_format<interleaved>} : vector<32xbf16> -> vector<16xf32>
        %unpack3A_434 = tpu.unpack_subelements %mul3A_432, 1 {pack_format = #tpu.pack_format<interleaved>} : vector<32xbf16> -> vector<16xf32>
        %get3A_435 = arith.constant 0 : i32
        %get3A_436 = tpu.memref_slice %arg11[%add3A_387, %get3A_435] : memref<80x64xf32, #tpu.memory_space<vmem>> -> memref<1x64xf32, #tpu.memory_space<vmem>>
        %get3A_437 = tpu.memref_squeeze %get3A_436 : memref<1x64xf32, #tpu.memory_space<vmem>> -> memref<64xf32, #tpu.memory_space<vmem>>
        %get3A_438 = arith.constant 48 : index
        %get3A_439 = tpu.vector_load %get3A_437[%get3A_438] {strides = array<i32>} : memref<64xf32, #tpu.memory_space<vmem>>, vector<16xf32>,
        %bitcast3A_440 = vector.bitcast %get3A_439 : vector<16xf32> to vector<32xbf16>
        %get3A_441 = arith.constant 0 : i32
        %get3A_442 = tpu.memref_slice %arg12[%add3A_389, %get3A_441] : memref<80x64xf32, #tpu.memory_space<vmem>> -> memref<1x64xf32, #tpu.memory_space<vmem>>
        %get3A_443 = tpu.memref_squeeze %get3A_442 : memref<1x64xf32, #tpu.memory_space<vmem>> -> memref<64xf32, #tpu.memory_space<vmem>>
        %get3A_444 = arith.constant 48 : index
        %get3A_445 = tpu.vector_load %get3A_443[%get3A_444] {strides = array<i32>} : memref<64xf32, #tpu.memory_space<vmem>>, vector<16xf32>,
        %bitcast3A_446 = vector.bitcast %get3A_445 : vector<16xf32> to vector<32xbf16>
        %mul3A_447 = arith.mulf %bitcast3A_440, %bitcast3A_446 : vector<32xbf16>
        %unpack3A_448 = tpu.unpack_subelements %mul3A_447, 0 {pack_format = #tpu.pack_format<interleaved>} : vector<32xbf16> -> vector<16xf32>
        %unpack3A_449 = tpu.unpack_subelements %mul3A_447, 1 {pack_format = #tpu.pack_format<interleaved>} : vector<32xbf16> -> vector<16xf32>
        %add3A_450 = arith.addf %unpack3A_403, %unpack3A_404 : vector<16xf32>
        %add3A_451 = arith.addf %unpack3A_418, %unpack3A_419 : vector<16xf32>
        %add3A_452 = arith.addf %unpack3A_433, %unpack3A_434 : vector<16xf32>
        %add3A_453 = arith.addf %unpack3A_448, %unpack3A_449 : vector<16xf32>
        %add3A_454 = arith.addf %add3A_450, %add3A_451 : vector<16xf32>
        %add3A_455 = arith.addf %add3A_452, %add3A_453 : vector<16xf32>
        %add3A_456 = arith.addf %add3A_454, %add3A_455 : vector<16xf32>
        %broadcast_in_dim3A_457 = arith.constant 4 : i32
        %broadcast_in_dim3A_458 = vector.broadcast %broadcast_in_dim3A_457 : i32 to vector<16xi32>
        tpu.vector_store_idx %arg13[%iota3A, %broadcast_in_dim3A_458], %add3A_456 : memref<16x17xf32, #tpu.memory_space<vmem>>[vector<16xi32>, vector<16xi32>], vector<16xf32>,
        %add3A_459 = arith.constant 5 : i32
        %add3A_460 = arith.addi %add3A_97, %add3A_459 : i32
        %add3A_461 = arith.constant 5 : i32
        %add3A_462 = arith.addi %add3A_97, %add3A_461 : i32
        %get3A_463 = arith.constant 0 : i32
        %get3A_464 = tpu.memref_slice %arg11[%add3A_460, %get3A_463] : memref<80x64xf32, #tpu.memory_space<vmem>> -> memref<1x64xf32, #tpu.memory_space<vmem>>
        %get3A_465 = tpu.memref_squeeze %get3A_464 : memref<1x64xf32, #tpu.memory_space<vmem>> -> memref<64xf32, #tpu.memory_space<vmem>>
        %get3A_466 = arith.constant 0 : index
        %get3A_467 = tpu.vector_load %get3A_465[%get3A_466] {strides = array<i32>} : memref<64xf32, #tpu.memory_space<vmem>>, vector<16xf32>,
        %bitcast3A_468 = vector.bitcast %get3A_467 : vector<16xf32> to vector<32xbf16>
        %get3A_469 = arith.constant 0 : i32
        %get3A_470 = tpu.memref_slice %arg12[%add3A_462, %get3A_469] : memref<80x64xf32, #tpu.memory_space<vmem>> -> memref<1x64xf32, #tpu.memory_space<vmem>>
        %get3A_471 = tpu.memref_squeeze %get3A_470 : memref<1x64xf32, #tpu.memory_space<vmem>> -> memref<64xf32, #tpu.memory_space<vmem>>
        %get3A_472 = arith.constant 0 : index
        %get3A_473 = tpu.vector_load %get3A_471[%get3A_472] {strides = array<i32>} : memref<64xf32, #tpu.memory_space<vmem>>, vector<16xf32>,
        %bitcast3A_474 = vector.bitcast %get3A_473 : vector<16xf32> to vector<32xbf16>
        %mul3A_475 = arith.mulf %bitcast3A_468, %bitcast3A_474 : vector<32xbf16>
        %unpack3A_476 = tpu.unpack_subelements %mul3A_475, 0 {pack_format = #tpu.pack_format<interleaved>} : vector<32xbf16> -> vector<16xf32>
        %unpack3A_477 = tpu.unpack_subelements %mul3A_475, 1 {pack_format = #tpu.pack_format<interleaved>} : vector<32xbf16> -> vector<16xf32>
        %get3A_478 = arith.constant 0 : i32
        %get3A_479 = tpu.memref_slice %arg11[%add3A_460, %get3A_478] : memref<80x64xf32, #tpu.memory_space<vmem>> -> memref<1x64xf32, #tpu.memory_space<vmem>>
        %get3A_480 = tpu.memref_squeeze %get3A_479 : memref<1x64xf32, #tpu.memory_space<vmem>> -> memref<64xf32, #tpu.memory_space<vmem>>
        %get3A_481 = arith.constant 16 : index
        %get3A_482 = tpu.vector_load %get3A_480[%get3A_481] {strides = array<i32>} : memref<64xf32, #tpu.memory_space<vmem>>, vector<16xf32>,
        %bitcast3A_483 = vector.bitcast %get3A_482 : vector<16xf32> to vector<32xbf16>
        %get3A_484 = arith.constant 0 : i32
        %get3A_485 = tpu.memref_slice %arg12[%add3A_462, %get3A_484] : memref<80x64xf32, #tpu.memory_space<vmem>> -> memref<1x64xf32, #tpu.memory_space<vmem>>
        %get3A_486 = tpu.memref_squeeze %get3A_485 : memref<1x64xf32, #tpu.memory_space<vmem>> -> memref<64xf32, #tpu.memory_space<vmem>>
        %get3A_487 = arith.constant 16 : index
        %get3A_488 = tpu.vector_load %get3A_486[%get3A_487] {strides = array<i32>} : memref<64xf32, #tpu.memory_space<vmem>>, vector<16xf32>,
        %bitcast3A_489 = vector.bitcast %get3A_488 : vector<16xf32> to vector<32xbf16>
        %mul3A_490 = arith.mulf %bitcast3A_483, %bitcast3A_489 : vector<32xbf16>
        %unpack3A_491 = tpu.unpack_subelements %mul3A_490, 0 {pack_format = #tpu.pack_format<interleaved>} : vector<32xbf16> -> vector<16xf32>
        %unpack3A_492 = tpu.unpack_subelements %mul3A_490, 1 {pack_format = #tpu.pack_format<interleaved>} : vector<32xbf16> -> vector<16xf32>
        %get3A_493 = arith.constant 0 : i32
        %get3A_494 = tpu.memref_slice %arg11[%add3A_460, %get3A_493] : memref<80x64xf32, #tpu.memory_space<vmem>> -> memref<1x64xf32, #tpu.memory_space<vmem>>
        %get3A_495 = tpu.memref_squeeze %get3A_494 : memref<1x64xf32, #tpu.memory_space<vmem>> -> memref<64xf32, #tpu.memory_space<vmem>>
        %get3A_496 = arith.constant 32 : index
        %get3A_497 = tpu.vector_load %get3A_495[%get3A_496] {strides = array<i32>} : memref<64xf32, #tpu.memory_space<vmem>>, vector<16xf32>,
        %bitcast3A_498 = vector.bitcast %get3A_497 : vector<16xf32> to vector<32xbf16>
        %get3A_499 = arith.constant 0 : i32
        %get3A_500 = tpu.memref_slice %arg12[%add3A_462, %get3A_499] : memref<80x64xf32, #tpu.memory_space<vmem>> -> memref<1x64xf32, #tpu.memory_space<vmem>>
        %get3A_501 = tpu.memref_squeeze %get3A_500 : memref<1x64xf32, #tpu.memory_space<vmem>> -> memref<64xf32, #tpu.memory_space<vmem>>
        %get3A_502 = arith.constant 32 : index
        %get3A_503 = tpu.vector_load %get3A_501[%get3A_502] {strides = array<i32>} : memref<64xf32, #tpu.memory_space<vmem>>, vector<16xf32>,
        %bitcast3A_504 = vector.bitcast %get3A_503 : vector<16xf32> to vector<32xbf16>
        %mul3A_505 = arith.mulf %bitcast3A_498, %bitcast3A_504 : vector<32xbf16>
        %unpack3A_506 = tpu.unpack_subelements %mul3A_505, 0 {pack_format = #tpu.pack_format<interleaved>} : vector<32xbf16> -> vector<16xf32>
        %unpack3A_507 = tpu.unpack_subelements %mul3A_505, 1 {pack_format = #tpu.pack_format<interleaved>} : vector<32xbf16> -> vector<16xf32>
        %get3A_508 = arith.constant 0 : i32
        %get3A_509 = tpu.memref_slice %arg11[%add3A_460, %get3A_508] : memref<80x64xf32, #tpu.memory_space<vmem>> -> memref<1x64xf32, #tpu.memory_space<vmem>>
        %get3A_510 = tpu.memref_squeeze %get3A_509 : memref<1x64xf32, #tpu.memory_space<vmem>> -> memref<64xf32, #tpu.memory_space<vmem>>
        %get3A_511 = arith.constant 48 : index
        %get3A_512 = tpu.vector_load %get3A_510[%get3A_511] {strides = array<i32>} : memref<64xf32, #tpu.memory_space<vmem>>, vector<16xf32>,
        %bitcast3A_513 = vector.bitcast %get3A_512 : vector<16xf32> to vector<32xbf16>
        %get3A_514 = arith.constant 0 : i32
        %get3A_515 = tpu.memref_slice %arg12[%add3A_462, %get3A_514] : memref<80x64xf32, #tpu.memory_space<vmem>> -> memref<1x64xf32, #tpu.memory_space<vmem>>
        %get3A_516 = tpu.memref_squeeze %get3A_515 : memref<1x64xf32, #tpu.memory_space<vmem>> -> memref<64xf32, #tpu.memory_space<vmem>>
        %get3A_517 = arith.constant 48 : index
        %get3A_518 = tpu.vector_load %get3A_516[%get3A_517] {strides = array<i32>} : memref<64xf32, #tpu.memory_space<vmem>>, vector<16xf32>,
        %bitcast3A_519 = vector.bitcast %get3A_518 : vector<16xf32> to vector<32xbf16>
        %mul3A_520 = arith.mulf %bitcast3A_513, %bitcast3A_519 : vector<32xbf16>
        %unpack3A_521 = tpu.unpack_subelements %mul3A_520, 0 {pack_format = #tpu.pack_format<interleaved>} : vector<32xbf16> -> vector<16xf32>
        %unpack3A_522 = tpu.unpack_subelements %mul3A_520, 1 {pack_format = #tpu.pack_format<interleaved>} : vector<32xbf16> -> vector<16xf32>
        %add3A_523 = arith.addf %unpack3A_476, %unpack3A_477 : vector<16xf32>
        %add3A_524 = arith.addf %unpack3A_491, %unpack3A_492 : vector<16xf32>
        %add3A_525 = arith.addf %unpack3A_506, %unpack3A_507 : vector<16xf32>
        %add3A_526 = arith.addf %unpack3A_521, %unpack3A_522 : vector<16xf32>
        %add3A_527 = arith.addf %add3A_523, %add3A_524 : vector<16xf32>
        %add3A_528 = arith.addf %add3A_525, %add3A_526 : vector<16xf32>
        %add3A_529 = arith.addf %add3A_527, %add3A_528 : vector<16xf32>
        %broadcast_in_dim3A_530 = arith.constant 5 : i32
        %broadcast_in_dim3A_531 = vector.broadcast %broadcast_in_dim3A_530 : i32 to vector<16xi32>
        tpu.vector_store_idx %arg13[%iota3A, %broadcast_in_dim3A_531], %add3A_529 : memref<16x17xf32, #tpu.memory_space<vmem>>[vector<16xi32>, vector<16xi32>], vector<16xf32>,
        %add3A_532 = arith.constant 6 : i32
        %add3A_533 = arith.addi %add3A_97, %add3A_532 : i32
        %add3A_534 = arith.constant 6 : i32
        %add3A_535 = arith.addi %add3A_97, %add3A_534 : i32
        %get3A_536 = arith.constant 0 : i32
        %get3A_537 = tpu.memref_slice %arg11[%add3A_533, %get3A_536] : memref<80x64xf32, #tpu.memory_space<vmem>> -> memref<1x64xf32, #tpu.memory_space<vmem>>
        %get3A_538 = tpu.memref_squeeze %get3A_537 : memref<1x64xf32, #tpu.memory_space<vmem>> -> memref<64xf32, #tpu.memory_space<vmem>>
        %get3A_539 = arith.constant 0 : index
        %get3A_540 = tpu.vector_load %get3A_538[%get3A_539] {strides = array<i32>} : memref<64xf32, #tpu.memory_space<vmem>>, vector<16xf32>,
        %bitcast3A_541 = vector.bitcast %get3A_540 : vector<16xf32> to vector<32xbf16>
        %get3A_542 = arith.constant 0 : i32
        %get3A_543 = tpu.memref_slice %arg12[%add3A_535, %get3A_542] : memref<80x64xf32, #tpu.memory_space<vmem>> -> memref<1x64xf32, #tpu.memory_space<vmem>>
        %get3A_544 = tpu.memref_squeeze %get3A_543 : memref<1x64xf32, #tpu.memory_space<vmem>> -> memref<64xf32, #tpu.memory_space<vmem>>
        %get3A_545 = arith.constant 0 : index
        %get3A_546 = tpu.vector_load %get3A_544[%get3A_545] {strides = array<i32>} : memref<64xf32, #tpu.memory_space<vmem>>, vector<16xf32>,
        %bitcast3A_547 = vector.bitcast %get3A_546 : vector<16xf32> to vector<32xbf16>
        %mul3A_548 = arith.mulf %bitcast3A_541, %bitcast3A_547 : vector<32xbf16>
        %unpack3A_549 = tpu.unpack_subelements %mul3A_548, 0 {pack_format = #tpu.pack_format<interleaved>} : vector<32xbf16> -> vector<16xf32>
        %unpack3A_550 = tpu.unpack_subelements %mul3A_548, 1 {pack_format = #tpu.pack_format<interleaved>} : vector<32xbf16> -> vector<16xf32>
        %get3A_551 = arith.constant 0 : i32
        %get3A_552 = tpu.memref_slice %arg11[%add3A_533, %get3A_551] : memref<80x64xf32, #tpu.memory_space<vmem>> -> memref<1x64xf32, #tpu.memory_space<vmem>>
        %get3A_553 = tpu.memref_squeeze %get3A_552 : memref<1x64xf32, #tpu.memory_space<vmem>> -> memref<64xf32, #tpu.memory_space<vmem>>
        %get3A_554 = arith.constant 16 : index
        %get3A_555 = tpu.vector_load %get3A_553[%get3A_554] {strides = array<i32>} : memref<64xf32, #tpu.memory_space<vmem>>, vector<16xf32>,
        %bitcast3A_556 = vector.bitcast %get3A_555 : vector<16xf32> to vector<32xbf16>
        %get3A_557 = arith.constant 0 : i32
        %get3A_558 = tpu.memref_slice %arg12[%add3A_535, %get3A_557] : memref<80x64xf32, #tpu.memory_space<vmem>> -> memref<1x64xf32, #tpu.memory_space<vmem>>
        %get3A_559 = tpu.memref_squeeze %get3A_558 : memref<1x64xf32, #tpu.memory_space<vmem>> -> memref<64xf32, #tpu.memory_space<vmem>>
        %get3A_560 = arith.constant 16 : index
        %get3A_561 = tpu.vector_load %get3A_559[%get3A_560] {strides = array<i32>} : memref<64xf32, #tpu.memory_space<vmem>>, vector<16xf32>,
        %bitcast3A_562 = vector.bitcast %get3A_561 : vector<16xf32> to vector<32xbf16>
        %mul3A_563 = arith.mulf %bitcast3A_556, %bitcast3A_562 : vector<32xbf16>
        %unpack3A_564 = tpu.unpack_subelements %mul3A_563, 0 {pack_format = #tpu.pack_format<interleaved>} : vector<32xbf16> -> vector<16xf32>
        %unpack3A_565 = tpu.unpack_subelements %mul3A_563, 1 {pack_format = #tpu.pack_format<interleaved>} : vector<32xbf16> -> vector<16xf32>
        %get3A_566 = arith.constant 0 : i32
        %get3A_567 = tpu.memref_slice %arg11[%add3A_533, %get3A_566] : memref<80x64xf32, #tpu.memory_space<vmem>> -> memref<1x64xf32, #tpu.memory_space<vmem>>
        %get3A_568 = tpu.memref_squeeze %get3A_567 : memref<1x64xf32, #tpu.memory_space<vmem>> -> memref<64xf32, #tpu.memory_space<vmem>>
        %get3A_569 = arith.constant 32 : index
        %get3A_570 = tpu.vector_load %get3A_568[%get3A_569] {strides = array<i32>} : memref<64xf32, #tpu.memory_space<vmem>>, vector<16xf32>,
        %bitcast3A_571 = vector.bitcast %get3A_570 : vector<16xf32> to vector<32xbf16>
        %get3A_572 = arith.constant 0 : i32
        %get3A_573 = tpu.memref_slice %arg12[%add3A_535, %get3A_572] : memref<80x64xf32, #tpu.memory_space<vmem>> -> memref<1x64xf32, #tpu.memory_space<vmem>>
        %get3A_574 = tpu.memref_squeeze %get3A_573 : memref<1x64xf32, #tpu.memory_space<vmem>> -> memref<64xf32, #tpu.memory_space<vmem>>
        %get3A_575 = arith.constant 32 : index
        %get3A_576 = tpu.vector_load %get3A_574[%get3A_575] {strides = array<i32>} : memref<64xf32, #tpu.memory_space<vmem>>, vector<16xf32>,
        %bitcast3A_577 = vector.bitcast %get3A_576 : vector<16xf32> to vector<32xbf16>
        %mul3A_578 = arith.mulf %bitcast3A_571, %bitcast3A_577 : vector<32xbf16>
        %unpack3A_579 = tpu.unpack_subelements %mul3A_578, 0 {pack_format = #tpu.pack_format<interleaved>} : vector<32xbf16> -> vector<16xf32>
        %unpack3A_580 = tpu.unpack_subelements %mul3A_578, 1 {pack_format = #tpu.pack_format<interleaved>} : vector<32xbf16> -> vector<16xf32>
        %get3A_581 = arith.constant 0 : i32
        %get3A_582 = tpu.memref_slice %arg11[%add3A_533, %get3A_581] : memref<80x64xf32, #tpu.memory_space<vmem>> -> memref<1x64xf32, #tpu.memory_space<vmem>>
        %get3A_583 = tpu.memref_squeeze %get3A_582 : memref<1x64xf32, #tpu.memory_space<vmem>> -> memref<64xf32, #tpu.memory_space<vmem>>
        %get3A_584 = arith.constant 48 : index
        %get3A_585 = tpu.vector_load %get3A_583[%get3A_584] {strides = array<i32>} : memref<64xf32, #tpu.memory_space<vmem>>, vector<16xf32>,
        %bitcast3A_586 = vector.bitcast %get3A_585 : vector<16xf32> to vector<32xbf16>
        %get3A_587 = arith.constant 0 : i32
        %get3A_588 = tpu.memref_slice %arg12[%add3A_535, %get3A_587] : memref<80x64xf32, #tpu.memory_space<vmem>> -> memref<1x64xf32, #tpu.memory_space<vmem>>
        %get3A_589 = tpu.memref_squeeze %get3A_588 : memref<1x64xf32, #tpu.memory_space<vmem>> -> memref<64xf32, #tpu.memory_space<vmem>>
        %get3A_590 = arith.constant 48 : index
        %get3A_591 = tpu.vector_load %get3A_589[%get3A_590] {strides = array<i32>} : memref<64xf32, #tpu.memory_space<vmem>>, vector<16xf32>,
        %bitcast3A_592 = vector.bitcast %get3A_591 : vector<16xf32> to vector<32xbf16>
        %mul3A_593 = arith.mulf %bitcast3A_586, %bitcast3A_592 : vector<32xbf16>
        %unpack3A_594 = tpu.unpack_subelements %mul3A_593, 0 {pack_format = #tpu.pack_format<interleaved>} : vector<32xbf16> -> vector<16xf32>
        %unpack3A_595 = tpu.unpack_subelements %mul3A_593, 1 {pack_format = #tpu.pack_format<interleaved>} : vector<32xbf16> -> vector<16xf32>
        %add3A_596 = arith.addf %unpack3A_549, %unpack3A_550 : vector<16xf32>
        %add3A_597 = arith.addf %unpack3A_564, %unpack3A_565 : vector<16xf32>
        %add3A_598 = arith.addf %unpack3A_579, %unpack3A_580 : vector<16xf32>
        %add3A_599 = arith.addf %unpack3A_594, %unpack3A_595 : vector<16xf32>
        %add3A_600 = arith.addf %add3A_596, %add3A_597 : vector<16xf32>
        %add3A_601 = arith.addf %add3A_598, %add3A_599 : vector<16xf32>
        %add3A_602 = arith.addf %add3A_600, %add3A_601 : vector<16xf32>
        %broadcast_in_dim3A_603 = arith.constant 6 : i32
        %broadcast_in_dim3A_604 = vector.broadcast %broadcast_in_dim3A_603 : i32 to vector<16xi32>
        tpu.vector_store_idx %arg13[%iota3A, %broadcast_in_dim3A_604], %add3A_602 : memref<16x17xf32, #tpu.memory_space<vmem>>[vector<16xi32>, vector<16xi32>], vector<16xf32>,
        %add3A_605 = arith.constant 7 : i32
        %add3A_606 = arith.addi %add3A_97, %add3A_605 : i32
        %add3A_607 = arith.constant 7 : i32
        %add3A_608 = arith.addi %add3A_97, %add3A_607 : i32
        %get3A_609 = arith.constant 0 : i32
        %get3A_610 = tpu.memref_slice %arg11[%add3A_606, %get3A_609] : memref<80x64xf32, #tpu.memory_space<vmem>> -> memref<1x64xf32, #tpu.memory_space<vmem>>
        %get3A_611 = tpu.memref_squeeze %get3A_610 : memref<1x64xf32, #tpu.memory_space<vmem>> -> memref<64xf32, #tpu.memory_space<vmem>>
        %get3A_612 = arith.constant 0 : index
        %get3A_613 = tpu.vector_load %get3A_611[%get3A_612] {strides = array<i32>} : memref<64xf32, #tpu.memory_space<vmem>>, vector<16xf32>,
        %bitcast3A_614 = vector.bitcast %get3A_613 : vector<16xf32> to vector<32xbf16>
        %get3A_615 = arith.constant 0 : i32
        %get3A_616 = tpu.memref_slice %arg12[%add3A_608, %get3A_615] : memref<80x64xf32, #tpu.memory_space<vmem>> -> memref<1x64xf32, #tpu.memory_space<vmem>>
        %get3A_617 = tpu.memref_squeeze %get3A_616 : memref<1x64xf32, #tpu.memory_space<vmem>> -> memref<64xf32, #tpu.memory_space<vmem>>
        %get3A_618 = arith.constant 0 : index
        %get3A_619 = tpu.vector_load %get3A_617[%get3A_618] {strides = array<i32>} : memref<64xf32, #tpu.memory_space<vmem>>, vector<16xf32>,
        %bitcast3A_620 = vector.bitcast %get3A_619 : vector<16xf32> to vector<32xbf16>
        %mul3A_621 = arith.mulf %bitcast3A_614, %bitcast3A_620 : vector<32xbf16>
        %unpack3A_622 = tpu.unpack_subelements %mul3A_621, 0 {pack_format = #tpu.pack_format<interleaved>} : vector<32xbf16> -> vector<16xf32>
        %unpack3A_623 = tpu.unpack_subelements %mul3A_621, 1 {pack_format = #tpu.pack_format<interleaved>} : vector<32xbf16> -> vector<16xf32>
        %get3A_624 = arith.constant 0 : i32
        %get3A_625 = tpu.memref_slice %arg11[%add3A_606, %get3A_624] : memref<80x64xf32, #tpu.memory_space<vmem>> -> memref<1x64xf32, #tpu.memory_space<vmem>>
        %get3A_626 = tpu.memref_squeeze %get3A_625 : memref<1x64xf32, #tpu.memory_space<vmem>> -> memref<64xf32, #tpu.memory_space<vmem>>
        %get3A_627 = arith.constant 16 : index
        %get3A_628 = tpu.vector_load %get3A_626[%get3A_627] {strides = array<i32>} : memref<64xf32, #tpu.memory_space<vmem>>, vector<16xf32>,
        %bitcast3A_629 = vector.bitcast %get3A_628 : vector<16xf32> to vector<32xbf16>
        %get3A_630 = arith.constant 0 : i32
        %get3A_631 = tpu.memref_slice %arg12[%add3A_608, %get3A_630] : memref<80x64xf32, #tpu.memory_space<vmem>> -> memref<1x64xf32, #tpu.memory_space<vmem>>
        %get3A_632 = tpu.memref_squeeze %get3A_631 : memref<1x64xf32, #tpu.memory_space<vmem>> -> memref<64xf32, #tpu.memory_space<vmem>>
        %get3A_633 = arith.constant 16 : index
        %get3A_634 = tpu.vector_load %get3A_632[%get3A_633] {strides = array<i32>} : memref<64xf32, #tpu.memory_space<vmem>>, vector<16xf32>,
        %bitcast3A_635 = vector.bitcast %get3A_634 : vector<16xf32> to vector<32xbf16>
        %mul3A_636 = arith.mulf %bitcast3A_629, %bitcast3A_635 : vector<32xbf16>
        %unpack3A_637 = tpu.unpack_subelements %mul3A_636, 0 {pack_format = #tpu.pack_format<interleaved>} : vector<32xbf16> -> vector<16xf32>
        %unpack3A_638 = tpu.unpack_subelements %mul3A_636, 1 {pack_format = #tpu.pack_format<interleaved>} : vector<32xbf16> -> vector<16xf32>
        %get3A_639 = arith.constant 0 : i32
        %get3A_640 = tpu.memref_slice %arg11[%add3A_606, %get3A_639] : memref<80x64xf32, #tpu.memory_space<vmem>> -> memref<1x64xf32, #tpu.memory_space<vmem>>
        %get3A_641 = tpu.memref_squeeze %get3A_640 : memref<1x64xf32, #tpu.memory_space<vmem>> -> memref<64xf32, #tpu.memory_space<vmem>>
        %get3A_642 = arith.constant 32 : index
        %get3A_643 = tpu.vector_load %get3A_641[%get3A_642] {strides = array<i32>} : memref<64xf32, #tpu.memory_space<vmem>>, vector<16xf32>,
        %bitcast3A_644 = vector.bitcast %get3A_643 : vector<16xf32> to vector<32xbf16>
        %get3A_645 = arith.constant 0 : i32
        %get3A_646 = tpu.memref_slice %arg12[%add3A_608, %get3A_645] : memref<80x64xf32, #tpu.memory_space<vmem>> -> memref<1x64xf32, #tpu.memory_space<vmem>>
        %get3A_647 = tpu.memref_squeeze %get3A_646 : memref<1x64xf32, #tpu.memory_space<vmem>> -> memref<64xf32, #tpu.memory_space<vmem>>
        %get3A_648 = arith.constant 32 : index
        %get3A_649 = tpu.vector_load %get3A_647[%get3A_648] {strides = array<i32>} : memref<64xf32, #tpu.memory_space<vmem>>, vector<16xf32>,
        %bitcast3A_650 = vector.bitcast %get3A_649 : vector<16xf32> to vector<32xbf16>
        %mul3A_651 = arith.mulf %bitcast3A_644, %bitcast3A_650 : vector<32xbf16>
        %unpack3A_652 = tpu.unpack_subelements %mul3A_651, 0 {pack_format = #tpu.pack_format<interleaved>} : vector<32xbf16> -> vector<16xf32>
        %unpack3A_653 = tpu.unpack_subelements %mul3A_651, 1 {pack_format = #tpu.pack_format<interleaved>} : vector<32xbf16> -> vector<16xf32>
        %get3A_654 = arith.constant 0 : i32
        %get3A_655 = tpu.memref_slice %arg11[%add3A_606, %get3A_654] : memref<80x64xf32, #tpu.memory_space<vmem>> -> memref<1x64xf32, #tpu.memory_space<vmem>>
        %get3A_656 = tpu.memref_squeeze %get3A_655 : memref<1x64xf32, #tpu.memory_space<vmem>> -> memref<64xf32, #tpu.memory_space<vmem>>
        %get3A_657 = arith.constant 48 : index
        %get3A_658 = tpu.vector_load %get3A_656[%get3A_657] {strides = array<i32>} : memref<64xf32, #tpu.memory_space<vmem>>, vector<16xf32>,
        %bitcast3A_659 = vector.bitcast %get3A_658 : vector<16xf32> to vector<32xbf16>
        %get3A_660 = arith.constant 0 : i32
        %get3A_661 = tpu.memref_slice %arg12[%add3A_608, %get3A_660] : memref<80x64xf32, #tpu.memory_space<vmem>> -> memref<1x64xf32, #tpu.memory_space<vmem>>
        %get3A_662 = tpu.memref_squeeze %get3A_661 : memref<1x64xf32, #tpu.memory_space<vmem>> -> memref<64xf32, #tpu.memory_space<vmem>>
        %get3A_663 = arith.constant 48 : index
        %get3A_664 = tpu.vector_load %get3A_662[%get3A_663] {strides = array<i32>} : memref<64xf32, #tpu.memory_space<vmem>>, vector<16xf32>,
        %bitcast3A_665 = vector.bitcast %get3A_664 : vector<16xf32> to vector<32xbf16>
        %mul3A_666 = arith.mulf %bitcast3A_659, %bitcast3A_665 : vector<32xbf16>
        %unpack3A_667 = tpu.unpack_subelements %mul3A_666, 0 {pack_format = #tpu.pack_format<interleaved>} : vector<32xbf16> -> vector<16xf32>
        %unpack3A_668 = tpu.unpack_subelements %mul3A_666, 1 {pack_format = #tpu.pack_format<interleaved>} : vector<32xbf16> -> vector<16xf32>
        %add3A_669 = arith.addf %unpack3A_622, %unpack3A_623 : vector<16xf32>
        %add3A_670 = arith.addf %unpack3A_637, %unpack3A_638 : vector<16xf32>
        %add3A_671 = arith.addf %unpack3A_652, %unpack3A_653 : vector<16xf32>
        %add3A_672 = arith.addf %unpack3A_667, %unpack3A_668 : vector<16xf32>
        %add3A_673 = arith.addf %add3A_669, %add3A_670 : vector<16xf32>
        %add3A_674 = arith.addf %add3A_671, %add3A_672 : vector<16xf32>
        %add3A_675 = arith.addf %add3A_673, %add3A_674 : vector<16xf32>
        %broadcast_in_dim3A_676 = arith.constant 7 : i32
        %broadcast_in_dim3A_677 = vector.broadcast %broadcast_in_dim3A_676 : i32 to vector<16xi32>
        tpu.vector_store_idx %arg13[%iota3A, %broadcast_in_dim3A_677], %add3A_675 : memref<16x17xf32, #tpu.memory_space<vmem>>[vector<16xi32>, vector<16xi32>], vector<16xf32>,
        %add3A_678 = arith.constant 8 : i32
        %add3A_679 = arith.addi %add3A_97, %add3A_678 : i32
        %add3A_680 = arith.constant 8 : i32
        %add3A_681 = arith.addi %add3A_97, %add3A_680 : i32
        %get3A_682 = arith.constant 0 : i32
        %get3A_683 = tpu.memref_slice %arg11[%add3A_679, %get3A_682] : memref<80x64xf32, #tpu.memory_space<vmem>> -> memref<1x64xf32, #tpu.memory_space<vmem>>
        %get3A_684 = tpu.memref_squeeze %get3A_683 : memref<1x64xf32, #tpu.memory_space<vmem>> -> memref<64xf32, #tpu.memory_space<vmem>>
        %get3A_685 = arith.constant 0 : index
        %get3A_686 = tpu.vector_load %get3A_684[%get3A_685] {strides = array<i32>} : memref<64xf32, #tpu.memory_space<vmem>>, vector<16xf32>,
        %bitcast3A_687 = vector.bitcast %get3A_686 : vector<16xf32> to vector<32xbf16>
        %get3A_688 = arith.constant 0 : i32
        %get3A_689 = tpu.memref_slice %arg12[%add3A_681, %get3A_688] : memref<80x64xf32, #tpu.memory_space<vmem>> -> memref<1x64xf32, #tpu.memory_space<vmem>>
        %get3A_690 = tpu.memref_squeeze %get3A_689 : memref<1x64xf32, #tpu.memory_space<vmem>> -> memref<64xf32, #tpu.memory_space<vmem>>
        %get3A_691 = arith.constant 0 : index
        %get3A_692 = tpu.vector_load %get3A_690[%get3A_691] {strides = array<i32>} : memref<64xf32, #tpu.memory_space<vmem>>, vector<16xf32>,
        %bitcast3A_693 = vector.bitcast %get3A_692 : vector<16xf32> to vector<32xbf16>
        %mul3A_694 = arith.mulf %bitcast3A_687, %bitcast3A_693 : vector<32xbf16>
        %unpack3A_695 = tpu.unpack_subelements %mul3A_694, 0 {pack_format = #tpu.pack_format<interleaved>} : vector<32xbf16> -> vector<16xf32>
        %unpack3A_696 = tpu.unpack_subelements %mul3A_694, 1 {pack_format = #tpu.pack_format<interleaved>} : vector<32xbf16> -> vector<16xf32>
        %get3A_697 = arith.constant 0 : i32
        %get3A_698 = tpu.memref_slice %arg11[%add3A_679, %get3A_697] : memref<80x64xf32, #tpu.memory_space<vmem>> -> memref<1x64xf32, #tpu.memory_space<vmem>>
        %get3A_699 = tpu.memref_squeeze %get3A_698 : memref<1x64xf32, #tpu.memory_space<vmem>> -> memref<64xf32, #tpu.memory_space<vmem>>
        %get3A_700 = arith.constant 16 : index
        %get3A_701 = tpu.vector_load %get3A_699[%get3A_700] {strides = array<i32>} : memref<64xf32, #tpu.memory_space<vmem>>, vector<16xf32>,
        %bitcast3A_702 = vector.bitcast %get3A_701 : vector<16xf32> to vector<32xbf16>
        %get3A_703 = arith.constant 0 : i32
        %get3A_704 = tpu.memref_slice %arg12[%add3A_681, %get3A_703] : memref<80x64xf32, #tpu.memory_space<vmem>> -> memref<1x64xf32, #tpu.memory_space<vmem>>
        %get3A_705 = tpu.memref_squeeze %get3A_704 : memref<1x64xf32, #tpu.memory_space<vmem>> -> memref<64xf32, #tpu.memory_space<vmem>>
        %get3A_706 = arith.constant 16 : index
        %get3A_707 = tpu.vector_load %get3A_705[%get3A_706] {strides = array<i32>} : memref<64xf32, #tpu.memory_space<vmem>>, vector<16xf32>,
        %bitcast3A_708 = vector.bitcast %get3A_707 : vector<16xf32> to vector<32xbf16>
        %mul3A_709 = arith.mulf %bitcast3A_702, %bitcast3A_708 : vector<32xbf16>
        %unpack3A_710 = tpu.unpack_subelements %mul3A_709, 0 {pack_format = #tpu.pack_format<interleaved>} : vector<32xbf16> -> vector<16xf32>
        %unpack3A_711 = tpu.unpack_subelements %mul3A_709, 1 {pack_format = #tpu.pack_format<interleaved>} : vector<32xbf16> -> vector<16xf32>
        %get3A_712 = arith.constant 0 : i32
        %get3A_713 = tpu.memref_slice %arg11[%add3A_679, %get3A_712] : memref<80x64xf32, #tpu.memory_space<vmem>> -> memref<1x64xf32, #tpu.memory_space<vmem>>
        %get3A_714 = tpu.memref_squeeze %get3A_713 : memref<1x64xf32, #tpu.memory_space<vmem>> -> memref<64xf32, #tpu.memory_space<vmem>>
        %get3A_715 = arith.constant 32 : index
        %get3A_716 = tpu.vector_load %get3A_714[%get3A_715] {strides = array<i32>} : memref<64xf32, #tpu.memory_space<vmem>>, vector<16xf32>,
        %bitcast3A_717 = vector.bitcast %get3A_716 : vector<16xf32> to vector<32xbf16>
        %get3A_718 = arith.constant 0 : i32
        %get3A_719 = tpu.memref_slice %arg12[%add3A_681, %get3A_718] : memref<80x64xf32, #tpu.memory_space<vmem>> -> memref<1x64xf32, #tpu.memory_space<vmem>>
        %get3A_720 = tpu.memref_squeeze %get3A_719 : memref<1x64xf32, #tpu.memory_space<vmem>> -> memref<64xf32, #tpu.memory_space<vmem>>
        %get3A_721 = arith.constant 32 : index
        %get3A_722 = tpu.vector_load %get3A_720[%get3A_721] {strides = array<i32>} : memref<64xf32, #tpu.memory_space<vmem>>, vector<16xf32>,
        %bitcast3A_723 = vector.bitcast %get3A_722 : vector<16xf32> to vector<32xbf16>
        %mul3A_724 = arith.mulf %bitcast3A_717, %bitcast3A_723 : vector<32xbf16>
        %unpack3A_725 = tpu.unpack_subelements %mul3A_724, 0 {pack_format = #tpu.pack_format<interleaved>} : vector<32xbf16> -> vector<16xf32>
        %unpack3A_726 = tpu.unpack_subelements %mul3A_724, 1 {pack_format = #tpu.pack_format<interleaved>} : vector<32xbf16> -> vector<16xf32>
        %get3A_727 = arith.constant 0 : i32
        %get3A_728 = tpu.memref_slice %arg11[%add3A_679, %get3A_727] : memref<80x64xf32, #tpu.memory_space<vmem>> -> memref<1x64xf32, #tpu.memory_space<vmem>>
        %get3A_729 = tpu.memref_squeeze %get3A_728 : memref<1x64xf32, #tpu.memory_space<vmem>> -> memref<64xf32, #tpu.memory_space<vmem>>
        %get3A_730 = arith.constant 48 : index
        %get3A_731 = tpu.vector_load %get3A_729[%get3A_730] {strides = array<i32>} : memref<64xf32, #tpu.memory_space<vmem>>, vector<16xf32>,
        %bitcast3A_732 = vector.bitcast %get3A_731 : vector<16xf32> to vector<32xbf16>
        %get3A_733 = arith.constant 0 : i32
        %get3A_734 = tpu.memref_slice %arg12[%add3A_681, %get3A_733] : memref<80x64xf32, #tpu.memory_space<vmem>> -> memref<1x64xf32, #tpu.memory_space<vmem>>
        %get3A_735 = tpu.memref_squeeze %get3A_734 : memref<1x64xf32, #tpu.memory_space<vmem>> -> memref<64xf32, #tpu.memory_space<vmem>>
        %get3A_736 = arith.constant 48 : index
        %get3A_737 = tpu.vector_load %get3A_735[%get3A_736] {strides = array<i32>} : memref<64xf32, #tpu.memory_space<vmem>>, vector<16xf32>,
        %bitcast3A_738 = vector.bitcast %get3A_737 : vector<16xf32> to vector<32xbf16>
        %mul3A_739 = arith.mulf %bitcast3A_732, %bitcast3A_738 : vector<32xbf16>
        %unpack3A_740 = tpu.unpack_subelements %mul3A_739, 0 {pack_format = #tpu.pack_format<interleaved>} : vector<32xbf16> -> vector<16xf32>
        %unpack3A_741 = tpu.unpack_subelements %mul3A_739, 1 {pack_format = #tpu.pack_format<interleaved>} : vector<32xbf16> -> vector<16xf32>
        %add3A_742 = arith.addf %unpack3A_695, %unpack3A_696 : vector<16xf32>
        %add3A_743 = arith.addf %unpack3A_710, %unpack3A_711 : vector<16xf32>
        %add3A_744 = arith.addf %unpack3A_725, %unpack3A_726 : vector<16xf32>
        %add3A_745 = arith.addf %unpack3A_740, %unpack3A_741 : vector<16xf32>
        %add3A_746 = arith.addf %add3A_742, %add3A_743 : vector<16xf32>
        %add3A_747 = arith.addf %add3A_744, %add3A_745 : vector<16xf32>
        %add3A_748 = arith.addf %add3A_746, %add3A_747 : vector<16xf32>
        %broadcast_in_dim3A_749 = arith.constant 8 : i32
        %broadcast_in_dim3A_750 = vector.broadcast %broadcast_in_dim3A_749 : i32 to vector<16xi32>
        tpu.vector_store_idx %arg13[%iota3A, %broadcast_in_dim3A_750], %add3A_748 : memref<16x17xf32, #tpu.memory_space<vmem>>[vector<16xi32>, vector<16xi32>], vector<16xf32>,
        %add3A_751 = arith.constant 9 : i32
        %add3A_752 = arith.addi %add3A_97, %add3A_751 : i32
        %add3A_753 = arith.constant 9 : i32
        %add3A_754 = arith.addi %add3A_97, %add3A_753 : i32
        %get3A_755 = arith.constant 0 : i32
        %get3A_756 = tpu.memref_slice %arg11[%add3A_752, %get3A_755] : memref<80x64xf32, #tpu.memory_space<vmem>> -> memref<1x64xf32, #tpu.memory_space<vmem>>
        %get3A_757 = tpu.memref_squeeze %get3A_756 : memref<1x64xf32, #tpu.memory_space<vmem>> -> memref<64xf32, #tpu.memory_space<vmem>>
        %get3A_758 = arith.constant 0 : index
        %get3A_759 = tpu.vector_load %get3A_757[%get3A_758] {strides = array<i32>} : memref<64xf32, #tpu.memory_space<vmem>>, vector<16xf32>,
        %bitcast3A_760 = vector.bitcast %get3A_759 : vector<16xf32> to vector<32xbf16>
        %get3A_761 = arith.constant 0 : i32
        %get3A_762 = tpu.memref_slice %arg12[%add3A_754, %get3A_761] : memref<80x64xf32, #tpu.memory_space<vmem>> -> memref<1x64xf32, #tpu.memory_space<vmem>>
        %get3A_763 = tpu.memref_squeeze %get3A_762 : memref<1x64xf32, #tpu.memory_space<vmem>> -> memref<64xf32, #tpu.memory_space<vmem>>
        %get3A_764 = arith.constant 0 : index
        %get3A_765 = tpu.vector_load %get3A_763[%get3A_764] {strides = array<i32>} : memref<64xf32, #tpu.memory_space<vmem>>, vector<16xf32>,
        %bitcast3A_766 = vector.bitcast %get3A_765 : vector<16xf32> to vector<32xbf16>
        %mul3A_767 = arith.mulf %bitcast3A_760, %bitcast3A_766 : vector<32xbf16>
        %unpack3A_768 = tpu.unpack_subelements %mul3A_767, 0 {pack_format = #tpu.pack_format<interleaved>} : vector<32xbf16> -> vector<16xf32>
        %unpack3A_769 = tpu.unpack_subelements %mul3A_767, 1 {pack_format = #tpu.pack_format<interleaved>} : vector<32xbf16> -> vector<16xf32>
        %get3A_770 = arith.constant 0 : i32
        %get3A_771 = tpu.memref_slice %arg11[%add3A_752, %get3A_770] : memref<80x64xf32, #tpu.memory_space<vmem>> -> memref<1x64xf32, #tpu.memory_space<vmem>>
        %get3A_772 = tpu.memref_squeeze %get3A_771 : memref<1x64xf32, #tpu.memory_space<vmem>> -> memref<64xf32, #tpu.memory_space<vmem>>
        %get3A_773 = arith.constant 16 : index
        %get3A_774 = tpu.vector_load %get3A_772[%get3A_773] {strides = array<i32>} : memref<64xf32, #tpu.memory_space<vmem>>, vector<16xf32>,
        %bitcast3A_775 = vector.bitcast %get3A_774 : vector<16xf32> to vector<32xbf16>
        %get3A_776 = arith.constant 0 : i32
        %get3A_777 = tpu.memref_slice %arg12[%add3A_754, %get3A_776] : memref<80x64xf32, #tpu.memory_space<vmem>> -> memref<1x64xf32, #tpu.memory_space<vmem>>
        %get3A_778 = tpu.memref_squeeze %get3A_777 : memref<1x64xf32, #tpu.memory_space<vmem>> -> memref<64xf32, #tpu.memory_space<vmem>>
        %get3A_779 = arith.constant 16 : index
        %get3A_780 = tpu.vector_load %get3A_778[%get3A_779] {strides = array<i32>} : memref<64xf32, #tpu.memory_space<vmem>>, vector<16xf32>,
        %bitcast3A_781 = vector.bitcast %get3A_780 : vector<16xf32> to vector<32xbf16>
        %mul3A_782 = arith.mulf %bitcast3A_775, %bitcast3A_781 : vector<32xbf16>
        %unpack3A_783 = tpu.unpack_subelements %mul3A_782, 0 {pack_format = #tpu.pack_format<interleaved>} : vector<32xbf16> -> vector<16xf32>
        %unpack3A_784 = tpu.unpack_subelements %mul3A_782, 1 {pack_format = #tpu.pack_format<interleaved>} : vector<32xbf16> -> vector<16xf32>
        %get3A_785 = arith.constant 0 : i32
        %get3A_786 = tpu.memref_slice %arg11[%add3A_752, %get3A_785] : memref<80x64xf32, #tpu.memory_space<vmem>> -> memref<1x64xf32, #tpu.memory_space<vmem>>
        %get3A_787 = tpu.memref_squeeze %get3A_786 : memref<1x64xf32, #tpu.memory_space<vmem>> -> memref<64xf32, #tpu.memory_space<vmem>>
        %get3A_788 = arith.constant 32 : index
        %get3A_789 = tpu.vector_load %get3A_787[%get3A_788] {strides = array<i32>} : memref<64xf32, #tpu.memory_space<vmem>>, vector<16xf32>,
        %bitcast3A_790 = vector.bitcast %get3A_789 : vector<16xf32> to vector<32xbf16>
        %get3A_791 = arith.constant 0 : i32
        %get3A_792 = tpu.memref_slice %arg12[%add3A_754, %get3A_791] : memref<80x64xf32, #tpu.memory_space<vmem>> -> memref<1x64xf32, #tpu.memory_space<vmem>>
        %get3A_793 = tpu.memref_squeeze %get3A_792 : memref<1x64xf32, #tpu.memory_space<vmem>> -> memref<64xf32, #tpu.memory_space<vmem>>
        %get3A_794 = arith.constant 32 : index
        %get3A_795 = tpu.vector_load %get3A_793[%get3A_794] {strides = array<i32>} : memref<64xf32, #tpu.memory_space<vmem>>, vector<16xf32>,
        %bitcast3A_796 = vector.bitcast %get3A_795 : vector<16xf32> to vector<32xbf16>
        %mul3A_797 = arith.mulf %bitcast3A_790, %bitcast3A_796 : vector<32xbf16>
        %unpack3A_798 = tpu.unpack_subelements %mul3A_797, 0 {pack_format = #tpu.pack_format<interleaved>} : vector<32xbf16> -> vector<16xf32>
        %unpack3A_799 = tpu.unpack_subelements %mul3A_797, 1 {pack_format = #tpu.pack_format<interleaved>} : vector<32xbf16> -> vector<16xf32>
        %get3A_800 = arith.constant 0 : i32
        %get3A_801 = tpu.memref_slice %arg11[%add3A_752, %get3A_800] : memref<80x64xf32, #tpu.memory_space<vmem>> -> memref<1x64xf32, #tpu.memory_space<vmem>>
        %get3A_802 = tpu.memref_squeeze %get3A_801 : memref<1x64xf32, #tpu.memory_space<vmem>> -> memref<64xf32, #tpu.memory_space<vmem>>
        %get3A_803 = arith.constant 48 : index
        %get3A_804 = tpu.vector_load %get3A_802[%get3A_803] {strides = array<i32>} : memref<64xf32, #tpu.memory_space<vmem>>, vector<16xf32>,
        %bitcast3A_805 = vector.bitcast %get3A_804 : vector<16xf32> to vector<32xbf16>
        %get3A_806 = arith.constant 0 : i32
        %get3A_807 = tpu.memref_slice %arg12[%add3A_754, %get3A_806] : memref<80x64xf32, #tpu.memory_space<vmem>> -> memref<1x64xf32, #tpu.memory_space<vmem>>
        %get3A_808 = tpu.memref_squeeze %get3A_807 : memref<1x64xf32, #tpu.memory_space<vmem>> -> memref<64xf32, #tpu.memory_space<vmem>>
        %get3A_809 = arith.constant 48 : index
        %get3A_810 = tpu.vector_load %get3A_808[%get3A_809] {strides = array<i32>} : memref<64xf32, #tpu.memory_space<vmem>>, vector<16xf32>,
        %bitcast3A_811 = vector.bitcast %get3A_810 : vector<16xf32> to vector<32xbf16>
        %mul3A_812 = arith.mulf %bitcast3A_805, %bitcast3A_811 : vector<32xbf16>
        %unpack3A_813 = tpu.unpack_subelements %mul3A_812, 0 {pack_format = #tpu.pack_format<interleaved>} : vector<32xbf16> -> vector<16xf32>
        %unpack3A_814 = tpu.unpack_subelements %mul3A_812, 1 {pack_format = #tpu.pack_format<interleaved>} : vector<32xbf16> -> vector<16xf32>
        %add3A_815 = arith.addf %unpack3A_768, %unpack3A_769 : vector<16xf32>
        %add3A_816 = arith.addf %unpack3A_783, %unpack3A_784 : vector<16xf32>
        %add3A_817 = arith.addf %unpack3A_798, %unpack3A_799 : vector<16xf32>
        %add3A_818 = arith.addf %unpack3A_813, %unpack3A_814 : vector<16xf32>
        %add3A_819 = arith.addf %add3A_815, %add3A_816 : vector<16xf32>
        %add3A_820 = arith.addf %add3A_817, %add3A_818 : vector<16xf32>
        %add3A_821 = arith.addf %add3A_819, %add3A_820 : vector<16xf32>
        %broadcast_in_dim3A_822 = arith.constant 9 : i32
        %broadcast_in_dim3A_823 = vector.broadcast %broadcast_in_dim3A_822 : i32 to vector<16xi32>
        tpu.vector_store_idx %arg13[%iota3A, %broadcast_in_dim3A_823], %add3A_821 : memref<16x17xf32, #tpu.memory_space<vmem>>[vector<16xi32>, vector<16xi32>], vector<16xf32>,
        %add3A_824 = arith.constant 10 : i32
        %add3A_825 = arith.addi %add3A_97, %add3A_824 : i32
        %add3A_826 = arith.constant 10 : i32
        %add3A_827 = arith.addi %add3A_97, %add3A_826 : i32
        %get3A_828 = arith.constant 0 : i32
        %get3A_829 = tpu.memref_slice %arg11[%add3A_825, %get3A_828] : memref<80x64xf32, #tpu.memory_space<vmem>> -> memref<1x64xf32, #tpu.memory_space<vmem>>
        %get3A_830 = tpu.memref_squeeze %get3A_829 : memref<1x64xf32, #tpu.memory_space<vmem>> -> memref<64xf32, #tpu.memory_space<vmem>>
        %get3A_831 = arith.constant 0 : index
        %get3A_832 = tpu.vector_load %get3A_830[%get3A_831] {strides = array<i32>} : memref<64xf32, #tpu.memory_space<vmem>>, vector<16xf32>,
        %bitcast3A_833 = vector.bitcast %get3A_832 : vector<16xf32> to vector<32xbf16>
        %get3A_834 = arith.constant 0 : i32
        %get3A_835 = tpu.memref_slice %arg12[%add3A_827, %get3A_834] : memref<80x64xf32, #tpu.memory_space<vmem>> -> memref<1x64xf32, #tpu.memory_space<vmem>>
        %get3A_836 = tpu.memref_squeeze %get3A_835 : memref<1x64xf32, #tpu.memory_space<vmem>> -> memref<64xf32, #tpu.memory_space<vmem>>
        %get3A_837 = arith.constant 0 : index
        %get3A_838 = tpu.vector_load %get3A_836[%get3A_837] {strides = array<i32>} : memref<64xf32, #tpu.memory_space<vmem>>, vector<16xf32>,
        %bitcast3A_839 = vector.bitcast %get3A_838 : vector<16xf32> to vector<32xbf16>
        %mul3A_840 = arith.mulf %bitcast3A_833, %bitcast3A_839 : vector<32xbf16>
        %unpack3A_841 = tpu.unpack_subelements %mul3A_840, 0 {pack_format = #tpu.pack_format<interleaved>} : vector<32xbf16> -> vector<16xf32>
        %unpack3A_842 = tpu.unpack_subelements %mul3A_840, 1 {pack_format = #tpu.pack_format<interleaved>} : vector<32xbf16> -> vector<16xf32>
        %get3A_843 = arith.constant 0 : i32
        %get3A_844 = tpu.memref_slice %arg11[%add3A_825, %get3A_843] : memref<80x64xf32, #tpu.memory_space<vmem>> -> memref<1x64xf32, #tpu.memory_space<vmem>>
        %get3A_845 = tpu.memref_squeeze %get3A_844 : memref<1x64xf32, #tpu.memory_space<vmem>> -> memref<64xf32, #tpu.memory_space<vmem>>
        %get3A_846 = arith.constant 16 : index
        %get3A_847 = tpu.vector_load %get3A_845[%get3A_846] {strides = array<i32>} : memref<64xf32, #tpu.memory_space<vmem>>, vector<16xf32>,
        %bitcast3A_848 = vector.bitcast %get3A_847 : vector<16xf32> to vector<32xbf16>
        %get3A_849 = arith.constant 0 : i32
        %get3A_850 = tpu.memref_slice %arg12[%add3A_827, %get3A_849] : memref<80x64xf32, #tpu.memory_space<vmem>> -> memref<1x64xf32, #tpu.memory_space<vmem>>
        %get3A_851 = tpu.memref_squeeze %get3A_850 : memref<1x64xf32, #tpu.memory_space<vmem>> -> memref<64xf32, #tpu.memory_space<vmem>>
        %get3A_852 = arith.constant 16 : index
        %get3A_853 = tpu.vector_load %get3A_851[%get3A_852] {strides = array<i32>} : memref<64xf32, #tpu.memory_space<vmem>>, vector<16xf32>,
        %bitcast3A_854 = vector.bitcast %get3A_853 : vector<16xf32> to vector<32xbf16>
        %mul3A_855 = arith.mulf %bitcast3A_848, %bitcast3A_854 : vector<32xbf16>
        %unpack3A_856 = tpu.unpack_subelements %mul3A_855, 0 {pack_format = #tpu.pack_format<interleaved>} : vector<32xbf16> -> vector<16xf32>
        %unpack3A_857 = tpu.unpack_subelements %mul3A_855, 1 {pack_format = #tpu.pack_format<interleaved>} : vector<32xbf16> -> vector<16xf32>
        %get3A_858 = arith.constant 0 : i32
        %get3A_859 = tpu.memref_slice %arg11[%add3A_825, %get3A_858] : memref<80x64xf32, #tpu.memory_space<vmem>> -> memref<1x64xf32, #tpu.memory_space<vmem>>
        %get3A_860 = tpu.memref_squeeze %get3A_859 : memref<1x64xf32, #tpu.memory_space<vmem>> -> memref<64xf32, #tpu.memory_space<vmem>>
        %get3A_861 = arith.constant 32 : index
        %get3A_862 = tpu.vector_load %get3A_860[%get3A_861] {strides = array<i32>} : memref<64xf32, #tpu.memory_space<vmem>>, vector<16xf32>,
        %bitcast3A_863 = vector.bitcast %get3A_862 : vector<16xf32> to vector<32xbf16>
        %get3A_864 = arith.constant 0 : i32
        %get3A_865 = tpu.memref_slice %arg12[%add3A_827, %get3A_864] : memref<80x64xf32, #tpu.memory_space<vmem>> -> memref<1x64xf32, #tpu.memory_space<vmem>>
        %get3A_866 = tpu.memref_squeeze %get3A_865 : memref<1x64xf32, #tpu.memory_space<vmem>> -> memref<64xf32, #tpu.memory_space<vmem>>
        %get3A_867 = arith.constant 32 : index
        %get3A_868 = tpu.vector_load %get3A_866[%get3A_867] {strides = array<i32>} : memref<64xf32, #tpu.memory_space<vmem>>, vector<16xf32>,
        %bitcast3A_869 = vector.bitcast %get3A_868 : vector<16xf32> to vector<32xbf16>
        %mul3A_870 = arith.mulf %bitcast3A_863, %bitcast3A_869 : vector<32xbf16>
        %unpack3A_871 = tpu.unpack_subelements %mul3A_870, 0 {pack_format = #tpu.pack_format<interleaved>} : vector<32xbf16> -> vector<16xf32>
        %unpack3A_872 = tpu.unpack_subelements %mul3A_870, 1 {pack_format = #tpu.pack_format<interleaved>} : vector<32xbf16> -> vector<16xf32>
        %get3A_873 = arith.constant 0 : i32
        %get3A_874 = tpu.memref_slice %arg11[%add3A_825, %get3A_873] : memref<80x64xf32, #tpu.memory_space<vmem>> -> memref<1x64xf32, #tpu.memory_space<vmem>>
        %get3A_875 = tpu.memref_squeeze %get3A_874 : memref<1x64xf32, #tpu.memory_space<vmem>> -> memref<64xf32, #tpu.memory_space<vmem>>
        %get3A_876 = arith.constant 48 : index
        %get3A_877 = tpu.vector_load %get3A_875[%get3A_876] {strides = array<i32>} : memref<64xf32, #tpu.memory_space<vmem>>, vector<16xf32>,
        %bitcast3A_878 = vector.bitcast %get3A_877 : vector<16xf32> to vector<32xbf16>
        %get3A_879 = arith.constant 0 : i32
        %get3A_880 = tpu.memref_slice %arg12[%add3A_827, %get3A_879] : memref<80x64xf32, #tpu.memory_space<vmem>> -> memref<1x64xf32, #tpu.memory_space<vmem>>
        %get3A_881 = tpu.memref_squeeze %get3A_880 : memref<1x64xf32, #tpu.memory_space<vmem>> -> memref<64xf32, #tpu.memory_space<vmem>>
        %get3A_882 = arith.constant 48 : index
        %get3A_883 = tpu.vector_load %get3A_881[%get3A_882] {strides = array<i32>} : memref<64xf32, #tpu.memory_space<vmem>>, vector<16xf32>,
        %bitcast3A_884 = vector.bitcast %get3A_883 : vector<16xf32> to vector<32xbf16>
        %mul3A_885 = arith.mulf %bitcast3A_878, %bitcast3A_884 : vector<32xbf16>
        %unpack3A_886 = tpu.unpack_subelements %mul3A_885, 0 {pack_format = #tpu.pack_format<interleaved>} : vector<32xbf16> -> vector<16xf32>
        %unpack3A_887 = tpu.unpack_subelements %mul3A_885, 1 {pack_format = #tpu.pack_format<interleaved>} : vector<32xbf16> -> vector<16xf32>
        %add3A_888 = arith.addf %unpack3A_841, %unpack3A_842 : vector<16xf32>
        %add3A_889 = arith.addf %unpack3A_856, %unpack3A_857 : vector<16xf32>
        %add3A_890 = arith.addf %unpack3A_871, %unpack3A_872 : vector<16xf32>
        %add3A_891 = arith.addf %unpack3A_886, %unpack3A_887 : vector<16xf32>
        %add3A_892 = arith.addf %add3A_888, %add3A_889 : vector<16xf32>
        %add3A_893 = arith.addf %add3A_890, %add3A_891 : vector<16xf32>
        %add3A_894 = arith.addf %add3A_892, %add3A_893 : vector<16xf32>
        %broadcast_in_dim3A_895 = arith.constant 10 : i32
        %broadcast_in_dim3A_896 = vector.broadcast %broadcast_in_dim3A_895 : i32 to vector<16xi32>
        tpu.vector_store_idx %arg13[%iota3A, %broadcast_in_dim3A_896], %add3A_894 : memref<16x17xf32, #tpu.memory_space<vmem>>[vector<16xi32>, vector<16xi32>], vector<16xf32>,
        %add3A_897 = arith.constant 11 : i32
        %add3A_898 = arith.addi %add3A_97, %add3A_897 : i32
        %add3A_899 = arith.constant 11 : i32
        %add3A_900 = arith.addi %add3A_97, %add3A_899 : i32
        %get3A_901 = arith.constant 0 : i32
        %get3A_902 = tpu.memref_slice %arg11[%add3A_898, %get3A_901] : memref<80x64xf32, #tpu.memory_space<vmem>> -> memref<1x64xf32, #tpu.memory_space<vmem>>
        %get3A_903 = tpu.memref_squeeze %get3A_902 : memref<1x64xf32, #tpu.memory_space<vmem>> -> memref<64xf32, #tpu.memory_space<vmem>>
        %get3A_904 = arith.constant 0 : index
        %get3A_905 = tpu.vector_load %get3A_903[%get3A_904] {strides = array<i32>} : memref<64xf32, #tpu.memory_space<vmem>>, vector<16xf32>,
        %bitcast3A_906 = vector.bitcast %get3A_905 : vector<16xf32> to vector<32xbf16>
        %get3A_907 = arith.constant 0 : i32
        %get3A_908 = tpu.memref_slice %arg12[%add3A_900, %get3A_907] : memref<80x64xf32, #tpu.memory_space<vmem>> -> memref<1x64xf32, #tpu.memory_space<vmem>>
        %get3A_909 = tpu.memref_squeeze %get3A_908 : memref<1x64xf32, #tpu.memory_space<vmem>> -> memref<64xf32, #tpu.memory_space<vmem>>
        %get3A_910 = arith.constant 0 : index
        %get3A_911 = tpu.vector_load %get3A_909[%get3A_910] {strides = array<i32>} : memref<64xf32, #tpu.memory_space<vmem>>, vector<16xf32>,
        %bitcast3A_912 = vector.bitcast %get3A_911 : vector<16xf32> to vector<32xbf16>
        %mul3A_913 = arith.mulf %bitcast3A_906, %bitcast3A_912 : vector<32xbf16>
        %unpack3A_914 = tpu.unpack_subelements %mul3A_913, 0 {pack_format = #tpu.pack_format<interleaved>} : vector<32xbf16> -> vector<16xf32>
        %unpack3A_915 = tpu.unpack_subelements %mul3A_913, 1 {pack_format = #tpu.pack_format<interleaved>} : vector<32xbf16> -> vector<16xf32>
        %get3A_916 = arith.constant 0 : i32
        %get3A_917 = tpu.memref_slice %arg11[%add3A_898, %get3A_916] : memref<80x64xf32, #tpu.memory_space<vmem>> -> memref<1x64xf32, #tpu.memory_space<vmem>>
        %get3A_918 = tpu.memref_squeeze %get3A_917 : memref<1x64xf32, #tpu.memory_space<vmem>> -> memref<64xf32, #tpu.memory_space<vmem>>
        %get3A_919 = arith.constant 16 : index
        %get3A_920 = tpu.vector_load %get3A_918[%get3A_919] {strides = array<i32>} : memref<64xf32, #tpu.memory_space<vmem>>, vector<16xf32>,
        %bitcast3A_921 = vector.bitcast %get3A_920 : vector<16xf32> to vector<32xbf16>
        %get3A_922 = arith.constant 0 : i32
        %get3A_923 = tpu.memref_slice %arg12[%add3A_900, %get3A_922] : memref<80x64xf32, #tpu.memory_space<vmem>> -> memref<1x64xf32, #tpu.memory_space<vmem>>
        %get3A_924 = tpu.memref_squeeze %get3A_923 : memref<1x64xf32, #tpu.memory_space<vmem>> -> memref<64xf32, #tpu.memory_space<vmem>>
        %get3A_925 = arith.constant 16 : index
        %get3A_926 = tpu.vector_load %get3A_924[%get3A_925] {strides = array<i32>} : memref<64xf32, #tpu.memory_space<vmem>>, vector<16xf32>,
        %bitcast3A_927 = vector.bitcast %get3A_926 : vector<16xf32> to vector<32xbf16>
        %mul3A_928 = arith.mulf %bitcast3A_921, %bitcast3A_927 : vector<32xbf16>
        %unpack3A_929 = tpu.unpack_subelements %mul3A_928, 0 {pack_format = #tpu.pack_format<interleaved>} : vector<32xbf16> -> vector<16xf32>
        %unpack3A_930 = tpu.unpack_subelements %mul3A_928, 1 {pack_format = #tpu.pack_format<interleaved>} : vector<32xbf16> -> vector<16xf32>
        %get3A_931 = arith.constant 0 : i32
        %get3A_932 = tpu.memref_slice %arg11[%add3A_898, %get3A_931] : memref<80x64xf32, #tpu.memory_space<vmem>> -> memref<1x64xf32, #tpu.memory_space<vmem>>
        %get3A_933 = tpu.memref_squeeze %get3A_932 : memref<1x64xf32, #tpu.memory_space<vmem>> -> memref<64xf32, #tpu.memory_space<vmem>>
        %get3A_934 = arith.constant 32 : index
        %get3A_935 = tpu.vector_load %get3A_933[%get3A_934] {strides = array<i32>} : memref<64xf32, #tpu.memory_space<vmem>>, vector<16xf32>,
        %bitcast3A_936 = vector.bitcast %get3A_935 : vector<16xf32> to vector<32xbf16>
        %get3A_937 = arith.constant 0 : i32
        %get3A_938 = tpu.memref_slice %arg12[%add3A_900, %get3A_937] : memref<80x64xf32, #tpu.memory_space<vmem>> -> memref<1x64xf32, #tpu.memory_space<vmem>>
        %get3A_939 = tpu.memref_squeeze %get3A_938 : memref<1x64xf32, #tpu.memory_space<vmem>> -> memref<64xf32, #tpu.memory_space<vmem>>
        %get3A_940 = arith.constant 32 : index
        %get3A_941 = tpu.vector_load %get3A_939[%get3A_940] {strides = array<i32>} : memref<64xf32, #tpu.memory_space<vmem>>, vector<16xf32>,
        %bitcast3A_942 = vector.bitcast %get3A_941 : vector<16xf32> to vector<32xbf16>
        %mul3A_943 = arith.mulf %bitcast3A_936, %bitcast3A_942 : vector<32xbf16>
        %unpack3A_944 = tpu.unpack_subelements %mul3A_943, 0 {pack_format = #tpu.pack_format<interleaved>} : vector<32xbf16> -> vector<16xf32>
        %unpack3A_945 = tpu.unpack_subelements %mul3A_943, 1 {pack_format = #tpu.pack_format<interleaved>} : vector<32xbf16> -> vector<16xf32>
        %get3A_946 = arith.constant 0 : i32
        %get3A_947 = tpu.memref_slice %arg11[%add3A_898, %get3A_946] : memref<80x64xf32, #tpu.memory_space<vmem>> -> memref<1x64xf32, #tpu.memory_space<vmem>>
        %get3A_948 = tpu.memref_squeeze %get3A_947 : memref<1x64xf32, #tpu.memory_space<vmem>> -> memref<64xf32, #tpu.memory_space<vmem>>
        %get3A_949 = arith.constant 48 : index
        %get3A_950 = tpu.vector_load %get3A_948[%get3A_949] {strides = array<i32>} : memref<64xf32, #tpu.memory_space<vmem>>, vector<16xf32>,
        %bitcast3A_951 = vector.bitcast %get3A_950 : vector<16xf32> to vector<32xbf16>
        %get3A_952 = arith.constant 0 : i32
        %get3A_953 = tpu.memref_slice %arg12[%add3A_900, %get3A_952] : memref<80x64xf32, #tpu.memory_space<vmem>> -> memref<1x64xf32, #tpu.memory_space<vmem>>
        %get3A_954 = tpu.memref_squeeze %get3A_953 : memref<1x64xf32, #tpu.memory_space<vmem>> -> memref<64xf32, #tpu.memory_space<vmem>>
        %get3A_955 = arith.constant 48 : index
        %get3A_956 = tpu.vector_load %get3A_954[%get3A_955] {strides = array<i32>} : memref<64xf32, #tpu.memory_space<vmem>>, vector<16xf32>,
        %bitcast3A_957 = vector.bitcast %get3A_956 : vector<16xf32> to vector<32xbf16>
        %mul3A_958 = arith.mulf %bitcast3A_951, %bitcast3A_957 : vector<32xbf16>
        %unpack3A_959 = tpu.unpack_subelements %mul3A_958, 0 {pack_format = #tpu.pack_format<interleaved>} : vector<32xbf16> -> vector<16xf32>
        %unpack3A_960 = tpu.unpack_subelements %mul3A_958, 1 {pack_format = #tpu.pack_format<interleaved>} : vector<32xbf16> -> vector<16xf32>
        %add3A_961 = arith.addf %unpack3A_914, %unpack3A_915 : vector<16xf32>
        %add3A_962 = arith.addf %unpack3A_929, %unpack3A_930 : vector<16xf32>
        %add3A_963 = arith.addf %unpack3A_944, %unpack3A_945 : vector<16xf32>
        %add3A_964 = arith.addf %unpack3A_959, %unpack3A_960 : vector<16xf32>
        %add3A_965 = arith.addf %add3A_961, %add3A_962 : vector<16xf32>
        %add3A_966 = arith.addf %add3A_963, %add3A_964 : vector<16xf32>
        %add3A_967 = arith.addf %add3A_965, %add3A_966 : vector<16xf32>
        %broadcast_in_dim3A_968 = arith.constant 11 : i32
        %broadcast_in_dim3A_969 = vector.broadcast %broadcast_in_dim3A_968 : i32 to vector<16xi32>
        tpu.vector_store_idx %arg13[%iota3A, %broadcast_in_dim3A_969], %add3A_967 : memref<16x17xf32, #tpu.memory_space<vmem>>[vector<16xi32>, vector<16xi32>], vector<16xf32>,
        %add3A_970 = arith.constant 12 : i32
        %add3A_971 = arith.addi %add3A_97, %add3A_970 : i32
        %add3A_972 = arith.constant 12 : i32
        %add3A_973 = arith.addi %add3A_97, %add3A_972 : i32
        %get3A_974 = arith.constant 0 : i32
        %get3A_975 = tpu.memref_slice %arg11[%add3A_971, %get3A_974] : memref<80x64xf32, #tpu.memory_space<vmem>> -> memref<1x64xf32, #tpu.memory_space<vmem>>
        %get3A_976 = tpu.memref_squeeze %get3A_975 : memref<1x64xf32, #tpu.memory_space<vmem>> -> memref<64xf32, #tpu.memory_space<vmem>>
        %get3A_977 = arith.constant 0 : index
        %get3A_978 = tpu.vector_load %get3A_976[%get3A_977] {strides = array<i32>} : memref<64xf32, #tpu.memory_space<vmem>>, vector<16xf32>,
        %bitcast3A_979 = vector.bitcast %get3A_978 : vector<16xf32> to vector<32xbf16>
        %get3A_980 = arith.constant 0 : i32
        %get3A_981 = tpu.memref_slice %arg12[%add3A_973, %get3A_980] : memref<80x64xf32, #tpu.memory_space<vmem>> -> memref<1x64xf32, #tpu.memory_space<vmem>>
        %get3A_982 = tpu.memref_squeeze %get3A_981 : memref<1x64xf32, #tpu.memory_space<vmem>> -> memref<64xf32, #tpu.memory_space<vmem>>
        %get3A_983 = arith.constant 0 : index
        %get3A_984 = tpu.vector_load %get3A_982[%get3A_983] {strides = array<i32>} : memref<64xf32, #tpu.memory_space<vmem>>, vector<16xf32>,
        %bitcast3A_985 = vector.bitcast %get3A_984 : vector<16xf32> to vector<32xbf16>
        %mul3A_986 = arith.mulf %bitcast3A_979, %bitcast3A_985 : vector<32xbf16>
        %unpack3A_987 = tpu.unpack_subelements %mul3A_986, 0 {pack_format = #tpu.pack_format<interleaved>} : vector<32xbf16> -> vector<16xf32>
        %unpack3A_988 = tpu.unpack_subelements %mul3A_986, 1 {pack_format = #tpu.pack_format<interleaved>} : vector<32xbf16> -> vector<16xf32>
        %get3A_989 = arith.constant 0 : i32
        %get3A_990 = tpu.memref_slice %arg11[%add3A_971, %get3A_989] : memref<80x64xf32, #tpu.memory_space<vmem>> -> memref<1x64xf32, #tpu.memory_space<vmem>>
        %get3A_991 = tpu.memref_squeeze %get3A_990 : memref<1x64xf32, #tpu.memory_space<vmem>> -> memref<64xf32, #tpu.memory_space<vmem>>
        %get3A_992 = arith.constant 16 : index
        %get3A_993 = tpu.vector_load %get3A_991[%get3A_992] {strides = array<i32>} : memref<64xf32, #tpu.memory_space<vmem>>, vector<16xf32>,
        %bitcast3A_994 = vector.bitcast %get3A_993 : vector<16xf32> to vector<32xbf16>
        %get3A_995 = arith.constant 0 : i32
        %get3A_996 = tpu.memref_slice %arg12[%add3A_973, %get3A_995] : memref<80x64xf32, #tpu.memory_space<vmem>> -> memref<1x64xf32, #tpu.memory_space<vmem>>
        %get3A_997 = tpu.memref_squeeze %get3A_996 : memref<1x64xf32, #tpu.memory_space<vmem>> -> memref<64xf32, #tpu.memory_space<vmem>>
        %get3A_998 = arith.constant 16 : index
        %get3A_999 = tpu.vector_load %get3A_997[%get3A_998] {strides = array<i32>} : memref<64xf32, #tpu.memory_space<vmem>>, vector<16xf32>,
        %bitcast3A_1000 = vector.bitcast %get3A_999 : vector<16xf32> to vector<32xbf16>
        %mul3A_1001 = arith.mulf %bitcast3A_994, %bitcast3A_1000 : vector<32xbf16>
        %unpack3A_1002 = tpu.unpack_subelements %mul3A_1001, 0 {pack_format = #tpu.pack_format<interleaved>} : vector<32xbf16> -> vector<16xf32>
        %unpack3A_1003 = tpu.unpack_subelements %mul3A_1001, 1 {pack_format = #tpu.pack_format<interleaved>} : vector<32xbf16> -> vector<16xf32>
        %get3A_1004 = arith.constant 0 : i32
        %get3A_1005 = tpu.memref_slice %arg11[%add3A_971, %get3A_1004] : memref<80x64xf32, #tpu.memory_space<vmem>> -> memref<1x64xf32, #tpu.memory_space<vmem>>
        %get3A_1006 = tpu.memref_squeeze %get3A_1005 : memref<1x64xf32, #tpu.memory_space<vmem>> -> memref<64xf32, #tpu.memory_space<vmem>>
        %get3A_1007 = arith.constant 32 : index
        %get3A_1008 = tpu.vector_load %get3A_1006[%get3A_1007] {strides = array<i32>} : memref<64xf32, #tpu.memory_space<vmem>>, vector<16xf32>,
        %bitcast3A_1009 = vector.bitcast %get3A_1008 : vector<16xf32> to vector<32xbf16>
        %get3A_1010 = arith.constant 0 : i32
        %get3A_1011 = tpu.memref_slice %arg12[%add3A_973, %get3A_1010] : memref<80x64xf32, #tpu.memory_space<vmem>> -> memref<1x64xf32, #tpu.memory_space<vmem>>
        %get3A_1012 = tpu.memref_squeeze %get3A_1011 : memref<1x64xf32, #tpu.memory_space<vmem>> -> memref<64xf32, #tpu.memory_space<vmem>>
        %get3A_1013 = arith.constant 32 : index
        %get3A_1014 = tpu.vector_load %get3A_1012[%get3A_1013] {strides = array<i32>} : memref<64xf32, #tpu.memory_space<vmem>>, vector<16xf32>,
        %bitcast3A_1015 = vector.bitcast %get3A_1014 : vector<16xf32> to vector<32xbf16>
        %mul3A_1016 = arith.mulf %bitcast3A_1009, %bitcast3A_1015 : vector<32xbf16>
        %unpack3A_1017 = tpu.unpack_subelements %mul3A_1016, 0 {pack_format = #tpu.pack_format<interleaved>} : vector<32xbf16> -> vector<16xf32>
        %unpack3A_1018 = tpu.unpack_subelements %mul3A_1016, 1 {pack_format = #tpu.pack_format<interleaved>} : vector<32xbf16> -> vector<16xf32>
        %get3A_1019 = arith.constant 0 : i32
        %get3A_1020 = tpu.memref_slice %arg11[%add3A_971, %get3A_1019] : memref<80x64xf32, #tpu.memory_space<vmem>> -> memref<1x64xf32, #tpu.memory_space<vmem>>
        %get3A_1021 = tpu.memref_squeeze %get3A_1020 : memref<1x64xf32, #tpu.memory_space<vmem>> -> memref<64xf32, #tpu.memory_space<vmem>>
        %get3A_1022 = arith.constant 48 : index
        %get3A_1023 = tpu.vector_load %get3A_1021[%get3A_1022] {strides = array<i32>} : memref<64xf32, #tpu.memory_space<vmem>>, vector<16xf32>,
        %bitcast3A_1024 = vector.bitcast %get3A_1023 : vector<16xf32> to vector<32xbf16>
        %get3A_1025 = arith.constant 0 : i32
        %get3A_1026 = tpu.memref_slice %arg12[%add3A_973, %get3A_1025] : memref<80x64xf32, #tpu.memory_space<vmem>> -> memref<1x64xf32, #tpu.memory_space<vmem>>
        %get3A_1027 = tpu.memref_squeeze %get3A_1026 : memref<1x64xf32, #tpu.memory_space<vmem>> -> memref<64xf32, #tpu.memory_space<vmem>>
        %get3A_1028 = arith.constant 48 : index
        %get3A_1029 = tpu.vector_load %get3A_1027[%get3A_1028] {strides = array<i32>} : memref<64xf32, #tpu.memory_space<vmem>>, vector<16xf32>,
        %bitcast3A_1030 = vector.bitcast %get3A_1029 : vector<16xf32> to vector<32xbf16>
        %mul3A_1031 = arith.mulf %bitcast3A_1024, %bitcast3A_1030 : vector<32xbf16>
        %unpack3A_1032 = tpu.unpack_subelements %mul3A_1031, 0 {pack_format = #tpu.pack_format<interleaved>} : vector<32xbf16> -> vector<16xf32>
        %unpack3A_1033 = tpu.unpack_subelements %mul3A_1031, 1 {pack_format = #tpu.pack_format<interleaved>} : vector<32xbf16> -> vector<16xf32>
        %add3A_1034 = arith.addf %unpack3A_987, %unpack3A_988 : vector<16xf32>
        %add3A_1035 = arith.addf %unpack3A_1002, %unpack3A_1003 : vector<16xf32>
        %add3A_1036 = arith.addf %unpack3A_1017, %unpack3A_1018 : vector<16xf32>
        %add3A_1037 = arith.addf %unpack3A_1032, %unpack3A_1033 : vector<16xf32>
        %add3A_1038 = arith.addf %add3A_1034, %add3A_1035 : vector<16xf32>
        %add3A_1039 = arith.addf %add3A_1036, %add3A_1037 : vector<16xf32>
        %add3A_1040 = arith.addf %add3A_1038, %add3A_1039 : vector<16xf32>
        %broadcast_in_dim3A_1041 = arith.constant 12 : i32
        %broadcast_in_dim3A_1042 = vector.broadcast %broadcast_in_dim3A_1041 : i32 to vector<16xi32>
        tpu.vector_store_idx %arg13[%iota3A, %broadcast_in_dim3A_1042], %add3A_1040 : memref<16x17xf32, #tpu.memory_space<vmem>>[vector<16xi32>, vector<16xi32>], vector<16xf32>,
        %add3A_1043 = arith.constant 13 : i32
        %add3A_1044 = arith.addi %add3A_97, %add3A_1043 : i32
        %add3A_1045 = arith.constant 13 : i32
        %add3A_1046 = arith.addi %add3A_97, %add3A_1045 : i32
        %get3A_1047 = arith.constant 0 : i32
        %get3A_1048 = tpu.memref_slice %arg11[%add3A_1044, %get3A_1047] : memref<80x64xf32, #tpu.memory_space<vmem>> -> memref<1x64xf32, #tpu.memory_space<vmem>>
        %get3A_1049 = tpu.memref_squeeze %get3A_1048 : memref<1x64xf32, #tpu.memory_space<vmem>> -> memref<64xf32, #tpu.memory_space<vmem>>
        %get3A_1050 = arith.constant 0 : index
        %get3A_1051 = tpu.vector_load %get3A_1049[%get3A_1050] {strides = array<i32>} : memref<64xf32, #tpu.memory_space<vmem>>, vector<16xf32>,
        %bitcast3A_1052 = vector.bitcast %get3A_1051 : vector<16xf32> to vector<32xbf16>
        %get3A_1053 = arith.constant 0 : i32
        %get3A_1054 = tpu.memref_slice %arg12[%add3A_1046, %get3A_1053] : memref<80x64xf32, #tpu.memory_space<vmem>> -> memref<1x64xf32, #tpu.memory_space<vmem>>
        %get3A_1055 = tpu.memref_squeeze %get3A_1054 : memref<1x64xf32, #tpu.memory_space<vmem>> -> memref<64xf32, #tpu.memory_space<vmem>>
        %get3A_1056 = arith.constant 0 : index
        %get3A_1057 = tpu.vector_load %get3A_1055[%get3A_1056] {strides = array<i32>} : memref<64xf32, #tpu.memory_space<vmem>>, vector<16xf32>,
        %bitcast3A_1058 = vector.bitcast %get3A_1057 : vector<16xf32> to vector<32xbf16>
        %mul3A_1059 = arith.mulf %bitcast3A_1052, %bitcast3A_1058 : vector<32xbf16>
        %unpack3A_1060 = tpu.unpack_subelements %mul3A_1059, 0 {pack_format = #tpu.pack_format<interleaved>} : vector<32xbf16> -> vector<16xf32>
        %unpack3A_1061 = tpu.unpack_subelements %mul3A_1059, 1 {pack_format = #tpu.pack_format<interleaved>} : vector<32xbf16> -> vector<16xf32>
        %get3A_1062 = arith.constant 0 : i32
        %get3A_1063 = tpu.memref_slice %arg11[%add3A_1044, %get3A_1062] : memref<80x64xf32, #tpu.memory_space<vmem>> -> memref<1x64xf32, #tpu.memory_space<vmem>>
        %get3A_1064 = tpu.memref_squeeze %get3A_1063 : memref<1x64xf32, #tpu.memory_space<vmem>> -> memref<64xf32, #tpu.memory_space<vmem>>
        %get3A_1065 = arith.constant 16 : index
        %get3A_1066 = tpu.vector_load %get3A_1064[%get3A_1065] {strides = array<i32>} : memref<64xf32, #tpu.memory_space<vmem>>, vector<16xf32>,
        %bitcast3A_1067 = vector.bitcast %get3A_1066 : vector<16xf32> to vector<32xbf16>
        %get3A_1068 = arith.constant 0 : i32
        %get3A_1069 = tpu.memref_slice %arg12[%add3A_1046, %get3A_1068] : memref<80x64xf32, #tpu.memory_space<vmem>> -> memref<1x64xf32, #tpu.memory_space<vmem>>
        %get3A_1070 = tpu.memref_squeeze %get3A_1069 : memref<1x64xf32, #tpu.memory_space<vmem>> -> memref<64xf32, #tpu.memory_space<vmem>>
        %get3A_1071 = arith.constant 16 : index
        %get3A_1072 = tpu.vector_load %get3A_1070[%get3A_1071] {strides = array<i32>} : memref<64xf32, #tpu.memory_space<vmem>>, vector<16xf32>,
        %bitcast3A_1073 = vector.bitcast %get3A_1072 : vector<16xf32> to vector<32xbf16>
        %mul3A_1074 = arith.mulf %bitcast3A_1067, %bitcast3A_1073 : vector<32xbf16>
        %unpack3A_1075 = tpu.unpack_subelements %mul3A_1074, 0 {pack_format = #tpu.pack_format<interleaved>} : vector<32xbf16> -> vector<16xf32>
        %unpack3A_1076 = tpu.unpack_subelements %mul3A_1074, 1 {pack_format = #tpu.pack_format<interleaved>} : vector<32xbf16> -> vector<16xf32>
        %get3A_1077 = arith.constant 0 : i32
        %get3A_1078 = tpu.memref_slice %arg11[%add3A_1044, %get3A_1077] : memref<80x64xf32, #tpu.memory_space<vmem>> -> memref<1x64xf32, #tpu.memory_space<vmem>>
        %get3A_1079 = tpu.memref_squeeze %get3A_1078 : memref<1x64xf32, #tpu.memory_space<vmem>> -> memref<64xf32, #tpu.memory_space<vmem>>
        %get3A_1080 = arith.constant 32 : index
        %get3A_1081 = tpu.vector_load %get3A_1079[%get3A_1080] {strides = array<i32>} : memref<64xf32, #tpu.memory_space<vmem>>, vector<16xf32>,
        %bitcast3A_1082 = vector.bitcast %get3A_1081 : vector<16xf32> to vector<32xbf16>
        %get3A_1083 = arith.constant 0 : i32
        %get3A_1084 = tpu.memref_slice %arg12[%add3A_1046, %get3A_1083] : memref<80x64xf32, #tpu.memory_space<vmem>> -> memref<1x64xf32, #tpu.memory_space<vmem>>
        %get3A_1085 = tpu.memref_squeeze %get3A_1084 : memref<1x64xf32, #tpu.memory_space<vmem>> -> memref<64xf32, #tpu.memory_space<vmem>>
        %get3A_1086 = arith.constant 32 : index
        %get3A_1087 = tpu.vector_load %get3A_1085[%get3A_1086] {strides = array<i32>} : memref<64xf32, #tpu.memory_space<vmem>>, vector<16xf32>,
        %bitcast3A_1088 = vector.bitcast %get3A_1087 : vector<16xf32> to vector<32xbf16>
        %mul3A_1089 = arith.mulf %bitcast3A_1082, %bitcast3A_1088 : vector<32xbf16>
        %unpack3A_1090 = tpu.unpack_subelements %mul3A_1089, 0 {pack_format = #tpu.pack_format<interleaved>} : vector<32xbf16> -> vector<16xf32>
        %unpack3A_1091 = tpu.unpack_subelements %mul3A_1089, 1 {pack_format = #tpu.pack_format<interleaved>} : vector<32xbf16> -> vector<16xf32>
        %get3A_1092 = arith.constant 0 : i32
        %get3A_1093 = tpu.memref_slice %arg11[%add3A_1044, %get3A_1092] : memref<80x64xf32, #tpu.memory_space<vmem>> -> memref<1x64xf32, #tpu.memory_space<vmem>>
        %get3A_1094 = tpu.memref_squeeze %get3A_1093 : memref<1x64xf32, #tpu.memory_space<vmem>> -> memref<64xf32, #tpu.memory_space<vmem>>
        %get3A_1095 = arith.constant 48 : index
        %get3A_1096 = tpu.vector_load %get3A_1094[%get3A_1095] {strides = array<i32>} : memref<64xf32, #tpu.memory_space<vmem>>, vector<16xf32>,
        %bitcast3A_1097 = vector.bitcast %get3A_1096 : vector<16xf32> to vector<32xbf16>
        %get3A_1098 = arith.constant 0 : i32
        %get3A_1099 = tpu.memref_slice %arg12[%add3A_1046, %get3A_1098] : memref<80x64xf32, #tpu.memory_space<vmem>> -> memref<1x64xf32, #tpu.memory_space<vmem>>
        %get3A_1100 = tpu.memref_squeeze %get3A_1099 : memref<1x64xf32, #tpu.memory_space<vmem>> -> memref<64xf32, #tpu.memory_space<vmem>>
        %get3A_1101 = arith.constant 48 : index
        %get3A_1102 = tpu.vector_load %get3A_1100[%get3A_1101] {strides = array<i32>} : memref<64xf32, #tpu.memory_space<vmem>>, vector<16xf32>,
        %bitcast3A_1103 = vector.bitcast %get3A_1102 : vector<16xf32> to vector<32xbf16>
        %mul3A_1104 = arith.mulf %bitcast3A_1097, %bitcast3A_1103 : vector<32xbf16>
        %unpack3A_1105 = tpu.unpack_subelements %mul3A_1104, 0 {pack_format = #tpu.pack_format<interleaved>} : vector<32xbf16> -> vector<16xf32>
        %unpack3A_1106 = tpu.unpack_subelements %mul3A_1104, 1 {pack_format = #tpu.pack_format<interleaved>} : vector<32xbf16> -> vector<16xf32>
        %add3A_1107 = arith.addf %unpack3A_1060, %unpack3A_1061 : vector<16xf32>
        %add3A_1108 = arith.addf %unpack3A_1075, %unpack3A_1076 : vector<16xf32>
        %add3A_1109 = arith.addf %unpack3A_1090, %unpack3A_1091 : vector<16xf32>
        %add3A_1110 = arith.addf %unpack3A_1105, %unpack3A_1106 : vector<16xf32>
        %add3A_1111 = arith.addf %add3A_1107, %add3A_1108 : vector<16xf32>
        %add3A_1112 = arith.addf %add3A_1109, %add3A_1110 : vector<16xf32>
        %add3A_1113 = arith.addf %add3A_1111, %add3A_1112 : vector<16xf32>
        %broadcast_in_dim3A_1114 = arith.constant 13 : i32
        %broadcast_in_dim3A_1115 = vector.broadcast %broadcast_in_dim3A_1114 : i32 to vector<16xi32>
        tpu.vector_store_idx %arg13[%iota3A, %broadcast_in_dim3A_1115], %add3A_1113 : memref<16x17xf32, #tpu.memory_space<vmem>>[vector<16xi32>, vector<16xi32>], vector<16xf32>,
        %add3A_1116 = arith.constant 14 : i32
        %add3A_1117 = arith.addi %add3A_97, %add3A_1116 : i32
        %add3A_1118 = arith.constant 14 : i32
        %add3A_1119 = arith.addi %add3A_97, %add3A_1118 : i32
        %get3A_1120 = arith.constant 0 : i32
        %get3A_1121 = tpu.memref_slice %arg11[%add3A_1117, %get3A_1120] : memref<80x64xf32, #tpu.memory_space<vmem>> -> memref<1x64xf32, #tpu.memory_space<vmem>>
        %get3A_1122 = tpu.memref_squeeze %get3A_1121 : memref<1x64xf32, #tpu.memory_space<vmem>> -> memref<64xf32, #tpu.memory_space<vmem>>
        %get3A_1123 = arith.constant 0 : index
        %get3A_1124 = tpu.vector_load %get3A_1122[%get3A_1123] {strides = array<i32>} : memref<64xf32, #tpu.memory_space<vmem>>, vector<16xf32>,
        %bitcast3A_1125 = vector.bitcast %get3A_1124 : vector<16xf32> to vector<32xbf16>
        %get3A_1126 = arith.constant 0 : i32
        %get3A_1127 = tpu.memref_slice %arg12[%add3A_1119, %get3A_1126] : memref<80x64xf32, #tpu.memory_space<vmem>> -> memref<1x64xf32, #tpu.memory_space<vmem>>
        %get3A_1128 = tpu.memref_squeeze %get3A_1127 : memref<1x64xf32, #tpu.memory_space<vmem>> -> memref<64xf32, #tpu.memory_space<vmem>>
        %get3A_1129 = arith.constant 0 : index
        %get3A_1130 = tpu.vector_load %get3A_1128[%get3A_1129] {strides = array<i32>} : memref<64xf32, #tpu.memory_space<vmem>>, vector<16xf32>,
        %bitcast3A_1131 = vector.bitcast %get3A_1130 : vector<16xf32> to vector<32xbf16>
        %mul3A_1132 = arith.mulf %bitcast3A_1125, %bitcast3A_1131 : vector<32xbf16>
        %unpack3A_1133 = tpu.unpack_subelements %mul3A_1132, 0 {pack_format = #tpu.pack_format<interleaved>} : vector<32xbf16> -> vector<16xf32>
        %unpack3A_1134 = tpu.unpack_subelements %mul3A_1132, 1 {pack_format = #tpu.pack_format<interleaved>} : vector<32xbf16> -> vector<16xf32>
        %get3A_1135 = arith.constant 0 : i32
        %get3A_1136 = tpu.memref_slice %arg11[%add3A_1117, %get3A_1135] : memref<80x64xf32, #tpu.memory_space<vmem>> -> memref<1x64xf32, #tpu.memory_space<vmem>>
        %get3A_1137 = tpu.memref_squeeze %get3A_1136 : memref<1x64xf32, #tpu.memory_space<vmem>> -> memref<64xf32, #tpu.memory_space<vmem>>
        %get3A_1138 = arith.constant 16 : index
        %get3A_1139 = tpu.vector_load %get3A_1137[%get3A_1138] {strides = array<i32>} : memref<64xf32, #tpu.memory_space<vmem>>, vector<16xf32>,
        %bitcast3A_1140 = vector.bitcast %get3A_1139 : vector<16xf32> to vector<32xbf16>
        %get3A_1141 = arith.constant 0 : i32
        %get3A_1142 = tpu.memref_slice %arg12[%add3A_1119, %get3A_1141] : memref<80x64xf32, #tpu.memory_space<vmem>> -> memref<1x64xf32, #tpu.memory_space<vmem>>
        %get3A_1143 = tpu.memref_squeeze %get3A_1142 : memref<1x64xf32, #tpu.memory_space<vmem>> -> memref<64xf32, #tpu.memory_space<vmem>>
        %get3A_1144 = arith.constant 16 : index
        %get3A_1145 = tpu.vector_load %get3A_1143[%get3A_1144] {strides = array<i32>} : memref<64xf32, #tpu.memory_space<vmem>>, vector<16xf32>,
        %bitcast3A_1146 = vector.bitcast %get3A_1145 : vector<16xf32> to vector<32xbf16>
        %mul3A_1147 = arith.mulf %bitcast3A_1140, %bitcast3A_1146 : vector<32xbf16>
        %unpack3A_1148 = tpu.unpack_subelements %mul3A_1147, 0 {pack_format = #tpu.pack_format<interleaved>} : vector<32xbf16> -> vector<16xf32>
        %unpack3A_1149 = tpu.unpack_subelements %mul3A_1147, 1 {pack_format = #tpu.pack_format<interleaved>} : vector<32xbf16> -> vector<16xf32>
        %get3A_1150 = arith.constant 0 : i32
        %get3A_1151 = tpu.memref_slice %arg11[%add3A_1117, %get3A_1150] : memref<80x64xf32, #tpu.memory_space<vmem>> -> memref<1x64xf32, #tpu.memory_space<vmem>>
        %get3A_1152 = tpu.memref_squeeze %get3A_1151 : memref<1x64xf32, #tpu.memory_space<vmem>> -> memref<64xf32, #tpu.memory_space<vmem>>
        %get3A_1153 = arith.constant 32 : index
        %get3A_1154 = tpu.vector_load %get3A_1152[%get3A_1153] {strides = array<i32>} : memref<64xf32, #tpu.memory_space<vmem>>, vector<16xf32>,
        %bitcast3A_1155 = vector.bitcast %get3A_1154 : vector<16xf32> to vector<32xbf16>
        %get3A_1156 = arith.constant 0 : i32
        %get3A_1157 = tpu.memref_slice %arg12[%add3A_1119, %get3A_1156] : memref<80x64xf32, #tpu.memory_space<vmem>> -> memref<1x64xf32, #tpu.memory_space<vmem>>
        %get3A_1158 = tpu.memref_squeeze %get3A_1157 : memref<1x64xf32, #tpu.memory_space<vmem>> -> memref<64xf32, #tpu.memory_space<vmem>>
        %get3A_1159 = arith.constant 32 : index
        %get3A_1160 = tpu.vector_load %get3A_1158[%get3A_1159] {strides = array<i32>} : memref<64xf32, #tpu.memory_space<vmem>>, vector<16xf32>,
        %bitcast3A_1161 = vector.bitcast %get3A_1160 : vector<16xf32> to vector<32xbf16>
        %mul3A_1162 = arith.mulf %bitcast3A_1155, %bitcast3A_1161 : vector<32xbf16>
        %unpack3A_1163 = tpu.unpack_subelements %mul3A_1162, 0 {pack_format = #tpu.pack_format<interleaved>} : vector<32xbf16> -> vector<16xf32>
        %unpack3A_1164 = tpu.unpack_subelements %mul3A_1162, 1 {pack_format = #tpu.pack_format<interleaved>} : vector<32xbf16> -> vector<16xf32>
        %get3A_1165 = arith.constant 0 : i32
        %get3A_1166 = tpu.memref_slice %arg11[%add3A_1117, %get3A_1165] : memref<80x64xf32, #tpu.memory_space<vmem>> -> memref<1x64xf32, #tpu.memory_space<vmem>>
        %get3A_1167 = tpu.memref_squeeze %get3A_1166 : memref<1x64xf32, #tpu.memory_space<vmem>> -> memref<64xf32, #tpu.memory_space<vmem>>
        %get3A_1168 = arith.constant 48 : index
        %get3A_1169 = tpu.vector_load %get3A_1167[%get3A_1168] {strides = array<i32>} : memref<64xf32, #tpu.memory_space<vmem>>, vector<16xf32>,
        %bitcast3A_1170 = vector.bitcast %get3A_1169 : vector<16xf32> to vector<32xbf16>
        %get3A_1171 = arith.constant 0 : i32
        %get3A_1172 = tpu.memref_slice %arg12[%add3A_1119, %get3A_1171] : memref<80x64xf32, #tpu.memory_space<vmem>> -> memref<1x64xf32, #tpu.memory_space<vmem>>
        %get3A_1173 = tpu.memref_squeeze %get3A_1172 : memref<1x64xf32, #tpu.memory_space<vmem>> -> memref<64xf32, #tpu.memory_space<vmem>>
        %get3A_1174 = arith.constant 48 : index
        %get3A_1175 = tpu.vector_load %get3A_1173[%get3A_1174] {strides = array<i32>} : memref<64xf32, #tpu.memory_space<vmem>>, vector<16xf32>,
        %bitcast3A_1176 = vector.bitcast %get3A_1175 : vector<16xf32> to vector<32xbf16>
        %mul3A_1177 = arith.mulf %bitcast3A_1170, %bitcast3A_1176 : vector<32xbf16>
        %unpack3A_1178 = tpu.unpack_subelements %mul3A_1177, 0 {pack_format = #tpu.pack_format<interleaved>} : vector<32xbf16> -> vector<16xf32>
        %unpack3A_1179 = tpu.unpack_subelements %mul3A_1177, 1 {pack_format = #tpu.pack_format<interleaved>} : vector<32xbf16> -> vector<16xf32>
        %add3A_1180 = arith.addf %unpack3A_1133, %unpack3A_1134 : vector<16xf32>
        %add3A_1181 = arith.addf %unpack3A_1148, %unpack3A_1149 : vector<16xf32>
        %add3A_1182 = arith.addf %unpack3A_1163, %unpack3A_1164 : vector<16xf32>
        %add3A_1183 = arith.addf %unpack3A_1178, %unpack3A_1179 : vector<16xf32>
        %add3A_1184 = arith.addf %add3A_1180, %add3A_1181 : vector<16xf32>
        %add3A_1185 = arith.addf %add3A_1182, %add3A_1183 : vector<16xf32>
        %add3A_1186 = arith.addf %add3A_1184, %add3A_1185 : vector<16xf32>
        %broadcast_in_dim3A_1187 = arith.constant 14 : i32
        %broadcast_in_dim3A_1188 = vector.broadcast %broadcast_in_dim3A_1187 : i32 to vector<16xi32>
        tpu.vector_store_idx %arg13[%iota3A, %broadcast_in_dim3A_1188], %add3A_1186 : memref<16x17xf32, #tpu.memory_space<vmem>>[vector<16xi32>, vector<16xi32>], vector<16xf32>,
        %add3A_1189 = arith.constant 15 : i32
        %add3A_1190 = arith.addi %add3A_97, %add3A_1189 : i32
        %add3A_1191 = arith.constant 15 : i32
        %add3A_1192 = arith.addi %add3A_97, %add3A_1191 : i32
        %get3A_1193 = arith.constant 0 : i32
        %get3A_1194 = tpu.memref_slice %arg11[%add3A_1190, %get3A_1193] : memref<80x64xf32, #tpu.memory_space<vmem>> -> memref<1x64xf32, #tpu.memory_space<vmem>>
        %get3A_1195 = tpu.memref_squeeze %get3A_1194 : memref<1x64xf32, #tpu.memory_space<vmem>> -> memref<64xf32, #tpu.memory_space<vmem>>
        %get3A_1196 = arith.constant 0 : index
        %get3A_1197 = tpu.vector_load %get3A_1195[%get3A_1196] {strides = array<i32>} : memref<64xf32, #tpu.memory_space<vmem>>, vector<16xf32>,
        %bitcast3A_1198 = vector.bitcast %get3A_1197 : vector<16xf32> to vector<32xbf16>
        %get3A_1199 = arith.constant 0 : i32
        %get3A_1200 = tpu.memref_slice %arg12[%add3A_1192, %get3A_1199] : memref<80x64xf32, #tpu.memory_space<vmem>> -> memref<1x64xf32, #tpu.memory_space<vmem>>
        %get3A_1201 = tpu.memref_squeeze %get3A_1200 : memref<1x64xf32, #tpu.memory_space<vmem>> -> memref<64xf32, #tpu.memory_space<vmem>>
        %get3A_1202 = arith.constant 0 : index
        %get3A_1203 = tpu.vector_load %get3A_1201[%get3A_1202] {strides = array<i32>} : memref<64xf32, #tpu.memory_space<vmem>>, vector<16xf32>,
        %bitcast3A_1204 = vector.bitcast %get3A_1203 : vector<16xf32> to vector<32xbf16>
        %mul3A_1205 = arith.mulf %bitcast3A_1198, %bitcast3A_1204 : vector<32xbf16>
        %unpack3A_1206 = tpu.unpack_subelements %mul3A_1205, 0 {pack_format = #tpu.pack_format<interleaved>} : vector<32xbf16> -> vector<16xf32>
        %unpack3A_1207 = tpu.unpack_subelements %mul3A_1205, 1 {pack_format = #tpu.pack_format<interleaved>} : vector<32xbf16> -> vector<16xf32>
        %get3A_1208 = arith.constant 0 : i32
        %get3A_1209 = tpu.memref_slice %arg11[%add3A_1190, %get3A_1208] : memref<80x64xf32, #tpu.memory_space<vmem>> -> memref<1x64xf32, #tpu.memory_space<vmem>>
        %get3A_1210 = tpu.memref_squeeze %get3A_1209 : memref<1x64xf32, #tpu.memory_space<vmem>> -> memref<64xf32, #tpu.memory_space<vmem>>
        %get3A_1211 = arith.constant 16 : index
        %get3A_1212 = tpu.vector_load %get3A_1210[%get3A_1211] {strides = array<i32>} : memref<64xf32, #tpu.memory_space<vmem>>, vector<16xf32>,
        %bitcast3A_1213 = vector.bitcast %get3A_1212 : vector<16xf32> to vector<32xbf16>
        %get3A_1214 = arith.constant 0 : i32
        %get3A_1215 = tpu.memref_slice %arg12[%add3A_1192, %get3A_1214] : memref<80x64xf32, #tpu.memory_space<vmem>> -> memref<1x64xf32, #tpu.memory_space<vmem>>
        %get3A_1216 = tpu.memref_squeeze %get3A_1215 : memref<1x64xf32, #tpu.memory_space<vmem>> -> memref<64xf32, #tpu.memory_space<vmem>>
        %get3A_1217 = arith.constant 16 : index
        %get3A_1218 = tpu.vector_load %get3A_1216[%get3A_1217] {strides = array<i32>} : memref<64xf32, #tpu.memory_space<vmem>>, vector<16xf32>,
        %bitcast3A_1219 = vector.bitcast %get3A_1218 : vector<16xf32> to vector<32xbf16>
        %mul3A_1220 = arith.mulf %bitcast3A_1213, %bitcast3A_1219 : vector<32xbf16>
        %unpack3A_1221 = tpu.unpack_subelements %mul3A_1220, 0 {pack_format = #tpu.pack_format<interleaved>} : vector<32xbf16> -> vector<16xf32>
        %unpack3A_1222 = tpu.unpack_subelements %mul3A_1220, 1 {pack_format = #tpu.pack_format<interleaved>} : vector<32xbf16> -> vector<16xf32>
        %get3A_1223 = arith.constant 0 : i32
        %get3A_1224 = tpu.memref_slice %arg11[%add3A_1190, %get3A_1223] : memref<80x64xf32, #tpu.memory_space<vmem>> -> memref<1x64xf32, #tpu.memory_space<vmem>>
        %get3A_1225 = tpu.memref_squeeze %get3A_1224 : memref<1x64xf32, #tpu.memory_space<vmem>> -> memref<64xf32, #tpu.memory_space<vmem>>
        %get3A_1226 = arith.constant 32 : index
        %get3A_1227 = tpu.vector_load %get3A_1225[%get3A_1226] {strides = array<i32>} : memref<64xf32, #tpu.memory_space<vmem>>, vector<16xf32>,
        %bitcast3A_1228 = vector.bitcast %get3A_1227 : vector<16xf32> to vector<32xbf16>
        %get3A_1229 = arith.constant 0 : i32
        %get3A_1230 = tpu.memref_slice %arg12[%add3A_1192, %get3A_1229] : memref<80x64xf32, #tpu.memory_space<vmem>> -> memref<1x64xf32, #tpu.memory_space<vmem>>
        %get3A_1231 = tpu.memref_squeeze %get3A_1230 : memref<1x64xf32, #tpu.memory_space<vmem>> -> memref<64xf32, #tpu.memory_space<vmem>>
        %get3A_1232 = arith.constant 32 : index
        %get3A_1233 = tpu.vector_load %get3A_1231[%get3A_1232] {strides = array<i32>} : memref<64xf32, #tpu.memory_space<vmem>>, vector<16xf32>,
        %bitcast3A_1234 = vector.bitcast %get3A_1233 : vector<16xf32> to vector<32xbf16>
        %mul3A_1235 = arith.mulf %bitcast3A_1228, %bitcast3A_1234 : vector<32xbf16>
        %unpack3A_1236 = tpu.unpack_subelements %mul3A_1235, 0 {pack_format = #tpu.pack_format<interleaved>} : vector<32xbf16> -> vector<16xf32>
        %unpack3A_1237 = tpu.unpack_subelements %mul3A_1235, 1 {pack_format = #tpu.pack_format<interleaved>} : vector<32xbf16> -> vector<16xf32>
        %get3A_1238 = arith.constant 0 : i32
        %get3A_1239 = tpu.memref_slice %arg11[%add3A_1190, %get3A_1238] : memref<80x64xf32, #tpu.memory_space<vmem>> -> memref<1x64xf32, #tpu.memory_space<vmem>>
        %get3A_1240 = tpu.memref_squeeze %get3A_1239 : memref<1x64xf32, #tpu.memory_space<vmem>> -> memref<64xf32, #tpu.memory_space<vmem>>
        %get3A_1241 = arith.constant 48 : index
        %get3A_1242 = tpu.vector_load %get3A_1240[%get3A_1241] {strides = array<i32>} : memref<64xf32, #tpu.memory_space<vmem>>, vector<16xf32>,
        %bitcast3A_1243 = vector.bitcast %get3A_1242 : vector<16xf32> to vector<32xbf16>
        %get3A_1244 = arith.constant 0 : i32
        %get3A_1245 = tpu.memref_slice %arg12[%add3A_1192, %get3A_1244] : memref<80x64xf32, #tpu.memory_space<vmem>> -> memref<1x64xf32, #tpu.memory_space<vmem>>
        %get3A_1246 = tpu.memref_squeeze %get3A_1245 : memref<1x64xf32, #tpu.memory_space<vmem>> -> memref<64xf32, #tpu.memory_space<vmem>>
        %get3A_1247 = arith.constant 48 : index
        %get3A_1248 = tpu.vector_load %get3A_1246[%get3A_1247] {strides = array<i32>} : memref<64xf32, #tpu.memory_space<vmem>>, vector<16xf32>,
        %bitcast3A_1249 = vector.bitcast %get3A_1248 : vector<16xf32> to vector<32xbf16>
        %mul3A_1250 = arith.mulf %bitcast3A_1243, %bitcast3A_1249 : vector<32xbf16>
        %unpack3A_1251 = tpu.unpack_subelements %mul3A_1250, 0 {pack_format = #tpu.pack_format<interleaved>} : vector<32xbf16> -> vector<16xf32>
        %unpack3A_1252 = tpu.unpack_subelements %mul3A_1250, 1 {pack_format = #tpu.pack_format<interleaved>} : vector<32xbf16> -> vector<16xf32>
        %add3A_1253 = arith.addf %unpack3A_1206, %unpack3A_1207 : vector<16xf32>
        %add3A_1254 = arith.addf %unpack3A_1221, %unpack3A_1222 : vector<16xf32>
        %add3A_1255 = arith.addf %unpack3A_1236, %unpack3A_1237 : vector<16xf32>
        %add3A_1256 = arith.addf %unpack3A_1251, %unpack3A_1252 : vector<16xf32>
        %add3A_1257 = arith.addf %add3A_1253, %add3A_1254 : vector<16xf32>
        %add3A_1258 = arith.addf %add3A_1255, %add3A_1256 : vector<16xf32>
        %add3A_1259 = arith.addf %add3A_1257, %add3A_1258 : vector<16xf32>
        %broadcast_in_dim3A_1260 = arith.constant 15 : i32
        %broadcast_in_dim3A_1261 = vector.broadcast %broadcast_in_dim3A_1260 : i32 to vector<16xi32>
        tpu.vector_store_idx %arg13[%iota3A, %broadcast_in_dim3A_1261], %add3A_1259 : memref<16x17xf32, #tpu.memory_space<vmem>>[vector<16xi32>, vector<16xi32>], vector<16xf32>,
        %get3A_1262 = arith.constant 0 : i32
        %get3A_1263 = arith.index_cast %get3A_1262 : i32 to index
        %get3A_1264 = arith.constant 0 : index
        %get3A_1265 = tpu.vector_load %arg13[%get3A_1263, %get3A_1264] {strides = array<i32>} : memref<16x17xf32, #tpu.memory_space<vmem>>, vector<16xf32>,
        %get3A_1266 = arith.constant 1 : i32
        %get3A_1267 = arith.index_cast %get3A_1266 : i32 to index
        %get3A_1268 = arith.constant 0 : index
        %get3A_1269 = tpu.vector_load %arg13[%get3A_1267, %get3A_1268] {strides = array<i32>} : memref<16x17xf32, #tpu.memory_space<vmem>>, vector<16xf32>,
        %get3A_1270 = arith.constant 2 : i32
        %get3A_1271 = arith.index_cast %get3A_1270 : i32 to index
        %get3A_1272 = arith.constant 0 : index
        %get3A_1273 = tpu.vector_load %arg13[%get3A_1271, %get3A_1272] {strides = array<i32>} : memref<16x17xf32, #tpu.memory_space<vmem>>, vector<16xf32>,
        %get3A_1274 = arith.constant 3 : i32
        %get3A_1275 = arith.index_cast %get3A_1274 : i32 to index
        %get3A_1276 = arith.constant 0 : index
        %get3A_1277 = tpu.vector_load %arg13[%get3A_1275, %get3A_1276] {strides = array<i32>} : memref<16x17xf32, #tpu.memory_space<vmem>>, vector<16xf32>,
        %get3A_1278 = arith.constant 4 : i32
        %get3A_1279 = arith.index_cast %get3A_1278 : i32 to index
        %get3A_1280 = arith.constant 0 : index
        %get3A_1281 = tpu.vector_load %arg13[%get3A_1279, %get3A_1280] {strides = array<i32>} : memref<16x17xf32, #tpu.memory_space<vmem>>, vector<16xf32>,
        %get3A_1282 = arith.constant 5 : i32
        %get3A_1283 = arith.index_cast %get3A_1282 : i32 to index
        %get3A_1284 = arith.constant 0 : index
        %get3A_1285 = tpu.vector_load %arg13[%get3A_1283, %get3A_1284] {strides = array<i32>} : memref<16x17xf32, #tpu.memory_space<vmem>>, vector<16xf32>,
        %get3A_1286 = arith.constant 6 : i32
        %get3A_1287 = arith.index_cast %get3A_1286 : i32 to index
        %get3A_1288 = arith.constant 0 : index
        %get3A_1289 = tpu.vector_load %arg13[%get3A_1287, %get3A_1288] {strides = array<i32>} : memref<16x17xf32, #tpu.memory_space<vmem>>, vector<16xf32>,
        %get3A_1290 = arith.constant 7 : i32
        %get3A_1291 = arith.index_cast %get3A_1290 : i32 to index
        %get3A_1292 = arith.constant 0 : index
        %get3A_1293 = tpu.vector_load %arg13[%get3A_1291, %get3A_1292] {strides = array<i32>} : memref<16x17xf32, #tpu.memory_space<vmem>>, vector<16xf32>,
        %get3A_1294 = arith.constant 8 : i32
        %get3A_1295 = arith.index_cast %get3A_1294 : i32 to index
        %get3A_1296 = arith.constant 0 : index
        %get3A_1297 = tpu.vector_load %arg13[%get3A_1295, %get3A_1296] {strides = array<i32>} : memref<16x17xf32, #tpu.memory_space<vmem>>, vector<16xf32>,
        %get3A_1298 = arith.constant 9 : i32
        %get3A_1299 = arith.index_cast %get3A_1298 : i32 to index
        %get3A_1300 = arith.constant 0 : index
        %get3A_1301 = tpu.vector_load %arg13[%get3A_1299, %get3A_1300] {strides = array<i32>} : memref<16x17xf32, #tpu.memory_space<vmem>>, vector<16xf32>,
        %get3A_1302 = arith.constant 10 : i32
        %get3A_1303 = arith.index_cast %get3A_1302 : i32 to index
        %get3A_1304 = arith.constant 0 : index
        %get3A_1305 = tpu.vector_load %arg13[%get3A_1303, %get3A_1304] {strides = array<i32>} : memref<16x17xf32, #tpu.memory_space<vmem>>, vector<16xf32>,
        %get3A_1306 = arith.constant 11 : i32
        %get3A_1307 = arith.index_cast %get3A_1306 : i32 to index
        %get3A_1308 = arith.constant 0 : index
        %get3A_1309 = tpu.vector_load %arg13[%get3A_1307, %get3A_1308] {strides = array<i32>} : memref<16x17xf32, #tpu.memory_space<vmem>>, vector<16xf32>,
        %get3A_1310 = arith.constant 12 : i32
        %get3A_1311 = arith.index_cast %get3A_1310 : i32 to index
        %get3A_1312 = arith.constant 0 : index
        %get3A_1313 = tpu.vector_load %arg13[%get3A_1311, %get3A_1312] {strides = array<i32>} : memref<16x17xf32, #tpu.memory_space<vmem>>, vector<16xf32>,
        %get3A_1314 = arith.constant 13 : i32
        %get3A_1315 = arith.index_cast %get3A_1314 : i32 to index
        %get3A_1316 = arith.constant 0 : index
        %get3A_1317 = tpu.vector_load %arg13[%get3A_1315, %get3A_1316] {strides = array<i32>} : memref<16x17xf32, #tpu.memory_space<vmem>>, vector<16xf32>,
        %get3A_1318 = arith.constant 14 : i32
        %get3A_1319 = arith.index_cast %get3A_1318 : i32 to index
        %get3A_1320 = arith.constant 0 : index
        %get3A_1321 = tpu.vector_load %arg13[%get3A_1319, %get3A_1320] {strides = array<i32>} : memref<16x17xf32, #tpu.memory_space<vmem>>, vector<16xf32>,
        %get3A_1322 = arith.constant 15 : i32
        %get3A_1323 = arith.index_cast %get3A_1322 : i32 to index
        %get3A_1324 = arith.constant 0 : index
        %get3A_1325 = tpu.vector_load %arg13[%get3A_1323, %get3A_1324] {strides = array<i32>} : memref<16x17xf32, #tpu.memory_space<vmem>>, vector<16xf32>,
        %add3A_1326 = arith.addf %get3A_1265, %get3A_1269 : vector<16xf32>
        %add3A_1327 = arith.addf %get3A_1273, %get3A_1277 : vector<16xf32>
        %add3A_1328 = arith.addf %get3A_1281, %get3A_1285 : vector<16xf32>
        %add3A_1329 = arith.addf %get3A_1289, %get3A_1293 : vector<16xf32>
        %add3A_1330 = arith.addf %get3A_1297, %get3A_1301 : vector<16xf32>
        %add3A_1331 = arith.addf %get3A_1305, %get3A_1309 : vector<16xf32>
        %add3A_1332 = arith.addf %get3A_1313, %get3A_1317 : vector<16xf32>
        %add3A_1333 = arith.addf %get3A_1321, %get3A_1325 : vector<16xf32>
        %add3A_1334 = arith.addf %add3A_1326, %add3A_1327 : vector<16xf32>
        %add3A_1335 = arith.addf %add3A_1328, %add3A_1329 : vector<16xf32>
        %add3A_1336 = arith.addf %add3A_1330, %add3A_1331 : vector<16xf32>
        %add3A_1337 = arith.addf %add3A_1332, %add3A_1333 : vector<16xf32>
        %add3A_1338 = arith.addf %add3A_1334, %add3A_1335 : vector<16xf32>
        %add3A_1339 = arith.addf %add3A_1336, %add3A_1337 : vector<16xf32>
        %add3A_1340 = arith.addf %add3A_1338, %add3A_1339 : vector<16xf32>
        %neg3A = arith.constant 0.000000e+00 : f32
        %neg3A_1341 = vector.broadcast %neg3A : f32 to vector<16xf32>
        %neg3A_1342 = arith.subf %neg3A_1341, %add3A_1340 : vector<16xf32>
        %exp3A = math.exp %neg3A_1342 : vector<16xf32>
        %add3A_1343 = arith.constant 1.000000e+00 : f32
        %add3A_1344 = vector.broadcast %add3A_1343 : f32 to vector<16xf32>
        %add3A_1345 = arith.addf %add3A_1344, %exp3A : vector<16xf32>
        %div3A = arith.constant 1.000000e+00 : f32
        %div3A_1346 = vector.broadcast %div3A : f32 to vector<16xf32>
        %div3A_1347 = arith.divf %div3A_1346, %add3A_1345 : vector<16xf32>
        %mul3A_1348 = arith.constant 80 : i32
        %mul3A_1349 = arith.muli %add3A_87, %mul3A_1348 : i32
        %add3A_1350 = arith.addi %mul3A_1349, %add3A_97 : i32
        %swap3A = arith.index_cast %add3A_1350 : i32 to index
        %swap3A_1351 = tpu.vector_load %arg8[%swap3A] {strides = array<i32>} : memref<10000xf32, #tpu.memory_space<vmem>>, vector<16xf32>,
        tpu.vector_store %arg8[%swap3A], %div3A_1347 {strides = array<i32>} : memref<10000xf32, #tpu.memory_space<vmem>>, vector<16xf32>,
      }
      %scan3A_92 = arith.constant 5 : i32
    }
    %scan3A_15 = arith.constant 62 : i32
    %dma_wait3A = arith.constant 9920 : i32
    %dma_wait3A_16 = tpu.memref_slice %arg6[%dma_wait3A] : memref<10000xi32, #tpu.memory_space<vmem>> -> memref<80xi32, #tpu.memory_space<vmem>>
    %dma_wait3A_17 = arith.constant 0 : i32
    %dma_wait3A_18 = arith.constant 0 : i32
    %dma_wait3A_19 = tpu.memref_slice %arg2[%dma_wait3A_17, %dma_wait3A_18] : memref<10000x64xf32, #tpu.memory_space<hbm>> -> memref<10000x64xf32, #tpu.memory_space<hbm>>
    tpu.wait_indirect_dma semaphore(%arg14 : memref<!tpu.dma_semaphore, #tpu.memory_space<semaphore_mem>>) src(%dma_wait3A_19 : memref<10000x64xf32, #tpu.memory_space<hbm>>) dst(%arg9 : memref<80x64xf32, #tpu.memory_space<vmem>>)
    %dma_wait3A_20 = arith.constant 9920 : i32
    %dma_wait3A_21 = tpu.memref_slice %arg7[%dma_wait3A_20] : memref<10000xi32, #tpu.memory_space<vmem>> -> memref<80xi32, #tpu.memory_space<vmem>>
    %dma_wait3A_22 = arith.constant 0 : i32
    %dma_wait3A_23 = arith.constant 0 : i32
    %dma_wait3A_24 = tpu.memref_slice %arg2[%dma_wait3A_22, %dma_wait3A_23] : memref<10000x64xf32, #tpu.memory_space<hbm>> -> memref<10000x64xf32, #tpu.memory_space<hbm>>
    tpu.wait_indirect_dma semaphore(%arg14 : memref<!tpu.dma_semaphore, #tpu.memory_space<semaphore_mem>>) src(%dma_wait3A_24 : memref<10000x64xf32, #tpu.memory_space<hbm>>) dst(%arg10 : memref<80x64xf32, #tpu.memory_space<vmem>>)
    %scan3A_25 = arith.constant 0 : i32
    %scan3A_26 = arith.constant 5 : i32
    %scan3A_27 = arith.addi %scan3A_25, %scan3A_26 : i32
    %scan3A_28 = arith.constant 1 : i32
    scf.for %scan3A_30 = %scan3A_25 to %scan3A_27 step %scan3A_28  : i32 {
      %mul3A_31 = arith.constant 16 : i32
      %mul3A_32 = arith.muli %scan3A_30, %mul3A_31 : i32
      %add3A_33 = arith.constant 0 : i32
      %add3A_34 = arith.addi %add3A_33, %mul3A_32 : i32
      %add3A_35 = arith.constant 0 : i32
      %add3A_36 = arith.addi %add3A_34, %add3A_35 : i32
      %add3A_37 = arith.constant 0 : i32
      %add3A_38 = arith.addi %add3A_34, %add3A_37 : i32
      %get3A = arith.constant 0 : i32
      %get3A_39 = tpu.memref_slice %arg9[%add3A_36, %get3A] : memref<80x64xf32, #tpu.memory_space<vmem>> -> memref<1x64xf32, #tpu.memory_space<vmem>>
      %get3A_40 = tpu.memref_squeeze %get3A_39 : memref<1x64xf32, #tpu.memory_space<vmem>> -> memref<64xf32, #tpu.memory_space<vmem>>
      %get3A_41 = arith.constant 0 : index
      %get3A_42 = tpu.vector_load %get3A_40[%get3A_41] {strides = array<i32>} : memref<64xf32, #tpu.memory_space<vmem>>, vector<16xf32>,
      %bitcast3A = vector.bitcast %get3A_42 : vector<16xf32> to vector<32xbf16>
      %get3A_43 = arith.constant 0 : i32
      %get3A_44 = tpu.memref_slice %arg10[%add3A_38, %get3A_43] : memref<80x64xf32, #tpu.memory_space<vmem>> -> memref<1x64xf32, #tpu.memory_space<vmem>>
      %get3A_45 = tpu.memref_squeeze %get3A_44 : memref<1x64xf32, #tpu.memory_space<vmem>> -> memref<64xf32, #tpu.memory_space<vmem>>
      %get3A_46 = arith.constant 0 : index
      %get3A_47 = tpu.vector_load %get3A_45[%get3A_46] {strides = array<i32>} : memref<64xf32, #tpu.memory_space<vmem>>, vector<16xf32>,
      %bitcast3A_48 = vector.bitcast %get3A_47 : vector<16xf32> to vector<32xbf16>
      %mul3A_49 = arith.mulf %bitcast3A, %bitcast3A_48 : vector<32xbf16>
      %unpack3A = tpu.unpack_subelements %mul3A_49, 0 {pack_format = #tpu.pack_format<interleaved>} : vector<32xbf16> -> vector<16xf32>
      %unpack3A_50 = tpu.unpack_subelements %mul3A_49, 1 {pack_format = #tpu.pack_format<interleaved>} : vector<32xbf16> -> vector<16xf32>
      %get3A_51 = arith.constant 0 : i32
      %get3A_52 = tpu.memref_slice %arg9[%add3A_36, %get3A_51] : memref<80x64xf32, #tpu.memory_space<vmem>> -> memref<1x64xf32, #tpu.memory_space<vmem>>
      %get3A_53 = tpu.memref_squeeze %get3A_52 : memref<1x64xf32, #tpu.memory_space<vmem>> -> memref<64xf32, #tpu.memory_space<vmem>>
      %get3A_54 = arith.constant 16 : index
      %get3A_55 = tpu.vector_load %get3A_53[%get3A_54] {strides = array<i32>} : memref<64xf32, #tpu.memory_space<vmem>>, vector<16xf32>,
      %bitcast3A_56 = vector.bitcast %get3A_55 : vector<16xf32> to vector<32xbf16>
      %get3A_57 = arith.constant 0 : i32
      %get3A_58 = tpu.memref_slice %arg10[%add3A_38, %get3A_57] : memref<80x64xf32, #tpu.memory_space<vmem>> -> memref<1x64xf32, #tpu.memory_space<vmem>>
      %get3A_59 = tpu.memref_squeeze %get3A_58 : memref<1x64xf32, #tpu.memory_space<vmem>> -> memref<64xf32, #tpu.memory_space<vmem>>
      %get3A_60 = arith.constant 16 : index
      %get3A_61 = tpu.vector_load %get3A_59[%get3A_60] {strides = array<i32>} : memref<64xf32, #tpu.memory_space<vmem>>, vector<16xf32>,
      %bitcast3A_62 = vector.bitcast %get3A_61 : vector<16xf32> to vector<32xbf16>
      %mul3A_63 = arith.mulf %bitcast3A_56, %bitcast3A_62 : vector<32xbf16>
      %unpack3A_64 = tpu.unpack_subelements %mul3A_63, 0 {pack_format = #tpu.pack_format<interleaved>} : vector<32xbf16> -> vector<16xf32>
      %unpack3A_65 = tpu.unpack_subelements %mul3A_63, 1 {pack_format = #tpu.pack_format<interleaved>} : vector<32xbf16> -> vector<16xf32>
      %get3A_66 = arith.constant 0 : i32
      %get3A_67 = tpu.memref_slice %arg9[%add3A_36, %get3A_66] : memref<80x64xf32, #tpu.memory_space<vmem>> -> memref<1x64xf32, #tpu.memory_space<vmem>>
      %get3A_68 = tpu.memref_squeeze %get3A_67 : memref<1x64xf32, #tpu.memory_space<vmem>> -> memref<64xf32, #tpu.memory_space<vmem>>
      %get3A_69 = arith.constant 32 : index
      %get3A_70 = tpu.vector_load %get3A_68[%get3A_69] {strides = array<i32>} : memref<64xf32, #tpu.memory_space<vmem>>, vector<16xf32>,
      %bitcast3A_71 = vector.bitcast %get3A_70 : vector<16xf32> to vector<32xbf16>
      %get3A_72 = arith.constant 0 : i32
      %get3A_73 = tpu.memref_slice %arg10[%add3A_38, %get3A_72] : memref<80x64xf32, #tpu.memory_space<vmem>> -> memref<1x64xf32, #tpu.memory_space<vmem>>
      %get3A_74 = tpu.memref_squeeze %get3A_73 : memref<1x64xf32, #tpu.memory_space<vmem>> -> memref<64xf32, #tpu.memory_space<vmem>>
      %get3A_75 = arith.constant 32 : index
      %get3A_76 = tpu.vector_load %get3A_74[%get3A_75] {strides = array<i32>} : memref<64xf32, #tpu.memory_space<vmem>>, vector<16xf32>,
      %bitcast3A_77 = vector.bitcast %get3A_76 : vector<16xf32> to vector<32xbf16>
      %mul3A_78 = arith.mulf %bitcast3A_71, %bitcast3A_77 : vector<32xbf16>
      %unpack3A_79 = tpu.unpack_subelements %mul3A_78, 0 {pack_format = #tpu.pack_format<interleaved>} : vector<32xbf16> -> vector<16xf32>
      %unpack3A_80 = tpu.unpack_subelements %mul3A_78, 1 {pack_format = #tpu.pack_format<interleaved>} : vector<32xbf16> -> vector<16xf32>
      %get3A_81 = arith.constant 0 : i32
      %get3A_82 = tpu.memref_slice %arg9[%add3A_36, %get3A_81] : memref<80x64xf32, #tpu.memory_space<vmem>> -> memref<1x64xf32, #tpu.memory_space<vmem>>
      %get3A_83 = tpu.memref_squeeze %get3A_82 : memref<1x64xf32, #tpu.memory_space<vmem>> -> memref<64xf32, #tpu.memory_space<vmem>>
      %get3A_84 = arith.constant 48 : index
      %get3A_85 = tpu.vector_load %get3A_83[%get3A_84] {strides = array<i32>} : memref<64xf32, #tpu.memory_space<vmem>>, vector<16xf32>,
      %bitcast3A_86 = vector.bitcast %get3A_85 : vector<16xf32> to vector<32xbf16>
      %get3A_87 = arith.constant 0 : i32
      %get3A_88 = tpu.memref_slice %arg10[%add3A_38, %get3A_87] : memref<80x64xf32, #tpu.memory_space<vmem>> -> memref<1x64xf32, #tpu.memory_space<vmem>>
      %get3A_89 = tpu.memref_squeeze %get3A_88 : memref<1x64xf32, #tpu.memory_space<vmem>> -> memref<64xf32, #tpu.memory_space<vmem>>
      %get3A_90 = arith.constant 48 : index
      %get3A_91 = tpu.vector_load %get3A_89[%get3A_90] {strides = array<i32>} : memref<64xf32, #tpu.memory_space<vmem>>, vector<16xf32>,
      %bitcast3A_92 = vector.bitcast %get3A_91 : vector<16xf32> to vector<32xbf16>
      %mul3A_93 = arith.mulf %bitcast3A_86, %bitcast3A_92 : vector<32xbf16>
      %unpack3A_94 = tpu.unpack_subelements %mul3A_93, 0 {pack_format = #tpu.pack_format<interleaved>} : vector<32xbf16> -> vector<16xf32>
      %unpack3A_95 = tpu.unpack_subelements %mul3A_93, 1 {pack_format = #tpu.pack_format<interleaved>} : vector<32xbf16> -> vector<16xf32>
      %add3A_96 = arith.addf %unpack3A, %unpack3A_50 : vector<16xf32>
      %add3A_97 = arith.addf %unpack3A_64, %unpack3A_65 : vector<16xf32>
      %add3A_98 = arith.addf %unpack3A_79, %unpack3A_80 : vector<16xf32>
      %add3A_99 = arith.addf %unpack3A_94, %unpack3A_95 : vector<16xf32>
      %add3A_100 = arith.addf %add3A_96, %add3A_97 : vector<16xf32>
      %add3A_101 = arith.addf %add3A_98, %add3A_99 : vector<16xf32>
      %add3A_102 = arith.addf %add3A_100, %add3A_101 : vector<16xf32>
      %broadcast_in_dim3A = arith.constant 0 : i32
      %broadcast_in_dim3A_103 = vector.broadcast %broadcast_in_dim3A : i32 to vector<16xi32>
      tpu.vector_store_idx %arg13[%iota3A, %broadcast_in_dim3A_103], %add3A_102 : memref<16x17xf32, #tpu.memory_space<vmem>>[vector<16xi32>, vector<16xi32>], vector<16xf32>,
      %add3A_104 = arith.constant 1 : i32
      %add3A_105 = arith.addi %add3A_34, %add3A_104 : i32
      %add3A_106 = arith.constant 1 : i32
      %add3A_107 = arith.addi %add3A_34, %add3A_106 : i32
      %get3A_108 = arith.constant 0 : i32
      %get3A_109 = tpu.memref_slice %arg9[%add3A_105, %get3A_108] : memref<80x64xf32, #tpu.memory_space<vmem>> -> memref<1x64xf32, #tpu.memory_space<vmem>>
      %get3A_110 = tpu.memref_squeeze %get3A_109 : memref<1x64xf32, #tpu.memory_space<vmem>> -> memref<64xf32, #tpu.memory_space<vmem>>
      %get3A_111 = arith.constant 0 : index
      %get3A_112 = tpu.vector_load %get3A_110[%get3A_111] {strides = array<i32>} : memref<64xf32, #tpu.memory_space<vmem>>, vector<16xf32>,
      %bitcast3A_113 = vector.bitcast %get3A_112 : vector<16xf32> to vector<32xbf16>
      %get3A_114 = arith.constant 0 : i32
      %get3A_115 = tpu.memref_slice %arg10[%add3A_107, %get3A_114] : memref<80x64xf32, #tpu.memory_space<vmem>> -> memref<1x64xf32, #tpu.memory_space<vmem>>
      %get3A_116 = tpu.memref_squeeze %get3A_115 : memref<1x64xf32, #tpu.memory_space<vmem>> -> memref<64xf32, #tpu.memory_space<vmem>>
      %get3A_117 = arith.constant 0 : index
      %get3A_118 = tpu.vector_load %get3A_116[%get3A_117] {strides = array<i32>} : memref<64xf32, #tpu.memory_space<vmem>>, vector<16xf32>,
      %bitcast3A_119 = vector.bitcast %get3A_118 : vector<16xf32> to vector<32xbf16>
      %mul3A_120 = arith.mulf %bitcast3A_113, %bitcast3A_119 : vector<32xbf16>
      %unpack3A_121 = tpu.unpack_subelements %mul3A_120, 0 {pack_format = #tpu.pack_format<interleaved>} : vector<32xbf16> -> vector<16xf32>
      %unpack3A_122 = tpu.unpack_subelements %mul3A_120, 1 {pack_format = #tpu.pack_format<interleaved>} : vector<32xbf16> -> vector<16xf32>
      %get3A_123 = arith.constant 0 : i32
      %get3A_124 = tpu.memref_slice %arg9[%add3A_105, %get3A_123] : memref<80x64xf32, #tpu.memory_space<vmem>> -> memref<1x64xf32, #tpu.memory_space<vmem>>
      %get3A_125 = tpu.memref_squeeze %get3A_124 : memref<1x64xf32, #tpu.memory_space<vmem>> -> memref<64xf32, #tpu.memory_space<vmem>>
      %get3A_126 = arith.constant 16 : index
      %get3A_127 = tpu.vector_load %get3A_125[%get3A_126] {strides = array<i32>} : memref<64xf32, #tpu.memory_space<vmem>>, vector<16xf32>,
      %bitcast3A_128 = vector.bitcast %get3A_127 : vector<16xf32> to vector<32xbf16>
      %get3A_129 = arith.constant 0 : i32
      %get3A_130 = tpu.memref_slice %arg10[%add3A_107, %get3A_129] : memref<80x64xf32, #tpu.memory_space<vmem>> -> memref<1x64xf32, #tpu.memory_space<vmem>>
      %get3A_131 = tpu.memref_squeeze %get3A_130 : memref<1x64xf32, #tpu.memory_space<vmem>> -> memref<64xf32, #tpu.memory_space<vmem>>
      %get3A_132 = arith.constant 16 : index
      %get3A_133 = tpu.vector_load %get3A_131[%get3A_132] {strides = array<i32>} : memref<64xf32, #tpu.memory_space<vmem>>, vector<16xf32>,
      %bitcast3A_134 = vector.bitcast %get3A_133 : vector<16xf32> to vector<32xbf16>
      %mul3A_135 = arith.mulf %bitcast3A_128, %bitcast3A_134 : vector<32xbf16>
      %unpack3A_136 = tpu.unpack_subelements %mul3A_135, 0 {pack_format = #tpu.pack_format<interleaved>} : vector<32xbf16> -> vector<16xf32>
      %unpack3A_137 = tpu.unpack_subelements %mul3A_135, 1 {pack_format = #tpu.pack_format<interleaved>} : vector<32xbf16> -> vector<16xf32>
      %get3A_138 = arith.constant 0 : i32
      %get3A_139 = tpu.memref_slice %arg9[%add3A_105, %get3A_138] : memref<80x64xf32, #tpu.memory_space<vmem>> -> memref<1x64xf32, #tpu.memory_space<vmem>>
      %get3A_140 = tpu.memref_squeeze %get3A_139 : memref<1x64xf32, #tpu.memory_space<vmem>> -> memref<64xf32, #tpu.memory_space<vmem>>
      %get3A_141 = arith.constant 32 : index
      %get3A_142 = tpu.vector_load %get3A_140[%get3A_141] {strides = array<i32>} : memref<64xf32, #tpu.memory_space<vmem>>, vector<16xf32>,
      %bitcast3A_143 = vector.bitcast %get3A_142 : vector<16xf32> to vector<32xbf16>
      %get3A_144 = arith.constant 0 : i32
      %get3A_145 = tpu.memref_slice %arg10[%add3A_107, %get3A_144] : memref<80x64xf32, #tpu.memory_space<vmem>> -> memref<1x64xf32, #tpu.memory_space<vmem>>
      %get3A_146 = tpu.memref_squeeze %get3A_145 : memref<1x64xf32, #tpu.memory_space<vmem>> -> memref<64xf32, #tpu.memory_space<vmem>>
      %get3A_147 = arith.constant 32 : index
      %get3A_148 = tpu.vector_load %get3A_146[%get3A_147] {strides = array<i32>} : memref<64xf32, #tpu.memory_space<vmem>>, vector<16xf32>,
      %bitcast3A_149 = vector.bitcast %get3A_148 : vector<16xf32> to vector<32xbf16>
      %mul3A_150 = arith.mulf %bitcast3A_143, %bitcast3A_149 : vector<32xbf16>
      %unpack3A_151 = tpu.unpack_subelements %mul3A_150, 0 {pack_format = #tpu.pack_format<interleaved>} : vector<32xbf16> -> vector<16xf32>
      %unpack3A_152 = tpu.unpack_subelements %mul3A_150, 1 {pack_format = #tpu.pack_format<interleaved>} : vector<32xbf16> -> vector<16xf32>
      %get3A_153 = arith.constant 0 : i32
      %get3A_154 = tpu.memref_slice %arg9[%add3A_105, %get3A_153] : memref<80x64xf32, #tpu.memory_space<vmem>> -> memref<1x64xf32, #tpu.memory_space<vmem>>
      %get3A_155 = tpu.memref_squeeze %get3A_154 : memref<1x64xf32, #tpu.memory_space<vmem>> -> memref<64xf32, #tpu.memory_space<vmem>>
      %get3A_156 = arith.constant 48 : index
      %get3A_157 = tpu.vector_load %get3A_155[%get3A_156] {strides = array<i32>} : memref<64xf32, #tpu.memory_space<vmem>>, vector<16xf32>,
      %bitcast3A_158 = vector.bitcast %get3A_157 : vector<16xf32> to vector<32xbf16>
      %get3A_159 = arith.constant 0 : i32
      %get3A_160 = tpu.memref_slice %arg10[%add3A_107, %get3A_159] : memref<80x64xf32, #tpu.memory_space<vmem>> -> memref<1x64xf32, #tpu.memory_space<vmem>>
      %get3A_161 = tpu.memref_squeeze %get3A_160 : memref<1x64xf32, #tpu.memory_space<vmem>> -> memref<64xf32, #tpu.memory_space<vmem>>
      %get3A_162 = arith.constant 48 : index
      %get3A_163 = tpu.vector_load %get3A_161[%get3A_162] {strides = array<i32>} : memref<64xf32, #tpu.memory_space<vmem>>, vector<16xf32>,
      %bitcast3A_164 = vector.bitcast %get3A_163 : vector<16xf32> to vector<32xbf16>
      %mul3A_165 = arith.mulf %bitcast3A_158, %bitcast3A_164 : vector<32xbf16>
      %unpack3A_166 = tpu.unpack_subelements %mul3A_165, 0 {pack_format = #tpu.pack_format<interleaved>} : vector<32xbf16> -> vector<16xf32>
      %unpack3A_167 = tpu.unpack_subelements %mul3A_165, 1 {pack_format = #tpu.pack_format<interleaved>} : vector<32xbf16> -> vector<16xf32>
      %add3A_168 = arith.addf %unpack3A_121, %unpack3A_122 : vector<16xf32>
      %add3A_169 = arith.addf %unpack3A_136, %unpack3A_137 : vector<16xf32>
      %add3A_170 = arith.addf %unpack3A_151, %unpack3A_152 : vector<16xf32>
      %add3A_171 = arith.addf %unpack3A_166, %unpack3A_167 : vector<16xf32>
      %add3A_172 = arith.addf %add3A_168, %add3A_169 : vector<16xf32>
      %add3A_173 = arith.addf %add3A_170, %add3A_171 : vector<16xf32>
      %add3A_174 = arith.addf %add3A_172, %add3A_173 : vector<16xf32>
      %broadcast_in_dim3A_175 = arith.constant 1 : i32
      %broadcast_in_dim3A_176 = vector.broadcast %broadcast_in_dim3A_175 : i32 to vector<16xi32>
      tpu.vector_store_idx %arg13[%iota3A, %broadcast_in_dim3A_176], %add3A_174 : memref<16x17xf32, #tpu.memory_space<vmem>>[vector<16xi32>, vector<16xi32>], vector<16xf32>,
      %add3A_177 = arith.constant 2 : i32
      %add3A_178 = arith.addi %add3A_34, %add3A_177 : i32
      %add3A_179 = arith.constant 2 : i32
      %add3A_180 = arith.addi %add3A_34, %add3A_179 : i32
      %get3A_181 = arith.constant 0 : i32
      %get3A_182 = tpu.memref_slice %arg9[%add3A_178, %get3A_181] : memref<80x64xf32, #tpu.memory_space<vmem>> -> memref<1x64xf32, #tpu.memory_space<vmem>>
      %get3A_183 = tpu.memref_squeeze %get3A_182 : memref<1x64xf32, #tpu.memory_space<vmem>> -> memref<64xf32, #tpu.memory_space<vmem>>
      %get3A_184 = arith.constant 0 : index
      %get3A_185 = tpu.vector_load %get3A_183[%get3A_184] {strides = array<i32>} : memref<64xf32, #tpu.memory_space<vmem>>, vector<16xf32>,
      %bitcast3A_186 = vector.bitcast %get3A_185 : vector<16xf32> to vector<32xbf16>
      %get3A_187 = arith.constant 0 : i32
      %get3A_188 = tpu.memref_slice %arg10[%add3A_180, %get3A_187] : memref<80x64xf32, #tpu.memory_space<vmem>> -> memref<1x64xf32, #tpu.memory_space<vmem>>
      %get3A_189 = tpu.memref_squeeze %get3A_188 : memref<1x64xf32, #tpu.memory_space<vmem>> -> memref<64xf32, #tpu.memory_space<vmem>>
      %get3A_190 = arith.constant 0 : index
      %get3A_191 = tpu.vector_load %get3A_189[%get3A_190] {strides = array<i32>} : memref<64xf32, #tpu.memory_space<vmem>>, vector<16xf32>,
      %bitcast3A_192 = vector.bitcast %get3A_191 : vector<16xf32> to vector<32xbf16>
      %mul3A_193 = arith.mulf %bitcast3A_186, %bitcast3A_192 : vector<32xbf16>
      %unpack3A_194 = tpu.unpack_subelements %mul3A_193, 0 {pack_format = #tpu.pack_format<interleaved>} : vector<32xbf16> -> vector<16xf32>
      %unpack3A_195 = tpu.unpack_subelements %mul3A_193, 1 {pack_format = #tpu.pack_format<interleaved>} : vector<32xbf16> -> vector<16xf32>
      %get3A_196 = arith.constant 0 : i32
      %get3A_197 = tpu.memref_slice %arg9[%add3A_178, %get3A_196] : memref<80x64xf32, #tpu.memory_space<vmem>> -> memref<1x64xf32, #tpu.memory_space<vmem>>
      %get3A_198 = tpu.memref_squeeze %get3A_197 : memref<1x64xf32, #tpu.memory_space<vmem>> -> memref<64xf32, #tpu.memory_space<vmem>>
      %get3A_199 = arith.constant 16 : index
      %get3A_200 = tpu.vector_load %get3A_198[%get3A_199] {strides = array<i32>} : memref<64xf32, #tpu.memory_space<vmem>>, vector<16xf32>,
      %bitcast3A_201 = vector.bitcast %get3A_200 : vector<16xf32> to vector<32xbf16>
      %get3A_202 = arith.constant 0 : i32
      %get3A_203 = tpu.memref_slice %arg10[%add3A_180, %get3A_202] : memref<80x64xf32, #tpu.memory_space<vmem>> -> memref<1x64xf32, #tpu.memory_space<vmem>>
      %get3A_204 = tpu.memref_squeeze %get3A_203 : memref<1x64xf32, #tpu.memory_space<vmem>> -> memref<64xf32, #tpu.memory_space<vmem>>
      %get3A_205 = arith.constant 16 : index
      %get3A_206 = tpu.vector_load %get3A_204[%get3A_205] {strides = array<i32>} : memref<64xf32, #tpu.memory_space<vmem>>, vector<16xf32>,
      %bitcast3A_207 = vector.bitcast %get3A_206 : vector<16xf32> to vector<32xbf16>
      %mul3A_208 = arith.mulf %bitcast3A_201, %bitcast3A_207 : vector<32xbf16>
      %unpack3A_209 = tpu.unpack_subelements %mul3A_208, 0 {pack_format = #tpu.pack_format<interleaved>} : vector<32xbf16> -> vector<16xf32>
      %unpack3A_210 = tpu.unpack_subelements %mul3A_208, 1 {pack_format = #tpu.pack_format<interleaved>} : vector<32xbf16> -> vector<16xf32>
      %get3A_211 = arith.constant 0 : i32
      %get3A_212 = tpu.memref_slice %arg9[%add3A_178, %get3A_211] : memref<80x64xf32, #tpu.memory_space<vmem>> -> memref<1x64xf32, #tpu.memory_space<vmem>>
      %get3A_213 = tpu.memref_squeeze %get3A_212 : memref<1x64xf32, #tpu.memory_space<vmem>> -> memref<64xf32, #tpu.memory_space<vmem>>
      %get3A_214 = arith.constant 32 : index
      %get3A_215 = tpu.vector_load %get3A_213[%get3A_214] {strides = array<i32>} : memref<64xf32, #tpu.memory_space<vmem>>, vector<16xf32>,
      %bitcast3A_216 = vector.bitcast %get3A_215 : vector<16xf32> to vector<32xbf16>
      %get3A_217 = arith.constant 0 : i32
      %get3A_218 = tpu.memref_slice %arg10[%add3A_180, %get3A_217] : memref<80x64xf32, #tpu.memory_space<vmem>> -> memref<1x64xf32, #tpu.memory_space<vmem>>
      %get3A_219 = tpu.memref_squeeze %get3A_218 : memref<1x64xf32, #tpu.memory_space<vmem>> -> memref<64xf32, #tpu.memory_space<vmem>>
      %get3A_220 = arith.constant 32 : index
      %get3A_221 = tpu.vector_load %get3A_219[%get3A_220] {strides = array<i32>} : memref<64xf32, #tpu.memory_space<vmem>>, vector<16xf32>,
      %bitcast3A_222 = vector.bitcast %get3A_221 : vector<16xf32> to vector<32xbf16>
      %mul3A_223 = arith.mulf %bitcast3A_216, %bitcast3A_222 : vector<32xbf16>
      %unpack3A_224 = tpu.unpack_subelements %mul3A_223, 0 {pack_format = #tpu.pack_format<interleaved>} : vector<32xbf16> -> vector<16xf32>
      %unpack3A_225 = tpu.unpack_subelements %mul3A_223, 1 {pack_format = #tpu.pack_format<interleaved>} : vector<32xbf16> -> vector<16xf32>
      %get3A_226 = arith.constant 0 : i32
      %get3A_227 = tpu.memref_slice %arg9[%add3A_178, %get3A_226] : memref<80x64xf32, #tpu.memory_space<vmem>> -> memref<1x64xf32, #tpu.memory_space<vmem>>
      %get3A_228 = tpu.memref_squeeze %get3A_227 : memref<1x64xf32, #tpu.memory_space<vmem>> -> memref<64xf32, #tpu.memory_space<vmem>>
      %get3A_229 = arith.constant 48 : index
      %get3A_230 = tpu.vector_load %get3A_228[%get3A_229] {strides = array<i32>} : memref<64xf32, #tpu.memory_space<vmem>>, vector<16xf32>,
      %bitcast3A_231 = vector.bitcast %get3A_230 : vector<16xf32> to vector<32xbf16>
      %get3A_232 = arith.constant 0 : i32
      %get3A_233 = tpu.memref_slice %arg10[%add3A_180, %get3A_232] : memref<80x64xf32, #tpu.memory_space<vmem>> -> memref<1x64xf32, #tpu.memory_space<vmem>>
      %get3A_234 = tpu.memref_squeeze %get3A_233 : memref<1x64xf32, #tpu.memory_space<vmem>> -> memref<64xf32, #tpu.memory_space<vmem>>
      %get3A_235 = arith.constant 48 : index
      %get3A_236 = tpu.vector_load %get3A_234[%get3A_235] {strides = array<i32>} : memref<64xf32, #tpu.memory_space<vmem>>, vector<16xf32>,
      %bitcast3A_237 = vector.bitcast %get3A_236 : vector<16xf32> to vector<32xbf16>
      %mul3A_238 = arith.mulf %bitcast3A_231, %bitcast3A_237 : vector<32xbf16>
      %unpack3A_239 = tpu.unpack_subelements %mul3A_238, 0 {pack_format = #tpu.pack_format<interleaved>} : vector<32xbf16> -> vector<16xf32>
      %unpack3A_240 = tpu.unpack_subelements %mul3A_238, 1 {pack_format = #tpu.pack_format<interleaved>} : vector<32xbf16> -> vector<16xf32>
      %add3A_241 = arith.addf %unpack3A_194, %unpack3A_195 : vector<16xf32>
      %add3A_242 = arith.addf %unpack3A_209, %unpack3A_210 : vector<16xf32>
      %add3A_243 = arith.addf %unpack3A_224, %unpack3A_225 : vector<16xf32>
      %add3A_244 = arith.addf %unpack3A_239, %unpack3A_240 : vector<16xf32>
      %add3A_245 = arith.addf %add3A_241, %add3A_242 : vector<16xf32>
      %add3A_246 = arith.addf %add3A_243, %add3A_244 : vector<16xf32>
      %add3A_247 = arith.addf %add3A_245, %add3A_246 : vector<16xf32>
      %broadcast_in_dim3A_248 = arith.constant 2 : i32
      %broadcast_in_dim3A_249 = vector.broadcast %broadcast_in_dim3A_248 : i32 to vector<16xi32>
      tpu.vector_store_idx %arg13[%iota3A, %broadcast_in_dim3A_249], %add3A_247 : memref<16x17xf32, #tpu.memory_space<vmem>>[vector<16xi32>, vector<16xi32>], vector<16xf32>,
      %add3A_250 = arith.constant 3 : i32
      %add3A_251 = arith.addi %add3A_34, %add3A_250 : i32
      %add3A_252 = arith.constant 3 : i32
      %add3A_253 = arith.addi %add3A_34, %add3A_252 : i32
      %get3A_254 = arith.constant 0 : i32
      %get3A_255 = tpu.memref_slice %arg9[%add3A_251, %get3A_254] : memref<80x64xf32, #tpu.memory_space<vmem>> -> memref<1x64xf32, #tpu.memory_space<vmem>>
      %get3A_256 = tpu.memref_squeeze %get3A_255 : memref<1x64xf32, #tpu.memory_space<vmem>> -> memref<64xf32, #tpu.memory_space<vmem>>
      %get3A_257 = arith.constant 0 : index
      %get3A_258 = tpu.vector_load %get3A_256[%get3A_257] {strides = array<i32>} : memref<64xf32, #tpu.memory_space<vmem>>, vector<16xf32>,
      %bitcast3A_259 = vector.bitcast %get3A_258 : vector<16xf32> to vector<32xbf16>
      %get3A_260 = arith.constant 0 : i32
      %get3A_261 = tpu.memref_slice %arg10[%add3A_253, %get3A_260] : memref<80x64xf32, #tpu.memory_space<vmem>> -> memref<1x64xf32, #tpu.memory_space<vmem>>
      %get3A_262 = tpu.memref_squeeze %get3A_261 : memref<1x64xf32, #tpu.memory_space<vmem>> -> memref<64xf32, #tpu.memory_space<vmem>>
      %get3A_263 = arith.constant 0 : index
      %get3A_264 = tpu.vector_load %get3A_262[%get3A_263] {strides = array<i32>} : memref<64xf32, #tpu.memory_space<vmem>>, vector<16xf32>,
      %bitcast3A_265 = vector.bitcast %get3A_264 : vector<16xf32> to vector<32xbf16>
      %mul3A_266 = arith.mulf %bitcast3A_259, %bitcast3A_265 : vector<32xbf16>
      %unpack3A_267 = tpu.unpack_subelements %mul3A_266, 0 {pack_format = #tpu.pack_format<interleaved>} : vector<32xbf16> -> vector<16xf32>
      %unpack3A_268 = tpu.unpack_subelements %mul3A_266, 1 {pack_format = #tpu.pack_format<interleaved>} : vector<32xbf16> -> vector<16xf32>
      %get3A_269 = arith.constant 0 : i32
      %get3A_270 = tpu.memref_slice %arg9[%add3A_251, %get3A_269] : memref<80x64xf32, #tpu.memory_space<vmem>> -> memref<1x64xf32, #tpu.memory_space<vmem>>
      %get3A_271 = tpu.memref_squeeze %get3A_270 : memref<1x64xf32, #tpu.memory_space<vmem>> -> memref<64xf32, #tpu.memory_space<vmem>>
      %get3A_272 = arith.constant 16 : index
      %get3A_273 = tpu.vector_load %get3A_271[%get3A_272] {strides = array<i32>} : memref<64xf32, #tpu.memory_space<vmem>>, vector<16xf32>,
      %bitcast3A_274 = vector.bitcast %get3A_273 : vector<16xf32> to vector<32xbf16>
      %get3A_275 = arith.constant 0 : i32
      %get3A_276 = tpu.memref_slice %arg10[%add3A_253, %get3A_275] : memref<80x64xf32, #tpu.memory_space<vmem>> -> memref<1x64xf32, #tpu.memory_space<vmem>>
      %get3A_277 = tpu.memref_squeeze %get3A_276 : memref<1x64xf32, #tpu.memory_space<vmem>> -> memref<64xf32, #tpu.memory_space<vmem>>
      %get3A_278 = arith.constant 16 : index
      %get3A_279 = tpu.vector_load %get3A_277[%get3A_278] {strides = array<i32>} : memref<64xf32, #tpu.memory_space<vmem>>, vector<16xf32>,
      %bitcast3A_280 = vector.bitcast %get3A_279 : vector<16xf32> to vector<32xbf16>
      %mul3A_281 = arith.mulf %bitcast3A_274, %bitcast3A_280 : vector<32xbf16>
      %unpack3A_282 = tpu.unpack_subelements %mul3A_281, 0 {pack_format = #tpu.pack_format<interleaved>} : vector<32xbf16> -> vector<16xf32>
      %unpack3A_283 = tpu.unpack_subelements %mul3A_281, 1 {pack_format = #tpu.pack_format<interleaved>} : vector<32xbf16> -> vector<16xf32>
      %get3A_284 = arith.constant 0 : i32
      %get3A_285 = tpu.memref_slice %arg9[%add3A_251, %get3A_284] : memref<80x64xf32, #tpu.memory_space<vmem>> -> memref<1x64xf32, #tpu.memory_space<vmem>>
      %get3A_286 = tpu.memref_squeeze %get3A_285 : memref<1x64xf32, #tpu.memory_space<vmem>> -> memref<64xf32, #tpu.memory_space<vmem>>
      %get3A_287 = arith.constant 32 : index
      %get3A_288 = tpu.vector_load %get3A_286[%get3A_287] {strides = array<i32>} : memref<64xf32, #tpu.memory_space<vmem>>, vector<16xf32>,
      %bitcast3A_289 = vector.bitcast %get3A_288 : vector<16xf32> to vector<32xbf16>
      %get3A_290 = arith.constant 0 : i32
      %get3A_291 = tpu.memref_slice %arg10[%add3A_253, %get3A_290] : memref<80x64xf32, #tpu.memory_space<vmem>> -> memref<1x64xf32, #tpu.memory_space<vmem>>
      %get3A_292 = tpu.memref_squeeze %get3A_291 : memref<1x64xf32, #tpu.memory_space<vmem>> -> memref<64xf32, #tpu.memory_space<vmem>>
      %get3A_293 = arith.constant 32 : index
      %get3A_294 = tpu.vector_load %get3A_292[%get3A_293] {strides = array<i32>} : memref<64xf32, #tpu.memory_space<vmem>>, vector<16xf32>,
      %bitcast3A_295 = vector.bitcast %get3A_294 : vector<16xf32> to vector<32xbf16>
      %mul3A_296 = arith.mulf %bitcast3A_289, %bitcast3A_295 : vector<32xbf16>
      %unpack3A_297 = tpu.unpack_subelements %mul3A_296, 0 {pack_format = #tpu.pack_format<interleaved>} : vector<32xbf16> -> vector<16xf32>
      %unpack3A_298 = tpu.unpack_subelements %mul3A_296, 1 {pack_format = #tpu.pack_format<interleaved>} : vector<32xbf16> -> vector<16xf32>
      %get3A_299 = arith.constant 0 : i32
      %get3A_300 = tpu.memref_slice %arg9[%add3A_251, %get3A_299] : memref<80x64xf32, #tpu.memory_space<vmem>> -> memref<1x64xf32, #tpu.memory_space<vmem>>
      %get3A_301 = tpu.memref_squeeze %get3A_300 : memref<1x64xf32, #tpu.memory_space<vmem>> -> memref<64xf32, #tpu.memory_space<vmem>>
      %get3A_302 = arith.constant 48 : index
      %get3A_303 = tpu.vector_load %get3A_301[%get3A_302] {strides = array<i32>} : memref<64xf32, #tpu.memory_space<vmem>>, vector<16xf32>,
      %bitcast3A_304 = vector.bitcast %get3A_303 : vector<16xf32> to vector<32xbf16>
      %get3A_305 = arith.constant 0 : i32
      %get3A_306 = tpu.memref_slice %arg10[%add3A_253, %get3A_305] : memref<80x64xf32, #tpu.memory_space<vmem>> -> memref<1x64xf32, #tpu.memory_space<vmem>>
      %get3A_307 = tpu.memref_squeeze %get3A_306 : memref<1x64xf32, #tpu.memory_space<vmem>> -> memref<64xf32, #tpu.memory_space<vmem>>
      %get3A_308 = arith.constant 48 : index
      %get3A_309 = tpu.vector_load %get3A_307[%get3A_308] {strides = array<i32>} : memref<64xf32, #tpu.memory_space<vmem>>, vector<16xf32>,
      %bitcast3A_310 = vector.bitcast %get3A_309 : vector<16xf32> to vector<32xbf16>
      %mul3A_311 = arith.mulf %bitcast3A_304, %bitcast3A_310 : vector<32xbf16>
      %unpack3A_312 = tpu.unpack_subelements %mul3A_311, 0 {pack_format = #tpu.pack_format<interleaved>} : vector<32xbf16> -> vector<16xf32>
      %unpack3A_313 = tpu.unpack_subelements %mul3A_311, 1 {pack_format = #tpu.pack_format<interleaved>} : vector<32xbf16> -> vector<16xf32>
      %add3A_314 = arith.addf %unpack3A_267, %unpack3A_268 : vector<16xf32>
      %add3A_315 = arith.addf %unpack3A_282, %unpack3A_283 : vector<16xf32>
      %add3A_316 = arith.addf %unpack3A_297, %unpack3A_298 : vector<16xf32>
      %add3A_317 = arith.addf %unpack3A_312, %unpack3A_313 : vector<16xf32>
      %add3A_318 = arith.addf %add3A_314, %add3A_315 : vector<16xf32>
      %add3A_319 = arith.addf %add3A_316, %add3A_317 : vector<16xf32>
      %add3A_320 = arith.addf %add3A_318, %add3A_319 : vector<16xf32>
      %broadcast_in_dim3A_321 = arith.constant 3 : i32
      %broadcast_in_dim3A_322 = vector.broadcast %broadcast_in_dim3A_321 : i32 to vector<16xi32>
      tpu.vector_store_idx %arg13[%iota3A, %broadcast_in_dim3A_322], %add3A_320 : memref<16x17xf32, #tpu.memory_space<vmem>>[vector<16xi32>, vector<16xi32>], vector<16xf32>,
      %add3A_323 = arith.constant 4 : i32
      %add3A_324 = arith.addi %add3A_34, %add3A_323 : i32
      %add3A_325 = arith.constant 4 : i32
      %add3A_326 = arith.addi %add3A_34, %add3A_325 : i32
      %get3A_327 = arith.constant 0 : i32
      %get3A_328 = tpu.memref_slice %arg9[%add3A_324, %get3A_327] : memref<80x64xf32, #tpu.memory_space<vmem>> -> memref<1x64xf32, #tpu.memory_space<vmem>>
      %get3A_329 = tpu.memref_squeeze %get3A_328 : memref<1x64xf32, #tpu.memory_space<vmem>> -> memref<64xf32, #tpu.memory_space<vmem>>
      %get3A_330 = arith.constant 0 : index
      %get3A_331 = tpu.vector_load %get3A_329[%get3A_330] {strides = array<i32>} : memref<64xf32, #tpu.memory_space<vmem>>, vector<16xf32>,
      %bitcast3A_332 = vector.bitcast %get3A_331 : vector<16xf32> to vector<32xbf16>
      %get3A_333 = arith.constant 0 : i32
      %get3A_334 = tpu.memref_slice %arg10[%add3A_326, %get3A_333] : memref<80x64xf32, #tpu.memory_space<vmem>> -> memref<1x64xf32, #tpu.memory_space<vmem>>
      %get3A_335 = tpu.memref_squeeze %get3A_334 : memref<1x64xf32, #tpu.memory_space<vmem>> -> memref<64xf32, #tpu.memory_space<vmem>>
      %get3A_336 = arith.constant 0 : index
      %get3A_337 = tpu.vector_load %get3A_335[%get3A_336] {strides = array<i32>} : memref<64xf32, #tpu.memory_space<vmem>>, vector<16xf32>,
      %bitcast3A_338 = vector.bitcast %get3A_337 : vector<16xf32> to vector<32xbf16>
      %mul3A_339 = arith.mulf %bitcast3A_332, %bitcast3A_338 : vector<32xbf16>
      %unpack3A_340 = tpu.unpack_subelements %mul3A_339, 0 {pack_format = #tpu.pack_format<interleaved>} : vector<32xbf16> -> vector<16xf32>
      %unpack3A_341 = tpu.unpack_subelements %mul3A_339, 1 {pack_format = #tpu.pack_format<interleaved>} : vector<32xbf16> -> vector<16xf32>
      %get3A_342 = arith.constant 0 : i32
      %get3A_343 = tpu.memref_slice %arg9[%add3A_324, %get3A_342] : memref<80x64xf32, #tpu.memory_space<vmem>> -> memref<1x64xf32, #tpu.memory_space<vmem>>
      %get3A_344 = tpu.memref_squeeze %get3A_343 : memref<1x64xf32, #tpu.memory_space<vmem>> -> memref<64xf32, #tpu.memory_space<vmem>>
      %get3A_345 = arith.constant 16 : index
      %get3A_346 = tpu.vector_load %get3A_344[%get3A_345] {strides = array<i32>} : memref<64xf32, #tpu.memory_space<vmem>>, vector<16xf32>,
      %bitcast3A_347 = vector.bitcast %get3A_346 : vector<16xf32> to vector<32xbf16>
      %get3A_348 = arith.constant 0 : i32
      %get3A_349 = tpu.memref_slice %arg10[%add3A_326, %get3A_348] : memref<80x64xf32, #tpu.memory_space<vmem>> -> memref<1x64xf32, #tpu.memory_space<vmem>>
      %get3A_350 = tpu.memref_squeeze %get3A_349 : memref<1x64xf32, #tpu.memory_space<vmem>> -> memref<64xf32, #tpu.memory_space<vmem>>
      %get3A_351 = arith.constant 16 : index
      %get3A_352 = tpu.vector_load %get3A_350[%get3A_351] {strides = array<i32>} : memref<64xf32, #tpu.memory_space<vmem>>, vector<16xf32>,
      %bitcast3A_353 = vector.bitcast %get3A_352 : vector<16xf32> to vector<32xbf16>
      %mul3A_354 = arith.mulf %bitcast3A_347, %bitcast3A_353 : vector<32xbf16>
      %unpack3A_355 = tpu.unpack_subelements %mul3A_354, 0 {pack_format = #tpu.pack_format<interleaved>} : vector<32xbf16> -> vector<16xf32>
      %unpack3A_356 = tpu.unpack_subelements %mul3A_354, 1 {pack_format = #tpu.pack_format<interleaved>} : vector<32xbf16> -> vector<16xf32>
      %get3A_357 = arith.constant 0 : i32
      %get3A_358 = tpu.memref_slice %arg9[%add3A_324, %get3A_357] : memref<80x64xf32, #tpu.memory_space<vmem>> -> memref<1x64xf32, #tpu.memory_space<vmem>>
      %get3A_359 = tpu.memref_squeeze %get3A_358 : memref<1x64xf32, #tpu.memory_space<vmem>> -> memref<64xf32, #tpu.memory_space<vmem>>
      %get3A_360 = arith.constant 32 : index
      %get3A_361 = tpu.vector_load %get3A_359[%get3A_360] {strides = array<i32>} : memref<64xf32, #tpu.memory_space<vmem>>, vector<16xf32>,
      %bitcast3A_362 = vector.bitcast %get3A_361 : vector<16xf32> to vector<32xbf16>
      %get3A_363 = arith.constant 0 : i32
      %get3A_364 = tpu.memref_slice %arg10[%add3A_326, %get3A_363] : memref<80x64xf32, #tpu.memory_space<vmem>> -> memref<1x64xf32, #tpu.memory_space<vmem>>
      %get3A_365 = tpu.memref_squeeze %get3A_364 : memref<1x64xf32, #tpu.memory_space<vmem>> -> memref<64xf32, #tpu.memory_space<vmem>>
      %get3A_366 = arith.constant 32 : index
      %get3A_367 = tpu.vector_load %get3A_365[%get3A_366] {strides = array<i32>} : memref<64xf32, #tpu.memory_space<vmem>>, vector<16xf32>,
      %bitcast3A_368 = vector.bitcast %get3A_367 : vector<16xf32> to vector<32xbf16>
      %mul3A_369 = arith.mulf %bitcast3A_362, %bitcast3A_368 : vector<32xbf16>
      %unpack3A_370 = tpu.unpack_subelements %mul3A_369, 0 {pack_format = #tpu.pack_format<interleaved>} : vector<32xbf16> -> vector<16xf32>
      %unpack3A_371 = tpu.unpack_subelements %mul3A_369, 1 {pack_format = #tpu.pack_format<interleaved>} : vector<32xbf16> -> vector<16xf32>
      %get3A_372 = arith.constant 0 : i32
      %get3A_373 = tpu.memref_slice %arg9[%add3A_324, %get3A_372] : memref<80x64xf32, #tpu.memory_space<vmem>> -> memref<1x64xf32, #tpu.memory_space<vmem>>
      %get3A_374 = tpu.memref_squeeze %get3A_373 : memref<1x64xf32, #tpu.memory_space<vmem>> -> memref<64xf32, #tpu.memory_space<vmem>>
      %get3A_375 = arith.constant 48 : index
      %get3A_376 = tpu.vector_load %get3A_374[%get3A_375] {strides = array<i32>} : memref<64xf32, #tpu.memory_space<vmem>>, vector<16xf32>,
      %bitcast3A_377 = vector.bitcast %get3A_376 : vector<16xf32> to vector<32xbf16>
      %get3A_378 = arith.constant 0 : i32
      %get3A_379 = tpu.memref_slice %arg10[%add3A_326, %get3A_378] : memref<80x64xf32, #tpu.memory_space<vmem>> -> memref<1x64xf32, #tpu.memory_space<vmem>>
      %get3A_380 = tpu.memref_squeeze %get3A_379 : memref<1x64xf32, #tpu.memory_space<vmem>> -> memref<64xf32, #tpu.memory_space<vmem>>
      %get3A_381 = arith.constant 48 : index
      %get3A_382 = tpu.vector_load %get3A_380[%get3A_381] {strides = array<i32>} : memref<64xf32, #tpu.memory_space<vmem>>, vector<16xf32>,
      %bitcast3A_383 = vector.bitcast %get3A_382 : vector<16xf32> to vector<32xbf16>
      %mul3A_384 = arith.mulf %bitcast3A_377, %bitcast3A_383 : vector<32xbf16>
      %unpack3A_385 = tpu.unpack_subelements %mul3A_384, 0 {pack_format = #tpu.pack_format<interleaved>} : vector<32xbf16> -> vector<16xf32>
      %unpack3A_386 = tpu.unpack_subelements %mul3A_384, 1 {pack_format = #tpu.pack_format<interleaved>} : vector<32xbf16> -> vector<16xf32>
      %add3A_387 = arith.addf %unpack3A_340, %unpack3A_341 : vector<16xf32>
      %add3A_388 = arith.addf %unpack3A_355, %unpack3A_356 : vector<16xf32>
      %add3A_389 = arith.addf %unpack3A_370, %unpack3A_371 : vector<16xf32>
      %add3A_390 = arith.addf %unpack3A_385, %unpack3A_386 : vector<16xf32>
      %add3A_391 = arith.addf %add3A_387, %add3A_388 : vector<16xf32>
      %add3A_392 = arith.addf %add3A_389, %add3A_390 : vector<16xf32>
      %add3A_393 = arith.addf %add3A_391, %add3A_392 : vector<16xf32>
      %broadcast_in_dim3A_394 = arith.constant 4 : i32
      %broadcast_in_dim3A_395 = vector.broadcast %broadcast_in_dim3A_394 : i32 to vector<16xi32>
      tpu.vector_store_idx %arg13[%iota3A, %broadcast_in_dim3A_395], %add3A_393 : memref<16x17xf32, #tpu.memory_space<vmem>>[vector<16xi32>, vector<16xi32>], vector<16xf32>,
      %add3A_396 = arith.constant 5 : i32
      %add3A_397 = arith.addi %add3A_34, %add3A_396 : i32
      %add3A_398 = arith.constant 5 : i32
      %add3A_399 = arith.addi %add3A_34, %add3A_398 : i32
      %get3A_400 = arith.constant 0 : i32
      %get3A_401 = tpu.memref_slice %arg9[%add3A_397, %get3A_400] : memref<80x64xf32, #tpu.memory_space<vmem>> -> memref<1x64xf32, #tpu.memory_space<vmem>>
      %get3A_402 = tpu.memref_squeeze %get3A_401 : memref<1x64xf32, #tpu.memory_space<vmem>> -> memref<64xf32, #tpu.memory_space<vmem>>
      %get3A_403 = arith.constant 0 : index
      %get3A_404 = tpu.vector_load %get3A_402[%get3A_403] {strides = array<i32>} : memref<64xf32, #tpu.memory_space<vmem>>, vector<16xf32>,
      %bitcast3A_405 = vector.bitcast %get3A_404 : vector<16xf32> to vector<32xbf16>
      %get3A_406 = arith.constant 0 : i32
      %get3A_407 = tpu.memref_slice %arg10[%add3A_399, %get3A_406] : memref<80x64xf32, #tpu.memory_space<vmem>> -> memref<1x64xf32, #tpu.memory_space<vmem>>
      %get3A_408 = tpu.memref_squeeze %get3A_407 : memref<1x64xf32, #tpu.memory_space<vmem>> -> memref<64xf32, #tpu.memory_space<vmem>>
      %get3A_409 = arith.constant 0 : index
      %get3A_410 = tpu.vector_load %get3A_408[%get3A_409] {strides = array<i32>} : memref<64xf32, #tpu.memory_space<vmem>>, vector<16xf32>,
      %bitcast3A_411 = vector.bitcast %get3A_410 : vector<16xf32> to vector<32xbf16>
      %mul3A_412 = arith.mulf %bitcast3A_405, %bitcast3A_411 : vector<32xbf16>
      %unpack3A_413 = tpu.unpack_subelements %mul3A_412, 0 {pack_format = #tpu.pack_format<interleaved>} : vector<32xbf16> -> vector<16xf32>
      %unpack3A_414 = tpu.unpack_subelements %mul3A_412, 1 {pack_format = #tpu.pack_format<interleaved>} : vector<32xbf16> -> vector<16xf32>
      %get3A_415 = arith.constant 0 : i32
      %get3A_416 = tpu.memref_slice %arg9[%add3A_397, %get3A_415] : memref<80x64xf32, #tpu.memory_space<vmem>> -> memref<1x64xf32, #tpu.memory_space<vmem>>
      %get3A_417 = tpu.memref_squeeze %get3A_416 : memref<1x64xf32, #tpu.memory_space<vmem>> -> memref<64xf32, #tpu.memory_space<vmem>>
      %get3A_418 = arith.constant 16 : index
      %get3A_419 = tpu.vector_load %get3A_417[%get3A_418] {strides = array<i32>} : memref<64xf32, #tpu.memory_space<vmem>>, vector<16xf32>,
      %bitcast3A_420 = vector.bitcast %get3A_419 : vector<16xf32> to vector<32xbf16>
      %get3A_421 = arith.constant 0 : i32
      %get3A_422 = tpu.memref_slice %arg10[%add3A_399, %get3A_421] : memref<80x64xf32, #tpu.memory_space<vmem>> -> memref<1x64xf32, #tpu.memory_space<vmem>>
      %get3A_423 = tpu.memref_squeeze %get3A_422 : memref<1x64xf32, #tpu.memory_space<vmem>> -> memref<64xf32, #tpu.memory_space<vmem>>
      %get3A_424 = arith.constant 16 : index
      %get3A_425 = tpu.vector_load %get3A_423[%get3A_424] {strides = array<i32>} : memref<64xf32, #tpu.memory_space<vmem>>, vector<16xf32>,
      %bitcast3A_426 = vector.bitcast %get3A_425 : vector<16xf32> to vector<32xbf16>
      %mul3A_427 = arith.mulf %bitcast3A_420, %bitcast3A_426 : vector<32xbf16>
      %unpack3A_428 = tpu.unpack_subelements %mul3A_427, 0 {pack_format = #tpu.pack_format<interleaved>} : vector<32xbf16> -> vector<16xf32>
      %unpack3A_429 = tpu.unpack_subelements %mul3A_427, 1 {pack_format = #tpu.pack_format<interleaved>} : vector<32xbf16> -> vector<16xf32>
      %get3A_430 = arith.constant 0 : i32
      %get3A_431 = tpu.memref_slice %arg9[%add3A_397, %get3A_430] : memref<80x64xf32, #tpu.memory_space<vmem>> -> memref<1x64xf32, #tpu.memory_space<vmem>>
      %get3A_432 = tpu.memref_squeeze %get3A_431 : memref<1x64xf32, #tpu.memory_space<vmem>> -> memref<64xf32, #tpu.memory_space<vmem>>
      %get3A_433 = arith.constant 32 : index
      %get3A_434 = tpu.vector_load %get3A_432[%get3A_433] {strides = array<i32>} : memref<64xf32, #tpu.memory_space<vmem>>, vector<16xf32>,
      %bitcast3A_435 = vector.bitcast %get3A_434 : vector<16xf32> to vector<32xbf16>
      %get3A_436 = arith.constant 0 : i32
      %get3A_437 = tpu.memref_slice %arg10[%add3A_399, %get3A_436] : memref<80x64xf32, #tpu.memory_space<vmem>> -> memref<1x64xf32, #tpu.memory_space<vmem>>
      %get3A_438 = tpu.memref_squeeze %get3A_437 : memref<1x64xf32, #tpu.memory_space<vmem>> -> memref<64xf32, #tpu.memory_space<vmem>>
      %get3A_439 = arith.constant 32 : index
      %get3A_440 = tpu.vector_load %get3A_438[%get3A_439] {strides = array<i32>} : memref<64xf32, #tpu.memory_space<vmem>>, vector<16xf32>,
      %bitcast3A_441 = vector.bitcast %get3A_440 : vector<16xf32> to vector<32xbf16>
      %mul3A_442 = arith.mulf %bitcast3A_435, %bitcast3A_441 : vector<32xbf16>
      %unpack3A_443 = tpu.unpack_subelements %mul3A_442, 0 {pack_format = #tpu.pack_format<interleaved>} : vector<32xbf16> -> vector<16xf32>
      %unpack3A_444 = tpu.unpack_subelements %mul3A_442, 1 {pack_format = #tpu.pack_format<interleaved>} : vector<32xbf16> -> vector<16xf32>
      %get3A_445 = arith.constant 0 : i32
      %get3A_446 = tpu.memref_slice %arg9[%add3A_397, %get3A_445] : memref<80x64xf32, #tpu.memory_space<vmem>> -> memref<1x64xf32, #tpu.memory_space<vmem>>
      %get3A_447 = tpu.memref_squeeze %get3A_446 : memref<1x64xf32, #tpu.memory_space<vmem>> -> memref<64xf32, #tpu.memory_space<vmem>>
      %get3A_448 = arith.constant 48 : index
      %get3A_449 = tpu.vector_load %get3A_447[%get3A_448] {strides = array<i32>} : memref<64xf32, #tpu.memory_space<vmem>>, vector<16xf32>,
      %bitcast3A_450 = vector.bitcast %get3A_449 : vector<16xf32> to vector<32xbf16>
      %get3A_451 = arith.constant 0 : i32
      %get3A_452 = tpu.memref_slice %arg10[%add3A_399, %get3A_451] : memref<80x64xf32, #tpu.memory_space<vmem>> -> memref<1x64xf32, #tpu.memory_space<vmem>>
      %get3A_453 = tpu.memref_squeeze %get3A_452 : memref<1x64xf32, #tpu.memory_space<vmem>> -> memref<64xf32, #tpu.memory_space<vmem>>
      %get3A_454 = arith.constant 48 : index
      %get3A_455 = tpu.vector_load %get3A_453[%get3A_454] {strides = array<i32>} : memref<64xf32, #tpu.memory_space<vmem>>, vector<16xf32>,
      %bitcast3A_456 = vector.bitcast %get3A_455 : vector<16xf32> to vector<32xbf16>
      %mul3A_457 = arith.mulf %bitcast3A_450, %bitcast3A_456 : vector<32xbf16>
      %unpack3A_458 = tpu.unpack_subelements %mul3A_457, 0 {pack_format = #tpu.pack_format<interleaved>} : vector<32xbf16> -> vector<16xf32>
      %unpack3A_459 = tpu.unpack_subelements %mul3A_457, 1 {pack_format = #tpu.pack_format<interleaved>} : vector<32xbf16> -> vector<16xf32>
      %add3A_460 = arith.addf %unpack3A_413, %unpack3A_414 : vector<16xf32>
      %add3A_461 = arith.addf %unpack3A_428, %unpack3A_429 : vector<16xf32>
      %add3A_462 = arith.addf %unpack3A_443, %unpack3A_444 : vector<16xf32>
      %add3A_463 = arith.addf %unpack3A_458, %unpack3A_459 : vector<16xf32>
      %add3A_464 = arith.addf %add3A_460, %add3A_461 : vector<16xf32>
      %add3A_465 = arith.addf %add3A_462, %add3A_463 : vector<16xf32>
      %add3A_466 = arith.addf %add3A_464, %add3A_465 : vector<16xf32>
      %broadcast_in_dim3A_467 = arith.constant 5 : i32
      %broadcast_in_dim3A_468 = vector.broadcast %broadcast_in_dim3A_467 : i32 to vector<16xi32>
      tpu.vector_store_idx %arg13[%iota3A, %broadcast_in_dim3A_468], %add3A_466 : memref<16x17xf32, #tpu.memory_space<vmem>>[vector<16xi32>, vector<16xi32>], vector<16xf32>,
      %add3A_469 = arith.constant 6 : i32
      %add3A_470 = arith.addi %add3A_34, %add3A_469 : i32
      %add3A_471 = arith.constant 6 : i32
      %add3A_472 = arith.addi %add3A_34, %add3A_471 : i32
      %get3A_473 = arith.constant 0 : i32
      %get3A_474 = tpu.memref_slice %arg9[%add3A_470, %get3A_473] : memref<80x64xf32, #tpu.memory_space<vmem>> -> memref<1x64xf32, #tpu.memory_space<vmem>>
      %get3A_475 = tpu.memref_squeeze %get3A_474 : memref<1x64xf32, #tpu.memory_space<vmem>> -> memref<64xf32, #tpu.memory_space<vmem>>
      %get3A_476 = arith.constant 0 : index
      %get3A_477 = tpu.vector_load %get3A_475[%get3A_476] {strides = array<i32>} : memref<64xf32, #tpu.memory_space<vmem>>, vector<16xf32>,
      %bitcast3A_478 = vector.bitcast %get3A_477 : vector<16xf32> to vector<32xbf16>
      %get3A_479 = arith.constant 0 : i32
      %get3A_480 = tpu.memref_slice %arg10[%add3A_472, %get3A_479] : memref<80x64xf32, #tpu.memory_space<vmem>> -> memref<1x64xf32, #tpu.memory_space<vmem>>
      %get3A_481 = tpu.memref_squeeze %get3A_480 : memref<1x64xf32, #tpu.memory_space<vmem>> -> memref<64xf32, #tpu.memory_space<vmem>>
      %get3A_482 = arith.constant 0 : index
      %get3A_483 = tpu.vector_load %get3A_481[%get3A_482] {strides = array<i32>} : memref<64xf32, #tpu.memory_space<vmem>>, vector<16xf32>,
      %bitcast3A_484 = vector.bitcast %get3A_483 : vector<16xf32> to vector<32xbf16>
      %mul3A_485 = arith.mulf %bitcast3A_478, %bitcast3A_484 : vector<32xbf16>
      %unpack3A_486 = tpu.unpack_subelements %mul3A_485, 0 {pack_format = #tpu.pack_format<interleaved>} : vector<32xbf16> -> vector<16xf32>
      %unpack3A_487 = tpu.unpack_subelements %mul3A_485, 1 {pack_format = #tpu.pack_format<interleaved>} : vector<32xbf16> -> vector<16xf32>
      %get3A_488 = arith.constant 0 : i32
      %get3A_489 = tpu.memref_slice %arg9[%add3A_470, %get3A_488] : memref<80x64xf32, #tpu.memory_space<vmem>> -> memref<1x64xf32, #tpu.memory_space<vmem>>
      %get3A_490 = tpu.memref_squeeze %get3A_489 : memref<1x64xf32, #tpu.memory_space<vmem>> -> memref<64xf32, #tpu.memory_space<vmem>>
      %get3A_491 = arith.constant 16 : index
      %get3A_492 = tpu.vector_load %get3A_490[%get3A_491] {strides = array<i32>} : memref<64xf32, #tpu.memory_space<vmem>>, vector<16xf32>,
      %bitcast3A_493 = vector.bitcast %get3A_492 : vector<16xf32> to vector<32xbf16>
      %get3A_494 = arith.constant 0 : i32
      %get3A_495 = tpu.memref_slice %arg10[%add3A_472, %get3A_494] : memref<80x64xf32, #tpu.memory_space<vmem>> -> memref<1x64xf32, #tpu.memory_space<vmem>>
      %get3A_496 = tpu.memref_squeeze %get3A_495 : memref<1x64xf32, #tpu.memory_space<vmem>> -> memref<64xf32, #tpu.memory_space<vmem>>
      %get3A_497 = arith.constant 16 : index
      %get3A_498 = tpu.vector_load %get3A_496[%get3A_497] {strides = array<i32>} : memref<64xf32, #tpu.memory_space<vmem>>, vector<16xf32>,
      %bitcast3A_499 = vector.bitcast %get3A_498 : vector<16xf32> to vector<32xbf16>
      %mul3A_500 = arith.mulf %bitcast3A_493, %bitcast3A_499 : vector<32xbf16>
      %unpack3A_501 = tpu.unpack_subelements %mul3A_500, 0 {pack_format = #tpu.pack_format<interleaved>} : vector<32xbf16> -> vector<16xf32>
      %unpack3A_502 = tpu.unpack_subelements %mul3A_500, 1 {pack_format = #tpu.pack_format<interleaved>} : vector<32xbf16> -> vector<16xf32>
      %get3A_503 = arith.constant 0 : i32
      %get3A_504 = tpu.memref_slice %arg9[%add3A_470, %get3A_503] : memref<80x64xf32, #tpu.memory_space<vmem>> -> memref<1x64xf32, #tpu.memory_space<vmem>>
      %get3A_505 = tpu.memref_squeeze %get3A_504 : memref<1x64xf32, #tpu.memory_space<vmem>> -> memref<64xf32, #tpu.memory_space<vmem>>
      %get3A_506 = arith.constant 32 : index
      %get3A_507 = tpu.vector_load %get3A_505[%get3A_506] {strides = array<i32>} : memref<64xf32, #tpu.memory_space<vmem>>, vector<16xf32>,
      %bitcast3A_508 = vector.bitcast %get3A_507 : vector<16xf32> to vector<32xbf16>
      %get3A_509 = arith.constant 0 : i32
      %get3A_510 = tpu.memref_slice %arg10[%add3A_472, %get3A_509] : memref<80x64xf32, #tpu.memory_space<vmem>> -> memref<1x64xf32, #tpu.memory_space<vmem>>
      %get3A_511 = tpu.memref_squeeze %get3A_510 : memref<1x64xf32, #tpu.memory_space<vmem>> -> memref<64xf32, #tpu.memory_space<vmem>>
      %get3A_512 = arith.constant 32 : index
      %get3A_513 = tpu.vector_load %get3A_511[%get3A_512] {strides = array<i32>} : memref<64xf32, #tpu.memory_space<vmem>>, vector<16xf32>,
      %bitcast3A_514 = vector.bitcast %get3A_513 : vector<16xf32> to vector<32xbf16>
      %mul3A_515 = arith.mulf %bitcast3A_508, %bitcast3A_514 : vector<32xbf16>
      %unpack3A_516 = tpu.unpack_subelements %mul3A_515, 0 {pack_format = #tpu.pack_format<interleaved>} : vector<32xbf16> -> vector<16xf32>
      %unpack3A_517 = tpu.unpack_subelements %mul3A_515, 1 {pack_format = #tpu.pack_format<interleaved>} : vector<32xbf16> -> vector<16xf32>
      %get3A_518 = arith.constant 0 : i32
      %get3A_519 = tpu.memref_slice %arg9[%add3A_470, %get3A_518] : memref<80x64xf32, #tpu.memory_space<vmem>> -> memref<1x64xf32, #tpu.memory_space<vmem>>
      %get3A_520 = tpu.memref_squeeze %get3A_519 : memref<1x64xf32, #tpu.memory_space<vmem>> -> memref<64xf32, #tpu.memory_space<vmem>>
      %get3A_521 = arith.constant 48 : index
      %get3A_522 = tpu.vector_load %get3A_520[%get3A_521] {strides = array<i32>} : memref<64xf32, #tpu.memory_space<vmem>>, vector<16xf32>,
      %bitcast3A_523 = vector.bitcast %get3A_522 : vector<16xf32> to vector<32xbf16>
      %get3A_524 = arith.constant 0 : i32
      %get3A_525 = tpu.memref_slice %arg10[%add3A_472, %get3A_524] : memref<80x64xf32, #tpu.memory_space<vmem>> -> memref<1x64xf32, #tpu.memory_space<vmem>>
      %get3A_526 = tpu.memref_squeeze %get3A_525 : memref<1x64xf32, #tpu.memory_space<vmem>> -> memref<64xf32, #tpu.memory_space<vmem>>
      %get3A_527 = arith.constant 48 : index
      %get3A_528 = tpu.vector_load %get3A_526[%get3A_527] {strides = array<i32>} : memref<64xf32, #tpu.memory_space<vmem>>, vector<16xf32>,
      %bitcast3A_529 = vector.bitcast %get3A_528 : vector<16xf32> to vector<32xbf16>
      %mul3A_530 = arith.mulf %bitcast3A_523, %bitcast3A_529 : vector<32xbf16>
      %unpack3A_531 = tpu.unpack_subelements %mul3A_530, 0 {pack_format = #tpu.pack_format<interleaved>} : vector<32xbf16> -> vector<16xf32>
      %unpack3A_532 = tpu.unpack_subelements %mul3A_530, 1 {pack_format = #tpu.pack_format<interleaved>} : vector<32xbf16> -> vector<16xf32>
      %add3A_533 = arith.addf %unpack3A_486, %unpack3A_487 : vector<16xf32>
      %add3A_534 = arith.addf %unpack3A_501, %unpack3A_502 : vector<16xf32>
      %add3A_535 = arith.addf %unpack3A_516, %unpack3A_517 : vector<16xf32>
      %add3A_536 = arith.addf %unpack3A_531, %unpack3A_532 : vector<16xf32>
      %add3A_537 = arith.addf %add3A_533, %add3A_534 : vector<16xf32>
      %add3A_538 = arith.addf %add3A_535, %add3A_536 : vector<16xf32>
      %add3A_539 = arith.addf %add3A_537, %add3A_538 : vector<16xf32>
      %broadcast_in_dim3A_540 = arith.constant 6 : i32
      %broadcast_in_dim3A_541 = vector.broadcast %broadcast_in_dim3A_540 : i32 to vector<16xi32>
      tpu.vector_store_idx %arg13[%iota3A, %broadcast_in_dim3A_541], %add3A_539 : memref<16x17xf32, #tpu.memory_space<vmem>>[vector<16xi32>, vector<16xi32>], vector<16xf32>,
      %add3A_542 = arith.constant 7 : i32
      %add3A_543 = arith.addi %add3A_34, %add3A_542 : i32
      %add3A_544 = arith.constant 7 : i32
      %add3A_545 = arith.addi %add3A_34, %add3A_544 : i32
      %get3A_546 = arith.constant 0 : i32
      %get3A_547 = tpu.memref_slice %arg9[%add3A_543, %get3A_546] : memref<80x64xf32, #tpu.memory_space<vmem>> -> memref<1x64xf32, #tpu.memory_space<vmem>>
      %get3A_548 = tpu.memref_squeeze %get3A_547 : memref<1x64xf32, #tpu.memory_space<vmem>> -> memref<64xf32, #tpu.memory_space<vmem>>
      %get3A_549 = arith.constant 0 : index
      %get3A_550 = tpu.vector_load %get3A_548[%get3A_549] {strides = array<i32>} : memref<64xf32, #tpu.memory_space<vmem>>, vector<16xf32>,
      %bitcast3A_551 = vector.bitcast %get3A_550 : vector<16xf32> to vector<32xbf16>
      %get3A_552 = arith.constant 0 : i32
      %get3A_553 = tpu.memref_slice %arg10[%add3A_545, %get3A_552] : memref<80x64xf32, #tpu.memory_space<vmem>> -> memref<1x64xf32, #tpu.memory_space<vmem>>
      %get3A_554 = tpu.memref_squeeze %get3A_553 : memref<1x64xf32, #tpu.memory_space<vmem>> -> memref<64xf32, #tpu.memory_space<vmem>>
      %get3A_555 = arith.constant 0 : index
      %get3A_556 = tpu.vector_load %get3A_554[%get3A_555] {strides = array<i32>} : memref<64xf32, #tpu.memory_space<vmem>>, vector<16xf32>,
      %bitcast3A_557 = vector.bitcast %get3A_556 : vector<16xf32> to vector<32xbf16>
      %mul3A_558 = arith.mulf %bitcast3A_551, %bitcast3A_557 : vector<32xbf16>
      %unpack3A_559 = tpu.unpack_subelements %mul3A_558, 0 {pack_format = #tpu.pack_format<interleaved>} : vector<32xbf16> -> vector<16xf32>
      %unpack3A_560 = tpu.unpack_subelements %mul3A_558, 1 {pack_format = #tpu.pack_format<interleaved>} : vector<32xbf16> -> vector<16xf32>
      %get3A_561 = arith.constant 0 : i32
      %get3A_562 = tpu.memref_slice %arg9[%add3A_543, %get3A_561] : memref<80x64xf32, #tpu.memory_space<vmem>> -> memref<1x64xf32, #tpu.memory_space<vmem>>
      %get3A_563 = tpu.memref_squeeze %get3A_562 : memref<1x64xf32, #tpu.memory_space<vmem>> -> memref<64xf32, #tpu.memory_space<vmem>>
      %get3A_564 = arith.constant 16 : index
      %get3A_565 = tpu.vector_load %get3A_563[%get3A_564] {strides = array<i32>} : memref<64xf32, #tpu.memory_space<vmem>>, vector<16xf32>,
      %bitcast3A_566 = vector.bitcast %get3A_565 : vector<16xf32> to vector<32xbf16>
      %get3A_567 = arith.constant 0 : i32
      %get3A_568 = tpu.memref_slice %arg10[%add3A_545, %get3A_567] : memref<80x64xf32, #tpu.memory_space<vmem>> -> memref<1x64xf32, #tpu.memory_space<vmem>>
      %get3A_569 = tpu.memref_squeeze %get3A_568 : memref<1x64xf32, #tpu.memory_space<vmem>> -> memref<64xf32, #tpu.memory_space<vmem>>
      %get3A_570 = arith.constant 16 : index
      %get3A_571 = tpu.vector_load %get3A_569[%get3A_570] {strides = array<i32>} : memref<64xf32, #tpu.memory_space<vmem>>, vector<16xf32>,
      %bitcast3A_572 = vector.bitcast %get3A_571 : vector<16xf32> to vector<32xbf16>
      %mul3A_573 = arith.mulf %bitcast3A_566, %bitcast3A_572 : vector<32xbf16>
      %unpack3A_574 = tpu.unpack_subelements %mul3A_573, 0 {pack_format = #tpu.pack_format<interleaved>} : vector<32xbf16> -> vector<16xf32>
      %unpack3A_575 = tpu.unpack_subelements %mul3A_573, 1 {pack_format = #tpu.pack_format<interleaved>} : vector<32xbf16> -> vector<16xf32>
      %get3A_576 = arith.constant 0 : i32
      %get3A_577 = tpu.memref_slice %arg9[%add3A_543, %get3A_576] : memref<80x64xf32, #tpu.memory_space<vmem>> -> memref<1x64xf32, #tpu.memory_space<vmem>>
      %get3A_578 = tpu.memref_squeeze %get3A_577 : memref<1x64xf32, #tpu.memory_space<vmem>> -> memref<64xf32, #tpu.memory_space<vmem>>
      %get3A_579 = arith.constant 32 : index
      %get3A_580 = tpu.vector_load %get3A_578[%get3A_579] {strides = array<i32>} : memref<64xf32, #tpu.memory_space<vmem>>, vector<16xf32>,
      %bitcast3A_581 = vector.bitcast %get3A_580 : vector<16xf32> to vector<32xbf16>
      %get3A_582 = arith.constant 0 : i32
      %get3A_583 = tpu.memref_slice %arg10[%add3A_545, %get3A_582] : memref<80x64xf32, #tpu.memory_space<vmem>> -> memref<1x64xf32, #tpu.memory_space<vmem>>
      %get3A_584 = tpu.memref_squeeze %get3A_583 : memref<1x64xf32, #tpu.memory_space<vmem>> -> memref<64xf32, #tpu.memory_space<vmem>>
      %get3A_585 = arith.constant 32 : index
      %get3A_586 = tpu.vector_load %get3A_584[%get3A_585] {strides = array<i32>} : memref<64xf32, #tpu.memory_space<vmem>>, vector<16xf32>,
      %bitcast3A_587 = vector.bitcast %get3A_586 : vector<16xf32> to vector<32xbf16>
      %mul3A_588 = arith.mulf %bitcast3A_581, %bitcast3A_587 : vector<32xbf16>
      %unpack3A_589 = tpu.unpack_subelements %mul3A_588, 0 {pack_format = #tpu.pack_format<interleaved>} : vector<32xbf16> -> vector<16xf32>
      %unpack3A_590 = tpu.unpack_subelements %mul3A_588, 1 {pack_format = #tpu.pack_format<interleaved>} : vector<32xbf16> -> vector<16xf32>
      %get3A_591 = arith.constant 0 : i32
      %get3A_592 = tpu.memref_slice %arg9[%add3A_543, %get3A_591] : memref<80x64xf32, #tpu.memory_space<vmem>> -> memref<1x64xf32, #tpu.memory_space<vmem>>
      %get3A_593 = tpu.memref_squeeze %get3A_592 : memref<1x64xf32, #tpu.memory_space<vmem>> -> memref<64xf32, #tpu.memory_space<vmem>>
      %get3A_594 = arith.constant 48 : index
      %get3A_595 = tpu.vector_load %get3A_593[%get3A_594] {strides = array<i32>} : memref<64xf32, #tpu.memory_space<vmem>>, vector<16xf32>,
      %bitcast3A_596 = vector.bitcast %get3A_595 : vector<16xf32> to vector<32xbf16>
      %get3A_597 = arith.constant 0 : i32
      %get3A_598 = tpu.memref_slice %arg10[%add3A_545, %get3A_597] : memref<80x64xf32, #tpu.memory_space<vmem>> -> memref<1x64xf32, #tpu.memory_space<vmem>>
      %get3A_599 = tpu.memref_squeeze %get3A_598 : memref<1x64xf32, #tpu.memory_space<vmem>> -> memref<64xf32, #tpu.memory_space<vmem>>
      %get3A_600 = arith.constant 48 : index
      %get3A_601 = tpu.vector_load %get3A_599[%get3A_600] {strides = array<i32>} : memref<64xf32, #tpu.memory_space<vmem>>, vector<16xf32>,
      %bitcast3A_602 = vector.bitcast %get3A_601 : vector<16xf32> to vector<32xbf16>
      %mul3A_603 = arith.mulf %bitcast3A_596, %bitcast3A_602 : vector<32xbf16>
      %unpack3A_604 = tpu.unpack_subelements %mul3A_603, 0 {pack_format = #tpu.pack_format<interleaved>} : vector<32xbf16> -> vector<16xf32>
      %unpack3A_605 = tpu.unpack_subelements %mul3A_603, 1 {pack_format = #tpu.pack_format<interleaved>} : vector<32xbf16> -> vector<16xf32>
      %add3A_606 = arith.addf %unpack3A_559, %unpack3A_560 : vector<16xf32>
      %add3A_607 = arith.addf %unpack3A_574, %unpack3A_575 : vector<16xf32>
      %add3A_608 = arith.addf %unpack3A_589, %unpack3A_590 : vector<16xf32>
      %add3A_609 = arith.addf %unpack3A_604, %unpack3A_605 : vector<16xf32>
      %add3A_610 = arith.addf %add3A_606, %add3A_607 : vector<16xf32>
      %add3A_611 = arith.addf %add3A_608, %add3A_609 : vector<16xf32>
      %add3A_612 = arith.addf %add3A_610, %add3A_611 : vector<16xf32>
      %broadcast_in_dim3A_613 = arith.constant 7 : i32
      %broadcast_in_dim3A_614 = vector.broadcast %broadcast_in_dim3A_613 : i32 to vector<16xi32>
      tpu.vector_store_idx %arg13[%iota3A, %broadcast_in_dim3A_614], %add3A_612 : memref<16x17xf32, #tpu.memory_space<vmem>>[vector<16xi32>, vector<16xi32>], vector<16xf32>,
      %add3A_615 = arith.constant 8 : i32
      %add3A_616 = arith.addi %add3A_34, %add3A_615 : i32
      %add3A_617 = arith.constant 8 : i32
      %add3A_618 = arith.addi %add3A_34, %add3A_617 : i32
      %get3A_619 = arith.constant 0 : i32
      %get3A_620 = tpu.memref_slice %arg9[%add3A_616, %get3A_619] : memref<80x64xf32, #tpu.memory_space<vmem>> -> memref<1x64xf32, #tpu.memory_space<vmem>>
      %get3A_621 = tpu.memref_squeeze %get3A_620 : memref<1x64xf32, #tpu.memory_space<vmem>> -> memref<64xf32, #tpu.memory_space<vmem>>
      %get3A_622 = arith.constant 0 : index
      %get3A_623 = tpu.vector_load %get3A_621[%get3A_622] {strides = array<i32>} : memref<64xf32, #tpu.memory_space<vmem>>, vector<16xf32>,
      %bitcast3A_624 = vector.bitcast %get3A_623 : vector<16xf32> to vector<32xbf16>
      %get3A_625 = arith.constant 0 : i32
      %get3A_626 = tpu.memref_slice %arg10[%add3A_618, %get3A_625] : memref<80x64xf32, #tpu.memory_space<vmem>> -> memref<1x64xf32, #tpu.memory_space<vmem>>
      %get3A_627 = tpu.memref_squeeze %get3A_626 : memref<1x64xf32, #tpu.memory_space<vmem>> -> memref<64xf32, #tpu.memory_space<vmem>>
      %get3A_628 = arith.constant 0 : index
      %get3A_629 = tpu.vector_load %get3A_627[%get3A_628] {strides = array<i32>} : memref<64xf32, #tpu.memory_space<vmem>>, vector<16xf32>,
      %bitcast3A_630 = vector.bitcast %get3A_629 : vector<16xf32> to vector<32xbf16>
      %mul3A_631 = arith.mulf %bitcast3A_624, %bitcast3A_630 : vector<32xbf16>
      %unpack3A_632 = tpu.unpack_subelements %mul3A_631, 0 {pack_format = #tpu.pack_format<interleaved>} : vector<32xbf16> -> vector<16xf32>
      %unpack3A_633 = tpu.unpack_subelements %mul3A_631, 1 {pack_format = #tpu.pack_format<interleaved>} : vector<32xbf16> -> vector<16xf32>
      %get3A_634 = arith.constant 0 : i32
      %get3A_635 = tpu.memref_slice %arg9[%add3A_616, %get3A_634] : memref<80x64xf32, #tpu.memory_space<vmem>> -> memref<1x64xf32, #tpu.memory_space<vmem>>
      %get3A_636 = tpu.memref_squeeze %get3A_635 : memref<1x64xf32, #tpu.memory_space<vmem>> -> memref<64xf32, #tpu.memory_space<vmem>>
      %get3A_637 = arith.constant 16 : index
      %get3A_638 = tpu.vector_load %get3A_636[%get3A_637] {strides = array<i32>} : memref<64xf32, #tpu.memory_space<vmem>>, vector<16xf32>,
      %bitcast3A_639 = vector.bitcast %get3A_638 : vector<16xf32> to vector<32xbf16>
      %get3A_640 = arith.constant 0 : i32
      %get3A_641 = tpu.memref_slice %arg10[%add3A_618, %get3A_640] : memref<80x64xf32, #tpu.memory_space<vmem>> -> memref<1x64xf32, #tpu.memory_space<vmem>>
      %get3A_642 = tpu.memref_squeeze %get3A_641 : memref<1x64xf32, #tpu.memory_space<vmem>> -> memref<64xf32, #tpu.memory_space<vmem>>
      %get3A_643 = arith.constant 16 : index
      %get3A_644 = tpu.vector_load %get3A_642[%get3A_643] {strides = array<i32>} : memref<64xf32, #tpu.memory_space<vmem>>, vector<16xf32>,
      %bitcast3A_645 = vector.bitcast %get3A_644 : vector<16xf32> to vector<32xbf16>
      %mul3A_646 = arith.mulf %bitcast3A_639, %bitcast3A_645 : vector<32xbf16>
      %unpack3A_647 = tpu.unpack_subelements %mul3A_646, 0 {pack_format = #tpu.pack_format<interleaved>} : vector<32xbf16> -> vector<16xf32>
      %unpack3A_648 = tpu.unpack_subelements %mul3A_646, 1 {pack_format = #tpu.pack_format<interleaved>} : vector<32xbf16> -> vector<16xf32>
      %get3A_649 = arith.constant 0 : i32
      %get3A_650 = tpu.memref_slice %arg9[%add3A_616, %get3A_649] : memref<80x64xf32, #tpu.memory_space<vmem>> -> memref<1x64xf32, #tpu.memory_space<vmem>>
      %get3A_651 = tpu.memref_squeeze %get3A_650 : memref<1x64xf32, #tpu.memory_space<vmem>> -> memref<64xf32, #tpu.memory_space<vmem>>
      %get3A_652 = arith.constant 32 : index
      %get3A_653 = tpu.vector_load %get3A_651[%get3A_652] {strides = array<i32>} : memref<64xf32, #tpu.memory_space<vmem>>, vector<16xf32>,
      %bitcast3A_654 = vector.bitcast %get3A_653 : vector<16xf32> to vector<32xbf16>
      %get3A_655 = arith.constant 0 : i32
      %get3A_656 = tpu.memref_slice %arg10[%add3A_618, %get3A_655] : memref<80x64xf32, #tpu.memory_space<vmem>> -> memref<1x64xf32, #tpu.memory_space<vmem>>
      %get3A_657 = tpu.memref_squeeze %get3A_656 : memref<1x64xf32, #tpu.memory_space<vmem>> -> memref<64xf32, #tpu.memory_space<vmem>>
      %get3A_658 = arith.constant 32 : index
      %get3A_659 = tpu.vector_load %get3A_657[%get3A_658] {strides = array<i32>} : memref<64xf32, #tpu.memory_space<vmem>>, vector<16xf32>,
      %bitcast3A_660 = vector.bitcast %get3A_659 : vector<16xf32> to vector<32xbf16>
      %mul3A_661 = arith.mulf %bitcast3A_654, %bitcast3A_660 : vector<32xbf16>
      %unpack3A_662 = tpu.unpack_subelements %mul3A_661, 0 {pack_format = #tpu.pack_format<interleaved>} : vector<32xbf16> -> vector<16xf32>
      %unpack3A_663 = tpu.unpack_subelements %mul3A_661, 1 {pack_format = #tpu.pack_format<interleaved>} : vector<32xbf16> -> vector<16xf32>
      %get3A_664 = arith.constant 0 : i32
      %get3A_665 = tpu.memref_slice %arg9[%add3A_616, %get3A_664] : memref<80x64xf32, #tpu.memory_space<vmem>> -> memref<1x64xf32, #tpu.memory_space<vmem>>
      %get3A_666 = tpu.memref_squeeze %get3A_665 : memref<1x64xf32, #tpu.memory_space<vmem>> -> memref<64xf32, #tpu.memory_space<vmem>>
      %get3A_667 = arith.constant 48 : index
      %get3A_668 = tpu.vector_load %get3A_666[%get3A_667] {strides = array<i32>} : memref<64xf32, #tpu.memory_space<vmem>>, vector<16xf32>,
      %bitcast3A_669 = vector.bitcast %get3A_668 : vector<16xf32> to vector<32xbf16>
      %get3A_670 = arith.constant 0 : i32
      %get3A_671 = tpu.memref_slice %arg10[%add3A_618, %get3A_670] : memref<80x64xf32, #tpu.memory_space<vmem>> -> memref<1x64xf32, #tpu.memory_space<vmem>>
      %get3A_672 = tpu.memref_squeeze %get3A_671 : memref<1x64xf32, #tpu.memory_space<vmem>> -> memref<64xf32, #tpu.memory_space<vmem>>
      %get3A_673 = arith.constant 48 : index
      %get3A_674 = tpu.vector_load %get3A_672[%get3A_673] {strides = array<i32>} : memref<64xf32, #tpu.memory_space<vmem>>, vector<16xf32>,
      %bitcast3A_675 = vector.bitcast %get3A_674 : vector<16xf32> to vector<32xbf16>
      %mul3A_676 = arith.mulf %bitcast3A_669, %bitcast3A_675 : vector<32xbf16>
      %unpack3A_677 = tpu.unpack_subelements %mul3A_676, 0 {pack_format = #tpu.pack_format<interleaved>} : vector<32xbf16> -> vector<16xf32>
      %unpack3A_678 = tpu.unpack_subelements %mul3A_676, 1 {pack_format = #tpu.pack_format<interleaved>} : vector<32xbf16> -> vector<16xf32>
      %add3A_679 = arith.addf %unpack3A_632, %unpack3A_633 : vector<16xf32>
      %add3A_680 = arith.addf %unpack3A_647, %unpack3A_648 : vector<16xf32>
      %add3A_681 = arith.addf %unpack3A_662, %unpack3A_663 : vector<16xf32>
      %add3A_682 = arith.addf %unpack3A_677, %unpack3A_678 : vector<16xf32>
      %add3A_683 = arith.addf %add3A_679, %add3A_680 : vector<16xf32>
      %add3A_684 = arith.addf %add3A_681, %add3A_682 : vector<16xf32>
      %add3A_685 = arith.addf %add3A_683, %add3A_684 : vector<16xf32>
      %broadcast_in_dim3A_686 = arith.constant 8 : i32
      %broadcast_in_dim3A_687 = vector.broadcast %broadcast_in_dim3A_686 : i32 to vector<16xi32>
      tpu.vector_store_idx %arg13[%iota3A, %broadcast_in_dim3A_687], %add3A_685 : memref<16x17xf32, #tpu.memory_space<vmem>>[vector<16xi32>, vector<16xi32>], vector<16xf32>,
      %add3A_688 = arith.constant 9 : i32
      %add3A_689 = arith.addi %add3A_34, %add3A_688 : i32
      %add3A_690 = arith.constant 9 : i32
      %add3A_691 = arith.addi %add3A_34, %add3A_690 : i32
      %get3A_692 = arith.constant 0 : i32
      %get3A_693 = tpu.memref_slice %arg9[%add3A_689, %get3A_692] : memref<80x64xf32, #tpu.memory_space<vmem>> -> memref<1x64xf32, #tpu.memory_space<vmem>>
      %get3A_694 = tpu.memref_squeeze %get3A_693 : memref<1x64xf32, #tpu.memory_space<vmem>> -> memref<64xf32, #tpu.memory_space<vmem>>
      %get3A_695 = arith.constant 0 : index
      %get3A_696 = tpu.vector_load %get3A_694[%get3A_695] {strides = array<i32>} : memref<64xf32, #tpu.memory_space<vmem>>, vector<16xf32>,
      %bitcast3A_697 = vector.bitcast %get3A_696 : vector<16xf32> to vector<32xbf16>
      %get3A_698 = arith.constant 0 : i32
      %get3A_699 = tpu.memref_slice %arg10[%add3A_691, %get3A_698] : memref<80x64xf32, #tpu.memory_space<vmem>> -> memref<1x64xf32, #tpu.memory_space<vmem>>
      %get3A_700 = tpu.memref_squeeze %get3A_699 : memref<1x64xf32, #tpu.memory_space<vmem>> -> memref<64xf32, #tpu.memory_space<vmem>>
      %get3A_701 = arith.constant 0 : index
      %get3A_702 = tpu.vector_load %get3A_700[%get3A_701] {strides = array<i32>} : memref<64xf32, #tpu.memory_space<vmem>>, vector<16xf32>,
      %bitcast3A_703 = vector.bitcast %get3A_702 : vector<16xf32> to vector<32xbf16>
      %mul3A_704 = arith.mulf %bitcast3A_697, %bitcast3A_703 : vector<32xbf16>
      %unpack3A_705 = tpu.unpack_subelements %mul3A_704, 0 {pack_format = #tpu.pack_format<interleaved>} : vector<32xbf16> -> vector<16xf32>
      %unpack3A_706 = tpu.unpack_subelements %mul3A_704, 1 {pack_format = #tpu.pack_format<interleaved>} : vector<32xbf16> -> vector<16xf32>
      %get3A_707 = arith.constant 0 : i32
      %get3A_708 = tpu.memref_slice %arg9[%add3A_689, %get3A_707] : memref<80x64xf32, #tpu.memory_space<vmem>> -> memref<1x64xf32, #tpu.memory_space<vmem>>
      %get3A_709 = tpu.memref_squeeze %get3A_708 : memref<1x64xf32, #tpu.memory_space<vmem>> -> memref<64xf32, #tpu.memory_space<vmem>>
      %get3A_710 = arith.constant 16 : index
      %get3A_711 = tpu.vector_load %get3A_709[%get3A_710] {strides = array<i32>} : memref<64xf32, #tpu.memory_space<vmem>>, vector<16xf32>,
      %bitcast3A_712 = vector.bitcast %get3A_711 : vector<16xf32> to vector<32xbf16>
      %get3A_713 = arith.constant 0 : i32
      %get3A_714 = tpu.memref_slice %arg10[%add3A_691, %get3A_713] : memref<80x64xf32, #tpu.memory_space<vmem>> -> memref<1x64xf32, #tpu.memory_space<vmem>>
      %get3A_715 = tpu.memref_squeeze %get3A_714 : memref<1x64xf32, #tpu.memory_space<vmem>> -> memref<64xf32, #tpu.memory_space<vmem>>
      %get3A_716 = arith.constant 16 : index
      %get3A_717 = tpu.vector_load %get3A_715[%get3A_716] {strides = array<i32>} : memref<64xf32, #tpu.memory_space<vmem>>, vector<16xf32>,
      %bitcast3A_718 = vector.bitcast %get3A_717 : vector<16xf32> to vector<32xbf16>
      %mul3A_719 = arith.mulf %bitcast3A_712, %bitcast3A_718 : vector<32xbf16>
      %unpack3A_720 = tpu.unpack_subelements %mul3A_719, 0 {pack_format = #tpu.pack_format<interleaved>} : vector<32xbf16> -> vector<16xf32>
      %unpack3A_721 = tpu.unpack_subelements %mul3A_719, 1 {pack_format = #tpu.pack_format<interleaved>} : vector<32xbf16> -> vector<16xf32>
      %get3A_722 = arith.constant 0 : i32
      %get3A_723 = tpu.memref_slice %arg9[%add3A_689, %get3A_722] : memref<80x64xf32, #tpu.memory_space<vmem>> -> memref<1x64xf32, #tpu.memory_space<vmem>>
      %get3A_724 = tpu.memref_squeeze %get3A_723 : memref<1x64xf32, #tpu.memory_space<vmem>> -> memref<64xf32, #tpu.memory_space<vmem>>
      %get3A_725 = arith.constant 32 : index
      %get3A_726 = tpu.vector_load %get3A_724[%get3A_725] {strides = array<i32>} : memref<64xf32, #tpu.memory_space<vmem>>, vector<16xf32>,
      %bitcast3A_727 = vector.bitcast %get3A_726 : vector<16xf32> to vector<32xbf16>
      %get3A_728 = arith.constant 0 : i32
      %get3A_729 = tpu.memref_slice %arg10[%add3A_691, %get3A_728] : memref<80x64xf32, #tpu.memory_space<vmem>> -> memref<1x64xf32, #tpu.memory_space<vmem>>
      %get3A_730 = tpu.memref_squeeze %get3A_729 : memref<1x64xf32, #tpu.memory_space<vmem>> -> memref<64xf32, #tpu.memory_space<vmem>>
      %get3A_731 = arith.constant 32 : index
      %get3A_732 = tpu.vector_load %get3A_730[%get3A_731] {strides = array<i32>} : memref<64xf32, #tpu.memory_space<vmem>>, vector<16xf32>,
      %bitcast3A_733 = vector.bitcast %get3A_732 : vector<16xf32> to vector<32xbf16>
      %mul3A_734 = arith.mulf %bitcast3A_727, %bitcast3A_733 : vector<32xbf16>
      %unpack3A_735 = tpu.unpack_subelements %mul3A_734, 0 {pack_format = #tpu.pack_format<interleaved>} : vector<32xbf16> -> vector<16xf32>
      %unpack3A_736 = tpu.unpack_subelements %mul3A_734, 1 {pack_format = #tpu.pack_format<interleaved>} : vector<32xbf16> -> vector<16xf32>
      %get3A_737 = arith.constant 0 : i32
      %get3A_738 = tpu.memref_slice %arg9[%add3A_689, %get3A_737] : memref<80x64xf32, #tpu.memory_space<vmem>> -> memref<1x64xf32, #tpu.memory_space<vmem>>
      %get3A_739 = tpu.memref_squeeze %get3A_738 : memref<1x64xf32, #tpu.memory_space<vmem>> -> memref<64xf32, #tpu.memory_space<vmem>>
      %get3A_740 = arith.constant 48 : index
      %get3A_741 = tpu.vector_load %get3A_739[%get3A_740] {strides = array<i32>} : memref<64xf32, #tpu.memory_space<vmem>>, vector<16xf32>,
      %bitcast3A_742 = vector.bitcast %get3A_741 : vector<16xf32> to vector<32xbf16>
      %get3A_743 = arith.constant 0 : i32
      %get3A_744 = tpu.memref_slice %arg10[%add3A_691, %get3A_743] : memref<80x64xf32, #tpu.memory_space<vmem>> -> memref<1x64xf32, #tpu.memory_space<vmem>>
      %get3A_745 = tpu.memref_squeeze %get3A_744 : memref<1x64xf32, #tpu.memory_space<vmem>> -> memref<64xf32, #tpu.memory_space<vmem>>
      %get3A_746 = arith.constant 48 : index
      %get3A_747 = tpu.vector_load %get3A_745[%get3A_746] {strides = array<i32>} : memref<64xf32, #tpu.memory_space<vmem>>, vector<16xf32>,
      %bitcast3A_748 = vector.bitcast %get3A_747 : vector<16xf32> to vector<32xbf16>
      %mul3A_749 = arith.mulf %bitcast3A_742, %bitcast3A_748 : vector<32xbf16>
      %unpack3A_750 = tpu.unpack_subelements %mul3A_749, 0 {pack_format = #tpu.pack_format<interleaved>} : vector<32xbf16> -> vector<16xf32>
      %unpack3A_751 = tpu.unpack_subelements %mul3A_749, 1 {pack_format = #tpu.pack_format<interleaved>} : vector<32xbf16> -> vector<16xf32>
      %add3A_752 = arith.addf %unpack3A_705, %unpack3A_706 : vector<16xf32>
      %add3A_753 = arith.addf %unpack3A_720, %unpack3A_721 : vector<16xf32>
      %add3A_754 = arith.addf %unpack3A_735, %unpack3A_736 : vector<16xf32>
      %add3A_755 = arith.addf %unpack3A_750, %unpack3A_751 : vector<16xf32>
      %add3A_756 = arith.addf %add3A_752, %add3A_753 : vector<16xf32>
      %add3A_757 = arith.addf %add3A_754, %add3A_755 : vector<16xf32>
      %add3A_758 = arith.addf %add3A_756, %add3A_757 : vector<16xf32>
      %broadcast_in_dim3A_759 = arith.constant 9 : i32
      %broadcast_in_dim3A_760 = vector.broadcast %broadcast_in_dim3A_759 : i32 to vector<16xi32>
      tpu.vector_store_idx %arg13[%iota3A, %broadcast_in_dim3A_760], %add3A_758 : memref<16x17xf32, #tpu.memory_space<vmem>>[vector<16xi32>, vector<16xi32>], vector<16xf32>,
      %add3A_761 = arith.constant 10 : i32
      %add3A_762 = arith.addi %add3A_34, %add3A_761 : i32
      %add3A_763 = arith.constant 10 : i32
      %add3A_764 = arith.addi %add3A_34, %add3A_763 : i32
      %get3A_765 = arith.constant 0 : i32
      %get3A_766 = tpu.memref_slice %arg9[%add3A_762, %get3A_765] : memref<80x64xf32, #tpu.memory_space<vmem>> -> memref<1x64xf32, #tpu.memory_space<vmem>>
      %get3A_767 = tpu.memref_squeeze %get3A_766 : memref<1x64xf32, #tpu.memory_space<vmem>> -> memref<64xf32, #tpu.memory_space<vmem>>
      %get3A_768 = arith.constant 0 : index
      %get3A_769 = tpu.vector_load %get3A_767[%get3A_768] {strides = array<i32>} : memref<64xf32, #tpu.memory_space<vmem>>, vector<16xf32>,
      %bitcast3A_770 = vector.bitcast %get3A_769 : vector<16xf32> to vector<32xbf16>
      %get3A_771 = arith.constant 0 : i32
      %get3A_772 = tpu.memref_slice %arg10[%add3A_764, %get3A_771] : memref<80x64xf32, #tpu.memory_space<vmem>> -> memref<1x64xf32, #tpu.memory_space<vmem>>
      %get3A_773 = tpu.memref_squeeze %get3A_772 : memref<1x64xf32, #tpu.memory_space<vmem>> -> memref<64xf32, #tpu.memory_space<vmem>>
      %get3A_774 = arith.constant 0 : index
      %get3A_775 = tpu.vector_load %get3A_773[%get3A_774] {strides = array<i32>} : memref<64xf32, #tpu.memory_space<vmem>>, vector<16xf32>,
      %bitcast3A_776 = vector.bitcast %get3A_775 : vector<16xf32> to vector<32xbf16>
      %mul3A_777 = arith.mulf %bitcast3A_770, %bitcast3A_776 : vector<32xbf16>
      %unpack3A_778 = tpu.unpack_subelements %mul3A_777, 0 {pack_format = #tpu.pack_format<interleaved>} : vector<32xbf16> -> vector<16xf32>
      %unpack3A_779 = tpu.unpack_subelements %mul3A_777, 1 {pack_format = #tpu.pack_format<interleaved>} : vector<32xbf16> -> vector<16xf32>
      %get3A_780 = arith.constant 0 : i32
      %get3A_781 = tpu.memref_slice %arg9[%add3A_762, %get3A_780] : memref<80x64xf32, #tpu.memory_space<vmem>> -> memref<1x64xf32, #tpu.memory_space<vmem>>
      %get3A_782 = tpu.memref_squeeze %get3A_781 : memref<1x64xf32, #tpu.memory_space<vmem>> -> memref<64xf32, #tpu.memory_space<vmem>>
      %get3A_783 = arith.constant 16 : index
      %get3A_784 = tpu.vector_load %get3A_782[%get3A_783] {strides = array<i32>} : memref<64xf32, #tpu.memory_space<vmem>>, vector<16xf32>,
      %bitcast3A_785 = vector.bitcast %get3A_784 : vector<16xf32> to vector<32xbf16>
      %get3A_786 = arith.constant 0 : i32
      %get3A_787 = tpu.memref_slice %arg10[%add3A_764, %get3A_786] : memref<80x64xf32, #tpu.memory_space<vmem>> -> memref<1x64xf32, #tpu.memory_space<vmem>>
      %get3A_788 = tpu.memref_squeeze %get3A_787 : memref<1x64xf32, #tpu.memory_space<vmem>> -> memref<64xf32, #tpu.memory_space<vmem>>
      %get3A_789 = arith.constant 16 : index
      %get3A_790 = tpu.vector_load %get3A_788[%get3A_789] {strides = array<i32>} : memref<64xf32, #tpu.memory_space<vmem>>, vector<16xf32>,
      %bitcast3A_791 = vector.bitcast %get3A_790 : vector<16xf32> to vector<32xbf16>
      %mul3A_792 = arith.mulf %bitcast3A_785, %bitcast3A_791 : vector<32xbf16>
      %unpack3A_793 = tpu.unpack_subelements %mul3A_792, 0 {pack_format = #tpu.pack_format<interleaved>} : vector<32xbf16> -> vector<16xf32>
      %unpack3A_794 = tpu.unpack_subelements %mul3A_792, 1 {pack_format = #tpu.pack_format<interleaved>} : vector<32xbf16> -> vector<16xf32>
      %get3A_795 = arith.constant 0 : i32
      %get3A_796 = tpu.memref_slice %arg9[%add3A_762, %get3A_795] : memref<80x64xf32, #tpu.memory_space<vmem>> -> memref<1x64xf32, #tpu.memory_space<vmem>>
      %get3A_797 = tpu.memref_squeeze %get3A_796 : memref<1x64xf32, #tpu.memory_space<vmem>> -> memref<64xf32, #tpu.memory_space<vmem>>
      %get3A_798 = arith.constant 32 : index
      %get3A_799 = tpu.vector_load %get3A_797[%get3A_798] {strides = array<i32>} : memref<64xf32, #tpu.memory_space<vmem>>, vector<16xf32>,
      %bitcast3A_800 = vector.bitcast %get3A_799 : vector<16xf32> to vector<32xbf16>
      %get3A_801 = arith.constant 0 : i32
      %get3A_802 = tpu.memref_slice %arg10[%add3A_764, %get3A_801] : memref<80x64xf32, #tpu.memory_space<vmem>> -> memref<1x64xf32, #tpu.memory_space<vmem>>
      %get3A_803 = tpu.memref_squeeze %get3A_802 : memref<1x64xf32, #tpu.memory_space<vmem>> -> memref<64xf32, #tpu.memory_space<vmem>>
      %get3A_804 = arith.constant 32 : index
      %get3A_805 = tpu.vector_load %get3A_803[%get3A_804] {strides = array<i32>} : memref<64xf32, #tpu.memory_space<vmem>>, vector<16xf32>,
      %bitcast3A_806 = vector.bitcast %get3A_805 : vector<16xf32> to vector<32xbf16>
      %mul3A_807 = arith.mulf %bitcast3A_800, %bitcast3A_806 : vector<32xbf16>
      %unpack3A_808 = tpu.unpack_subelements %mul3A_807, 0 {pack_format = #tpu.pack_format<interleaved>} : vector<32xbf16> -> vector<16xf32>
      %unpack3A_809 = tpu.unpack_subelements %mul3A_807, 1 {pack_format = #tpu.pack_format<interleaved>} : vector<32xbf16> -> vector<16xf32>
      %get3A_810 = arith.constant 0 : i32
      %get3A_811 = tpu.memref_slice %arg9[%add3A_762, %get3A_810] : memref<80x64xf32, #tpu.memory_space<vmem>> -> memref<1x64xf32, #tpu.memory_space<vmem>>
      %get3A_812 = tpu.memref_squeeze %get3A_811 : memref<1x64xf32, #tpu.memory_space<vmem>> -> memref<64xf32, #tpu.memory_space<vmem>>
      %get3A_813 = arith.constant 48 : index
      %get3A_814 = tpu.vector_load %get3A_812[%get3A_813] {strides = array<i32>} : memref<64xf32, #tpu.memory_space<vmem>>, vector<16xf32>,
      %bitcast3A_815 = vector.bitcast %get3A_814 : vector<16xf32> to vector<32xbf16>
      %get3A_816 = arith.constant 0 : i32
      %get3A_817 = tpu.memref_slice %arg10[%add3A_764, %get3A_816] : memref<80x64xf32, #tpu.memory_space<vmem>> -> memref<1x64xf32, #tpu.memory_space<vmem>>
      %get3A_818 = tpu.memref_squeeze %get3A_817 : memref<1x64xf32, #tpu.memory_space<vmem>> -> memref<64xf32, #tpu.memory_space<vmem>>
      %get3A_819 = arith.constant 48 : index
      %get3A_820 = tpu.vector_load %get3A_818[%get3A_819] {strides = array<i32>} : memref<64xf32, #tpu.memory_space<vmem>>, vector<16xf32>,
      %bitcast3A_821 = vector.bitcast %get3A_820 : vector<16xf32> to vector<32xbf16>
      %mul3A_822 = arith.mulf %bitcast3A_815, %bitcast3A_821 : vector<32xbf16>
      %unpack3A_823 = tpu.unpack_subelements %mul3A_822, 0 {pack_format = #tpu.pack_format<interleaved>} : vector<32xbf16> -> vector<16xf32>
      %unpack3A_824 = tpu.unpack_subelements %mul3A_822, 1 {pack_format = #tpu.pack_format<interleaved>} : vector<32xbf16> -> vector<16xf32>
      %add3A_825 = arith.addf %unpack3A_778, %unpack3A_779 : vector<16xf32>
      %add3A_826 = arith.addf %unpack3A_793, %unpack3A_794 : vector<16xf32>
      %add3A_827 = arith.addf %unpack3A_808, %unpack3A_809 : vector<16xf32>
      %add3A_828 = arith.addf %unpack3A_823, %unpack3A_824 : vector<16xf32>
      %add3A_829 = arith.addf %add3A_825, %add3A_826 : vector<16xf32>
      %add3A_830 = arith.addf %add3A_827, %add3A_828 : vector<16xf32>
      %add3A_831 = arith.addf %add3A_829, %add3A_830 : vector<16xf32>
      %broadcast_in_dim3A_832 = arith.constant 10 : i32
      %broadcast_in_dim3A_833 = vector.broadcast %broadcast_in_dim3A_832 : i32 to vector<16xi32>
      tpu.vector_store_idx %arg13[%iota3A, %broadcast_in_dim3A_833], %add3A_831 : memref<16x17xf32, #tpu.memory_space<vmem>>[vector<16xi32>, vector<16xi32>], vector<16xf32>,
      %add3A_834 = arith.constant 11 : i32
      %add3A_835 = arith.addi %add3A_34, %add3A_834 : i32
      %add3A_836 = arith.constant 11 : i32
      %add3A_837 = arith.addi %add3A_34, %add3A_836 : i32
      %get3A_838 = arith.constant 0 : i32
      %get3A_839 = tpu.memref_slice %arg9[%add3A_835, %get3A_838] : memref<80x64xf32, #tpu.memory_space<vmem>> -> memref<1x64xf32, #tpu.memory_space<vmem>>
      %get3A_840 = tpu.memref_squeeze %get3A_839 : memref<1x64xf32, #tpu.memory_space<vmem>> -> memref<64xf32, #tpu.memory_space<vmem>>
      %get3A_841 = arith.constant 0 : index
      %get3A_842 = tpu.vector_load %get3A_840[%get3A_841] {strides = array<i32>} : memref<64xf32, #tpu.memory_space<vmem>>, vector<16xf32>,
      %bitcast3A_843 = vector.bitcast %get3A_842 : vector<16xf32> to vector<32xbf16>
      %get3A_844 = arith.constant 0 : i32
      %get3A_845 = tpu.memref_slice %arg10[%add3A_837, %get3A_844] : memref<80x64xf32, #tpu.memory_space<vmem>> -> memref<1x64xf32, #tpu.memory_space<vmem>>
      %get3A_846 = tpu.memref_squeeze %get3A_845 : memref<1x64xf32, #tpu.memory_space<vmem>> -> memref<64xf32, #tpu.memory_space<vmem>>
      %get3A_847 = arith.constant 0 : index
      %get3A_848 = tpu.vector_load %get3A_846[%get3A_847] {strides = array<i32>} : memref<64xf32, #tpu.memory_space<vmem>>, vector<16xf32>,
      %bitcast3A_849 = vector.bitcast %get3A_848 : vector<16xf32> to vector<32xbf16>
      %mul3A_850 = arith.mulf %bitcast3A_843, %bitcast3A_849 : vector<32xbf16>
      %unpack3A_851 = tpu.unpack_subelements %mul3A_850, 0 {pack_format = #tpu.pack_format<interleaved>} : vector<32xbf16> -> vector<16xf32>
      %unpack3A_852 = tpu.unpack_subelements %mul3A_850, 1 {pack_format = #tpu.pack_format<interleaved>} : vector<32xbf16> -> vector<16xf32>
      %get3A_853 = arith.constant 0 : i32
      %get3A_854 = tpu.memref_slice %arg9[%add3A_835, %get3A_853] : memref<80x64xf32, #tpu.memory_space<vmem>> -> memref<1x64xf32, #tpu.memory_space<vmem>>
      %get3A_855 = tpu.memref_squeeze %get3A_854 : memref<1x64xf32, #tpu.memory_space<vmem>> -> memref<64xf32, #tpu.memory_space<vmem>>
      %get3A_856 = arith.constant 16 : index
      %get3A_857 = tpu.vector_load %get3A_855[%get3A_856] {strides = array<i32>} : memref<64xf32, #tpu.memory_space<vmem>>, vector<16xf32>,
      %bitcast3A_858 = vector.bitcast %get3A_857 : vector<16xf32> to vector<32xbf16>
      %get3A_859 = arith.constant 0 : i32
      %get3A_860 = tpu.memref_slice %arg10[%add3A_837, %get3A_859] : memref<80x64xf32, #tpu.memory_space<vmem>> -> memref<1x64xf32, #tpu.memory_space<vmem>>
      %get3A_861 = tpu.memref_squeeze %get3A_860 : memref<1x64xf32, #tpu.memory_space<vmem>> -> memref<64xf32, #tpu.memory_space<vmem>>
      %get3A_862 = arith.constant 16 : index
      %get3A_863 = tpu.vector_load %get3A_861[%get3A_862] {strides = array<i32>} : memref<64xf32, #tpu.memory_space<vmem>>, vector<16xf32>,
      %bitcast3A_864 = vector.bitcast %get3A_863 : vector<16xf32> to vector<32xbf16>
      %mul3A_865 = arith.mulf %bitcast3A_858, %bitcast3A_864 : vector<32xbf16>
      %unpack3A_866 = tpu.unpack_subelements %mul3A_865, 0 {pack_format = #tpu.pack_format<interleaved>} : vector<32xbf16> -> vector<16xf32>
      %unpack3A_867 = tpu.unpack_subelements %mul3A_865, 1 {pack_format = #tpu.pack_format<interleaved>} : vector<32xbf16> -> vector<16xf32>
      %get3A_868 = arith.constant 0 : i32
      %get3A_869 = tpu.memref_slice %arg9[%add3A_835, %get3A_868] : memref<80x64xf32, #tpu.memory_space<vmem>> -> memref<1x64xf32, #tpu.memory_space<vmem>>
      %get3A_870 = tpu.memref_squeeze %get3A_869 : memref<1x64xf32, #tpu.memory_space<vmem>> -> memref<64xf32, #tpu.memory_space<vmem>>
      %get3A_871 = arith.constant 32 : index
      %get3A_872 = tpu.vector_load %get3A_870[%get3A_871] {strides = array<i32>} : memref<64xf32, #tpu.memory_space<vmem>>, vector<16xf32>,
      %bitcast3A_873 = vector.bitcast %get3A_872 : vector<16xf32> to vector<32xbf16>
      %get3A_874 = arith.constant 0 : i32
      %get3A_875 = tpu.memref_slice %arg10[%add3A_837, %get3A_874] : memref<80x64xf32, #tpu.memory_space<vmem>> -> memref<1x64xf32, #tpu.memory_space<vmem>>
      %get3A_876 = tpu.memref_squeeze %get3A_875 : memref<1x64xf32, #tpu.memory_space<vmem>> -> memref<64xf32, #tpu.memory_space<vmem>>
      %get3A_877 = arith.constant 32 : index
      %get3A_878 = tpu.vector_load %get3A_876[%get3A_877] {strides = array<i32>} : memref<64xf32, #tpu.memory_space<vmem>>, vector<16xf32>,
      %bitcast3A_879 = vector.bitcast %get3A_878 : vector<16xf32> to vector<32xbf16>
      %mul3A_880 = arith.mulf %bitcast3A_873, %bitcast3A_879 : vector<32xbf16>
      %unpack3A_881 = tpu.unpack_subelements %mul3A_880, 0 {pack_format = #tpu.pack_format<interleaved>} : vector<32xbf16> -> vector<16xf32>
      %unpack3A_882 = tpu.unpack_subelements %mul3A_880, 1 {pack_format = #tpu.pack_format<interleaved>} : vector<32xbf16> -> vector<16xf32>
      %get3A_883 = arith.constant 0 : i32
      %get3A_884 = tpu.memref_slice %arg9[%add3A_835, %get3A_883] : memref<80x64xf32, #tpu.memory_space<vmem>> -> memref<1x64xf32, #tpu.memory_space<vmem>>
      %get3A_885 = tpu.memref_squeeze %get3A_884 : memref<1x64xf32, #tpu.memory_space<vmem>> -> memref<64xf32, #tpu.memory_space<vmem>>
      %get3A_886 = arith.constant 48 : index
      %get3A_887 = tpu.vector_load %get3A_885[%get3A_886] {strides = array<i32>} : memref<64xf32, #tpu.memory_space<vmem>>, vector<16xf32>,
      %bitcast3A_888 = vector.bitcast %get3A_887 : vector<16xf32> to vector<32xbf16>
      %get3A_889 = arith.constant 0 : i32
      %get3A_890 = tpu.memref_slice %arg10[%add3A_837, %get3A_889] : memref<80x64xf32, #tpu.memory_space<vmem>> -> memref<1x64xf32, #tpu.memory_space<vmem>>
      %get3A_891 = tpu.memref_squeeze %get3A_890 : memref<1x64xf32, #tpu.memory_space<vmem>> -> memref<64xf32, #tpu.memory_space<vmem>>
      %get3A_892 = arith.constant 48 : index
      %get3A_893 = tpu.vector_load %get3A_891[%get3A_892] {strides = array<i32>} : memref<64xf32, #tpu.memory_space<vmem>>, vector<16xf32>,
      %bitcast3A_894 = vector.bitcast %get3A_893 : vector<16xf32> to vector<32xbf16>
      %mul3A_895 = arith.mulf %bitcast3A_888, %bitcast3A_894 : vector<32xbf16>
      %unpack3A_896 = tpu.unpack_subelements %mul3A_895, 0 {pack_format = #tpu.pack_format<interleaved>} : vector<32xbf16> -> vector<16xf32>
      %unpack3A_897 = tpu.unpack_subelements %mul3A_895, 1 {pack_format = #tpu.pack_format<interleaved>} : vector<32xbf16> -> vector<16xf32>
      %add3A_898 = arith.addf %unpack3A_851, %unpack3A_852 : vector<16xf32>
      %add3A_899 = arith.addf %unpack3A_866, %unpack3A_867 : vector<16xf32>
      %add3A_900 = arith.addf %unpack3A_881, %unpack3A_882 : vector<16xf32>
      %add3A_901 = arith.addf %unpack3A_896, %unpack3A_897 : vector<16xf32>
      %add3A_902 = arith.addf %add3A_898, %add3A_899 : vector<16xf32>
      %add3A_903 = arith.addf %add3A_900, %add3A_901 : vector<16xf32>
      %add3A_904 = arith.addf %add3A_902, %add3A_903 : vector<16xf32>
      %broadcast_in_dim3A_905 = arith.constant 11 : i32
      %broadcast_in_dim3A_906 = vector.broadcast %broadcast_in_dim3A_905 : i32 to vector<16xi32>
      tpu.vector_store_idx %arg13[%iota3A, %broadcast_in_dim3A_906], %add3A_904 : memref<16x17xf32, #tpu.memory_space<vmem>>[vector<16xi32>, vector<16xi32>], vector<16xf32>,
      %add3A_907 = arith.constant 12 : i32
      %add3A_908 = arith.addi %add3A_34, %add3A_907 : i32
      %add3A_909 = arith.constant 12 : i32
      %add3A_910 = arith.addi %add3A_34, %add3A_909 : i32
      %get3A_911 = arith.constant 0 : i32
      %get3A_912 = tpu.memref_slice %arg9[%add3A_908, %get3A_911] : memref<80x64xf32, #tpu.memory_space<vmem>> -> memref<1x64xf32, #tpu.memory_space<vmem>>
      %get3A_913 = tpu.memref_squeeze %get3A_912 : memref<1x64xf32, #tpu.memory_space<vmem>> -> memref<64xf32, #tpu.memory_space<vmem>>
      %get3A_914 = arith.constant 0 : index
      %get3A_915 = tpu.vector_load %get3A_913[%get3A_914] {strides = array<i32>} : memref<64xf32, #tpu.memory_space<vmem>>, vector<16xf32>,
      %bitcast3A_916 = vector.bitcast %get3A_915 : vector<16xf32> to vector<32xbf16>
      %get3A_917 = arith.constant 0 : i32
      %get3A_918 = tpu.memref_slice %arg10[%add3A_910, %get3A_917] : memref<80x64xf32, #tpu.memory_space<vmem>> -> memref<1x64xf32, #tpu.memory_space<vmem>>
      %get3A_919 = tpu.memref_squeeze %get3A_918 : memref<1x64xf32, #tpu.memory_space<vmem>> -> memref<64xf32, #tpu.memory_space<vmem>>
      %get3A_920 = arith.constant 0 : index
      %get3A_921 = tpu.vector_load %get3A_919[%get3A_920] {strides = array<i32>} : memref<64xf32, #tpu.memory_space<vmem>>, vector<16xf32>,
      %bitcast3A_922 = vector.bitcast %get3A_921 : vector<16xf32> to vector<32xbf16>
      %mul3A_923 = arith.mulf %bitcast3A_916, %bitcast3A_922 : vector<32xbf16>
      %unpack3A_924 = tpu.unpack_subelements %mul3A_923, 0 {pack_format = #tpu.pack_format<interleaved>} : vector<32xbf16> -> vector<16xf32>
      %unpack3A_925 = tpu.unpack_subelements %mul3A_923, 1 {pack_format = #tpu.pack_format<interleaved>} : vector<32xbf16> -> vector<16xf32>
      %get3A_926 = arith.constant 0 : i32
      %get3A_927 = tpu.memref_slice %arg9[%add3A_908, %get3A_926] : memref<80x64xf32, #tpu.memory_space<vmem>> -> memref<1x64xf32, #tpu.memory_space<vmem>>
      %get3A_928 = tpu.memref_squeeze %get3A_927 : memref<1x64xf32, #tpu.memory_space<vmem>> -> memref<64xf32, #tpu.memory_space<vmem>>
      %get3A_929 = arith.constant 16 : index
      %get3A_930 = tpu.vector_load %get3A_928[%get3A_929] {strides = array<i32>} : memref<64xf32, #tpu.memory_space<vmem>>, vector<16xf32>,
      %bitcast3A_931 = vector.bitcast %get3A_930 : vector<16xf32> to vector<32xbf16>
      %get3A_932 = arith.constant 0 : i32
      %get3A_933 = tpu.memref_slice %arg10[%add3A_910, %get3A_932] : memref<80x64xf32, #tpu.memory_space<vmem>> -> memref<1x64xf32, #tpu.memory_space<vmem>>
      %get3A_934 = tpu.memref_squeeze %get3A_933 : memref<1x64xf32, #tpu.memory_space<vmem>> -> memref<64xf32, #tpu.memory_space<vmem>>
      %get3A_935 = arith.constant 16 : index
      %get3A_936 = tpu.vector_load %get3A_934[%get3A_935] {strides = array<i32>} : memref<64xf32, #tpu.memory_space<vmem>>, vector<16xf32>,
      %bitcast3A_937 = vector.bitcast %get3A_936 : vector<16xf32> to vector<32xbf16>
      %mul3A_938 = arith.mulf %bitcast3A_931, %bitcast3A_937 : vector<32xbf16>
      %unpack3A_939 = tpu.unpack_subelements %mul3A_938, 0 {pack_format = #tpu.pack_format<interleaved>} : vector<32xbf16> -> vector<16xf32>
      %unpack3A_940 = tpu.unpack_subelements %mul3A_938, 1 {pack_format = #tpu.pack_format<interleaved>} : vector<32xbf16> -> vector<16xf32>
      %get3A_941 = arith.constant 0 : i32
      %get3A_942 = tpu.memref_slice %arg9[%add3A_908, %get3A_941] : memref<80x64xf32, #tpu.memory_space<vmem>> -> memref<1x64xf32, #tpu.memory_space<vmem>>
      %get3A_943 = tpu.memref_squeeze %get3A_942 : memref<1x64xf32, #tpu.memory_space<vmem>> -> memref<64xf32, #tpu.memory_space<vmem>>
      %get3A_944 = arith.constant 32 : index
      %get3A_945 = tpu.vector_load %get3A_943[%get3A_944] {strides = array<i32>} : memref<64xf32, #tpu.memory_space<vmem>>, vector<16xf32>,
      %bitcast3A_946 = vector.bitcast %get3A_945 : vector<16xf32> to vector<32xbf16>
      %get3A_947 = arith.constant 0 : i32
      %get3A_948 = tpu.memref_slice %arg10[%add3A_910, %get3A_947] : memref<80x64xf32, #tpu.memory_space<vmem>> -> memref<1x64xf32, #tpu.memory_space<vmem>>
      %get3A_949 = tpu.memref_squeeze %get3A_948 : memref<1x64xf32, #tpu.memory_space<vmem>> -> memref<64xf32, #tpu.memory_space<vmem>>
      %get3A_950 = arith.constant 32 : index
      %get3A_951 = tpu.vector_load %get3A_949[%get3A_950] {strides = array<i32>} : memref<64xf32, #tpu.memory_space<vmem>>, vector<16xf32>,
      %bitcast3A_952 = vector.bitcast %get3A_951 : vector<16xf32> to vector<32xbf16>
      %mul3A_953 = arith.mulf %bitcast3A_946, %bitcast3A_952 : vector<32xbf16>
      %unpack3A_954 = tpu.unpack_subelements %mul3A_953, 0 {pack_format = #tpu.pack_format<interleaved>} : vector<32xbf16> -> vector<16xf32>
      %unpack3A_955 = tpu.unpack_subelements %mul3A_953, 1 {pack_format = #tpu.pack_format<interleaved>} : vector<32xbf16> -> vector<16xf32>
      %get3A_956 = arith.constant 0 : i32
      %get3A_957 = tpu.memref_slice %arg9[%add3A_908, %get3A_956] : memref<80x64xf32, #tpu.memory_space<vmem>> -> memref<1x64xf32, #tpu.memory_space<vmem>>
      %get3A_958 = tpu.memref_squeeze %get3A_957 : memref<1x64xf32, #tpu.memory_space<vmem>> -> memref<64xf32, #tpu.memory_space<vmem>>
      %get3A_959 = arith.constant 48 : index
      %get3A_960 = tpu.vector_load %get3A_958[%get3A_959] {strides = array<i32>} : memref<64xf32, #tpu.memory_space<vmem>>, vector<16xf32>,
      %bitcast3A_961 = vector.bitcast %get3A_960 : vector<16xf32> to vector<32xbf16>
      %get3A_962 = arith.constant 0 : i32
      %get3A_963 = tpu.memref_slice %arg10[%add3A_910, %get3A_962] : memref<80x64xf32, #tpu.memory_space<vmem>> -> memref<1x64xf32, #tpu.memory_space<vmem>>
      %get3A_964 = tpu.memref_squeeze %get3A_963 : memref<1x64xf32, #tpu.memory_space<vmem>> -> memref<64xf32, #tpu.memory_space<vmem>>
      %get3A_965 = arith.constant 48 : index
      %get3A_966 = tpu.vector_load %get3A_964[%get3A_965] {strides = array<i32>} : memref<64xf32, #tpu.memory_space<vmem>>, vector<16xf32>,
      %bitcast3A_967 = vector.bitcast %get3A_966 : vector<16xf32> to vector<32xbf16>
      %mul3A_968 = arith.mulf %bitcast3A_961, %bitcast3A_967 : vector<32xbf16>
      %unpack3A_969 = tpu.unpack_subelements %mul3A_968, 0 {pack_format = #tpu.pack_format<interleaved>} : vector<32xbf16> -> vector<16xf32>
      %unpack3A_970 = tpu.unpack_subelements %mul3A_968, 1 {pack_format = #tpu.pack_format<interleaved>} : vector<32xbf16> -> vector<16xf32>
      %add3A_971 = arith.addf %unpack3A_924, %unpack3A_925 : vector<16xf32>
      %add3A_972 = arith.addf %unpack3A_939, %unpack3A_940 : vector<16xf32>
      %add3A_973 = arith.addf %unpack3A_954, %unpack3A_955 : vector<16xf32>
      %add3A_974 = arith.addf %unpack3A_969, %unpack3A_970 : vector<16xf32>
      %add3A_975 = arith.addf %add3A_971, %add3A_972 : vector<16xf32>
      %add3A_976 = arith.addf %add3A_973, %add3A_974 : vector<16xf32>
      %add3A_977 = arith.addf %add3A_975, %add3A_976 : vector<16xf32>
      %broadcast_in_dim3A_978 = arith.constant 12 : i32
      %broadcast_in_dim3A_979 = vector.broadcast %broadcast_in_dim3A_978 : i32 to vector<16xi32>
      tpu.vector_store_idx %arg13[%iota3A, %broadcast_in_dim3A_979], %add3A_977 : memref<16x17xf32, #tpu.memory_space<vmem>>[vector<16xi32>, vector<16xi32>], vector<16xf32>,
      %add3A_980 = arith.constant 13 : i32
      %add3A_981 = arith.addi %add3A_34, %add3A_980 : i32
      %add3A_982 = arith.constant 13 : i32
      %add3A_983 = arith.addi %add3A_34, %add3A_982 : i32
      %get3A_984 = arith.constant 0 : i32
      %get3A_985 = tpu.memref_slice %arg9[%add3A_981, %get3A_984] : memref<80x64xf32, #tpu.memory_space<vmem>> -> memref<1x64xf32, #tpu.memory_space<vmem>>
      %get3A_986 = tpu.memref_squeeze %get3A_985 : memref<1x64xf32, #tpu.memory_space<vmem>> -> memref<64xf32, #tpu.memory_space<vmem>>
      %get3A_987 = arith.constant 0 : index
      %get3A_988 = tpu.vector_load %get3A_986[%get3A_987] {strides = array<i32>} : memref<64xf32, #tpu.memory_space<vmem>>, vector<16xf32>,
      %bitcast3A_989 = vector.bitcast %get3A_988 : vector<16xf32> to vector<32xbf16>
      %get3A_990 = arith.constant 0 : i32
      %get3A_991 = tpu.memref_slice %arg10[%add3A_983, %get3A_990] : memref<80x64xf32, #tpu.memory_space<vmem>> -> memref<1x64xf32, #tpu.memory_space<vmem>>
      %get3A_992 = tpu.memref_squeeze %get3A_991 : memref<1x64xf32, #tpu.memory_space<vmem>> -> memref<64xf32, #tpu.memory_space<vmem>>
      %get3A_993 = arith.constant 0 : index
      %get3A_994 = tpu.vector_load %get3A_992[%get3A_993] {strides = array<i32>} : memref<64xf32, #tpu.memory_space<vmem>>, vector<16xf32>,
      %bitcast3A_995 = vector.bitcast %get3A_994 : vector<16xf32> to vector<32xbf16>
      %mul3A_996 = arith.mulf %bitcast3A_989, %bitcast3A_995 : vector<32xbf16>
      %unpack3A_997 = tpu.unpack_subelements %mul3A_996, 0 {pack_format = #tpu.pack_format<interleaved>} : vector<32xbf16> -> vector<16xf32>
      %unpack3A_998 = tpu.unpack_subelements %mul3A_996, 1 {pack_format = #tpu.pack_format<interleaved>} : vector<32xbf16> -> vector<16xf32>
      %get3A_999 = arith.constant 0 : i32
      %get3A_1000 = tpu.memref_slice %arg9[%add3A_981, %get3A_999] : memref<80x64xf32, #tpu.memory_space<vmem>> -> memref<1x64xf32, #tpu.memory_space<vmem>>
      %get3A_1001 = tpu.memref_squeeze %get3A_1000 : memref<1x64xf32, #tpu.memory_space<vmem>> -> memref<64xf32, #tpu.memory_space<vmem>>
      %get3A_1002 = arith.constant 16 : index
      %get3A_1003 = tpu.vector_load %get3A_1001[%get3A_1002] {strides = array<i32>} : memref<64xf32, #tpu.memory_space<vmem>>, vector<16xf32>,
      %bitcast3A_1004 = vector.bitcast %get3A_1003 : vector<16xf32> to vector<32xbf16>
      %get3A_1005 = arith.constant 0 : i32
      %get3A_1006 = tpu.memref_slice %arg10[%add3A_983, %get3A_1005] : memref<80x64xf32, #tpu.memory_space<vmem>> -> memref<1x64xf32, #tpu.memory_space<vmem>>
      %get3A_1007 = tpu.memref_squeeze %get3A_1006 : memref<1x64xf32, #tpu.memory_space<vmem>> -> memref<64xf32, #tpu.memory_space<vmem>>
      %get3A_1008 = arith.constant 16 : index
      %get3A_1009 = tpu.vector_load %get3A_1007[%get3A_1008] {strides = array<i32>} : memref<64xf32, #tpu.memory_space<vmem>>, vector<16xf32>,
      %bitcast3A_1010 = vector.bitcast %get3A_1009 : vector<16xf32> to vector<32xbf16>
      %mul3A_1011 = arith.mulf %bitcast3A_1004, %bitcast3A_1010 : vector<32xbf16>
      %unpack3A_1012 = tpu.unpack_subelements %mul3A_1011, 0 {pack_format = #tpu.pack_format<interleaved>} : vector<32xbf16> -> vector<16xf32>
      %unpack3A_1013 = tpu.unpack_subelements %mul3A_1011, 1 {pack_format = #tpu.pack_format<interleaved>} : vector<32xbf16> -> vector<16xf32>
      %get3A_1014 = arith.constant 0 : i32
      %get3A_1015 = tpu.memref_slice %arg9[%add3A_981, %get3A_1014] : memref<80x64xf32, #tpu.memory_space<vmem>> -> memref<1x64xf32, #tpu.memory_space<vmem>>
      %get3A_1016 = tpu.memref_squeeze %get3A_1015 : memref<1x64xf32, #tpu.memory_space<vmem>> -> memref<64xf32, #tpu.memory_space<vmem>>
      %get3A_1017 = arith.constant 32 : index
      %get3A_1018 = tpu.vector_load %get3A_1016[%get3A_1017] {strides = array<i32>} : memref<64xf32, #tpu.memory_space<vmem>>, vector<16xf32>,
      %bitcast3A_1019 = vector.bitcast %get3A_1018 : vector<16xf32> to vector<32xbf16>
      %get3A_1020 = arith.constant 0 : i32
      %get3A_1021 = tpu.memref_slice %arg10[%add3A_983, %get3A_1020] : memref<80x64xf32, #tpu.memory_space<vmem>> -> memref<1x64xf32, #tpu.memory_space<vmem>>
      %get3A_1022 = tpu.memref_squeeze %get3A_1021 : memref<1x64xf32, #tpu.memory_space<vmem>> -> memref<64xf32, #tpu.memory_space<vmem>>
      %get3A_1023 = arith.constant 32 : index
      %get3A_1024 = tpu.vector_load %get3A_1022[%get3A_1023] {strides = array<i32>} : memref<64xf32, #tpu.memory_space<vmem>>, vector<16xf32>,
      %bitcast3A_1025 = vector.bitcast %get3A_1024 : vector<16xf32> to vector<32xbf16>
      %mul3A_1026 = arith.mulf %bitcast3A_1019, %bitcast3A_1025 : vector<32xbf16>
      %unpack3A_1027 = tpu.unpack_subelements %mul3A_1026, 0 {pack_format = #tpu.pack_format<interleaved>} : vector<32xbf16> -> vector<16xf32>
      %unpack3A_1028 = tpu.unpack_subelements %mul3A_1026, 1 {pack_format = #tpu.pack_format<interleaved>} : vector<32xbf16> -> vector<16xf32>
      %get3A_1029 = arith.constant 0 : i32
      %get3A_1030 = tpu.memref_slice %arg9[%add3A_981, %get3A_1029] : memref<80x64xf32, #tpu.memory_space<vmem>> -> memref<1x64xf32, #tpu.memory_space<vmem>>
      %get3A_1031 = tpu.memref_squeeze %get3A_1030 : memref<1x64xf32, #tpu.memory_space<vmem>> -> memref<64xf32, #tpu.memory_space<vmem>>
      %get3A_1032 = arith.constant 48 : index
      %get3A_1033 = tpu.vector_load %get3A_1031[%get3A_1032] {strides = array<i32>} : memref<64xf32, #tpu.memory_space<vmem>>, vector<16xf32>,
      %bitcast3A_1034 = vector.bitcast %get3A_1033 : vector<16xf32> to vector<32xbf16>
      %get3A_1035 = arith.constant 0 : i32
      %get3A_1036 = tpu.memref_slice %arg10[%add3A_983, %get3A_1035] : memref<80x64xf32, #tpu.memory_space<vmem>> -> memref<1x64xf32, #tpu.memory_space<vmem>>
      %get3A_1037 = tpu.memref_squeeze %get3A_1036 : memref<1x64xf32, #tpu.memory_space<vmem>> -> memref<64xf32, #tpu.memory_space<vmem>>
      %get3A_1038 = arith.constant 48 : index
      %get3A_1039 = tpu.vector_load %get3A_1037[%get3A_1038] {strides = array<i32>} : memref<64xf32, #tpu.memory_space<vmem>>, vector<16xf32>,
      %bitcast3A_1040 = vector.bitcast %get3A_1039 : vector<16xf32> to vector<32xbf16>
      %mul3A_1041 = arith.mulf %bitcast3A_1034, %bitcast3A_1040 : vector<32xbf16>
      %unpack3A_1042 = tpu.unpack_subelements %mul3A_1041, 0 {pack_format = #tpu.pack_format<interleaved>} : vector<32xbf16> -> vector<16xf32>
      %unpack3A_1043 = tpu.unpack_subelements %mul3A_1041, 1 {pack_format = #tpu.pack_format<interleaved>} : vector<32xbf16> -> vector<16xf32>
      %add3A_1044 = arith.addf %unpack3A_997, %unpack3A_998 : vector<16xf32>
      %add3A_1045 = arith.addf %unpack3A_1012, %unpack3A_1013 : vector<16xf32>
      %add3A_1046 = arith.addf %unpack3A_1027, %unpack3A_1028 : vector<16xf32>
      %add3A_1047 = arith.addf %unpack3A_1042, %unpack3A_1043 : vector<16xf32>
      %add3A_1048 = arith.addf %add3A_1044, %add3A_1045 : vector<16xf32>
      %add3A_1049 = arith.addf %add3A_1046, %add3A_1047 : vector<16xf32>
      %add3A_1050 = arith.addf %add3A_1048, %add3A_1049 : vector<16xf32>
      %broadcast_in_dim3A_1051 = arith.constant 13 : i32
      %broadcast_in_dim3A_1052 = vector.broadcast %broadcast_in_dim3A_1051 : i32 to vector<16xi32>
      tpu.vector_store_idx %arg13[%iota3A, %broadcast_in_dim3A_1052], %add3A_1050 : memref<16x17xf32, #tpu.memory_space<vmem>>[vector<16xi32>, vector<16xi32>], vector<16xf32>,
      %add3A_1053 = arith.constant 14 : i32
      %add3A_1054 = arith.addi %add3A_34, %add3A_1053 : i32
      %add3A_1055 = arith.constant 14 : i32
      %add3A_1056 = arith.addi %add3A_34, %add3A_1055 : i32
      %get3A_1057 = arith.constant 0 : i32
      %get3A_1058 = tpu.memref_slice %arg9[%add3A_1054, %get3A_1057] : memref<80x64xf32, #tpu.memory_space<vmem>> -> memref<1x64xf32, #tpu.memory_space<vmem>>
      %get3A_1059 = tpu.memref_squeeze %get3A_1058 : memref<1x64xf32, #tpu.memory_space<vmem>> -> memref<64xf32, #tpu.memory_space<vmem>>
      %get3A_1060 = arith.constant 0 : index
      %get3A_1061 = tpu.vector_load %get3A_1059[%get3A_1060] {strides = array<i32>} : memref<64xf32, #tpu.memory_space<vmem>>, vector<16xf32>,
      %bitcast3A_1062 = vector.bitcast %get3A_1061 : vector<16xf32> to vector<32xbf16>
      %get3A_1063 = arith.constant 0 : i32
      %get3A_1064 = tpu.memref_slice %arg10[%add3A_1056, %get3A_1063] : memref<80x64xf32, #tpu.memory_space<vmem>> -> memref<1x64xf32, #tpu.memory_space<vmem>>
      %get3A_1065 = tpu.memref_squeeze %get3A_1064 : memref<1x64xf32, #tpu.memory_space<vmem>> -> memref<64xf32, #tpu.memory_space<vmem>>
      %get3A_1066 = arith.constant 0 : index
      %get3A_1067 = tpu.vector_load %get3A_1065[%get3A_1066] {strides = array<i32>} : memref<64xf32, #tpu.memory_space<vmem>>, vector<16xf32>,
      %bitcast3A_1068 = vector.bitcast %get3A_1067 : vector<16xf32> to vector<32xbf16>
      %mul3A_1069 = arith.mulf %bitcast3A_1062, %bitcast3A_1068 : vector<32xbf16>
      %unpack3A_1070 = tpu.unpack_subelements %mul3A_1069, 0 {pack_format = #tpu.pack_format<interleaved>} : vector<32xbf16> -> vector<16xf32>
      %unpack3A_1071 = tpu.unpack_subelements %mul3A_1069, 1 {pack_format = #tpu.pack_format<interleaved>} : vector<32xbf16> -> vector<16xf32>
      %get3A_1072 = arith.constant 0 : i32
      %get3A_1073 = tpu.memref_slice %arg9[%add3A_1054, %get3A_1072] : memref<80x64xf32, #tpu.memory_space<vmem>> -> memref<1x64xf32, #tpu.memory_space<vmem>>
      %get3A_1074 = tpu.memref_squeeze %get3A_1073 : memref<1x64xf32, #tpu.memory_space<vmem>> -> memref<64xf32, #tpu.memory_space<vmem>>
      %get3A_1075 = arith.constant 16 : index
      %get3A_1076 = tpu.vector_load %get3A_1074[%get3A_1075] {strides = array<i32>} : memref<64xf32, #tpu.memory_space<vmem>>, vector<16xf32>,
      %bitcast3A_1077 = vector.bitcast %get3A_1076 : vector<16xf32> to vector<32xbf16>
      %get3A_1078 = arith.constant 0 : i32
      %get3A_1079 = tpu.memref_slice %arg10[%add3A_1056, %get3A_1078] : memref<80x64xf32, #tpu.memory_space<vmem>> -> memref<1x64xf32, #tpu.memory_space<vmem>>
      %get3A_1080 = tpu.memref_squeeze %get3A_1079 : memref<1x64xf32, #tpu.memory_space<vmem>> -> memref<64xf32, #tpu.memory_space<vmem>>
      %get3A_1081 = arith.constant 16 : index
      %get3A_1082 = tpu.vector_load %get3A_1080[%get3A_1081] {strides = array<i32>} : memref<64xf32, #tpu.memory_space<vmem>>, vector<16xf32>,
      %bitcast3A_1083 = vector.bitcast %get3A_1082 : vector<16xf32> to vector<32xbf16>
      %mul3A_1084 = arith.mulf %bitcast3A_1077, %bitcast3A_1083 : vector<32xbf16>
      %unpack3A_1085 = tpu.unpack_subelements %mul3A_1084, 0 {pack_format = #tpu.pack_format<interleaved>} : vector<32xbf16> -> vector<16xf32>
      %unpack3A_1086 = tpu.unpack_subelements %mul3A_1084, 1 {pack_format = #tpu.pack_format<interleaved>} : vector<32xbf16> -> vector<16xf32>
      %get3A_1087 = arith.constant 0 : i32
      %get3A_1088 = tpu.memref_slice %arg9[%add3A_1054, %get3A_1087] : memref<80x64xf32, #tpu.memory_space<vmem>> -> memref<1x64xf32, #tpu.memory_space<vmem>>
      %get3A_1089 = tpu.memref_squeeze %get3A_1088 : memref<1x64xf32, #tpu.memory_space<vmem>> -> memref<64xf32, #tpu.memory_space<vmem>>
      %get3A_1090 = arith.constant 32 : index
      %get3A_1091 = tpu.vector_load %get3A_1089[%get3A_1090] {strides = array<i32>} : memref<64xf32, #tpu.memory_space<vmem>>, vector<16xf32>,
      %bitcast3A_1092 = vector.bitcast %get3A_1091 : vector<16xf32> to vector<32xbf16>
      %get3A_1093 = arith.constant 0 : i32
      %get3A_1094 = tpu.memref_slice %arg10[%add3A_1056, %get3A_1093] : memref<80x64xf32, #tpu.memory_space<vmem>> -> memref<1x64xf32, #tpu.memory_space<vmem>>
      %get3A_1095 = tpu.memref_squeeze %get3A_1094 : memref<1x64xf32, #tpu.memory_space<vmem>> -> memref<64xf32, #tpu.memory_space<vmem>>
      %get3A_1096 = arith.constant 32 : index
      %get3A_1097 = tpu.vector_load %get3A_1095[%get3A_1096] {strides = array<i32>} : memref<64xf32, #tpu.memory_space<vmem>>, vector<16xf32>,
      %bitcast3A_1098 = vector.bitcast %get3A_1097 : vector<16xf32> to vector<32xbf16>
      %mul3A_1099 = arith.mulf %bitcast3A_1092, %bitcast3A_1098 : vector<32xbf16>
      %unpack3A_1100 = tpu.unpack_subelements %mul3A_1099, 0 {pack_format = #tpu.pack_format<interleaved>} : vector<32xbf16> -> vector<16xf32>
      %unpack3A_1101 = tpu.unpack_subelements %mul3A_1099, 1 {pack_format = #tpu.pack_format<interleaved>} : vector<32xbf16> -> vector<16xf32>
      %get3A_1102 = arith.constant 0 : i32
      %get3A_1103 = tpu.memref_slice %arg9[%add3A_1054, %get3A_1102] : memref<80x64xf32, #tpu.memory_space<vmem>> -> memref<1x64xf32, #tpu.memory_space<vmem>>
      %get3A_1104 = tpu.memref_squeeze %get3A_1103 : memref<1x64xf32, #tpu.memory_space<vmem>> -> memref<64xf32, #tpu.memory_space<vmem>>
      %get3A_1105 = arith.constant 48 : index
      %get3A_1106 = tpu.vector_load %get3A_1104[%get3A_1105] {strides = array<i32>} : memref<64xf32, #tpu.memory_space<vmem>>, vector<16xf32>,
      %bitcast3A_1107 = vector.bitcast %get3A_1106 : vector<16xf32> to vector<32xbf16>
      %get3A_1108 = arith.constant 0 : i32
      %get3A_1109 = tpu.memref_slice %arg10[%add3A_1056, %get3A_1108] : memref<80x64xf32, #tpu.memory_space<vmem>> -> memref<1x64xf32, #tpu.memory_space<vmem>>
      %get3A_1110 = tpu.memref_squeeze %get3A_1109 : memref<1x64xf32, #tpu.memory_space<vmem>> -> memref<64xf32, #tpu.memory_space<vmem>>
      %get3A_1111 = arith.constant 48 : index
      %get3A_1112 = tpu.vector_load %get3A_1110[%get3A_1111] {strides = array<i32>} : memref<64xf32, #tpu.memory_space<vmem>>, vector<16xf32>,
      %bitcast3A_1113 = vector.bitcast %get3A_1112 : vector<16xf32> to vector<32xbf16>
      %mul3A_1114 = arith.mulf %bitcast3A_1107, %bitcast3A_1113 : vector<32xbf16>
      %unpack3A_1115 = tpu.unpack_subelements %mul3A_1114, 0 {pack_format = #tpu.pack_format<interleaved>} : vector<32xbf16> -> vector<16xf32>
      %unpack3A_1116 = tpu.unpack_subelements %mul3A_1114, 1 {pack_format = #tpu.pack_format<interleaved>} : vector<32xbf16> -> vector<16xf32>
      %add3A_1117 = arith.addf %unpack3A_1070, %unpack3A_1071 : vector<16xf32>
      %add3A_1118 = arith.addf %unpack3A_1085, %unpack3A_1086 : vector<16xf32>
      %add3A_1119 = arith.addf %unpack3A_1100, %unpack3A_1101 : vector<16xf32>
      %add3A_1120 = arith.addf %unpack3A_1115, %unpack3A_1116 : vector<16xf32>
      %add3A_1121 = arith.addf %add3A_1117, %add3A_1118 : vector<16xf32>
      %add3A_1122 = arith.addf %add3A_1119, %add3A_1120 : vector<16xf32>
      %add3A_1123 = arith.addf %add3A_1121, %add3A_1122 : vector<16xf32>
      %broadcast_in_dim3A_1124 = arith.constant 14 : i32
      %broadcast_in_dim3A_1125 = vector.broadcast %broadcast_in_dim3A_1124 : i32 to vector<16xi32>
      tpu.vector_store_idx %arg13[%iota3A, %broadcast_in_dim3A_1125], %add3A_1123 : memref<16x17xf32, #tpu.memory_space<vmem>>[vector<16xi32>, vector<16xi32>], vector<16xf32>,
      %add3A_1126 = arith.constant 15 : i32
      %add3A_1127 = arith.addi %add3A_34, %add3A_1126 : i32
      %add3A_1128 = arith.constant 15 : i32
      %add3A_1129 = arith.addi %add3A_34, %add3A_1128 : i32
      %get3A_1130 = arith.constant 0 : i32
      %get3A_1131 = tpu.memref_slice %arg9[%add3A_1127, %get3A_1130] : memref<80x64xf32, #tpu.memory_space<vmem>> -> memref<1x64xf32, #tpu.memory_space<vmem>>
      %get3A_1132 = tpu.memref_squeeze %get3A_1131 : memref<1x64xf32, #tpu.memory_space<vmem>> -> memref<64xf32, #tpu.memory_space<vmem>>
      %get3A_1133 = arith.constant 0 : index
      %get3A_1134 = tpu.vector_load %get3A_1132[%get3A_1133] {strides = array<i32>} : memref<64xf32, #tpu.memory_space<vmem>>, vector<16xf32>,
      %bitcast3A_1135 = vector.bitcast %get3A_1134 : vector<16xf32> to vector<32xbf16>
      %get3A_1136 = arith.constant 0 : i32
      %get3A_1137 = tpu.memref_slice %arg10[%add3A_1129, %get3A_1136] : memref<80x64xf32, #tpu.memory_space<vmem>> -> memref<1x64xf32, #tpu.memory_space<vmem>>
      %get3A_1138 = tpu.memref_squeeze %get3A_1137 : memref<1x64xf32, #tpu.memory_space<vmem>> -> memref<64xf32, #tpu.memory_space<vmem>>
      %get3A_1139 = arith.constant 0 : index
      %get3A_1140 = tpu.vector_load %get3A_1138[%get3A_1139] {strides = array<i32>} : memref<64xf32, #tpu.memory_space<vmem>>, vector<16xf32>,
      %bitcast3A_1141 = vector.bitcast %get3A_1140 : vector<16xf32> to vector<32xbf16>
      %mul3A_1142 = arith.mulf %bitcast3A_1135, %bitcast3A_1141 : vector<32xbf16>
      %unpack3A_1143 = tpu.unpack_subelements %mul3A_1142, 0 {pack_format = #tpu.pack_format<interleaved>} : vector<32xbf16> -> vector<16xf32>
      %unpack3A_1144 = tpu.unpack_subelements %mul3A_1142, 1 {pack_format = #tpu.pack_format<interleaved>} : vector<32xbf16> -> vector<16xf32>
      %get3A_1145 = arith.constant 0 : i32
      %get3A_1146 = tpu.memref_slice %arg9[%add3A_1127, %get3A_1145] : memref<80x64xf32, #tpu.memory_space<vmem>> -> memref<1x64xf32, #tpu.memory_space<vmem>>
      %get3A_1147 = tpu.memref_squeeze %get3A_1146 : memref<1x64xf32, #tpu.memory_space<vmem>> -> memref<64xf32, #tpu.memory_space<vmem>>
      %get3A_1148 = arith.constant 16 : index
      %get3A_1149 = tpu.vector_load %get3A_1147[%get3A_1148] {strides = array<i32>} : memref<64xf32, #tpu.memory_space<vmem>>, vector<16xf32>,
      %bitcast3A_1150 = vector.bitcast %get3A_1149 : vector<16xf32> to vector<32xbf16>
      %get3A_1151 = arith.constant 0 : i32
      %get3A_1152 = tpu.memref_slice %arg10[%add3A_1129, %get3A_1151] : memref<80x64xf32, #tpu.memory_space<vmem>> -> memref<1x64xf32, #tpu.memory_space<vmem>>
      %get3A_1153 = tpu.memref_squeeze %get3A_1152 : memref<1x64xf32, #tpu.memory_space<vmem>> -> memref<64xf32, #tpu.memory_space<vmem>>
      %get3A_1154 = arith.constant 16 : index
      %get3A_1155 = tpu.vector_load %get3A_1153[%get3A_1154] {strides = array<i32>} : memref<64xf32, #tpu.memory_space<vmem>>, vector<16xf32>,
      %bitcast3A_1156 = vector.bitcast %get3A_1155 : vector<16xf32> to vector<32xbf16>
      %mul3A_1157 = arith.mulf %bitcast3A_1150, %bitcast3A_1156 : vector<32xbf16>
      %unpack3A_1158 = tpu.unpack_subelements %mul3A_1157, 0 {pack_format = #tpu.pack_format<interleaved>} : vector<32xbf16> -> vector<16xf32>
      %unpack3A_1159 = tpu.unpack_subelements %mul3A_1157, 1 {pack_format = #tpu.pack_format<interleaved>} : vector<32xbf16> -> vector<16xf32>
      %get3A_1160 = arith.constant 0 : i32
      %get3A_1161 = tpu.memref_slice %arg9[%add3A_1127, %get3A_1160] : memref<80x64xf32, #tpu.memory_space<vmem>> -> memref<1x64xf32, #tpu.memory_space<vmem>>
      %get3A_1162 = tpu.memref_squeeze %get3A_1161 : memref<1x64xf32, #tpu.memory_space<vmem>> -> memref<64xf32, #tpu.memory_space<vmem>>
      %get3A_1163 = arith.constant 32 : index
      %get3A_1164 = tpu.vector_load %get3A_1162[%get3A_1163] {strides = array<i32>} : memref<64xf32, #tpu.memory_space<vmem>>, vector<16xf32>,
      %bitcast3A_1165 = vector.bitcast %get3A_1164 : vector<16xf32> to vector<32xbf16>
      %get3A_1166 = arith.constant 0 : i32
      %get3A_1167 = tpu.memref_slice %arg10[%add3A_1129, %get3A_1166] : memref<80x64xf32, #tpu.memory_space<vmem>> -> memref<1x64xf32, #tpu.memory_space<vmem>>
      %get3A_1168 = tpu.memref_squeeze %get3A_1167 : memref<1x64xf32, #tpu.memory_space<vmem>> -> memref<64xf32, #tpu.memory_space<vmem>>
      %get3A_1169 = arith.constant 32 : index
      %get3A_1170 = tpu.vector_load %get3A_1168[%get3A_1169] {strides = array<i32>} : memref<64xf32, #tpu.memory_space<vmem>>, vector<16xf32>,
      %bitcast3A_1171 = vector.bitcast %get3A_1170 : vector<16xf32> to vector<32xbf16>
      %mul3A_1172 = arith.mulf %bitcast3A_1165, %bitcast3A_1171 : vector<32xbf16>
      %unpack3A_1173 = tpu.unpack_subelements %mul3A_1172, 0 {pack_format = #tpu.pack_format<interleaved>} : vector<32xbf16> -> vector<16xf32>
      %unpack3A_1174 = tpu.unpack_subelements %mul3A_1172, 1 {pack_format = #tpu.pack_format<interleaved>} : vector<32xbf16> -> vector<16xf32>
      %get3A_1175 = arith.constant 0 : i32
      %get3A_1176 = tpu.memref_slice %arg9[%add3A_1127, %get3A_1175] : memref<80x64xf32, #tpu.memory_space<vmem>> -> memref<1x64xf32, #tpu.memory_space<vmem>>
      %get3A_1177 = tpu.memref_squeeze %get3A_1176 : memref<1x64xf32, #tpu.memory_space<vmem>> -> memref<64xf32, #tpu.memory_space<vmem>>
      %get3A_1178 = arith.constant 48 : index
      %get3A_1179 = tpu.vector_load %get3A_1177[%get3A_1178] {strides = array<i32>} : memref<64xf32, #tpu.memory_space<vmem>>, vector<16xf32>,
      %bitcast3A_1180 = vector.bitcast %get3A_1179 : vector<16xf32> to vector<32xbf16>
      %get3A_1181 = arith.constant 0 : i32
      %get3A_1182 = tpu.memref_slice %arg10[%add3A_1129, %get3A_1181] : memref<80x64xf32, #tpu.memory_space<vmem>> -> memref<1x64xf32, #tpu.memory_space<vmem>>
      %get3A_1183 = tpu.memref_squeeze %get3A_1182 : memref<1x64xf32, #tpu.memory_space<vmem>> -> memref<64xf32, #tpu.memory_space<vmem>>
      %get3A_1184 = arith.constant 48 : index
      %get3A_1185 = tpu.vector_load %get3A_1183[%get3A_1184] {strides = array<i32>} : memref<64xf32, #tpu.memory_space<vmem>>, vector<16xf32>,
      %bitcast3A_1186 = vector.bitcast %get3A_1185 : vector<16xf32> to vector<32xbf16>
      %mul3A_1187 = arith.mulf %bitcast3A_1180, %bitcast3A_1186 : vector<32xbf16>
      %unpack3A_1188 = tpu.unpack_subelements %mul3A_1187, 0 {pack_format = #tpu.pack_format<interleaved>} : vector<32xbf16> -> vector<16xf32>
      %unpack3A_1189 = tpu.unpack_subelements %mul3A_1187, 1 {pack_format = #tpu.pack_format<interleaved>} : vector<32xbf16> -> vector<16xf32>
      %add3A_1190 = arith.addf %unpack3A_1143, %unpack3A_1144 : vector<16xf32>
      %add3A_1191 = arith.addf %unpack3A_1158, %unpack3A_1159 : vector<16xf32>
      %add3A_1192 = arith.addf %unpack3A_1173, %unpack3A_1174 : vector<16xf32>
      %add3A_1193 = arith.addf %unpack3A_1188, %unpack3A_1189 : vector<16xf32>
      %add3A_1194 = arith.addf %add3A_1190, %add3A_1191 : vector<16xf32>
      %add3A_1195 = arith.addf %add3A_1192, %add3A_1193 : vector<16xf32>
      %add3A_1196 = arith.addf %add3A_1194, %add3A_1195 : vector<16xf32>
      %broadcast_in_dim3A_1197 = arith.constant 15 : i32
      %broadcast_in_dim3A_1198 = vector.broadcast %broadcast_in_dim3A_1197 : i32 to vector<16xi32>
      tpu.vector_store_idx %arg13[%iota3A, %broadcast_in_dim3A_1198], %add3A_1196 : memref<16x17xf32, #tpu.memory_space<vmem>>[vector<16xi32>, vector<16xi32>], vector<16xf32>,
      %get3A_1199 = arith.constant 0 : i32
      %get3A_1200 = arith.index_cast %get3A_1199 : i32 to index
      %get3A_1201 = arith.constant 0 : index
      %get3A_1202 = tpu.vector_load %arg13[%get3A_1200, %get3A_1201] {strides = array<i32>} : memref<16x17xf32, #tpu.memory_space<vmem>>, vector<16xf32>,
      %get3A_1203 = arith.constant 1 : i32
      %get3A_1204 = arith.index_cast %get3A_1203 : i32 to index
      %get3A_1205 = arith.constant 0 : index
      %get3A_1206 = tpu.vector_load %arg13[%get3A_1204, %get3A_1205] {strides = array<i32>} : memref<16x17xf32, #tpu.memory_space<vmem>>, vector<16xf32>,
      %get3A_1207 = arith.constant 2 : i32
      %get3A_1208 = arith.index_cast %get3A_1207 : i32 to index
      %get3A_1209 = arith.constant 0 : index
      %get3A_1210 = tpu.vector_load %arg13[%get3A_1208, %get3A_1209] {strides = array<i32>} : memref<16x17xf32, #tpu.memory_space<vmem>>, vector<16xf32>,
      %get3A_1211 = arith.constant 3 : i32
      %get3A_1212 = arith.index_cast %get3A_1211 : i32 to index
      %get3A_1213 = arith.constant 0 : index
      %get3A_1214 = tpu.vector_load %arg13[%get3A_1212, %get3A_1213] {strides = array<i32>} : memref<16x17xf32, #tpu.memory_space<vmem>>, vector<16xf32>,
      %get3A_1215 = arith.constant 4 : i32
      %get3A_1216 = arith.index_cast %get3A_1215 : i32 to index
      %get3A_1217 = arith.constant 0 : index
      %get3A_1218 = tpu.vector_load %arg13[%get3A_1216, %get3A_1217] {strides = array<i32>} : memref<16x17xf32, #tpu.memory_space<vmem>>, vector<16xf32>,
      %get3A_1219 = arith.constant 5 : i32
      %get3A_1220 = arith.index_cast %get3A_1219 : i32 to index
      %get3A_1221 = arith.constant 0 : index
      %get3A_1222 = tpu.vector_load %arg13[%get3A_1220, %get3A_1221] {strides = array<i32>} : memref<16x17xf32, #tpu.memory_space<vmem>>, vector<16xf32>,
      %get3A_1223 = arith.constant 6 : i32
      %get3A_1224 = arith.index_cast %get3A_1223 : i32 to index
      %get3A_1225 = arith.constant 0 : index
      %get3A_1226 = tpu.vector_load %arg13[%get3A_1224, %get3A_1225] {strides = array<i32>} : memref<16x17xf32, #tpu.memory_space<vmem>>, vector<16xf32>,
      %get3A_1227 = arith.constant 7 : i32
      %get3A_1228 = arith.index_cast %get3A_1227 : i32 to index
      %get3A_1229 = arith.constant 0 : index
      %get3A_1230 = tpu.vector_load %arg13[%get3A_1228, %get3A_1229] {strides = array<i32>} : memref<16x17xf32, #tpu.memory_space<vmem>>, vector<16xf32>,
      %get3A_1231 = arith.constant 8 : i32
      %get3A_1232 = arith.index_cast %get3A_1231 : i32 to index
      %get3A_1233 = arith.constant 0 : index
      %get3A_1234 = tpu.vector_load %arg13[%get3A_1232, %get3A_1233] {strides = array<i32>} : memref<16x17xf32, #tpu.memory_space<vmem>>, vector<16xf32>,
      %get3A_1235 = arith.constant 9 : i32
      %get3A_1236 = arith.index_cast %get3A_1235 : i32 to index
      %get3A_1237 = arith.constant 0 : index
      %get3A_1238 = tpu.vector_load %arg13[%get3A_1236, %get3A_1237] {strides = array<i32>} : memref<16x17xf32, #tpu.memory_space<vmem>>, vector<16xf32>,
      %get3A_1239 = arith.constant 10 : i32
      %get3A_1240 = arith.index_cast %get3A_1239 : i32 to index
      %get3A_1241 = arith.constant 0 : index
      %get3A_1242 = tpu.vector_load %arg13[%get3A_1240, %get3A_1241] {strides = array<i32>} : memref<16x17xf32, #tpu.memory_space<vmem>>, vector<16xf32>,
      %get3A_1243 = arith.constant 11 : i32
      %get3A_1244 = arith.index_cast %get3A_1243 : i32 to index
      %get3A_1245 = arith.constant 0 : index
      %get3A_1246 = tpu.vector_load %arg13[%get3A_1244, %get3A_1245] {strides = array<i32>} : memref<16x17xf32, #tpu.memory_space<vmem>>, vector<16xf32>,
      %get3A_1247 = arith.constant 12 : i32
      %get3A_1248 = arith.index_cast %get3A_1247 : i32 to index
      %get3A_1249 = arith.constant 0 : index
      %get3A_1250 = tpu.vector_load %arg13[%get3A_1248, %get3A_1249] {strides = array<i32>} : memref<16x17xf32, #tpu.memory_space<vmem>>, vector<16xf32>,
      %get3A_1251 = arith.constant 13 : i32
      %get3A_1252 = arith.index_cast %get3A_1251 : i32 to index
      %get3A_1253 = arith.constant 0 : index
      %get3A_1254 = tpu.vector_load %arg13[%get3A_1252, %get3A_1253] {strides = array<i32>} : memref<16x17xf32, #tpu.memory_space<vmem>>, vector<16xf32>,
      %get3A_1255 = arith.constant 14 : i32
      %get3A_1256 = arith.index_cast %get3A_1255 : i32 to index
      %get3A_1257 = arith.constant 0 : index
      %get3A_1258 = tpu.vector_load %arg13[%get3A_1256, %get3A_1257] {strides = array<i32>} : memref<16x17xf32, #tpu.memory_space<vmem>>, vector<16xf32>,
      %get3A_1259 = arith.constant 15 : i32
      %get3A_1260 = arith.index_cast %get3A_1259 : i32 to index
      %get3A_1261 = arith.constant 0 : index
      %get3A_1262 = tpu.vector_load %arg13[%get3A_1260, %get3A_1261] {strides = array<i32>} : memref<16x17xf32, #tpu.memory_space<vmem>>, vector<16xf32>,
      %add3A_1263 = arith.addf %get3A_1202, %get3A_1206 : vector<16xf32>
      %add3A_1264 = arith.addf %get3A_1210, %get3A_1214 : vector<16xf32>
      %add3A_1265 = arith.addf %get3A_1218, %get3A_1222 : vector<16xf32>
      %add3A_1266 = arith.addf %get3A_1226, %get3A_1230 : vector<16xf32>
      %add3A_1267 = arith.addf %get3A_1234, %get3A_1238 : vector<16xf32>
      %add3A_1268 = arith.addf %get3A_1242, %get3A_1246 : vector<16xf32>
      %add3A_1269 = arith.addf %get3A_1250, %get3A_1254 : vector<16xf32>
      %add3A_1270 = arith.addf %get3A_1258, %get3A_1262 : vector<16xf32>
      %add3A_1271 = arith.addf %add3A_1263, %add3A_1264 : vector<16xf32>
      %add3A_1272 = arith.addf %add3A_1265, %add3A_1266 : vector<16xf32>
      %add3A_1273 = arith.addf %add3A_1267, %add3A_1268 : vector<16xf32>
      %add3A_1274 = arith.addf %add3A_1269, %add3A_1270 : vector<16xf32>
      %add3A_1275 = arith.addf %add3A_1271, %add3A_1272 : vector<16xf32>
      %add3A_1276 = arith.addf %add3A_1273, %add3A_1274 : vector<16xf32>
      %add3A_1277 = arith.addf %add3A_1275, %add3A_1276 : vector<16xf32>
      %neg3A = arith.constant 0.000000e+00 : f32
      %neg3A_1278 = vector.broadcast %neg3A : f32 to vector<16xf32>
      %neg3A_1279 = arith.subf %neg3A_1278, %add3A_1277 : vector<16xf32>
      %exp3A = math.exp %neg3A_1279 : vector<16xf32>
      %add3A_1280 = arith.constant 1.000000e+00 : f32
      %add3A_1281 = vector.broadcast %add3A_1280 : f32 to vector<16xf32>
      %add3A_1282 = arith.addf %add3A_1281, %exp3A : vector<16xf32>
      %div3A = arith.constant 1.000000e+00 : f32
      %div3A_1283 = vector.broadcast %div3A : f32 to vector<16xf32>
      %div3A_1284 = arith.divf %div3A_1283, %add3A_1282 : vector<16xf32>
      %add3A_1285 = arith.constant 9920 : i32
      %add3A_1286 = arith.addi %add3A_1285, %add3A_34 : i32
      %swap3A = arith.index_cast %add3A_1286 : i32 to index
      %swap3A_1287 = tpu.vector_load %arg8[%swap3A] {strides = array<i32>} : memref<10000xf32, #tpu.memory_space<vmem>>, vector<16xf32>,
      tpu.vector_store %arg8[%swap3A], %div3A_1284 {strides = array<i32>} : memref<10000xf32, #tpu.memory_space<vmem>>, vector<16xf32>,
    }
    %scan3A_29 = arith.constant 5 : i32
    "tpu.region"() ({
      %run_scoped3A = tpu.sem_alloc : memref<!tpu.dma_semaphore, #tpu.memory_space<semaphore_mem>>
      %dma_start3A_30 = tpu.memref_slice %arg5[%mul3A_2] : memref<320000xf32, #tpu.memory_space<hbm>> -> memref<10000xf32, #tpu.memory_space<hbm>>
      %dma_start3A_31 = tpu.memref_slice %arg5[%mul3A_2] : memref<320000xf32, #tpu.memory_space<hbm>> -> memref<10000xf32, #tpu.memory_space<hbm>>
      tpu.enqueue_dma source(%arg8 : memref<10000xf32, #tpu.memory_space<vmem>>) target(%dma_start3A_31 : memref<10000xf32, #tpu.memory_space<hbm>>) target_semaphore(%run_scoped3A : memref<!tpu.dma_semaphore, #tpu.memory_space<semaphore_mem>>)
      %dma_wait3A_32 = tpu.memref_slice %arg5[%mul3A_2] : memref<320000xf32, #tpu.memory_space<hbm>> -> memref<10000xf32, #tpu.memory_space<hbm>>
      %dma_wait3A_33 = tpu.memref_slice %arg5[%mul3A_2] : memref<320000xf32, #tpu.memory_space<hbm>> -> memref<10000xf32, #tpu.memory_space<hbm>>
      tpu.wait_dma2 semaphore(%run_scoped3A : memref<!tpu.dma_semaphore, #tpu.memory_space<semaphore_mem>>) src(%arg8 : memref<10000xf32, #tpu.memory_space<vmem>>) dst(%dma_wait3A_33 : memref<10000xf32, #tpu.memory_space<hbm>>)
      tpu.yield
    }) : () -> ()
    return
  }
}

</mosaic_0001>

<sc_bundles>
// kernel: kernel.3.cloned.1.call-start
scs
__scs_entry_jumppad:
0x0: {  	(pc) =	sbr.rel $0x88, $3  }
0x1: {  	(tag) =	ssettag $0x0;
	lr =	simm.s32 $0x1  }
0x2: {  	[smem:$0x3F9F] =	sst lr;
	_ =	strace $0xD0000000  }
0x3: {  	_ = 	snop  }
0x4: {  	_ = 	snop  }
0x5: {  	_ = 	snop  }
0x6: {  	_ = 	snop  }
0x7: {  	_ = 	snop  }
__scs_overlays_trampoline_lowered:
0x8: {  	[smem:$0x3FAE] =	sst s0  }
0x9: {  	[smem:$0x3FAF] =	sst s1  }
0xa: {  	[smem:$0x3FB0] =	sst s2  }
0xb: {  	[smem:$0x3FB1] =	sst s3  }
0xc: {  	[smem:$0x3FB2] =	sst s4  }
0xd: {  	[smem:$0x3FB3] =	sst s5  }
0xe: {  	[smem:$0x3FB4] =	sst s6  }
0xf: {  	[smem:$0x3FB5] =	sst s7  }
0x10: {  	[smem:$0x3FB6] =	sst s8  }
0x11: {  	[smem:$0x3FB7] =	sst s9;
	s0 =	simm.s32 @!p0 $0x0  }
0x12: {  	s1 =	sld [smem:$0x3F9D];
	s0 =	simm.s32 @p0 $0x1  }
0x13: {  	[smem:$0x3FB8] =	sst s0;
	s0 =	simm.s32 @!p1 $0x0  }
0x14: {  	s2 =	sld [smem:$0x3F9C];
	s0 =	simm.s32 @p1 $0x1  }
0x15: {  	[smem:$0x3FB9] =	sst s0;
	s0 =	simm.s32 @!p2 $0x0  }
0x16: {  	s3 =	sld [smem:$0x3FDB];
	s0 =	simm.s32 @p2 $0x1  }
0x17: {  	s4 =	simm.s32 $0x1BF5;
	[smem:$0x3FBB] =	sst s0  }
0x18: {  	s0 =	sld [smem:$0x3F9E];
	_ =	swait.ge [sflag:s4], $0x0  }
0x19: {  	s7 =	sld [smem:$0x3F9F]  }
0x1a: {  	s8 =	sadd.s32 $0xFFFFE003, lr  }
0x1b: {  	s9 =	sadd.s32 $0xFFFFFEF7, lr;
	s5 =	simm.s32 $0xFFFFFFFF;
	p2 =	slt.u32 s8, $0xFFFFF086  }
0x1c: {  	p1 =	slt.u32 s9, $0xF7A;
	s5 =	simm.s32 @!p2 $0x0  }
0x1d: {  	s5 =	simm.s32 @p1 $0x1;
	p0 =	seq.s32 s7, s2  }
0x1e: {  	s7 =	smul.u32 @!p0 $0xF7A, s2;
	p2 =	seq.s32 @!p0 s5, $0x0  }
0x1f: {  	s9 =	smul.u32 $0xF7A, s1;
	s8 =	simm.s32 @!p0 $0x1BF5;
	p2 =	por !p2, p0  }
0x20: {  	[sflag:s8] =	ssyncset.s32 @!p0 $0xFFFFF086;
	s6 =	sadd.s32 @!p0 s3, s7;
	s7 =	simm.s32 @!p0 $0x108  }
0x21: {  	s3 =	sadd.s32 s3, s9;
	s6 =	sadd.s32 @!p0 $0x88, s6;
	s7 =	simm.s32 @p2 $0x1082  }
0x22: {  	[simem:s7], [sflag:s8] =	dma.local @!p0 [hbm:s6], $0xF7A  }
0x23: {  	s9 =	sor.u32 $0xD0000000, s2;
	s6 =	simm.s32 $0x108;
	_ =	swait.ge @!p0 [sflag:s8], $0x0  }
0x24: {  	s3 =	sadd.s32 $0x88, s3;
	s6 =	simm.s32 @!p1 $0x1082;
	[sflag:s4] =	ssyncset.s32 $0xFFFFF086  }
0x25: {  	[simem:s6], [sflag:s4] =	dma.local [hbm:s3], $0xF7A  }
0x26: {  	[smem:$0x3F9F] =	sst s1;
	(tag) =	ssettag s2;
	_ =	strace s9  }
0x27: {  	s1 =	sld [smem:$0x3FAF]  }
0x28: {  	s2 =	sld [smem:$0x3FB0]  }
0x29: {  	s4 =	sld [smem:$0x3FB2]  }
0x2a: {  	p0 =	seq.s32 s5, $0x0;
	s5 =	sld [smem:$0x3FB3]  }
0x2b: {  	s6 =	sld [smem:$0x3FB4]  }
0x2c: {  	s7 =	sld [smem:$0x3FB5]  }
0x2d: {  	s3 =	simm.s32 $0x108;
	s8 =	sld [smem:$0x3FB6]  }
0x2e: {  	s3 =	simm.s32 @!p0 $0x1082;
	s9 =	sld [smem:$0x3FB7]  }
0x2f: {  	lr =	sadd.s32 s0, s3;
	s0 =	sld [smem:$0x3FAE]  }
0x30: {  	s3 =	sld [smem:$0x3FB1]  }
0x31: {  	[smem:$0x3FBA] =	sst s10  }
0x32: {  	s10 =	sld [smem:$0x3FB8];
	_ =	sdelay $0x3  }
0x33: {  	p0 =	seq.s32 s10, $0x1;
	s10 =	sld [smem:$0x3FBA];
	_ =	sdelay $0x3  }
0x34: {  	[smem:$0x3FBA] =	sst s10  }
0x35: {  	s10 =	sld [smem:$0x3FB9];
	_ =	sdelay $0x3  }
0x36: {  	p1 =	seq.s32 s10, $0x1;
	s10 =	sld [smem:$0x3FBA];
	_ =	sdelay $0x3  }
0x37: {  	[smem:$0x3FBA] =	sst s10  }
0x38: {  	s10 =	sld [smem:$0x3FBB]  }
0x39: {  	_ = 	snop;
	(pc) =	sbr.ind lr, $3  }
0x3a: {  	_ = 	snop  }
0x3b: {  	_ = 	snop  }
0x3c: {  	p2 =	seq.s32 s10, $0x1;
	s10 =	sld [smem:$0x3FBA]  }
0x3d: {  	_ =	shalt  }
0x3e: {  	_ =	shalt  }
0x3f: {  	_ =	shalt  }
0x40: {  	_ =	shalt  }
0x41: {  	_ =	shalt  }
0x42: {  	_ =	shalt  }
0x43: {  	_ =	shalt  }
0x44: {  	_ =	shalt  }
0x45: {  	_ =	shalt  }
0x46: {  	_ =	shalt  }
0x47: {  	_ =	shalt  }
0x48: {  	_ =	shalt  }
0x49: {  	_ =	shalt  }
0x4a: {  	_ =	shalt  }
0x4b: {  	_ =	shalt  }
0x4c: {  	_ =	shalt  }
0x4d: {  	_ =	shalt  }
0x4e: {  	_ =	shalt  }
0x4f: {  	_ =	shalt  }
0x50: {  	_ =	shalt  }
0x51: {  	_ =	shalt  }
0x52: {  	_ =	shalt  }
0x53: {  	_ =	shalt  }
0x54: {  	_ =	shalt  }
0x55: {  	_ =	shalt  }
0x56: {  	_ =	shalt  }
0x57: {  	_ =	shalt  }
0x58: {  	_ =	shalt  }
0x59: {  	_ =	shalt  }
0x5a: {  	_ =	shalt  }
0x5b: {  	_ =	shalt  }
0x5c: {  	_ =	shalt  }
0x5d: {  	_ =	shalt  }
0x5e: {  	_ =	shalt  }
0x5f: {  	_ =	shalt  }
0x60: {  	_ =	shalt  }
0x61: {  	_ =	shalt  }
0x62: {  	_ =	shalt  }
0x63: {  	_ =	shalt  }
0x64: {  	_ =	shalt  }
0x65: {  	_ =	shalt  }
0x66: {  	_ =	shalt  }
0x67: {  	_ =	shalt  }
0x68: {  	_ =	shalt  }
0x69: {  	_ =	shalt  }
0x6a: {  	_ =	shalt  }
0x6b: {  	_ =	shalt  }
0x6c: {  	_ =	shalt  }
0x6d: {  	_ =	shalt  }
0x6e: {  	_ =	shalt  }
0x6f: {  	_ =	shalt  }
0x70: {  	_ =	shalt  }
0x71: {  	_ =	shalt  }
0x72: {  	_ =	shalt  }
0x73: {  	_ =	shalt  }
0x74: {  	_ =	shalt  }
0x75: {  	_ =	shalt  }
0x76: {  	_ =	shalt  }
0x77: {  	_ =	shalt  }
0x78: {  	_ =	shalt  }
0x79: {  	_ =	shalt  }
0x7a: {  	_ =	shalt  }
0x7b: {  	_ =	shalt  }
0x7c: {  	_ =	shalt  }
0x7d: {  	_ =	shalt  }
0x7e: {  	_ =	shalt  }
0x7f: {  	_ =	shalt  }
0x80: {  	_ =	shalt  }
0x81: {  	_ =	shalt  }
0x82: {  	_ =	shalt  }
0x83: {  	_ =	shalt  }
0x84: {  	_ =	shalt  }
0x85: {  	_ =	shalt  }
0x86: {  	_ =	shalt  }
0x87: {  	_ =	shalt  }
.Lfunc_end0:
.L_simem_size_0:
called_computation_lowered:
.L_overlay_start_0:
0x88: {  	s2 =	sld [smem:$0x3FD9]  }
0x89: {  	s3 =	sld [smem:$0x3FFE];
	_ =	sdelay $0x1  }
0x8a: {  	s1 =	srdreg.scid  }
0x8b: {  	s0 =	sand.u32 $0x1, s1  }
0x8c: {  	s16 =	sshll.u32 s0, $0xA;
	s2 =	sadd.s32 s3, s2  }
0x8d: {  	s2 =	sadd.s32 s2, s16  }
0x8e: {  	[smem:$0x3FC6] =	sst s2  }
0x8f: {  	_ = 	snop  }
0x90: {  	(tm) =	ssettm $0x1  }
0x91: {  	s17 =	sld [smem:$0x3FFB];
	_ =	sdelay $0x3  }
0x92: {  	_ =	strace s17  }
0x93: {  	s2 =	sld [smem:$0x3FFC];
	_ =	sdelay $0x3  }
0x94: {  	_ =	strace s2  }
0x95: {  	s2 =	sld [smem:$0x3FFD];
	_ =	sdelay $0x3  }
0x96: {  	_ =	strace s2  }
0x97: {  	_ =	strace $0x8FFFFFFF  }
0x98: {  	s18 =	sld [smem:$0x3FDB];
	_ =	sdelay $0x1  }
0x99: {  	s19 =	simm.s32 $_scs_section_size  }
0x9a: {  	s4 =	simm.s32 $_size__tile_overlayer_lowered;
	s5 =	simm.s32 $_tile_overlayer_lowered  }
0x9b: {  	s22 =	simm.s32 $0x1BFF;
	s21 =	sshll.u32 s5, $0x1;
	s2 =	sadd.s32 s19, s18  }
0x9c: {  	s6 =	simm.s32 $0x0;
	s20 =	sshll.u32 s4, $0x1;
	s4 =	sadd.s32 s21, s2  }
0x9d: {  	[timem:s6], [sflag:s22] =	dma.local [hbm:s4], s20  }
0x9e: {  	_ =	swait.ge [sflag:s22], s20  }
0x9f: {  	s3 =	ssub.s32 $0x0, s20;
	[sflag:s22] =	ssyncset.done $0x0  }
0xa0: {  	[sflag:s22] =	ssyncadd.s32 s3;
	_ =	sdelay $0x1  }
0xa1: {  	s23 =	simm.s32 $0x1B8B  }
0xa2: {  	_ =	swait.ge [sflag:s23], $0x1  }
0xa3: {  	[sflag:s23] =	ssyncset.done $0x0  }
0xa4: {  	s25 =	simm.s32 $0x1B8E;
	s24 =	sld [smem:$0x3FFE];
	[sflag:s23] =	ssyncadd.s32 $0xFFFFFFFF  }
0xa5: {  	s26 =	simm.s32 $execute0_lowered;
	[smem:$0x3FD2] =	sst s25  }
0xa6: {  	s4 =	sshll.u32 s26, $0x1;
	_ =	strace $0x80000046;
	[dreg:$0x1] =	wrdreg $0xFFFFFFFF  }
0xa7: {  	s28 =	simm.s32 $_size_execute0_lowered;
	s2 =	sadd.s32 s2, s4;
	[dreg:$0x0] =	wrdreg $0x0  }
0xa8: {  	s4 =	sshll.u32 s28, $0x1;
	[dreg:$0x2] =	wrdreg s2  }
0xa9: {  	[dreg:$0x3] =	wrdreg s4  }
0xaa: {  	[dreg:$0x4] =	wrdreg $0xC0  }
0xab: {  	_ =	task [dreg:s6], $0x5FFFF  }
0xac: {  	[dreg:$0x1] =	wrdreg $0xFFFFFFFF  }
0xad: {  	[dreg:$0x0] =	wrdreg $0x60  }
0xae: {  	[dreg:$0x2] =	wrdreg s24  }
0xaf: {  	[dreg:$0x3] =	wrdreg $0x9  }
0xb0: {  	_ =	task.clear_ibuf [dreg:s6], $0x4FFFF;
	_ =	strace $0x90000046  }
0xb1: {  	s29 =	simm.s32 $0x9;
	_ =	strace $0x80000048  }
0xb2: {  	_ =	swait.ge [sflag:s29], $0x1  }
0xb3: {  	[sflag:s29] =	ssyncadd.s32 $0xFFFFFFFF  }
0xb4: {  	_ =	strace $0x90000048  }
0xb5: {  	_ =	sfence  }
0xb6: {  	s30 =	sld [smem:$0x0];
	_ =	sdelay $0x2  }
0xb7: {  	s31 =	sshll.u32 s1, $0xD;
	s1 =	sshrl.u32 s1, $0x2  }
0xb8: {  	s3 =	sand.u32 $0x4000, s31;
	s1 =	sadd.s32 s1, s30  }
0xb9: {  	s0 =	sor.u32 s3, s0;
	s1 =	sshll.u32 s1, $0x11  }
0xba: {  	s0 =	sor.u32 s1, s0  }
0xbb: {  	s0 =	sadd.s32 $0x8F2B, s0  }
0xbc: {  	[sflag:s0] =	ssyncadd.remote.s32 $0x1  }
0xbd: {  	_ =	sfence.sel $0xFFFF  }
0xbe: {  	[dreg:$0x0] =	wrdreg $0xFFFFFFFF;
	(pc) =	sbr.abs _section_cstart, $3  }
0xbf: {  	[dreg:$0x1] =	wrdreg $0xFFFFFFFF  }
0xc0: {  	_ =	task.clear_ibuf [dreg:s6], $0x2FFFF;
	_ =	strace $0x9FFFFFFF  }
0xc1: {  	(tm) =	ssettm $0x7FFFFFFF  }
tec
execute0_lowered:
.L_overlay_start_1:
0x0: {  	(tag) =	ssettag $0x1  }
0x1: {  	s1 =	srdreg.scid  }
0x2: {  	s0 =	stileid.u32;
	s2 =	rddreg [dreg:$0x0];
	s3 =	simm.s32 $0x0  }
0x3: {  	s8 =	simm.s32 $0x3;
	s9 =	simm.s32 $0x2710;
	s10 =	simm.s32 $0x50  }
0x4: {  	v0 =	vlaneseq.u32;
	s11 =	simm.s32 $0x7530;
	s12 =	simm.s32 $0x8930;
	s13 =	simm.s32 $0x9D30  }
0x5: {  	s14 =	simm.s32 $0xB130;
	s15 =	simm.s32 $0x1;
	s16 =	simm.s32 $0xC530;
	v0 =	vmul.u32 $0x18, v0  }
0x6: {  	s17 =	simm.s32 $0x2;
	s4 =	sand.u32 $0x1, s1;
	s30 =	sshll.u32 s0, $0x1  }
0x7: {  	s18 =	simm.s32 $0x4E20;
	s1 =	sor.u32 s4, s30;
	s4 =	ssub.s32 $0x2, s4;
	v1 =	vor.u32 $0x1, v0;
	v2 =	vor.u32 $0x2, v0;
	v3 =	vor.u32 $0x3, v0  }
0x8: {  	[smem:$0x7FF] =	sst s3;
	s5 =	smul.u32 $0x4E2, s1;
	s31 =	sshrl.u32 s4, $0x1;
	v4 =	vor.u32 $0x4, v0;
	v5 =	vor.u32 $0x5, v0;
	v6 =	vor.u32 $0x6, v0  }
0x9: {  	s19 =	simm.s32 $0x0;
	s1 =	rddreg [dreg:$0x1];
	v7 =	vor.u32 $0x7, v0;
	v8 =	vadd.s32 $0x8, v0;
	v9 =	vadd.s32 $0x9, v0;
	s7 =	ssub.s32 s4, s31  }
0xa: {  	_ =	strace $0x80000047;
	v10 =	vadd.s32 $0xA, v0;
	v11 =	vadd.s32 $0xB, v0;
	v12 =	vadd.s32 $0xC, v0;
	s6 =	sadd.s32 s5, s2;
	s7 =	smax.u32 s7, $0x1  }
0xb: {  	v13 =	vadd.s32 $0xD, v0;
	v14 =	vadd.s32 $0xE, v0;
	v15 =	vadd.s32 $0xF, v0;
	s4 =	sadd.s32 $0x1D800, s6;
	s5 =	sadd.s32 $0x13A00, s6;
	s6 =	sadd.s32 $0x27600, s6  }
.LBB2_1:
0xc: {  	[tilespmem:s3], [sflag:$0x3] =	stream.linear.gather [hbm4b:s4+s3], $0x2710, $0x38;
	[tilespmem:$0xC6B0] =	vst v63  }
0xd: {  	_ =	swait.ge [sflag:s8], $0x2710  }
0xe: {  	[sflag:s8] =	ssyncset.done $0x0  }
0xf: {  	[sflag:s8] =	ssyncadd.s32 $0xFFFFD8F0  }
0x10: {  	[tilespmem:s9], [sflag:$0x3] =	stream.linear.gather [hbm4b:s5+s3], $0x2710, $0x38;
	[tilespmem:$0xC6B0] =	vst v63  }
0x11: {  	_ =	swait.ge [sflag:s8], $0x2710  }
0x12: {  	[sflag:s8] =	ssyncset.done $0x0  }
0x13: {  	[sflag:s8] =	ssyncadd.s32 $0xFFFFD8F0  }
0x14: {  	[tilespmem:s11], [sflag:$0x1] =	stream.indirect.gather [hbm4b:s2+s10], $0x40, s3, s10, $0xb8;
	[tilespmem:$0xC6B0] =	vst v63  }
0x15: {  	s20 =	simm.s32 $0x4E70;
	s21 =	simm.s32 $0x4E20;
	s22 =	simm.s32 $0x0  }
0x16: {  	[tilespmem:s12], [sflag:$0x1] =	stream.indirect.gather [hbm4b:s2+s10], $0x40, s9, s10, $0xb8;
	[tilespmem:$0xC6B0] =	vst v63  }
.LBB2_2:
0x17: {  	s23 =	smul.u32 $0xA0, s22;
	_ =	sdelay $0x1  }
0x18: {  	s24 =	sadd.s32 $0x50, s23  }
0x19: {  	[tilespmem:s13], [sflag:$0x2] =	stream.indirect.gather [hbm4b:s2+s10], $0x40, s24, s10, $0xb8;
	[tilespmem:$0xC6B0] =	vst v63  }
0x1a: {  	s31 =	sadd.s32 $0x2760, s23  }
0x1b: {  	[tilespmem:s14], [sflag:$0x2] =	stream.indirect.gather [hbm4b:s2+s10], $0x40, s31, s10, $0xb8;
	[tilespmem:$0xC6B0] =	vst v63  }
0x1c: {  	_ =	swait.ge [sflag:s15], $0x1400  }
0x1d: {  	[sflag:s15] =	ssyncset.done $0x0  }
0x1e: {  	[sflag:s15] =	ssyncadd.s32 $0xFFFFEC00  }
0x1f: {  	_ =	swait.ge [sflag:s15], $0x1400  }
0x20: {  	[sflag:s15] =	ssyncset.done $0x0  }
0x21: {  	s25 =	smov.u32 s21;
	s24 =	simm.s32 $0x0;
	[sflag:s15] =	ssyncadd.s32 $0xFFFFEC00  }
.LBB2_3:
0x22: {  	s26 =	sshra.s32 s24, $0x2  }
0x23: {  	v16 =	vld [tilespmem:s26+$0x7530]  }
0x24: {  	v17 =	vld [tilespmem:s26+$0x8930]  }
0x25: {  	v18 =	vld [tilespmem:s26+$0x7540]  }
0x26: {  	v19 =	vld [tilespmem:s26+$0x8940]  }
0x27: {  	v20 =	vld [tilespmem:s26+$0x7550]  }
0x28: {  	v21 =	vld [tilespmem:s26+$0x8950]  }
0x29: {  	v22 =	vld [tilespmem:s26+$0x7560]  }
0x2a: {  	v23 =	vld [tilespmem:s26+$0x8960];
	_ =	sdelay $0x2  }
0x2b: {  	v16 =	vmul.bf16 v17, v16  }
0x2c: {  	v17 =	vmul.bf16 v19, v18  }
0x2d: {  	v51 =	vmul.bf16 v21, v20;
	v52 =	vmul.bf16 v23, v22;
	v50 =	vunpack.i.u.bf16.f32 v16  }
0x2e: {  	v16 =	vunpack.i.l.bf16.f32 v16;
	v53 =	vunpack.i.u.bf16.f32 v17;
	v17 =	vunpack.i.l.bf16.f32 v17  }
0x2f: {  	v54 =	vunpack.i.u.bf16.f32 v51;
	v19 =	vunpack.i.l.bf16.f32 v51;
	v23 =	vunpack.i.u.bf16.f32 v52  }
0x30: {  	v20 =	vunpack.i.l.bf16.f32 v52;
	v16 =	vadd.f32 v16, v50;
	v17 =	vadd.f32 v17, v53  }
0x31: {  	v55 =	vadd.f32 v19, v54;
	v56 =	vadd.f32 v20, v23;
	_ =	sdelay $0x1  }
0x32: {  	v16 =	vadd.f32 v17, v16;
	v17 =	vadd.f32 v56, v55;
	_ =	sdelay $0x1  }
0x33: {  	v16 =	vadd.f32 v17, v16;
	_ =	sdelay $0x1  }
0x34: {  	[tilespmem:v0+s16+$0x0] =	vst.idx.msk $0xffff, v16  }
0x35: {  	v16 =	vld [tilespmem:s26+$0x7570]  }
0x36: {  	v17 =	vld [tilespmem:s26+$0x8970]  }
0x37: {  	v57 =	vld [tilespmem:s26+$0x7580]  }
0x38: {  	v58 =	vld [tilespmem:s26+$0x8980]  }
0x39: {  	v59 =	vld [tilespmem:s26+$0x7590]  }
0x3a: {  	v60 =	vld [tilespmem:s26+$0x8990]  }
0x3b: {  	v61 =	vld [tilespmem:s26+$0x75A0]  }
0x3c: {  	v62 =	vld [tilespmem:s26+$0x89A0];
	_ =	sdelay $0x2  }
0x3d: {  	v16 =	vmul.bf16 v17, v16  }
0x3e: {  	v17 =	vmul.bf16 v58, v57  }
0x3f: {  	v24 =	vmul.bf16 v60, v59;
	v25 =	vmul.bf16 v62, v61;
	v63 =	vunpack.i.u.bf16.f32 v16  }
0x40: {  	v16 =	vunpack.i.l.bf16.f32 v16;
	v26 =	vunpack.i.u.bf16.f32 v17;
	v17 =	vunpack.i.l.bf16.f32 v17  }
0x41: {  	v27 =	vunpack.i.u.bf16.f32 v24;
	v19 =	vunpack.i.l.bf16.f32 v24;
	v23 =	vunpack.i.u.bf16.f32 v25  }
0x42: {  	v20 =	vunpack.i.l.bf16.f32 v25;
	v16 =	vadd.f32 v16, v63;
	v17 =	vadd.f32 v17, v26  }
0x43: {  	v28 =	vadd.f32 v19, v27;
	v29 =	vadd.f32 v20, v23;
	_ =	sdelay $0x1  }
0x44: {  	v16 =	vadd.f32 v17, v16;
	v17 =	vadd.f32 v29, v28;
	_ =	sdelay $0x1  }
0x45: {  	v16 =	vadd.f32 v17, v16;
	_ =	sdelay $0x1  }
0x46: {  	[tilespmem:v1+s16+$0x0] =	vst.idx.msk $0xffff, v16  }
0x47: {  	v16 =	vld [tilespmem:s26+$0x75B0]  }
0x48: {  	v17 =	vld [tilespmem:s26+$0x89B0]  }
0x49: {  	v30 =	vld [tilespmem:s26+$0x75C0]  }
0x4a: {  	v31 =	vld [tilespmem:s26+$0x89C0]  }
0x4b: {  	v32 =	vld [tilespmem:s26+$0x75D0]  }
0x4c: {  	v33 =	vld [tilespmem:s26+$0x89D0]  }
0x4d: {  	v34 =	vld [tilespmem:s26+$0x75E0]  }
0x4e: {  	v35 =	vld [tilespmem:s26+$0x89E0];
	_ =	sdelay $0x2  }
0x4f: {  	v16 =	vmul.bf16 v17, v16  }
0x50: {  	v17 =	vmul.bf16 v31, v30  }
0x51: {  	v37 =	vmul.bf16 v33, v32;
	v38 =	vmul.bf16 v35, v34;
	v36 =	vunpack.i.u.bf16.f32 v16  }
0x52: {  	v16 =	vunpack.i.l.bf16.f32 v16;
	v39 =	vunpack.i.u.bf16.f32 v17;
	v17 =	vunpack.i.l.bf16.f32 v17  }
0x53: {  	v40 =	vunpack.i.u.bf16.f32 v37;
	v19 =	vunpack.i.l.bf16.f32 v37;
	v23 =	vunpack.i.u.bf16.f32 v38  }
0x54: {  	v20 =	vunpack.i.l.bf16.f32 v38;
	v16 =	vadd.f32 v16, v36;
	v17 =	vadd.f32 v17, v39  }
0x55: {  	v41 =	vadd.f32 v19, v40;
	v42 =	vadd.f32 v20, v23;
	_ =	sdelay $0x1  }
0x56: {  	v16 =	vadd.f32 v17, v16;
	v17 =	vadd.f32 v42, v41;
	_ =	sdelay $0x1  }
0x57: {  	v16 =	vadd.f32 v17, v16;
	_ =	sdelay $0x1  }
0x58: {  	[tilespmem:v2+s16+$0x0] =	vst.idx.msk $0xffff, v16  }
0x59: {  	v16 =	vld [tilespmem:s26+$0x75F0]  }
0x5a: {  	v17 =	vld [tilespmem:s26+$0x89F0]  }
0x5b: {  	v43 =	vld [tilespmem:s26+$0x7600]  }
0x5c: {  	v44 =	vld [tilespmem:s26+$0x8A00]  }
0x5d: {  	v45 =	vld [tilespmem:s26+$0x7610]  }
0x5e: {  	v46 =	vld [tilespmem:s26+$0x8A10]  }
0x5f: {  	v47 =	vld [tilespmem:s26+$0x7620]  }
0x60: {  	v48 =	vld [tilespmem:s26+$0x8A20];
	_ =	sdelay $0x2  }
0x61: {  	v16 =	vmul.bf16 v17, v16  }
0x62: {  	v17 =	vmul.bf16 v44, v43  }
0x63: {  	v50 =	vmul.bf16 v46, v45;
	v51 =	vmul.bf16 v48, v47;
	v49 =	vunpack.i.u.bf16.f32 v16  }
0x64: {  	v16 =	vunpack.i.l.bf16.f32 v16;
	v52 =	vunpack.i.u.bf16.f32 v17;
	v17 =	vunpack.i.l.bf16.f32 v17  }
0x65: {  	v53 =	vunpack.i.u.bf16.f32 v50;
	v19 =	vunpack.i.l.bf16.f32 v50;
	v23 =	vunpack.i.u.bf16.f32 v51  }
0x66: {  	v20 =	vunpack.i.l.bf16.f32 v51;
	v16 =	vadd.f32 v16, v49;
	v17 =	vadd.f32 v17, v52  }
0x67: {  	v54 =	vadd.f32 v19, v53;
	v55 =	vadd.f32 v20, v23;
	_ =	sdelay $0x1  }
0x68: {  	v16 =	vadd.f32 v17, v16;
	v17 =	vadd.f32 v55, v54;
	_ =	sdelay $0x1  }
0x69: {  	v16 =	vadd.f32 v17, v16;
	_ =	sdelay $0x1  }
0x6a: {  	[tilespmem:v3+s16+$0x0] =	vst.idx.msk $0xffff, v16  }
0x6b: {  	v16 =	vld [tilespmem:s26+$0x7630]  }
0x6c: {  	v17 =	vld [tilespmem:s26+$0x8A30]  }
0x6d: {  	v56 =	vld [tilespmem:s26+$0x7640]  }
0x6e: {  	v57 =	vld [tilespmem:s26+$0x8A40]  }
0x6f: {  	v58 =	vld [tilespmem:s26+$0x7650]  }
0x70: {  	v59 =	vld [tilespmem:s26+$0x8A50]  }
0x71: {  	v60 =	vld [tilespmem:s26+$0x7660]  }
0x72: {  	v61 =	vld [tilespmem:s26+$0x8A60];
	_ =	sdelay $0x2  }
0x73: {  	v16 =	vmul.bf16 v17, v16  }
0x74: {  	v17 =	vmul.bf16 v57, v56  }
0x75: {  	v63 =	vmul.bf16 v59, v58;
	v24 =	vmul.bf16 v61, v60;
	v62 =	vunpack.i.u.bf16.f32 v16  }
0x76: {  	v16 =	vunpack.i.l.bf16.f32 v16;
	v25 =	vunpack.i.u.bf16.f32 v17;
	v17 =	vunpack.i.l.bf16.f32 v17  }
0x77: {  	v26 =	vunpack.i.u.bf16.f32 v63;
	v19 =	vunpack.i.l.bf16.f32 v63;
	v23 =	vunpack.i.u.bf16.f32 v24  }
0x78: {  	v20 =	vunpack.i.l.bf16.f32 v24;
	v16 =	vadd.f32 v16, v62;
	v17 =	vadd.f32 v17, v25  }
0x79: {  	v27 =	vadd.f32 v19, v26;
	v28 =	vadd.f32 v20, v23;
	_ =	sdelay $0x1  }
0x7a: {  	v16 =	vadd.f32 v17, v16;
	v17 =	vadd.f32 v28, v27;
	_ =	sdelay $0x1  }
0x7b: {  	v16 =	vadd.f32 v17, v16;
	_ =	sdelay $0x1  }
0x7c: {  	[tilespmem:v4+s16+$0x0] =	vst.idx.msk $0xffff, v16  }
0x7d: {  	v16 =	vld [tilespmem:s26+$0x7670]  }
0x7e: {  	v17 =	vld [tilespmem:s26+$0x8A70]  }
0x7f: {  	v29 =	vld [tilespmem:s26+$0x7680]  }
0x80: {  	v30 =	vld [tilespmem:s26+$0x8A80]  }
0x81: {  	v31 =	vld [tilespmem:s26+$0x7690]  }
0x82: {  	v32 =	vld [tilespmem:s26+$0x8A90]  }
0x83: {  	v33 =	vld [tilespmem:s26+$0x76A0]  }
0x84: {  	v34 =	vld [tilespmem:s26+$0x8AA0];
	_ =	sdelay $0x2  }
0x85: {  	v16 =	vmul.bf16 v17, v16  }
0x86: {  	v17 =	vmul.bf16 v30, v29  }
0x87: {  	v36 =	vmul.bf16 v32, v31;
	v37 =	vmul.bf16 v34, v33;
	v35 =	vunpack.i.u.bf16.f32 v16  }
0x88: {  	v16 =	vunpack.i.l.bf16.f32 v16;
	v38 =	vunpack.i.u.bf16.f32 v17;
	v17 =	vunpack.i.l.bf16.f32 v17  }
0x89: {  	v39 =	vunpack.i.u.bf16.f32 v36;
	v19 =	vunpack.i.l.bf16.f32 v36;
	v23 =	vunpack.i.u.bf16.f32 v37  }
0x8a: {  	v20 =	vunpack.i.l.bf16.f32 v37;
	v16 =	vadd.f32 v16, v35;
	v17 =	vadd.f32 v17, v38  }
0x8b: {  	v40 =	vadd.f32 v19, v39;
	v41 =	vadd.f32 v20, v23;
	_ =	sdelay $0x1  }
0x8c: {  	v16 =	vadd.f32 v17, v16;
	v17 =	vadd.f32 v41, v40;
	_ =	sdelay $0x1  }
0x8d: {  	v16 =	vadd.f32 v17, v16;
	_ =	sdelay $0x1  }
0x8e: {  	[tilespmem:v5+s16+$0x0] =	vst.idx.msk $0xffff, v16  }
0x8f: {  	v16 =	vld [tilespmem:s26+$0x76B0]  }
0x90: {  	v17 =	vld [tilespmem:s26+$0x8AB0]  }
0x91: {  	v42 =	vld [tilespmem:s26+$0x76C0]  }
0x92: {  	v43 =	vld [tilespmem:s26+$0x8AC0]  }
0x93: {  	v44 =	vld [tilespmem:s26+$0x76D0]  }
0x94: {  	v45 =	vld [tilespmem:s26+$0x8AD0]  }
0x95: {  	v46 =	vld [tilespmem:s26+$0x76E0]  }
0x96: {  	v47 =	vld [tilespmem:s26+$0x8AE0];
	_ =	sdelay $0x2  }
0x97: {  	v16 =	vmul.bf16 v17, v16  }
0x98: {  	v17 =	vmul.bf16 v43, v42  }
0x99: {  	v49 =	vmul.bf16 v45, v44;
	v50 =	vmul.bf16 v47, v46;
	v48 =	vunpack.i.u.bf16.f32 v16  }
0x9a: {  	v16 =	vunpack.i.l.bf16.f32 v16;
	v51 =	vunpack.i.u.bf16.f32 v17;
	v17 =	vunpack.i.l.bf16.f32 v17  }
0x9b: {  	v52 =	vunpack.i.u.bf16.f32 v49;
	v19 =	vunpack.i.l.bf16.f32 v49;
	v23 =	vunpack.i.u.bf16.f32 v50  }
0x9c: {  	v20 =	vunpack.i.l.bf16.f32 v50;
	v16 =	vadd.f32 v16, v48;
	v17 =	vadd.f32 v17, v51  }
0x9d: {  	v53 =	vadd.f32 v19, v52;
	v54 =	vadd.f32 v20, v23;
	_ =	sdelay $0x1  }
0x9e: {  	v16 =	vadd.f32 v17, v16;
	v17 =	vadd.f32 v54, v53;
	_ =	sdelay $0x1  }
0x9f: {  	v16 =	vadd.f32 v17, v16;
	_ =	sdelay $0x1  }
0xa0: {  	[tilespmem:v6+s16+$0x0] =	vst.idx.msk $0xffff, v16  }
0xa1: {  	v16 =	vld [tilespmem:s26+$0x76F0]  }
0xa2: {  	v17 =	vld [tilespmem:s26+$0x8AF0]  }
0xa3: {  	v55 =	vld [tilespmem:s26+$0x7700]  }
0xa4: {  	v56 =	vld [tilespmem:s26+$0x8B00]  }
0xa5: {  	v57 =	vld [tilespmem:s26+$0x7710]  }
0xa6: {  	v58 =	vld [tilespmem:s26+$0x8B10]  }
0xa7: {  	v59 =	vld [tilespmem:s26+$0x7720]  }
0xa8: {  	v60 =	vld [tilespmem:s26+$0x8B20];
	_ =	sdelay $0x2  }
0xa9: {  	v16 =	vmul.bf16 v17, v16  }
0xaa: {  	v17 =	vmul.bf16 v56, v55  }
0xab: {  	v62 =	vmul.bf16 v58, v57;
	v63 =	vmul.bf16 v60, v59;
	v61 =	vunpack.i.u.bf16.f32 v16  }
0xac: {  	v16 =	vunpack.i.l.bf16.f32 v16;
	v24 =	vunpack.i.u.bf16.f32 v17;
	v17 =	vunpack.i.l.bf16.f32 v17  }
0xad: {  	v25 =	vunpack.i.u.bf16.f32 v62;
	v19 =	vunpack.i.l.bf16.f32 v62;
	v23 =	vunpack.i.u.bf16.f32 v63  }
0xae: {  	v20 =	vunpack.i.l.bf16.f32 v63;
	v16 =	vadd.f32 v16, v61;
	v17 =	vadd.f32 v17, v24  }
0xaf: {  	v26 =	vadd.f32 v19, v25;
	v27 =	vadd.f32 v20, v23;
	_ =	sdelay $0x1  }
0xb0: {  	v16 =	vadd.f32 v17, v16;
	v17 =	vadd.f32 v27, v26;
	_ =	sdelay $0x1  }
0xb1: {  	v16 =	vadd.f32 v17, v16;
	_ =	sdelay $0x1  }
0xb2: {  	[tilespmem:v7+s16+$0x0] =	vst.idx.msk $0xffff, v16  }
0xb3: {  	v16 =	vld [tilespmem:s26+$0x7730]  }
0xb4: {  	v17 =	vld [tilespmem:s26+$0x8B30]  }
0xb5: {  	v28 =	vld [tilespmem:s26+$0x7740]  }
0xb6: {  	v29 =	vld [tilespmem:s26+$0x8B40]  }
0xb7: {  	v30 =	vld [tilespmem:s26+$0x7750]  }
0xb8: {  	v31 =	vld [tilespmem:s26+$0x8B50]  }
0xb9: {  	v32 =	vld [tilespmem:s26+$0x7760]  }
0xba: {  	v33 =	vld [tilespmem:s26+$0x8B60];
	_ =	sdelay $0x2  }
0xbb: {  	v16 =	vmul.bf16 v17, v16  }
0xbc: {  	v17 =	vmul.bf16 v29, v28  }
0xbd: {  	v35 =	vmul.bf16 v31, v30;
	v36 =	vmul.bf16 v33, v32;
	v34 =	vunpack.i.u.bf16.f32 v16  }
0xbe: {  	v16 =	vunpack.i.l.bf16.f32 v16;
	v37 =	vunpack.i.u.bf16.f32 v17;
	v17 =	vunpack.i.l.bf16.f32 v17  }
0xbf: {  	v38 =	vunpack.i.u.bf16.f32 v35;
	v19 =	vunpack.i.l.bf16.f32 v35;
	v23 =	vunpack.i.u.bf16.f32 v36  }
0xc0: {  	v20 =	vunpack.i.l.bf16.f32 v36;
	v16 =	vadd.f32 v16, v34;
	v17 =	vadd.f32 v17, v37  }
0xc1: {  	v39 =	vadd.f32 v19, v38;
	v40 =	vadd.f32 v20, v23;
	_ =	sdelay $0x1  }
0xc2: {  	v16 =	vadd.f32 v17, v16;
	v17 =	vadd.f32 v40, v39;
	_ =	sdelay $0x1  }
0xc3: {  	v16 =	vadd.f32 v17, v16;
	_ =	sdelay $0x1  }
0xc4: {  	[tilespmem:v8+s16+$0x0] =	vst.idx.msk $0xffff, v16  }
0xc5: {  	v16 =	vld [tilespmem:s26+$0x7770]  }
0xc6: {  	v17 =	vld [tilespmem:s26+$0x8B70]  }
0xc7: {  	v41 =	vld [tilespmem:s26+$0x7780]  }
0xc8: {  	v42 =	vld [tilespmem:s26+$0x8B80]  }
0xc9: {  	v43 =	vld [tilespmem:s26+$0x7790]  }
0xca: {  	v44 =	vld [tilespmem:s26+$0x8B90]  }
0xcb: {  	v45 =	vld [tilespmem:s26+$0x77A0]  }
0xcc: {  	v46 =	vld [tilespmem:s26+$0x8BA0];
	_ =	sdelay $0x2  }
0xcd: {  	v16 =	vmul.bf16 v17, v16  }
0xce: {  	v17 =	vmul.bf16 v42, v41  }
0xcf: {  	v48 =	vmul.bf16 v44, v43;
	v49 =	vmul.bf16 v46, v45;
	v47 =	vunpack.i.u.bf16.f32 v16  }
0xd0: {  	v16 =	vunpack.i.l.bf16.f32 v16;
	v50 =	vunpack.i.u.bf16.f32 v17;
	v17 =	vunpack.i.l.bf16.f32 v17  }
0xd1: {  	v51 =	vunpack.i.u.bf16.f32 v48;
	v19 =	vunpack.i.l.bf16.f32 v48;
	v23 =	vunpack.i.u.bf16.f32 v49  }
0xd2: {  	v20 =	vunpack.i.l.bf16.f32 v49;
	v16 =	vadd.f32 v16, v47;
	v17 =	vadd.f32 v17, v50  }
0xd3: {  	v52 =	vadd.f32 v19, v51;
	v53 =	vadd.f32 v20, v23;
	_ =	sdelay $0x1  }
0xd4: {  	v16 =	vadd.f32 v17, v16;
	v17 =	vadd.f32 v53, v52;
	_ =	sdelay $0x1  }
0xd5: {  	v16 =	vadd.f32 v17, v16;
	_ =	sdelay $0x1  }
0xd6: {  	[tilespmem:v9+s16+$0x0] =	vst.idx.msk $0xffff, v16  }
0xd7: {  	v16 =	vld [tilespmem:s26+$0x77B0]  }
0xd8: {  	v17 =	vld [tilespmem:s26+$0x8BB0]  }
0xd9: {  	v54 =	vld [tilespmem:s26+$0x77C0]  }
0xda: {  	v55 =	vld [tilespmem:s26+$0x8BC0]  }
0xdb: {  	v56 =	vld [tilespmem:s26+$0x77D0]  }
0xdc: {  	v57 =	vld [tilespmem:s26+$0x8BD0]  }
0xdd: {  	v58 =	vld [tilespmem:s26+$0x77E0]  }
0xde: {  	v59 =	vld [tilespmem:s26+$0x8BE0];
	_ =	sdelay $0x2  }
0xdf: {  	v16 =	vmul.bf16 v17, v16  }
0xe0: {  	v17 =	vmul.bf16 v55, v54  }
0xe1: {  	v61 =	vmul.bf16 v57, v56;
	v62 =	vmul.bf16 v59, v58;
	v60 =	vunpack.i.u.bf16.f32 v16  }
0xe2: {  	v16 =	vunpack.i.l.bf16.f32 v16;
	v63 =	vunpack.i.u.bf16.f32 v17;
	v17 =	vunpack.i.l.bf16.f32 v17  }
0xe3: {  	v24 =	vunpack.i.u.bf16.f32 v61;
	v19 =	vunpack.i.l.bf16.f32 v61;
	v23 =	vunpack.i.u.bf16.f32 v62  }
0xe4: {  	v20 =	vunpack.i.l.bf16.f32 v62;
	v16 =	vadd.f32 v16, v60;
	v17 =	vadd.f32 v17, v63  }
0xe5: {  	v25 =	vadd.f32 v19, v24;
	v26 =	vadd.f32 v20, v23;
	_ =	sdelay $0x1  }
0xe6: {  	v16 =	vadd.f32 v17, v16;
	v17 =	vadd.f32 v26, v25;
	_ =	sdelay $0x1  }
0xe7: {  	v16 =	vadd.f32 v17, v16;
	_ =	sdelay $0x1  }
0xe8: {  	[tilespmem:v10+s16+$0x0] =	vst.idx.msk $0xffff, v16  }
0xe9: {  	v16 =	vld [tilespmem:s26+$0x77F0]  }
0xea: {  	v17 =	vld [tilespmem:s26+$0x8BF0]  }
0xeb: {  	v27 =	vld [tilespmem:s26+$0x7800]  }
0xec: {  	v28 =	vld [tilespmem:s26+$0x8C00]  }
0xed: {  	v29 =	vld [tilespmem:s26+$0x7810]  }
0xee: {  	v30 =	vld [tilespmem:s26+$0x8C10]  }
0xef: {  	v31 =	vld [tilespmem:s26+$0x7820]  }
0xf0: {  	v32 =	vld [tilespmem:s26+$0x8C20];
	_ =	sdelay $0x2  }
0xf1: {  	v16 =	vmul.bf16 v17, v16  }
0xf2: {  	v17 =	vmul.bf16 v28, v27  }
0xf3: {  	v34 =	vmul.bf16 v30, v29;
	v35 =	vmul.bf16 v32, v31;
	v33 =	vunpack.i.u.bf16.f32 v16  }
0xf4: {  	v16 =	vunpack.i.l.bf16.f32 v16;
	v36 =	vunpack.i.u.bf16.f32 v17;
	v17 =	vunpack.i.l.bf16.f32 v17  }
0xf5: {  	v37 =	vunpack.i.u.bf16.f32 v34;
	v19 =	vunpack.i.l.bf16.f32 v34;
	v23 =	vunpack.i.u.bf16.f32 v35  }
0xf6: {  	v20 =	vunpack.i.l.bf16.f32 v35;
	v16 =	vadd.f32 v16, v33;
	v17 =	vadd.f32 v17, v36  }
0xf7: {  	v38 =	vadd.f32 v19, v37;
	v39 =	vadd.f32 v20, v23;
	_ =	sdelay $0x1  }
0xf8: {  	v16 =	vadd.f32 v17, v16;
	v17 =	vadd.f32 v39, v38;
	_ =	sdelay $0x1  }
0xf9: {  	v16 =	vadd.f32 v17, v16;
	_ =	sdelay $0x1  }
0xfa: {  	[tilespmem:v11+s16+$0x0] =	vst.idx.msk $0xffff, v16  }
0xfb: {  	v16 =	vld [tilespmem:s26+$0x7830]  }
0xfc: {  	v17 =	vld [tilespmem:s26+$0x8C30]  }
0xfd: {  	v40 =	vld [tilespmem:s26+$0x7840]  }
0xfe: {  	v41 =	vld [tilespmem:s26+$0x8C40]  }
0xff: {  	v42 =	vld [tilespmem:s26+$0x7850]  }
0x100: {  	v43 =	vld [tilespmem:s26+$0x8C50]  }
0x101: {  	v44 =	vld [tilespmem:s26+$0x7860]  }
0x102: {  	v45 =	vld [tilespmem:s26+$0x8C60];
	_ =	sdelay $0x2  }
0x103: {  	v16 =	vmul.bf16 v17, v16  }
0x104: {  	v17 =	vmul.bf16 v41, v40  }
0x105: {  	v47 =	vmul.bf16 v43, v42;
	v48 =	vmul.bf16 v45, v44;
	v46 =	vunpack.i.u.bf16.f32 v16  }
0x106: {  	v16 =	vunpack.i.l.bf16.f32 v16;
	v49 =	vunpack.i.u.bf16.f32 v17;
	v17 =	vunpack.i.l.bf16.f32 v17  }
0x107: {  	v50 =	vunpack.i.u.bf16.f32 v47;
	v19 =	vunpack.i.l.bf16.f32 v47;
	v23 =	vunpack.i.u.bf16.f32 v48  }
0x108: {  	v20 =	vunpack.i.l.bf16.f32 v48;
	v16 =	vadd.f32 v16, v46;
	v17 =	vadd.f32 v17, v49  }
0x109: {  	v51 =	vadd.f32 v19, v50;
	v52 =	vadd.f32 v20, v23;
	_ =	sdelay $0x1  }
0x10a: {  	v16 =	vadd.f32 v17, v16;
	v17 =	vadd.f32 v52, v51;
	_ =	sdelay $0x1  }
0x10b: {  	v16 =	vadd.f32 v17, v16;
	_ =	sdelay $0x1  }
0x10c: {  	[tilespmem:v12+s16+$0x0] =	vst.idx.msk $0xffff, v16  }
0x10d: {  	v16 =	vld [tilespmem:s26+$0x7870]  }
0x10e: {  	v17 =	vld [tilespmem:s26+$0x8C70]  }
0x10f: {  	v53 =	vld [tilespmem:s26+$0x7880]  }
0x110: {  	v54 =	vld [tilespmem:s26+$0x8C80]  }
0x111: {  	v55 =	vld [tilespmem:s26+$0x7890]  }
0x112: {  	v56 =	vld [tilespmem:s26+$0x8C90]  }
0x113: {  	v57 =	vld [tilespmem:s26+$0x78A0]  }
0x114: {  	v58 =	vld [tilespmem:s26+$0x8CA0];
	_ =	sdelay $0x2  }
0x115: {  	v16 =	vmul.bf16 v17, v16  }
0x116: {  	v17 =	vmul.bf16 v54, v53  }
0x117: {  	v60 =	vmul.bf16 v56, v55;
	v61 =	vmul.bf16 v58, v57;
	v59 =	vunpack.i.u.bf16.f32 v16  }
0x118: {  	v16 =	vunpack.i.l.bf16.f32 v16;
	v62 =	vunpack.i.u.bf16.f32 v17;
	v17 =	vunpack.i.l.bf16.f32 v17  }
0x119: {  	v63 =	vunpack.i.u.bf16.f32 v60;
	v19 =	vunpack.i.l.bf16.f32 v60;
	v23 =	vunpack.i.u.bf16.f32 v61  }
0x11a: {  	v20 =	vunpack.i.l.bf16.f32 v61;
	v16 =	vadd.f32 v16, v59;
	v17 =	vadd.f32 v17, v62  }
0x11b: {  	v22 =	vadd.f32 v19, v63;
	v23 =	vadd.f32 v20, v23;
	_ =	sdelay $0x1  }
0x11c: {  	v16 =	vadd.f32 v17, v16;
	v17 =	vadd.f32 v23, v22;
	_ =	sdelay $0x1  }
0x11d: {  	v16 =	vadd.f32 v17, v16;
	_ =	sdelay $0x1  }
0x11e: {  	[tilespmem:v13+s16+$0x0] =	vst.idx.msk $0xffff, v16  }
0x11f: {  	v16 =	vld [tilespmem:s26+$0x78B0]  }
0x120: {  	v17 =	vld [tilespmem:s26+$0x8CB0]  }
0x121: {  	v24 =	vld [tilespmem:s26+$0x78C0]  }
0x122: {  	v25 =	vld [tilespmem:s26+$0x8CC0]  }
0x123: {  	v26 =	vld [tilespmem:s26+$0x78D0]  }
0x124: {  	v27 =	vld [tilespmem:s26+$0x8CD0]  }
0x125: {  	v28 =	vld [tilespmem:s26+$0x78E0]  }
0x126: {  	v29 =	vld [tilespmem:s26+$0x8CE0];
	_ =	sdelay $0x2  }
0x127: {  	v16 =	vmul.bf16 v17, v16  }
0x128: {  	v17 =	vmul.bf16 v25, v24  }
0x129: {  	v31 =	vmul.bf16 v27, v26;
	v32 =	vmul.bf16 v29, v28;
	v30 =	vunpack.i.u.bf16.f32 v16  }
0x12a: {  	v16 =	vunpack.i.l.bf16.f32 v16;
	v33 =	vunpack.i.u.bf16.f32 v17;
	v17 =	vunpack.i.l.bf16.f32 v17  }
0x12b: {  	v34 =	vunpack.i.u.bf16.f32 v31;
	v19 =	vunpack.i.l.bf16.f32 v31;
	v23 =	vunpack.i.u.bf16.f32 v32  }
0x12c: {  	v20 =	vunpack.i.l.bf16.f32 v32;
	v16 =	vadd.f32 v16, v30;
	v17 =	vadd.f32 v17, v33  }
0x12d: {  	v35 =	vadd.f32 v19, v34;
	v36 =	vadd.f32 v20, v23;
	_ =	sdelay $0x1  }
0x12e: {  	v16 =	vadd.f32 v17, v16;
	v17 =	vadd.f32 v36, v35;
	_ =	sdelay $0x1  }
0x12f: {  	v16 =	vadd.f32 v17, v16;
	_ =	sdelay $0x1  }
0x130: {  	[tilespmem:v14+s16+$0x0] =	vst.idx.msk $0xffff, v16  }
0x131: {  	v16 =	vld [tilespmem:s26+$0x78F0]  }
0x132: {  	v17 =	vld [tilespmem:s26+$0x8CF0]  }
0x133: {  	v37 =	vld [tilespmem:s26+$0x7900]  }
0x134: {  	v38 =	vld [tilespmem:s26+$0x8D00]  }
0x135: {  	v39 =	vld [tilespmem:s26+$0x7910]  }
0x136: {  	v40 =	vld [tilespmem:s26+$0x8D10]  }
0x137: {  	v41 =	vld [tilespmem:s26+$0x7920]  }
0x138: {  	v42 =	vld [tilespmem:s26+$0x8D20];
	_ =	sdelay $0x2  }
0x139: {  	v16 =	vmul.bf16 v17, v16  }
0x13a: {  	v17 =	vmul.bf16 v38, v37  }
0x13b: {  	v44 =	vmul.bf16 v40, v39;
	v45 =	vmul.bf16 v42, v41;
	v43 =	vunpack.i.u.bf16.f32 v16  }
0x13c: {  	v16 =	vunpack.i.l.bf16.f32 v16;
	v46 =	vunpack.i.u.bf16.f32 v17;
	v17 =	vunpack.i.l.bf16.f32 v17  }
0x13d: {  	v47 =	vunpack.i.u.bf16.f32 v44;
	v19 =	vunpack.i.l.bf16.f32 v44;
	v23 =	vunpack.i.u.bf16.f32 v45  }
0x13e: {  	v20 =	vunpack.i.l.bf16.f32 v45;
	v16 =	vadd.f32 v16, v43;
	v17 =	vadd.f32 v17, v46  }
0x13f: {  	v48 =	vadd.f32 v19, v47;
	v49 =	vadd.f32 v20, v23;
	_ =	sdelay $0x1  }
0x140: {  	v16 =	vadd.f32 v17, v16;
	v17 =	vadd.f32 v49, v48;
	_ =	sdelay $0x1  }
0x141: {  	v16 =	vadd.f32 v17, v16;
	_ =	sdelay $0x1  }
0x142: {  	[tilespmem:v15+s16+$0x0] =	vst.idx.msk $0xffff, v16  }
0x143: {  	v16 =	vld [tilespmem:$0xC530]  }
0x144: {  	v17 =	vld [tilespmem:$0xC548]  }
0x145: {  	v50 =	vld [tilespmem:$0xC560]  }
0x146: {  	v51 =	vld [tilespmem:$0xC578]  }
0x147: {  	v52 =	vld [tilespmem:$0xC590]  }
0x148: {  	v53 =	vld [tilespmem:$0xC5A8]  }
0x149: {  	v54 =	vld [tilespmem:$0xC5C0]  }
0x14a: {  	v55 =	vld [tilespmem:$0xC5D8]  }
0x14b: {  	v24 =	vld [tilespmem:$0xC5F0]  }
0x14c: {  	v25 =	vld [tilespmem:$0xC608]  }
0x14d: {  	v26 =	vld [tilespmem:$0xC620]  }
0x14e: {  	v27 =	vld [tilespmem:$0xC638]  }
0x14f: {  	v28 =	vld [tilespmem:$0xC650]  }
0x150: {  	v29 =	vld [tilespmem:$0xC668]  }
0x151: {  	v30 =	vld [tilespmem:$0xC680]  }
0x152: {  	v31 =	vld [tilespmem:$0xC698];
	_ =	sdelay $0x1  }
0x153: {  	v16 =	vadd.f32 v17, v16;
	v17 =	vadd.f32 v51, v50  }
0x154: {  	v56 =	vadd.f32 v53, v52;
	v57 =	vadd.f32 v55, v54  }
0x155: {  	v58 =	vadd.f32 v25, v24;
	v59 =	vadd.f32 v27, v26  }
0x156: {  	v60 =	vadd.f32 v29, v28;
	v61 =	vadd.f32 v31, v30  }
0x157: {  	v16 =	vadd.f32 v17, v16;
	v17 =	vadd.f32 v57, v56  }
0x158: {  	v62 =	vadd.f32 v59, v58;
	v63 =	vadd.f32 v61, v60;
	_ =	sdelay $0x1  }
0x159: {  	v16 =	vadd.f32 v17, v16;
	v17 =	vadd.f32 v63, v62;
	_ =	sdelay $0x1  }
0x15a: {  	v16 =	vadd.f32 v17, v16;
	_ =	sdelay $0x1  }
0x15b: {  	v16 =	vsub.f32 $0.0e+00, v16;
	_ =	sdelay $0x1  }
0x15c: {  	v16 =	vmul.f32 $1.442695020e+00, v16;
	_ =	sdelay $0x1  }
0x15d: {  	(erf) = vpow2.f32 v16;
	_ =	sdelay $0x8  }
0x15e: {  	v16 =	vpop (erf)  }
0x15f: {  	v16 =	vadd.f32 $1.000000000e+00, v16;
	_ =	sdelay $0x1  }
0x160: {  	(erf) = vrcp.f32 v16;
	_ =	sdelay $0x4  }
0x161: {  	p0 =	sne.s32 s24, $0x4000  }
.Ltmp0:
0x162: {  	_ = 	snop;
	(pc) =	sbr.rel @p0 .LBB2_3-.Ltmp0, $3  }
0x163: {  	_ =	sdelay $0x1  }
0x164: {  	v16 =	vpop (erf)  }
0x165: {  	s24 =	sadd.s32 $0x1000, s24;
	[tilespmem:s25+$0x0] =	vst v16;
	s25 =	sadd.s32 $0x10, s25  }
0x166: {  	s24 =	sadd.s32 $0xA0, s23  }
0x167: {  	[tilespmem:s11], [sflag:$0x1] =	stream.indirect.gather [hbm4b:s2+s10], $0x40, s24, s10, $0xb8;
	[tilespmem:$0xC6B0] =	vst v63  }
0x168: {  	s31 =	sadd.s32 $0x27B0, s23  }
0x169: {  	[tilespmem:s12], [sflag:$0x1] =	stream.indirect.gather [hbm4b:s2+s10], $0x40, s31, s10, $0xb8;
	[tilespmem:$0xC6B0] =	vst v63  }
0x16a: {  	_ =	swait.ge [sflag:s17], $0x1400  }
0x16b: {  	[sflag:s17] =	ssyncset.done $0x0  }
0x16c: {  	[sflag:s17] =	ssyncadd.s32 $0xFFFFEC00  }
0x16d: {  	_ =	swait.ge [sflag:s17], $0x1400  }
0x16e: {  	[sflag:s17] =	ssyncset.done $0x0  }
0x16f: {  	s23 =	simm.s32 $0x0;
	s24 =	smov.u32 s20;
	[sflag:s17] =	ssyncadd.s32 $0xFFFFEC00  }
.LBB2_5:
0x170: {  	s25 =	sshra.s32 s23, $0x2  }
0x171: {  	v16 =	vld [tilespmem:s25+$0x9D30]  }
0x172: {  	v17 =	vld [tilespmem:s25+$0xB130]  }
0x173: {  	v18 =	vld [tilespmem:s25+$0x9D40]  }
0x174: {  	v19 =	vld [tilespmem:s25+$0xB140]  }
0x175: {  	v20 =	vld [tilespmem:s25+$0x9D50]  }
0x176: {  	v21 =	vld [tilespmem:s25+$0xB150]  }
0x177: {  	v22 =	vld [tilespmem:s25+$0x9D60]  }
0x178: {  	v23 =	vld [tilespmem:s25+$0xB160];
	_ =	sdelay $0x2  }
0x179: {  	v16 =	vmul.bf16 v17, v16  }
0x17a: {  	v17 =	vmul.bf16 v19, v18  }
0x17b: {  	v51 =	vmul.bf16 v21, v20;
	v52 =	vmul.bf16 v23, v22;
	v50 =	vunpack.i.u.bf16.f32 v16  }
0x17c: {  	v16 =	vunpack.i.l.bf16.f32 v16;
	v53 =	vunpack.i.u.bf16.f32 v17;
	v17 =	vunpack.i.l.bf16.f32 v17  }
0x17d: {  	v54 =	vunpack.i.u.bf16.f32 v51;
	v19 =	vunpack.i.l.bf16.f32 v51;
	v23 =	vunpack.i.u.bf16.f32 v52  }
0x17e: {  	v20 =	vunpack.i.l.bf16.f32 v52;
	v16 =	vadd.f32 v16, v50;
	v17 =	vadd.f32 v17, v53  }
0x17f: {  	v55 =	vadd.f32 v19, v54;
	v56 =	vadd.f32 v20, v23;
	_ =	sdelay $0x1  }
0x180: {  	v16 =	vadd.f32 v17, v16;
	v17 =	vadd.f32 v56, v55;
	_ =	sdelay $0x1  }
0x181: {  	v16 =	vadd.f32 v17, v16;
	_ =	sdelay $0x1  }
0x182: {  	[tilespmem:v0+s16+$0x0] =	vst.idx.msk $0xffff, v16  }
0x183: {  	v16 =	vld [tilespmem:s25+$0x9D70]  }
0x184: {  	v17 =	vld [tilespmem:s25+$0xB170]  }
0x185: {  	v57 =	vld [tilespmem:s25+$0x9D80]  }
0x186: {  	v58 =	vld [tilespmem:s25+$0xB180]  }
0x187: {  	v59 =	vld [tilespmem:s25+$0x9D90]  }
0x188: {  	v60 =	vld [tilespmem:s25+$0xB190]  }
0x189: {  	v61 =	vld [tilespmem:s25+$0x9DA0]  }
0x18a: {  	v62 =	vld [tilespmem:s25+$0xB1A0];
	_ =	sdelay $0x2  }
0x18b: {  	v16 =	vmul.bf16 v17, v16  }
0x18c: {  	v17 =	vmul.bf16 v58, v57  }
0x18d: {  	v24 =	vmul.bf16 v60, v59;
	v25 =	vmul.bf16 v62, v61;
	v63 =	vunpack.i.u.bf16.f32 v16  }
0x18e: {  	v16 =	vunpack.i.l.bf16.f32 v16;
	v26 =	vunpack.i.u.bf16.f32 v17;
	v17 =	vunpack.i.l.bf16.f32 v17  }
0x18f: {  	v27 =	vunpack.i.u.bf16.f32 v24;
	v19 =	vunpack.i.l.bf16.f32 v24;
	v23 =	vunpack.i.u.bf16.f32 v25  }
0x190: {  	v20 =	vunpack.i.l.bf16.f32 v25;
	v16 =	vadd.f32 v16, v63;
	v17 =	vadd.f32 v17, v26  }
0x191: {  	v28 =	vadd.f32 v19, v27;
	v29 =	vadd.f32 v20, v23;
	_ =	sdelay $0x1  }
0x192: {  	v16 =	vadd.f32 v17, v16;
	v17 =	vadd.f32 v29, v28;
	_ =	sdelay $0x1  }
0x193: {  	v16 =	vadd.f32 v17, v16;
	_ =	sdelay $0x1  }
0x194: {  	[tilespmem:v1+s16+$0x0] =	vst.idx.msk $0xffff, v16  }
0x195: {  	v16 =	vld [tilespmem:s25+$0x9DB0]  }
0x196: {  	v17 =	vld [tilespmem:s25+$0xB1B0]  }
0x197: {  	v30 =	vld [tilespmem:s25+$0x9DC0]  }
0x198: {  	v31 =	vld [tilespmem:s25+$0xB1C0]  }
0x199: {  	v32 =	vld [tilespmem:s25+$0x9DD0]  }
0x19a: {  	v33 =	vld [tilespmem:s25+$0xB1D0]  }
0x19b: {  	v34 =	vld [tilespmem:s25+$0x9DE0]  }
0x19c: {  	v35 =	vld [tilespmem:s25+$0xB1E0];
	_ =	sdelay $0x2  }
0x19d: {  	v16 =	vmul.bf16 v17, v16  }
0x19e: {  	v17 =	vmul.bf16 v31, v30  }
0x19f: {  	v37 =	vmul.bf16 v33, v32;
	v38 =	vmul.bf16 v35, v34;
	v36 =	vunpack.i.u.bf16.f32 v16  }
0x1a0: {  	v16 =	vunpack.i.l.bf16.f32 v16;
	v39 =	vunpack.i.u.bf16.f32 v17;
	v17 =	vunpack.i.l.bf16.f32 v17  }
0x1a1: {  	v40 =	vunpack.i.u.bf16.f32 v37;
	v19 =	vunpack.i.l.bf16.f32 v37;
	v23 =	vunpack.i.u.bf16.f32 v38  }
0x1a2: {  	v20 =	vunpack.i.l.bf16.f32 v38;
	v16 =	vadd.f32 v16, v36;
	v17 =	vadd.f32 v17, v39  }
0x1a3: {  	v41 =	vadd.f32 v19, v40;
	v42 =	vadd.f32 v20, v23;
	_ =	sdelay $0x1  }
0x1a4: {  	v16 =	vadd.f32 v17, v16;
	v17 =	vadd.f32 v42, v41;
	_ =	sdelay $0x1  }
0x1a5: {  	v16 =	vadd.f32 v17, v16;
	_ =	sdelay $0x1  }
0x1a6: {  	[tilespmem:v2+s16+$0x0] =	vst.idx.msk $0xffff, v16  }
0x1a7: {  	v16 =	vld [tilespmem:s25+$0x9DF0]  }
0x1a8: {  	v17 =	vld [tilespmem:s25+$0xB1F0]  }
0x1a9: {  	v43 =	vld [tilespmem:s25+$0x9E00]  }
0x1aa: {  	v44 =	vld [tilespmem:s25+$0xB200]  }
0x1ab: {  	v45 =	vld [tilespmem:s25+$0x9E10]  }
0x1ac: {  	v46 =	vld [tilespmem:s25+$0xB210]  }
0x1ad: {  	v47 =	vld [tilespmem:s25+$0x9E20]  }
0x1ae: {  	v48 =	vld [tilespmem:s25+$0xB220];
	_ =	sdelay $0x2  }
0x1af: {  	v16 =	vmul.bf16 v17, v16  }
0x1b0: {  	v17 =	vmul.bf16 v44, v43  }
0x1b1: {  	v50 =	vmul.bf16 v46, v45;
	v51 =	vmul.bf16 v48, v47;
	v49 =	vunpack.i.u.bf16.f32 v16  }
0x1b2: {  	v16 =	vunpack.i.l.bf16.f32 v16;
	v52 =	vunpack.i.u.bf16.f32 v17;
	v17 =	vunpack.i.l.bf16.f32 v17  }
0x1b3: {  	v53 =	vunpack.i.u.bf16.f32 v50;
	v19 =	vunpack.i.l.bf16.f32 v50;
	v23 =	vunpack.i.u.bf16.f32 v51  }
0x1b4: {  	v20 =	vunpack.i.l.bf16.f32 v51;
	v16 =	vadd.f32 v16, v49;
	v17 =	vadd.f32 v17, v52  }
0x1b5: {  	v54 =	vadd.f32 v19, v53;
	v55 =	vadd.f32 v20, v23;
	_ =	sdelay $0x1  }
0x1b6: {  	v16 =	vadd.f32 v17, v16;
	v17 =	vadd.f32 v55, v54;
	_ =	sdelay $0x1  }
0x1b7: {  	v16 =	vadd.f32 v17, v16;
	_ =	sdelay $0x1  }
0x1b8: {  	[tilespmem:v3+s16+$0x0] =	vst.idx.msk $0xffff, v16  }
0x1b9: {  	v16 =	vld [tilespmem:s25+$0x9E30]  }
0x1ba: {  	v17 =	vld [tilespmem:s25+$0xB230]  }
0x1bb: {  	v56 =	vld [tilespmem:s25+$0x9E40]  }
0x1bc: {  	v57 =	vld [tilespmem:s25+$0xB240]  }
0x1bd: {  	v58 =	vld [tilespmem:s25+$0x9E50]  }
0x1be: {  	v59 =	vld [tilespmem:s25+$0xB250]  }
0x1bf: {  	v60 =	vld [tilespmem:s25+$0x9E60]  }
0x1c0: {  	v61 =	vld [tilespmem:s25+$0xB260];
	_ =	sdelay $0x2  }
0x1c1: {  	v16 =	vmul.bf16 v17, v16  }
0x1c2: {  	v17 =	vmul.bf16 v57, v56  }
0x1c3: {  	v63 =	vmul.bf16 v59, v58;
	v24 =	vmul.bf16 v61, v60;
	v62 =	vunpack.i.u.bf16.f32 v16  }
0x1c4: {  	v16 =	vunpack.i.l.bf16.f32 v16;
	v25 =	vunpack.i.u.bf16.f32 v17;
	v17 =	vunpack.i.l.bf16.f32 v17  }
0x1c5: {  	v26 =	vunpack.i.u.bf16.f32 v63;
	v19 =	vunpack.i.l.bf16.f32 v63;
	v23 =	vunpack.i.u.bf16.f32 v24  }
0x1c6: {  	v20 =	vunpack.i.l.bf16.f32 v24;
	v16 =	vadd.f32 v16, v62;
	v17 =	vadd.f32 v17, v25  }
0x1c7: {  	v27 =	vadd.f32 v19, v26;
	v28 =	vadd.f32 v20, v23;
	_ =	sdelay $0x1  }
0x1c8: {  	v16 =	vadd.f32 v17, v16;
	v17 =	vadd.f32 v28, v27;
	_ =	sdelay $0x1  }
0x1c9: {  	v16 =	vadd.f32 v17, v16;
	_ =	sdelay $0x1  }
0x1ca: {  	[tilespmem:v4+s16+$0x0] =	vst.idx.msk $0xffff, v16  }
0x1cb: {  	v16 =	vld [tilespmem:s25+$0x9E70]  }
0x1cc: {  	v17 =	vld [tilespmem:s25+$0xB270]  }
0x1cd: {  	v29 =	vld [tilespmem:s25+$0x9E80]  }
0x1ce: {  	v30 =	vld [tilespmem:s25+$0xB280]  }
0x1cf: {  	v31 =	vld [tilespmem:s25+$0x9E90]  }
0x1d0: {  	v32 =	vld [tilespmem:s25+$0xB290]  }
0x1d1: {  	v33 =	vld [tilespmem:s25+$0x9EA0]  }
0x1d2: {  	v34 =	vld [tilespmem:s25+$0xB2A0];
	_ =	sdelay $0x2  }
0x1d3: {  	v16 =	vmul.bf16 v17, v16  }
0x1d4: {  	v17 =	vmul.bf16 v30, v29  }
0x1d5: {  	v36 =	vmul.bf16 v32, v31;
	v37 =	vmul.bf16 v34, v33;
	v35 =	vunpack.i.u.bf16.f32 v16  }
0x1d6: {  	v16 =	vunpack.i.l.bf16.f32 v16;
	v38 =	vunpack.i.u.bf16.f32 v17;
	v17 =	vunpack.i.l.bf16.f32 v17  }
0x1d7: {  	v39 =	vunpack.i.u.bf16.f32 v36;
	v19 =	vunpack.i.l.bf16.f32 v36;
	v23 =	vunpack.i.u.bf16.f32 v37  }
0x1d8: {  	v20 =	vunpack.i.l.bf16.f32 v37;
	v16 =	vadd.f32 v16, v35;
	v17 =	vadd.f32 v17, v38  }
0x1d9: {  	v40 =	vadd.f32 v19, v39;
	v41 =	vadd.f32 v20, v23;
	_ =	sdelay $0x1  }
0x1da: {  	v16 =	vadd.f32 v17, v16;
	v17 =	vadd.f32 v41, v40;
	_ =	sdelay $0x1  }
0x1db: {  	v16 =	vadd.f32 v17, v16;
	_ =	sdelay $0x1  }
0x1dc: {  	[tilespmem:v5+s16+$0x0] =	vst.idx.msk $0xffff, v16  }
0x1dd: {  	v16 =	vld [tilespmem:s25+$0x9EB0]  }
0x1de: {  	v17 =	vld [tilespmem:s25+$0xB2B0]  }
0x1df: {  	v42 =	vld [tilespmem:s25+$0x9EC0]  }
0x1e0: {  	v43 =	vld [tilespmem:s25+$0xB2C0]  }
0x1e1: {  	v44 =	vld [tilespmem:s25+$0x9ED0]  }
0x1e2: {  	v45 =	vld [tilespmem:s25+$0xB2D0]  }
0x1e3: {  	v46 =	vld [tilespmem:s25+$0x9EE0]  }
0x1e4: {  	v47 =	vld [tilespmem:s25+$0xB2E0];
	_ =	sdelay $0x2  }
0x1e5: {  	v16 =	vmul.bf16 v17, v16  }
0x1e6: {  	v17 =	vmul.bf16 v43, v42  }
0x1e7: {  	v49 =	vmul.bf16 v45, v44;
	v50 =	vmul.bf16 v47, v46;
	v48 =	vunpack.i.u.bf16.f32 v16  }
0x1e8: {  	v16 =	vunpack.i.l.bf16.f32 v16;
	v51 =	vunpack.i.u.bf16.f32 v17;
	v17 =	vunpack.i.l.bf16.f32 v17  }
0x1e9: {  	v52 =	vunpack.i.u.bf16.f32 v49;
	v19 =	vunpack.i.l.bf16.f32 v49;
	v23 =	vunpack.i.u.bf16.f32 v50  }
0x1ea: {  	v20 =	vunpack.i.l.bf16.f32 v50;
	v16 =	vadd.f32 v16, v48;
	v17 =	vadd.f32 v17, v51  }
0x1eb: {  	v53 =	vadd.f32 v19, v52;
	v54 =	vadd.f32 v20, v23;
	_ =	sdelay $0x1  }
0x1ec: {  	v16 =	vadd.f32 v17, v16;
	v17 =	vadd.f32 v54, v53;
	_ =	sdelay $0x1  }
0x1ed: {  	v16 =	vadd.f32 v17, v16;
	_ =	sdelay $0x1  }
0x1ee: {  	[tilespmem:v6+s16+$0x0] =	vst.idx.msk $0xffff, v16  }
0x1ef: {  	v16 =	vld [tilespmem:s25+$0x9EF0]  }
0x1f0: {  	v17 =	vld [tilespmem:s25+$0xB2F0]  }
0x1f1: {  	v55 =	vld [tilespmem:s25+$0x9F00]  }
0x1f2: {  	v56 =	vld [tilespmem:s25+$0xB300]  }
0x1f3: {  	v57 =	vld [tilespmem:s25+$0x9F10]  }
0x1f4: {  	v58 =	vld [tilespmem:s25+$0xB310]  }
0x1f5: {  	v59 =	vld [tilespmem:s25+$0x9F20]  }
0x1f6: {  	v60 =	vld [tilespmem:s25+$0xB320];
	_ =	sdelay $0x2  }
0x1f7: {  	v16 =	vmul.bf16 v17, v16  }
0x1f8: {  	v17 =	vmul.bf16 v56, v55  }
0x1f9: {  	v62 =	vmul.bf16 v58, v57;
	v63 =	vmul.bf16 v60, v59;
	v61 =	vunpack.i.u.bf16.f32 v16  }
0x1fa: {  	v16 =	vunpack.i.l.bf16.f32 v16;
	v24 =	vunpack.i.u.bf16.f32 v17;
	v17 =	vunpack.i.l.bf16.f32 v17  }
0x1fb: {  	v25 =	vunpack.i.u.bf16.f32 v62;
	v19 =	vunpack.i.l.bf16.f32 v62;
	v23 =	vunpack.i.u.bf16.f32 v63  }
0x1fc: {  	v20 =	vunpack.i.l.bf16.f32 v63;
	v16 =	vadd.f32 v16, v61;
	v17 =	vadd.f32 v17, v24  }
0x1fd: {  	v26 =	vadd.f32 v19, v25;
	v27 =	vadd.f32 v20, v23;
	_ =	sdelay $0x1  }
0x1fe: {  	v16 =	vadd.f32 v17, v16;
	v17 =	vadd.f32 v27, v26;
	_ =	sdelay $0x1  }
0x1ff: {  	v16 =	vadd.f32 v17, v16;
	_ =	sdelay $0x1  }
0x200: {  	[tilespmem:v7+s16+$0x0] =	vst.idx.msk $0xffff, v16  }
0x201: {  	v16 =	vld [tilespmem:s25+$0x9F30]  }
0x202: {  	v17 =	vld [tilespmem:s25+$0xB330]  }
0x203: {  	v28 =	vld [tilespmem:s25+$0x9F40]  }
0x204: {  	v29 =	vld [tilespmem:s25+$0xB340]  }
0x205: {  	v30 =	vld [tilespmem:s25+$0x9F50]  }
0x206: {  	v31 =	vld [tilespmem:s25+$0xB350]  }
0x207: {  	v32 =	vld [tilespmem:s25+$0x9F60]  }
0x208: {  	v33 =	vld [tilespmem:s25+$0xB360];
	_ =	sdelay $0x2  }
0x209: {  	v16 =	vmul.bf16 v17, v16  }
0x20a: {  	v17 =	vmul.bf16 v29, v28  }
0x20b: {  	v35 =	vmul.bf16 v31, v30;
	v36 =	vmul.bf16 v33, v32;
	v34 =	vunpack.i.u.bf16.f32 v16  }
0x20c: {  	v16 =	vunpack.i.l.bf16.f32 v16;
	v37 =	vunpack.i.u.bf16.f32 v17;
	v17 =	vunpack.i.l.bf16.f32 v17  }
0x20d: {  	v38 =	vunpack.i.u.bf16.f32 v35;
	v19 =	vunpack.i.l.bf16.f32 v35;
	v23 =	vunpack.i.u.bf16.f32 v36  }
0x20e: {  	v20 =	vunpack.i.l.bf16.f32 v36;
	v16 =	vadd.f32 v16, v34;
	v17 =	vadd.f32 v17, v37  }
0x20f: {  	v39 =	vadd.f32 v19, v38;
	v40 =	vadd.f32 v20, v23;
	_ =	sdelay $0x1  }
0x210: {  	v16 =	vadd.f32 v17, v16;
	v17 =	vadd.f32 v40, v39;
	_ =	sdelay $0x1  }
0x211: {  	v16 =	vadd.f32 v17, v16;
	_ =	sdelay $0x1  }
0x212: {  	[tilespmem:v8+s16+$0x0] =	vst.idx.msk $0xffff, v16  }
0x213: {  	v16 =	vld [tilespmem:s25+$0x9F70]  }
0x214: {  	v17 =	vld [tilespmem:s25+$0xB370]  }
0x215: {  	v41 =	vld [tilespmem:s25+$0x9F80]  }
0x216: {  	v42 =	vld [tilespmem:s25+$0xB380]  }
0x217: {  	v43 =	vld [tilespmem:s25+$0x9F90]  }
0x218: {  	v44 =	vld [tilespmem:s25+$0xB390]  }
0x219: {  	v45 =	vld [tilespmem:s25+$0x9FA0]  }
0x21a: {  	v46 =	vld [tilespmem:s25+$0xB3A0];
	_ =	sdelay $0x2  }
0x21b: {  	v16 =	vmul.bf16 v17, v16  }
0x21c: {  	v17 =	vmul.bf16 v42, v41  }
0x21d: {  	v48 =	vmul.bf16 v44, v43;
	v49 =	vmul.bf16 v46, v45;
	v47 =	vunpack.i.u.bf16.f32 v16  }
0x21e: {  	v16 =	vunpack.i.l.bf16.f32 v16;
	v50 =	vunpack.i.u.bf16.f32 v17;
	v17 =	vunpack.i.l.bf16.f32 v17  }
0x21f: {  	v51 =	vunpack.i.u.bf16.f32 v48;
	v19 =	vunpack.i.l.bf16.f32 v48;
	v23 =	vunpack.i.u.bf16.f32 v49  }
0x220: {  	v20 =	vunpack.i.l.bf16.f32 v49;
	v16 =	vadd.f32 v16, v47;
	v17 =	vadd.f32 v17, v50  }
0x221: {  	v52 =	vadd.f32 v19, v51;
	v53 =	vadd.f32 v20, v23;
	_ =	sdelay $0x1  }
0x222: {  	v16 =	vadd.f32 v17, v16;
	v17 =	vadd.f32 v53, v52;
	_ =	sdelay $0x1  }
0x223: {  	v16 =	vadd.f32 v17, v16;
	_ =	sdelay $0x1  }
0x224: {  	[tilespmem:v9+s16+$0x0] =	vst.idx.msk $0xffff, v16  }
0x225: {  	v16 =	vld [tilespmem:s25+$0x9FB0]  }
0x226: {  	v17 =	vld [tilespmem:s25+$0xB3B0]  }
0x227: {  	v54 =	vld [tilespmem:s25+$0x9FC0]  }
0x228: {  	v55 =	vld [tilespmem:s25+$0xB3C0]  }
0x229: {  	v56 =	vld [tilespmem:s25+$0x9FD0]  }
0x22a: {  	v57 =	vld [tilespmem:s25+$0xB3D0]  }
0x22b: {  	v58 =	vld [tilespmem:s25+$0x9FE0]  }
0x22c: {  	v59 =	vld [tilespmem:s25+$0xB3E0];
	_ =	sdelay $0x2  }
0x22d: {  	v16 =	vmul.bf16 v17, v16  }
0x22e: {  	v17 =	vmul.bf16 v55, v54  }
0x22f: {  	v61 =	vmul.bf16 v57, v56;
	v62 =	vmul.bf16 v59, v58;
	v60 =	vunpack.i.u.bf16.f32 v16  }
0x230: {  	v16 =	vunpack.i.l.bf16.f32 v16;
	v63 =	vunpack.i.u.bf16.f32 v17;
	v17 =	vunpack.i.l.bf16.f32 v17  }
0x231: {  	v24 =	vunpack.i.u.bf16.f32 v61;
	v19 =	vunpack.i.l.bf16.f32 v61;
	v23 =	vunpack.i.u.bf16.f32 v62  }
0x232: {  	v20 =	vunpack.i.l.bf16.f32 v62;
	v16 =	vadd.f32 v16, v60;
	v17 =	vadd.f32 v17, v63  }
0x233: {  	v25 =	vadd.f32 v19, v24;
	v26 =	vadd.f32 v20, v23;
	_ =	sdelay $0x1  }
0x234: {  	v16 =	vadd.f32 v17, v16;
	v17 =	vadd.f32 v26, v25;
	_ =	sdelay $0x1  }
0x235: {  	v16 =	vadd.f32 v17, v16;
	_ =	sdelay $0x1  }
0x236: {  	[tilespmem:v10+s16+$0x0] =	vst.idx.msk $0xffff, v16  }
0x237: {  	v16 =	vld [tilespmem:s25+$0x9FF0]  }
0x238: {  	v17 =	vld [tilespmem:s25+$0xB3F0]  }
0x239: {  	v27 =	vld [tilespmem:s25+$0xA000]  }
0x23a: {  	v28 =	vld [tilespmem:s25+$0xB400]  }
0x23b: {  	v29 =	vld [tilespmem:s25+$0xA010]  }
0x23c: {  	v30 =	vld [tilespmem:s25+$0xB410]  }
0x23d: {  	v31 =	vld [tilespmem:s25+$0xA020]  }
0x23e: {  	v32 =	vld [tilespmem:s25+$0xB420];
	_ =	sdelay $0x2  }
0x23f: {  	v16 =	vmul.bf16 v17, v16  }
0x240: {  	v17 =	vmul.bf16 v28, v27  }
0x241: {  	v34 =	vmul.bf16 v30, v29;
	v35 =	vmul.bf16 v32, v31;
	v33 =	vunpack.i.u.bf16.f32 v16  }
0x242: {  	v16 =	vunpack.i.l.bf16.f32 v16;
	v36 =	vunpack.i.u.bf16.f32 v17;
	v17 =	vunpack.i.l.bf16.f32 v17  }
0x243: {  	v37 =	vunpack.i.u.bf16.f32 v34;
	v19 =	vunpack.i.l.bf16.f32 v34;
	v23 =	vunpack.i.u.bf16.f32 v35  }
0x244: {  	v20 =	vunpack.i.l.bf16.f32 v35;
	v16 =	vadd.f32 v16, v33;
	v17 =	vadd.f32 v17, v36  }
0x245: {  	v38 =	vadd.f32 v19, v37;
	v39 =	vadd.f32 v20, v23;
	_ =	sdelay $0x1  }
0x246: {  	v16 =	vadd.f32 v17, v16;
	v17 =	vadd.f32 v39, v38;
	_ =	sdelay $0x1  }
0x247: {  	v16 =	vadd.f32 v17, v16;
	_ =	sdelay $0x1  }
0x248: {  	[tilespmem:v11+s16+$0x0] =	vst.idx.msk $0xffff, v16  }
0x249: {  	v16 =	vld [tilespmem:s25+$0xA030]  }
0x24a: {  	v17 =	vld [tilespmem:s25+$0xB430]  }
0x24b: {  	v40 =	vld [tilespmem:s25+$0xA040]  }
0x24c: {  	v41 =	vld [tilespmem:s25+$0xB440]  }
0x24d: {  	v42 =	vld [tilespmem:s25+$0xA050]  }
0x24e: {  	v43 =	vld [tilespmem:s25+$0xB450]  }
0x24f: {  	v44 =	vld [tilespmem:s25+$0xA060]  }
0x250: {  	v45 =	vld [tilespmem:s25+$0xB460];
	_ =	sdelay $0x2  }
0x251: {  	v16 =	vmul.bf16 v17, v16  }
0x252: {  	v17 =	vmul.bf16 v41, v40  }
0x253: {  	v47 =	vmul.bf16 v43, v42;
	v48 =	vmul.bf16 v45, v44;
	v46 =	vunpack.i.u.bf16.f32 v16  }
0x254: {  	v16 =	vunpack.i.l.bf16.f32 v16;
	v49 =	vunpack.i.u.bf16.f32 v17;
	v17 =	vunpack.i.l.bf16.f32 v17  }
0x255: {  	v50 =	vunpack.i.u.bf16.f32 v47;
	v19 =	vunpack.i.l.bf16.f32 v47;
	v23 =	vunpack.i.u.bf16.f32 v48  }
0x256: {  	v20 =	vunpack.i.l.bf16.f32 v48;
	v16 =	vadd.f32 v16, v46;
	v17 =	vadd.f32 v17, v49  }
0x257: {  	v51 =	vadd.f32 v19, v50;
	v52 =	vadd.f32 v20, v23;
	_ =	sdelay $0x1  }
0x258: {  	v16 =	vadd.f32 v17, v16;
	v17 =	vadd.f32 v52, v51;
	_ =	sdelay $0x1  }
0x259: {  	v16 =	vadd.f32 v17, v16;
	_ =	sdelay $0x1  }
0x25a: {  	[tilespmem:v12+s16+$0x0] =	vst.idx.msk $0xffff, v16  }
0x25b: {  	v16 =	vld [tilespmem:s25+$0xA070]  }
0x25c: {  	v17 =	vld [tilespmem:s25+$0xB470]  }
0x25d: {  	v53 =	vld [tilespmem:s25+$0xA080]  }
0x25e: {  	v54 =	vld [tilespmem:s25+$0xB480]  }
0x25f: {  	v55 =	vld [tilespmem:s25+$0xA090]  }
0x260: {  	v56 =	vld [tilespmem:s25+$0xB490]  }
0x261: {  	v57 =	vld [tilespmem:s25+$0xA0A0]  }
0x262: {  	v58 =	vld [tilespmem:s25+$0xB4A0];
	_ =	sdelay $0x2  }
0x263: {  	v16 =	vmul.bf16 v17, v16  }
0x264: {  	v17 =	vmul.bf16 v54, v53  }
0x265: {  	v60 =	vmul.bf16 v56, v55;
	v61 =	vmul.bf16 v58, v57;
	v59 =	vunpack.i.u.bf16.f32 v16  }
0x266: {  	v16 =	vunpack.i.l.bf16.f32 v16;
	v62 =	vunpack.i.u.bf16.f32 v17;
	v17 =	vunpack.i.l.bf16.f32 v17  }
0x267: {  	v63 =	vunpack.i.u.bf16.f32 v60;
	v19 =	vunpack.i.l.bf16.f32 v60;
	v23 =	vunpack.i.u.bf16.f32 v61  }
0x268: {  	v20 =	vunpack.i.l.bf16.f32 v61;
	v16 =	vadd.f32 v16, v59;
	v17 =	vadd.f32 v17, v62  }
0x269: {  	v22 =	vadd.f32 v19, v63;
	v23 =	vadd.f32 v20, v23;
	_ =	sdelay $0x1  }
0x26a: {  	v16 =	vadd.f32 v17, v16;
	v17 =	vadd.f32 v23, v22;
	_ =	sdelay $0x1  }
0x26b: {  	v16 =	vadd.f32 v17, v16;
	_ =	sdelay $0x1  }
0x26c: {  	[tilespmem:v13+s16+$0x0] =	vst.idx.msk $0xffff, v16  }
0x26d: {  	v16 =	vld [tilespmem:s25+$0xA0B0]  }
0x26e: {  	v17 =	vld [tilespmem:s25+$0xB4B0]  }
0x26f: {  	v24 =	vld [tilespmem:s25+$0xA0C0]  }
0x270: {  	v25 =	vld [tilespmem:s25+$0xB4C0]  }
0x271: {  	v26 =	vld [tilespmem:s25+$0xA0D0]  }
0x272: {  	v27 =	vld [tilespmem:s25+$0xB4D0]  }
0x273: {  	v28 =	vld [tilespmem:s25+$0xA0E0]  }
0x274: {  	v29 =	vld [tilespmem:s25+$0xB4E0];
	_ =	sdelay $0x2  }
0x275: {  	v16 =	vmul.bf16 v17, v16  }
0x276: {  	v17 =	vmul.bf16 v25, v24  }
0x277: {  	v31 =	vmul.bf16 v27, v26;
	v32 =	vmul.bf16 v29, v28;
	v30 =	vunpack.i.u.bf16.f32 v16  }
0x278: {  	v16 =	vunpack.i.l.bf16.f32 v16;
	v33 =	vunpack.i.u.bf16.f32 v17;
	v17 =	vunpack.i.l.bf16.f32 v17  }
0x279: {  	v34 =	vunpack.i.u.bf16.f32 v31;
	v19 =	vunpack.i.l.bf16.f32 v31;
	v23 =	vunpack.i.u.bf16.f32 v32  }
0x27a: {  	v20 =	vunpack.i.l.bf16.f32 v32;
	v16 =	vadd.f32 v16, v30;
	v17 =	vadd.f32 v17, v33  }
0x27b: {  	v35 =	vadd.f32 v19, v34;
	v36 =	vadd.f32 v20, v23;
	_ =	sdelay $0x1  }
0x27c: {  	v16 =	vadd.f32 v17, v16;
	v17 =	vadd.f32 v36, v35;
	_ =	sdelay $0x1  }
0x27d: {  	v16 =	vadd.f32 v17, v16;
	_ =	sdelay $0x1  }
0x27e: {  	[tilespmem:v14+s16+$0x0] =	vst.idx.msk $0xffff, v16  }
0x27f: {  	v16 =	vld [tilespmem:s25+$0xA0F0]  }
0x280: {  	v17 =	vld [tilespmem:s25+$0xB4F0]  }
0x281: {  	v37 =	vld [tilespmem:s25+$0xA100]  }
0x282: {  	v38 =	vld [tilespmem:s25+$0xB500]  }
0x283: {  	v39 =	vld [tilespmem:s25+$0xA110]  }
0x284: {  	v40 =	vld [tilespmem:s25+$0xB510]  }
0x285: {  	v41 =	vld [tilespmem:s25+$0xA120]  }
0x286: {  	v42 =	vld [tilespmem:s25+$0xB520];
	_ =	sdelay $0x2  }
0x287: {  	v16 =	vmul.bf16 v17, v16  }
0x288: {  	v17 =	vmul.bf16 v38, v37  }
0x289: {  	v44 =	vmul.bf16 v40, v39;
	v45 =	vmul.bf16 v42, v41;
	v43 =	vunpack.i.u.bf16.f32 v16  }
0x28a: {  	v16 =	vunpack.i.l.bf16.f32 v16;
	v46 =	vunpack.i.u.bf16.f32 v17;
	v17 =	vunpack.i.l.bf16.f32 v17  }
0x28b: {  	v47 =	vunpack.i.u.bf16.f32 v44;
	v19 =	vunpack.i.l.bf16.f32 v44;
	v23 =	vunpack.i.u.bf16.f32 v45  }
0x28c: {  	v20 =	vunpack.i.l.bf16.f32 v45;
	v16 =	vadd.f32 v16, v43;
	v17 =	vadd.f32 v17, v46  }
0x28d: {  	v48 =	vadd.f32 v19, v47;
	v49 =	vadd.f32 v20, v23;
	_ =	sdelay $0x1  }
0x28e: {  	v16 =	vadd.f32 v17, v16;
	v17 =	vadd.f32 v49, v48;
	_ =	sdelay $0x1  }
0x28f: {  	v16 =	vadd.f32 v17, v16;
	_ =	sdelay $0x1  }
0x290: {  	[tilespmem:v15+s16+$0x0] =	vst.idx.msk $0xffff, v16  }
0x291: {  	v16 =	vld [tilespmem:$0xC530]  }
0x292: {  	v17 =	vld [tilespmem:$0xC548]  }
0x293: {  	v50 =	vld [tilespmem:$0xC560]  }
0x294: {  	v51 =	vld [tilespmem:$0xC578]  }
0x295: {  	v52 =	vld [tilespmem:$0xC590]  }
0x296: {  	v53 =	vld [tilespmem:$0xC5A8]  }
0x297: {  	v54 =	vld [tilespmem:$0xC5C0]  }
0x298: {  	v55 =	vld [tilespmem:$0xC5D8]  }
0x299: {  	v24 =	vld [tilespmem:$0xC5F0]  }
0x29a: {  	v25 =	vld [tilespmem:$0xC608]  }
0x29b: {  	v26 =	vld [tilespmem:$0xC620]  }
0x29c: {  	v27 =	vld [tilespmem:$0xC638]  }
0x29d: {  	v28 =	vld [tilespmem:$0xC650]  }
0x29e: {  	v29 =	vld [tilespmem:$0xC668]  }
0x29f: {  	v30 =	vld [tilespmem:$0xC680]  }
0x2a0: {  	v31 =	vld [tilespmem:$0xC698];
	_ =	sdelay $0x1  }
0x2a1: {  	v16 =	vadd.f32 v17, v16;
	v17 =	vadd.f32 v51, v50  }
0x2a2: {  	v56 =	vadd.f32 v53, v52;
	v57 =	vadd.f32 v55, v54  }
0x2a3: {  	v58 =	vadd.f32 v25, v24;
	v59 =	vadd.f32 v27, v26  }
0x2a4: {  	v60 =	vadd.f32 v29, v28;
	v61 =	vadd.f32 v31, v30  }
0x2a5: {  	v16 =	vadd.f32 v17, v16;
	v17 =	vadd.f32 v57, v56  }
0x2a6: {  	v62 =	vadd.f32 v59, v58;
	v63 =	vadd.f32 v61, v60;
	_ =	sdelay $0x1  }
0x2a7: {  	v16 =	vadd.f32 v17, v16;
	v17 =	vadd.f32 v63, v62;
	_ =	sdelay $0x1  }
0x2a8: {  	v16 =	vadd.f32 v17, v16;
	_ =	sdelay $0x1  }
0x2a9: {  	v16 =	vsub.f32 $0.0e+00, v16;
	_ =	sdelay $0x1  }
0x2aa: {  	v16 =	vmul.f32 $1.442695020e+00, v16;
	_ =	sdelay $0x1  }
0x2ab: {  	(erf) = vpow2.f32 v16;
	_ =	sdelay $0x8  }
0x2ac: {  	v16 =	vpop (erf)  }
0x2ad: {  	v16 =	vadd.f32 $1.000000000e+00, v16;
	_ =	sdelay $0x1  }
0x2ae: {  	(erf) = vrcp.f32 v16;
	_ =	sdelay $0x4  }
0x2af: {  	p0 =	sne.s32 s23, $0x4000  }
.Ltmp1:
0x2b0: {  	_ = 	snop;
	(pc) =	sbr.rel @p0 .LBB2_5-.Ltmp1, $3  }
0x2b1: {  	_ =	sdelay $0x1  }
0x2b2: {  	v16 =	vpop (erf)  }
0x2b3: {  	s23 =	sadd.s32 $0x1000, s23;
	[tilespmem:s24+$0x0] =	vst v16;
	s24 =	sadd.s32 $0x10, s24  }
0x2b4: {  	s22 =	sadd.s32 $0x1, s22  }
0x2b5: {  	p0 =	sne.s32 s22, $0x3E  }
.Ltmp2:
0x2b6: {  	_ = 	snop;
	(pc) =	sbr.rel @p0 .LBB2_2-.Ltmp2, $2  }
0x2b7: {  	_ =	sdelay $0x2  }
0x2b8: {  	s21 =	sadd.s32 $0xA0, s21;
	s20 =	sadd.s32 $0xA0, s20  }
0x2b9: {  	_ =	swait.ge [sflag:s15], $0x1400  }
0x2ba: {  	[sflag:s15] =	ssyncset.done $0x0  }
0x2bb: {  	[sflag:s15] =	ssyncadd.s32 $0xFFFFEC00  }
0x2bc: {  	_ =	swait.ge [sflag:s15], $0x1400  }
0x2bd: {  	[sflag:s15] =	ssyncset.done $0x0  }
0x2be: {  	s20 =	simm.s32 $0x0;
	s21 =	simm.s32 $0x74E0;
	[sflag:s15] =	ssyncadd.s32 $0xFFFFEC00  }
.LBB2_8:
0x2bf: {  	s22 =	sshra.s32 s20, $0x2  }
0x2c0: {  	v16 =	vld [tilespmem:s22+$0x7530]  }
0x2c1: {  	v17 =	vld [tilespmem:s22+$0x8930]  }
0x2c2: {  	v18 =	vld [tilespmem:s22+$0x7540]  }
0x2c3: {  	v19 =	vld [tilespmem:s22+$0x8940]  }
0x2c4: {  	v20 =	vld [tilespmem:s22+$0x7550]  }
0x2c5: {  	v21 =	vld [tilespmem:s22+$0x8950]  }
0x2c6: {  	v22 =	vld [tilespmem:s22+$0x7560]  }
0x2c7: {  	v23 =	vld [tilespmem:s22+$0x8960];
	_ =	sdelay $0x2  }
0x2c8: {  	v16 =	vmul.bf16 v17, v16  }
0x2c9: {  	v17 =	vmul.bf16 v19, v18  }
0x2ca: {  	v51 =	vmul.bf16 v21, v20;
	v52 =	vmul.bf16 v23, v22;
	v50 =	vunpack.i.u.bf16.f32 v16  }
0x2cb: {  	v16 =	vunpack.i.l.bf16.f32 v16;
	v53 =	vunpack.i.u.bf16.f32 v17;
	v17 =	vunpack.i.l.bf16.f32 v17  }
0x2cc: {  	v54 =	vunpack.i.u.bf16.f32 v51;
	v19 =	vunpack.i.l.bf16.f32 v51;
	v23 =	vunpack.i.u.bf16.f32 v52  }
0x2cd: {  	v20 =	vunpack.i.l.bf16.f32 v52;
	v16 =	vadd.f32 v16, v50;
	v17 =	vadd.f32 v17, v53  }
0x2ce: {  	v55 =	vadd.f32 v19, v54;
	v56 =	vadd.f32 v20, v23;
	_ =	sdelay $0x1  }
0x2cf: {  	v16 =	vadd.f32 v17, v16;
	v17 =	vadd.f32 v56, v55;
	_ =	sdelay $0x1  }
0x2d0: {  	v16 =	vadd.f32 v17, v16;
	_ =	sdelay $0x1  }
0x2d1: {  	[tilespmem:v0+s16+$0x0] =	vst.idx.msk $0xffff, v16  }
0x2d2: {  	v16 =	vld [tilespmem:s22+$0x7570]  }
0x2d3: {  	v17 =	vld [tilespmem:s22+$0x8970]  }
0x2d4: {  	v57 =	vld [tilespmem:s22+$0x7580]  }
0x2d5: {  	v58 =	vld [tilespmem:s22+$0x8980]  }
0x2d6: {  	v59 =	vld [tilespmem:s22+$0x7590]  }
0x2d7: {  	v60 =	vld [tilespmem:s22+$0x8990]  }
0x2d8: {  	v61 =	vld [tilespmem:s22+$0x75A0]  }
0x2d9: {  	v62 =	vld [tilespmem:s22+$0x89A0];
	_ =	sdelay $0x2  }
0x2da: {  	v16 =	vmul.bf16 v17, v16  }
0x2db: {  	v17 =	vmul.bf16 v58, v57  }
0x2dc: {  	v24 =	vmul.bf16 v60, v59;
	v25 =	vmul.bf16 v62, v61;
	v63 =	vunpack.i.u.bf16.f32 v16  }
0x2dd: {  	v16 =	vunpack.i.l.bf16.f32 v16;
	v26 =	vunpack.i.u.bf16.f32 v17;
	v17 =	vunpack.i.l.bf16.f32 v17  }
0x2de: {  	v27 =	vunpack.i.u.bf16.f32 v24;
	v19 =	vunpack.i.l.bf16.f32 v24;
	v23 =	vunpack.i.u.bf16.f32 v25  }
0x2df: {  	v20 =	vunpack.i.l.bf16.f32 v25;
	v16 =	vadd.f32 v16, v63;
	v17 =	vadd.f32 v17, v26  }
0x2e0: {  	v28 =	vadd.f32 v19, v27;
	v29 =	vadd.f32 v20, v23;
	_ =	sdelay $0x1  }
0x2e1: {  	v16 =	vadd.f32 v17, v16;
	v17 =	vadd.f32 v29, v28;
	_ =	sdelay $0x1  }
0x2e2: {  	v16 =	vadd.f32 v17, v16;
	_ =	sdelay $0x1  }
0x2e3: {  	[tilespmem:v1+s16+$0x0] =	vst.idx.msk $0xffff, v16  }
0x2e4: {  	v16 =	vld [tilespmem:s22+$0x75B0]  }
0x2e5: {  	v17 =	vld [tilespmem:s22+$0x89B0]  }
0x2e6: {  	v30 =	vld [tilespmem:s22+$0x75C0]  }
0x2e7: {  	v31 =	vld [tilespmem:s22+$0x89C0]  }
0x2e8: {  	v32 =	vld [tilespmem:s22+$0x75D0]  }
0x2e9: {  	v33 =	vld [tilespmem:s22+$0x89D0]  }
0x2ea: {  	v34 =	vld [tilespmem:s22+$0x75E0]  }
0x2eb: {  	v35 =	vld [tilespmem:s22+$0x89E0];
	_ =	sdelay $0x2  }
0x2ec: {  	v16 =	vmul.bf16 v17, v16  }
0x2ed: {  	v17 =	vmul.bf16 v31, v30  }
0x2ee: {  	v37 =	vmul.bf16 v33, v32;
	v38 =	vmul.bf16 v35, v34;
	v36 =	vunpack.i.u.bf16.f32 v16  }
0x2ef: {  	v16 =	vunpack.i.l.bf16.f32 v16;
	v39 =	vunpack.i.u.bf16.f32 v17;
	v17 =	vunpack.i.l.bf16.f32 v17  }
0x2f0: {  	v40 =	vunpack.i.u.bf16.f32 v37;
	v19 =	vunpack.i.l.bf16.f32 v37;
	v23 =	vunpack.i.u.bf16.f32 v38  }
0x2f1: {  	v20 =	vunpack.i.l.bf16.f32 v38;
	v16 =	vadd.f32 v16, v36;
	v17 =	vadd.f32 v17, v39  }
0x2f2: {  	v41 =	vadd.f32 v19, v40;
	v42 =	vadd.f32 v20, v23;
	_ =	sdelay $0x1  }
0x2f3: {  	v16 =	vadd.f32 v17, v16;
	v17 =	vadd.f32 v42, v41;
	_ =	sdelay $0x1  }
0x2f4: {  	v16 =	vadd.f32 v17, v16;
	_ =	sdelay $0x1  }
0x2f5: {  	[tilespmem:v2+s16+$0x0] =	vst.idx.msk $0xffff, v16  }
0x2f6: {  	v16 =	vld [tilespmem:s22+$0x75F0]  }
0x2f7: {  	v17 =	vld [tilespmem:s22+$0x89F0]  }
0x2f8: {  	v43 =	vld [tilespmem:s22+$0x7600]  }
0x2f9: {  	v44 =	vld [tilespmem:s22+$0x8A00]  }
0x2fa: {  	v45 =	vld [tilespmem:s22+$0x7610]  }
0x2fb: {  	v46 =	vld [tilespmem:s22+$0x8A10]  }
0x2fc: {  	v47 =	vld [tilespmem:s22+$0x7620]  }
0x2fd: {  	v48 =	vld [tilespmem:s22+$0x8A20];
	_ =	sdelay $0x2  }
0x2fe: {  	v16 =	vmul.bf16 v17, v16  }
0x2ff: {  	v17 =	vmul.bf16 v44, v43  }
0x300: {  	v50 =	vmul.bf16 v46, v45;
	v51 =	vmul.bf16 v48, v47;
	v49 =	vunpack.i.u.bf16.f32 v16  }
0x301: {  	v16 =	vunpack.i.l.bf16.f32 v16;
	v52 =	vunpack.i.u.bf16.f32 v17;
	v17 =	vunpack.i.l.bf16.f32 v17  }
0x302: {  	v53 =	vunpack.i.u.bf16.f32 v50;
	v19 =	vunpack.i.l.bf16.f32 v50;
	v23 =	vunpack.i.u.bf16.f32 v51  }
0x303: {  	v20 =	vunpack.i.l.bf16.f32 v51;
	v16 =	vadd.f32 v16, v49;
	v17 =	vadd.f32 v17, v52  }
0x304: {  	v54 =	vadd.f32 v19, v53;
	v55 =	vadd.f32 v20, v23;
	_ =	sdelay $0x1  }
0x305: {  	v16 =	vadd.f32 v17, v16;
	v17 =	vadd.f32 v55, v54;
	_ =	sdelay $0x1  }
0x306: {  	v16 =	vadd.f32 v17, v16;
	_ =	sdelay $0x1  }
0x307: {  	[tilespmem:v3+s16+$0x0] =	vst.idx.msk $0xffff, v16  }
0x308: {  	v16 =	vld [tilespmem:s22+$0x7630]  }
0x309: {  	v17 =	vld [tilespmem:s22+$0x8A30]  }
0x30a: {  	v56 =	vld [tilespmem:s22+$0x7640]  }
0x30b: {  	v57 =	vld [tilespmem:s22+$0x8A40]  }
0x30c: {  	v58 =	vld [tilespmem:s22+$0x7650]  }
0x30d: {  	v59 =	vld [tilespmem:s22+$0x8A50]  }
0x30e: {  	v60 =	vld [tilespmem:s22+$0x7660]  }
0x30f: {  	v61 =	vld [tilespmem:s22+$0x8A60];
	_ =	sdelay $0x2  }
0x310: {  	v16 =	vmul.bf16 v17, v16  }
0x311: {  	v17 =	vmul.bf16 v57, v56  }
0x312: {  	v63 =	vmul.bf16 v59, v58;
	v24 =	vmul.bf16 v61, v60;
	v62 =	vunpack.i.u.bf16.f32 v16  }
0x313: {  	v16 =	vunpack.i.l.bf16.f32 v16;
	v25 =	vunpack.i.u.bf16.f32 v17;
	v17 =	vunpack.i.l.bf16.f32 v17  }
0x314: {  	v26 =	vunpack.i.u.bf16.f32 v63;
	v19 =	vunpack.i.l.bf16.f32 v63;
	v23 =	vunpack.i.u.bf16.f32 v24  }
0x315: {  	v20 =	vunpack.i.l.bf16.f32 v24;
	v16 =	vadd.f32 v16, v62;
	v17 =	vadd.f32 v17, v25  }
0x316: {  	v27 =	vadd.f32 v19, v26;
	v28 =	vadd.f32 v20, v23;
	_ =	sdelay $0x1  }
0x317: {  	v16 =	vadd.f32 v17, v16;
	v17 =	vadd.f32 v28, v27;
	_ =	sdelay $0x1  }
0x318: {  	v16 =	vadd.f32 v17, v16;
	_ =	sdelay $0x1  }
0x319: {  	[tilespmem:v4+s16+$0x0] =	vst.idx.msk $0xffff, v16  }
0x31a: {  	v16 =	vld [tilespmem:s22+$0x7670]  }
0x31b: {  	v17 =	vld [tilespmem:s22+$0x8A70]  }
0x31c: {  	v29 =	vld [tilespmem:s22+$0x7680]  }
0x31d: {  	v30 =	vld [tilespmem:s22+$0x8A80]  }
0x31e: {  	v31 =	vld [tilespmem:s22+$0x7690]  }
0x31f: {  	v32 =	vld [tilespmem:s22+$0x8A90]  }
0x320: {  	v33 =	vld [tilespmem:s22+$0x76A0]  }
0x321: {  	v34 =	vld [tilespmem:s22+$0x8AA0];
	_ =	sdelay $0x2  }
0x322: {  	v16 =	vmul.bf16 v17, v16  }
0x323: {  	v17 =	vmul.bf16 v30, v29  }
0x324: {  	v36 =	vmul.bf16 v32, v31;
	v37 =	vmul.bf16 v34, v33;
	v35 =	vunpack.i.u.bf16.f32 v16  }
0x325: {  	v16 =	vunpack.i.l.bf16.f32 v16;
	v38 =	vunpack.i.u.bf16.f32 v17;
	v17 =	vunpack.i.l.bf16.f32 v17  }
0x326: {  	v39 =	vunpack.i.u.bf16.f32 v36;
	v19 =	vunpack.i.l.bf16.f32 v36;
	v23 =	vunpack.i.u.bf16.f32 v37  }
0x327: {  	v20 =	vunpack.i.l.bf16.f32 v37;
	v16 =	vadd.f32 v16, v35;
	v17 =	vadd.f32 v17, v38  }
0x328: {  	v40 =	vadd.f32 v19, v39;
	v41 =	vadd.f32 v20, v23;
	_ =	sdelay $0x1  }
0x329: {  	v16 =	vadd.f32 v17, v16;
	v17 =	vadd.f32 v41, v40;
	_ =	sdelay $0x1  }
0x32a: {  	v16 =	vadd.f32 v17, v16;
	_ =	sdelay $0x1  }
0x32b: {  	[tilespmem:v5+s16+$0x0] =	vst.idx.msk $0xffff, v16  }
0x32c: {  	v16 =	vld [tilespmem:s22+$0x76B0]  }
0x32d: {  	v17 =	vld [tilespmem:s22+$0x8AB0]  }
0x32e: {  	v42 =	vld [tilespmem:s22+$0x76C0]  }
0x32f: {  	v43 =	vld [tilespmem:s22+$0x8AC0]  }
0x330: {  	v44 =	vld [tilespmem:s22+$0x76D0]  }
0x331: {  	v45 =	vld [tilespmem:s22+$0x8AD0]  }
0x332: {  	v46 =	vld [tilespmem:s22+$0x76E0]  }
0x333: {  	v47 =	vld [tilespmem:s22+$0x8AE0];
	_ =	sdelay $0x2  }
0x334: {  	v16 =	vmul.bf16 v17, v16  }
0x335: {  	v17 =	vmul.bf16 v43, v42  }
0x336: {  	v49 =	vmul.bf16 v45, v44;
	v50 =	vmul.bf16 v47, v46;
	v48 =	vunpack.i.u.bf16.f32 v16  }
0x337: {  	v16 =	vunpack.i.l.bf16.f32 v16;
	v51 =	vunpack.i.u.bf16.f32 v17;
	v17 =	vunpack.i.l.bf16.f32 v17  }
0x338: {  	v52 =	vunpack.i.u.bf16.f32 v49;
	v19 =	vunpack.i.l.bf16.f32 v49;
	v23 =	vunpack.i.u.bf16.f32 v50  }
0x339: {  	v20 =	vunpack.i.l.bf16.f32 v50;
	v16 =	vadd.f32 v16, v48;
	v17 =	vadd.f32 v17, v51  }
0x33a: {  	v53 =	vadd.f32 v19, v52;
	v54 =	vadd.f32 v20, v23;
	_ =	sdelay $0x1  }
0x33b: {  	v16 =	vadd.f32 v17, v16;
	v17 =	vadd.f32 v54, v53;
	_ =	sdelay $0x1  }
0x33c: {  	v16 =	vadd.f32 v17, v16;
	_ =	sdelay $0x1  }
0x33d: {  	[tilespmem:v6+s16+$0x0] =	vst.idx.msk $0xffff, v16  }
0x33e: {  	v16 =	vld [tilespmem:s22+$0x76F0]  }
0x33f: {  	v17 =	vld [tilespmem:s22+$0x8AF0]  }
0x340: {  	v55 =	vld [tilespmem:s22+$0x7700]  }
0x341: {  	v56 =	vld [tilespmem:s22+$0x8B00]  }
0x342: {  	v57 =	vld [tilespmem:s22+$0x7710]  }
0x343: {  	v58 =	vld [tilespmem:s22+$0x8B10]  }
0x344: {  	v59 =	vld [tilespmem:s22+$0x7720]  }
0x345: {  	v60 =	vld [tilespmem:s22+$0x8B20];
	_ =	sdelay $0x2  }
0x346: {  	v16 =	vmul.bf16 v17, v16  }
0x347: {  	v17 =	vmul.bf16 v56, v55  }
0x348: {  	v62 =	vmul.bf16 v58, v57;
	v63 =	vmul.bf16 v60, v59;
	v61 =	vunpack.i.u.bf16.f32 v16  }
0x349: {  	v16 =	vunpack.i.l.bf16.f32 v16;
	v24 =	vunpack.i.u.bf16.f32 v17;
	v17 =	vunpack.i.l.bf16.f32 v17  }
0x34a: {  	v25 =	vunpack.i.u.bf16.f32 v62;
	v19 =	vunpack.i.l.bf16.f32 v62;
	v23 =	vunpack.i.u.bf16.f32 v63  }
0x34b: {  	v20 =	vunpack.i.l.bf16.f32 v63;
	v16 =	vadd.f32 v16, v61;
	v17 =	vadd.f32 v17, v24  }
0x34c: {  	v26 =	vadd.f32 v19, v25;
	v27 =	vadd.f32 v20, v23;
	_ =	sdelay $0x1  }
0x34d: {  	v16 =	vadd.f32 v17, v16;
	v17 =	vadd.f32 v27, v26;
	_ =	sdelay $0x1  }
0x34e: {  	v16 =	vadd.f32 v17, v16;
	_ =	sdelay $0x1  }
0x34f: {  	[tilespmem:v7+s16+$0x0] =	vst.idx.msk $0xffff, v16  }
0x350: {  	v16 =	vld [tilespmem:s22+$0x7730]  }
0x351: {  	v17 =	vld [tilespmem:s22+$0x8B30]  }
0x352: {  	v28 =	vld [tilespmem:s22+$0x7740]  }
0x353: {  	v29 =	vld [tilespmem:s22+$0x8B40]  }
0x354: {  	v30 =	vld [tilespmem:s22+$0x7750]  }
0x355: {  	v31 =	vld [tilespmem:s22+$0x8B50]  }
0x356: {  	v32 =	vld [tilespmem:s22+$0x7760]  }
0x357: {  	v33 =	vld [tilespmem:s22+$0x8B60];
	_ =	sdelay $0x2  }
0x358: {  	v16 =	vmul.bf16 v17, v16  }
0x359: {  	v17 =	vmul.bf16 v29, v28  }
0x35a: {  	v35 =	vmul.bf16 v31, v30;
	v36 =	vmul.bf16 v33, v32;
	v34 =	vunpack.i.u.bf16.f32 v16  }
0x35b: {  	v16 =	vunpack.i.l.bf16.f32 v16;
	v37 =	vunpack.i.u.bf16.f32 v17;
	v17 =	vunpack.i.l.bf16.f32 v17  }
0x35c: {  	v38 =	vunpack.i.u.bf16.f32 v35;
	v19 =	vunpack.i.l.bf16.f32 v35;
	v23 =	vunpack.i.u.bf16.f32 v36  }
0x35d: {  	v20 =	vunpack.i.l.bf16.f32 v36;
	v16 =	vadd.f32 v16, v34;
	v17 =	vadd.f32 v17, v37  }
0x35e: {  	v39 =	vadd.f32 v19, v38;
	v40 =	vadd.f32 v20, v23;
	_ =	sdelay $0x1  }
0x35f: {  	v16 =	vadd.f32 v17, v16;
	v17 =	vadd.f32 v40, v39;
	_ =	sdelay $0x1  }
0x360: {  	v16 =	vadd.f32 v17, v16;
	_ =	sdelay $0x1  }
0x361: {  	[tilespmem:v8+s16+$0x0] =	vst.idx.msk $0xffff, v16  }
0x362: {  	v16 =	vld [tilespmem:s22+$0x7770]  }
0x363: {  	v17 =	vld [tilespmem:s22+$0x8B70]  }
0x364: {  	v41 =	vld [tilespmem:s22+$0x7780]  }
0x365: {  	v42 =	vld [tilespmem:s22+$0x8B80]  }
0x366: {  	v43 =	vld [tilespmem:s22+$0x7790]  }
0x367: {  	v44 =	vld [tilespmem:s22+$0x8B90]  }
0x368: {  	v45 =	vld [tilespmem:s22+$0x77A0]  }
0x369: {  	v46 =	vld [tilespmem:s22+$0x8BA0];
	_ =	sdelay $0x2  }
0x36a: {  	v16 =	vmul.bf16 v17, v16  }
0x36b: {  	v17 =	vmul.bf16 v42, v41  }
0x36c: {  	v48 =	vmul.bf16 v44, v43;
	v49 =	vmul.bf16 v46, v45;
	v47 =	vunpack.i.u.bf16.f32 v16  }
0x36d: {  	v16 =	vunpack.i.l.bf16.f32 v16;
	v50 =	vunpack.i.u.bf16.f32 v17;
	v17 =	vunpack.i.l.bf16.f32 v17  }
0x36e: {  	v51 =	vunpack.i.u.bf16.f32 v48;
	v19 =	vunpack.i.l.bf16.f32 v48;
	v23 =	vunpack.i.u.bf16.f32 v49  }
0x36f: {  	v20 =	vunpack.i.l.bf16.f32 v49;
	v16 =	vadd.f32 v16, v47;
	v17 =	vadd.f32 v17, v50  }
0x370: {  	v52 =	vadd.f32 v19, v51;
	v53 =	vadd.f32 v20, v23;
	_ =	sdelay $0x1  }
0x371: {  	v16 =	vadd.f32 v17, v16;
	v17 =	vadd.f32 v53, v52;
	_ =	sdelay $0x1  }
0x372: {  	v16 =	vadd.f32 v17, v16;
	_ =	sdelay $0x1  }
0x373: {  	[tilespmem:v9+s16+$0x0] =	vst.idx.msk $0xffff, v16  }
0x374: {  	v16 =	vld [tilespmem:s22+$0x77B0]  }
0x375: {  	v17 =	vld [tilespmem:s22+$0x8BB0]  }
0x376: {  	v54 =	vld [tilespmem:s22+$0x77C0]  }
0x377: {  	v55 =	vld [tilespmem:s22+$0x8BC0]  }
0x378: {  	v56 =	vld [tilespmem:s22+$0x77D0]  }
0x379: {  	v57 =	vld [tilespmem:s22+$0x8BD0]  }
0x37a: {  	v58 =	vld [tilespmem:s22+$0x77E0]  }
0x37b: {  	v59 =	vld [tilespmem:s22+$0x8BE0];
	_ =	sdelay $0x2  }
0x37c: {  	v16 =	vmul.bf16 v17, v16  }
0x37d: {  	v17 =	vmul.bf16 v55, v54  }
0x37e: {  	v61 =	vmul.bf16 v57, v56;
	v62 =	vmul.bf16 v59, v58;
	v60 =	vunpack.i.u.bf16.f32 v16  }
0x37f: {  	v16 =	vunpack.i.l.bf16.f32 v16;
	v63 =	vunpack.i.u.bf16.f32 v17;
	v17 =	vunpack.i.l.bf16.f32 v17  }
0x380: {  	v24 =	vunpack.i.u.bf16.f32 v61;
	v19 =	vunpack.i.l.bf16.f32 v61;
	v23 =	vunpack.i.u.bf16.f32 v62  }
0x381: {  	v20 =	vunpack.i.l.bf16.f32 v62;
	v16 =	vadd.f32 v16, v60;
	v17 =	vadd.f32 v17, v63  }
0x382: {  	v25 =	vadd.f32 v19, v24;
	v26 =	vadd.f32 v20, v23;
	_ =	sdelay $0x1  }
0x383: {  	v16 =	vadd.f32 v17, v16;
	v17 =	vadd.f32 v26, v25;
	_ =	sdelay $0x1  }
0x384: {  	v16 =	vadd.f32 v17, v16;
	_ =	sdelay $0x1  }
0x385: {  	[tilespmem:v10+s16+$0x0] =	vst.idx.msk $0xffff, v16  }
0x386: {  	v16 =	vld [tilespmem:s22+$0x77F0]  }
0x387: {  	v17 =	vld [tilespmem:s22+$0x8BF0]  }
0x388: {  	v27 =	vld [tilespmem:s22+$0x7800]  }
0x389: {  	v28 =	vld [tilespmem:s22+$0x8C00]  }
0x38a: {  	v29 =	vld [tilespmem:s22+$0x7810]  }
0x38b: {  	v30 =	vld [tilespmem:s22+$0x8C10]  }
0x38c: {  	v31 =	vld [tilespmem:s22+$0x7820]  }
0x38d: {  	v32 =	vld [tilespmem:s22+$0x8C20];
	_ =	sdelay $0x2  }
0x38e: {  	v16 =	vmul.bf16 v17, v16  }
0x38f: {  	v17 =	vmul.bf16 v28, v27  }
0x390: {  	v34 =	vmul.bf16 v30, v29;
	v35 =	vmul.bf16 v32, v31;
	v33 =	vunpack.i.u.bf16.f32 v16  }
0x391: {  	v16 =	vunpack.i.l.bf16.f32 v16;
	v36 =	vunpack.i.u.bf16.f32 v17;
	v17 =	vunpack.i.l.bf16.f32 v17  }
0x392: {  	v37 =	vunpack.i.u.bf16.f32 v34;
	v19 =	vunpack.i.l.bf16.f32 v34;
	v23 =	vunpack.i.u.bf16.f32 v35  }
0x393: {  	v20 =	vunpack.i.l.bf16.f32 v35;
	v16 =	vadd.f32 v16, v33;
	v17 =	vadd.f32 v17, v36  }
0x394: {  	v38 =	vadd.f32 v19, v37;
	v39 =	vadd.f32 v20, v23;
	_ =	sdelay $0x1  }
0x395: {  	v16 =	vadd.f32 v17, v16;
	v17 =	vadd.f32 v39, v38;
	_ =	sdelay $0x1  }
0x396: {  	v16 =	vadd.f32 v17, v16;
	_ =	sdelay $0x1  }
0x397: {  	[tilespmem:v11+s16+$0x0] =	vst.idx.msk $0xffff, v16  }
0x398: {  	v16 =	vld [tilespmem:s22+$0x7830]  }
0x399: {  	v17 =	vld [tilespmem:s22+$0x8C30]  }
0x39a: {  	v40 =	vld [tilespmem:s22+$0x7840]  }
0x39b: {  	v41 =	vld [tilespmem:s22+$0x8C40]  }
0x39c: {  	v42 =	vld [tilespmem:s22+$0x7850]  }
0x39d: {  	v43 =	vld [tilespmem:s22+$0x8C50]  }
0x39e: {  	v44 =	vld [tilespmem:s22+$0x7860]  }
0x39f: {  	v45 =	vld [tilespmem:s22+$0x8C60];
	_ =	sdelay $0x2  }
0x3a0: {  	v16 =	vmul.bf16 v17, v16  }
0x3a1: {  	v17 =	vmul.bf16 v41, v40  }
0x3a2: {  	v47 =	vmul.bf16 v43, v42;
	v48 =	vmul.bf16 v45, v44;
	v46 =	vunpack.i.u.bf16.f32 v16  }
0x3a3: {  	v16 =	vunpack.i.l.bf16.f32 v16;
	v49 =	vunpack.i.u.bf16.f32 v17;
	v17 =	vunpack.i.l.bf16.f32 v17  }
0x3a4: {  	v50 =	vunpack.i.u.bf16.f32 v47;
	v19 =	vunpack.i.l.bf16.f32 v47;
	v23 =	vunpack.i.u.bf16.f32 v48  }
0x3a5: {  	v20 =	vunpack.i.l.bf16.f32 v48;
	v16 =	vadd.f32 v16, v46;
	v17 =	vadd.f32 v17, v49  }
0x3a6: {  	v51 =	vadd.f32 v19, v50;
	v52 =	vadd.f32 v20, v23;
	_ =	sdelay $0x1  }
0x3a7: {  	v16 =	vadd.f32 v17, v16;
	v17 =	vadd.f32 v52, v51;
	_ =	sdelay $0x1  }
0x3a8: {  	v16 =	vadd.f32 v17, v16;
	_ =	sdelay $0x1  }
0x3a9: {  	[tilespmem:v12+s16+$0x0] =	vst.idx.msk $0xffff, v16  }
0x3aa: {  	v16 =	vld [tilespmem:s22+$0x7870]  }
0x3ab: {  	v17 =	vld [tilespmem:s22+$0x8C70]  }
0x3ac: {  	v53 =	vld [tilespmem:s22+$0x7880]  }
0x3ad: {  	v54 =	vld [tilespmem:s22+$0x8C80]  }
0x3ae: {  	v55 =	vld [tilespmem:s22+$0x7890]  }
0x3af: {  	v56 =	vld [tilespmem:s22+$0x8C90]  }
0x3b0: {  	v57 =	vld [tilespmem:s22+$0x78A0]  }
0x3b1: {  	v58 =	vld [tilespmem:s22+$0x8CA0];
	_ =	sdelay $0x2  }
0x3b2: {  	v16 =	vmul.bf16 v17, v16  }
0x3b3: {  	v17 =	vmul.bf16 v54, v53  }
0x3b4: {  	v60 =	vmul.bf16 v56, v55;
	v61 =	vmul.bf16 v58, v57;
	v59 =	vunpack.i.u.bf16.f32 v16  }
0x3b5: {  	v16 =	vunpack.i.l.bf16.f32 v16;
	v62 =	vunpack.i.u.bf16.f32 v17;
	v17 =	vunpack.i.l.bf16.f32 v17  }
0x3b6: {  	v63 =	vunpack.i.u.bf16.f32 v60;
	v19 =	vunpack.i.l.bf16.f32 v60;
	v23 =	vunpack.i.u.bf16.f32 v61  }
0x3b7: {  	v20 =	vunpack.i.l.bf16.f32 v61;
	v16 =	vadd.f32 v16, v59;
	v17 =	vadd.f32 v17, v62  }
0x3b8: {  	v22 =	vadd.f32 v19, v63;
	v23 =	vadd.f32 v20, v23;
	_ =	sdelay $0x1  }
0x3b9: {  	v16 =	vadd.f32 v17, v16;
	v17 =	vadd.f32 v23, v22;
	_ =	sdelay $0x1  }
0x3ba: {  	v16 =	vadd.f32 v17, v16;
	_ =	sdelay $0x1  }
0x3bb: {  	[tilespmem:v13+s16+$0x0] =	vst.idx.msk $0xffff, v16  }
0x3bc: {  	v16 =	vld [tilespmem:s22+$0x78B0]  }
0x3bd: {  	v17 =	vld [tilespmem:s22+$0x8CB0]  }
0x3be: {  	v24 =	vld [tilespmem:s22+$0x78C0]  }
0x3bf: {  	v25 =	vld [tilespmem:s22+$0x8CC0]  }
0x3c0: {  	v26 =	vld [tilespmem:s22+$0x78D0]  }
0x3c1: {  	v27 =	vld [tilespmem:s22+$0x8CD0]  }
0x3c2: {  	v28 =	vld [tilespmem:s22+$0x78E0]  }
0x3c3: {  	v29 =	vld [tilespmem:s22+$0x8CE0];
	_ =	sdelay $0x2  }
0x3c4: {  	v16 =	vmul.bf16 v17, v16  }
0x3c5: {  	v17 =	vmul.bf16 v25, v24  }
0x3c6: {  	v31 =	vmul.bf16 v27, v26;
	v32 =	vmul.bf16 v29, v28;
	v30 =	vunpack.i.u.bf16.f32 v16  }
0x3c7: {  	v16 =	vunpack.i.l.bf16.f32 v16;
	v33 =	vunpack.i.u.bf16.f32 v17;
	v17 =	vunpack.i.l.bf16.f32 v17  }
0x3c8: {  	v34 =	vunpack.i.u.bf16.f32 v31;
	v19 =	vunpack.i.l.bf16.f32 v31;
	v23 =	vunpack.i.u.bf16.f32 v32  }
0x3c9: {  	v20 =	vunpack.i.l.bf16.f32 v32;
	v16 =	vadd.f32 v16, v30;
	v17 =	vadd.f32 v17, v33  }
0x3ca: {  	v35 =	vadd.f32 v19, v34;
	v36 =	vadd.f32 v20, v23;
	_ =	sdelay $0x1  }
0x3cb: {  	v16 =	vadd.f32 v17, v16;
	v17 =	vadd.f32 v36, v35;
	_ =	sdelay $0x1  }
0x3cc: {  	v16 =	vadd.f32 v17, v16;
	_ =	sdelay $0x1  }
0x3cd: {  	[tilespmem:v14+s16+$0x0] =	vst.idx.msk $0xffff, v16  }
0x3ce: {  	v16 =	vld [tilespmem:s22+$0x78F0]  }
0x3cf: {  	v17 =	vld [tilespmem:s22+$0x8CF0]  }
0x3d0: {  	v37 =	vld [tilespmem:s22+$0x7900]  }
0x3d1: {  	v38 =	vld [tilespmem:s22+$0x8D00]  }
0x3d2: {  	v39 =	vld [tilespmem:s22+$0x7910]  }
0x3d3: {  	v40 =	vld [tilespmem:s22+$0x8D10]  }
0x3d4: {  	v41 =	vld [tilespmem:s22+$0x7920]  }
0x3d5: {  	v42 =	vld [tilespmem:s22+$0x8D20];
	_ =	sdelay $0x2  }
0x3d6: {  	v16 =	vmul.bf16 v17, v16  }
0x3d7: {  	v17 =	vmul.bf16 v38, v37  }
0x3d8: {  	v44 =	vmul.bf16 v40, v39;
	v45 =	vmul.bf16 v42, v41;
	v43 =	vunpack.i.u.bf16.f32 v16  }
0x3d9: {  	v16 =	vunpack.i.l.bf16.f32 v16;
	v46 =	vunpack.i.u.bf16.f32 v17;
	v17 =	vunpack.i.l.bf16.f32 v17  }
0x3da: {  	v47 =	vunpack.i.u.bf16.f32 v44;
	v19 =	vunpack.i.l.bf16.f32 v44;
	v23 =	vunpack.i.u.bf16.f32 v45  }
0x3db: {  	v20 =	vunpack.i.l.bf16.f32 v45;
	v16 =	vadd.f32 v16, v43;
	v17 =	vadd.f32 v17, v46  }
0x3dc: {  	v48 =	vadd.f32 v19, v47;
	v49 =	vadd.f32 v20, v23;
	_ =	sdelay $0x1  }
0x3dd: {  	v16 =	vadd.f32 v17, v16;
	v17 =	vadd.f32 v49, v48;
	_ =	sdelay $0x1  }
0x3de: {  	v16 =	vadd.f32 v17, v16;
	_ =	sdelay $0x1  }
0x3df: {  	[tilespmem:v15+s16+$0x0] =	vst.idx.msk $0xffff, v16  }
0x3e0: {  	v16 =	vld [tilespmem:$0xC530]  }
0x3e1: {  	v17 =	vld [tilespmem:$0xC548]  }
0x3e2: {  	v50 =	vld [tilespmem:$0xC560]  }
0x3e3: {  	v51 =	vld [tilespmem:$0xC578]  }
0x3e4: {  	v52 =	vld [tilespmem:$0xC590]  }
0x3e5: {  	v53 =	vld [tilespmem:$0xC5A8]  }
0x3e6: {  	v54 =	vld [tilespmem:$0xC5C0]  }
0x3e7: {  	v55 =	vld [tilespmem:$0xC5D8]  }
0x3e8: {  	v24 =	vld [tilespmem:$0xC5F0]  }
0x3e9: {  	v25 =	vld [tilespmem:$0xC608]  }
0x3ea: {  	v26 =	vld [tilespmem:$0xC620]  }
0x3eb: {  	v27 =	vld [tilespmem:$0xC638]  }
0x3ec: {  	v28 =	vld [tilespmem:$0xC650]  }
0x3ed: {  	v29 =	vld [tilespmem:$0xC668]  }
0x3ee: {  	v30 =	vld [tilespmem:$0xC680]  }
0x3ef: {  	v31 =	vld [tilespmem:$0xC698];
	_ =	sdelay $0x1  }
0x3f0: {  	v16 =	vadd.f32 v17, v16;
	v17 =	vadd.f32 v51, v50  }
0x3f1: {  	v56 =	vadd.f32 v53, v52;
	v57 =	vadd.f32 v55, v54  }
0x3f2: {  	v58 =	vadd.f32 v25, v24;
	v59 =	vadd.f32 v27, v26  }
0x3f3: {  	v60 =	vadd.f32 v29, v28;
	v61 =	vadd.f32 v31, v30  }
0x3f4: {  	v16 =	vadd.f32 v17, v16;
	v17 =	vadd.f32 v57, v56  }
0x3f5: {  	v62 =	vadd.f32 v59, v58;
	v63 =	vadd.f32 v61, v60;
	_ =	sdelay $0x1  }
0x3f6: {  	v16 =	vadd.f32 v17, v16;
	v17 =	vadd.f32 v63, v62;
	_ =	sdelay $0x1  }
0x3f7: {  	v16 =	vadd.f32 v17, v16;
	_ =	sdelay $0x1  }
0x3f8: {  	v16 =	vsub.f32 $0.0e+00, v16;
	_ =	sdelay $0x1  }
0x3f9: {  	v16 =	vmul.f32 $1.442695020e+00, v16;
	_ =	sdelay $0x1  }
0x3fa: {  	(erf) = vpow2.f32 v16;
	_ =	sdelay $0x8  }
0x3fb: {  	v16 =	vpop (erf)  }
0x3fc: {  	v16 =	vadd.f32 $1.000000000e+00, v16;
	_ =	sdelay $0x1  }
0x3fd: {  	(erf) = vrcp.f32 v16;
	_ =	sdelay $0x4  }
0x3fe: {  	p0 =	sne.s32 s20, $0x4000  }
.Ltmp3:
0x3ff: {  	_ = 	snop;
	(pc) =	sbr.rel @p0 .LBB2_8-.Ltmp3, $3  }
0x400: {  	_ =	sdelay $0x1  }
0x401: {  	v16 =	vpop (erf)  }
0x402: {  	s20 =	sadd.s32 $0x1000, s20;
	[tilespmem:s21+$0x0] =	vst v16;
	s21 =	sadd.s32 $0x10, s21  }
0x403: {  	s19 =	sadd.s32 $0x1, s19  }
0x404: {  	p0 =	sne.s32 s19, s7  }
.Ltmp4:
0x405: {  	_ = 	snop;
	(pc) =	sbr.rel @p0 .LBB2_1-.Ltmp4, $4  }
0x406: {  	[hbm4b:s6+s3] =	stream.linear.scatter [tilespmem:s18], [sflag:$0x3], $0x2710, $0x38;
	[tilespmem:$0xC6B0] =	vst v63  }
0x407: {  	_ =	swait.ge [sflag:s8], $0x2710  }
0x408: {  	[sflag:s8] =	ssyncset.done $0x0  }
0x409: {  	[sflag:s8] =	ssyncadd.s32 $0xFFFFD8F0  }
0x40a: {  	_ =	sfence.sel $0x180000  }
0x40b: {  	[bflag:$0x0] =	sbarrier.arrive $0xFFFF  }
0x40c: {  	p0 =	sne.s32 s0, $0x0;
	_ =	strace $0x90000047  }
0x40d: {  	s0 =	sadd.s32 @!p0 $0x100000, s1;
	[bflag:$0x2] =	sbarrier.arrive $0xFFFF  }
0x40e: {  	[sflag:s0] =	ssyncadd.tile.s32 @!p0 $0x1;
	_ =	shalt  }
.Lfunc_end2:
_tile_overlayer_lowered:
.L_overlay_start_2:
0x40f: {  	(tag) =	ssettag $0x2  }
0x410: {  	s0 =	rddreg [dreg:$0x0];
	s2 =	stileid.u32  }
0x411: {  	s1 =	rddreg [dreg:$0x1];
	p0 =	sne.s32 s2, $0x0  }
0x412: {  	s3 =	rddreg [dreg:$0x2];
	[bflag:$0x3] =	sbarrier.arrive $0xFFFF;
	s2 =	simm.s32 @!p0 $0x1C03  }
0x413: {  	[timem:s3], [sflag:s2] =	dma.local @!p0 [hbm:s0], s1  }
0x414: {  	s0 =	simm.s32 @!p0 $0x3  }
0x415: {  	_ =	swait.ge @!p0 [sflag:s0], s1  }
0x416: {  	s1 =	ssub.s32 @!p0 $0x0, s1;
	[sflag:s0] =	ssyncset.done @!p0 $0x0  }
0x417: {  	[sflag:s0] =	ssyncadd.s32 @!p0 s1  }
0x418: {  	[bflag:$0x3] =	sbarrier.arrive $0xFFFF  }
0x419: {  	_ =	shalt  }

</sc_bundles>
